<compile_context>
chip_gen: v7x
topology: tpu7x:2x2x1
jax: 0.10.2.dev20260603
libtpu: 0.0.44.dev20260713+nightly
codegen_flags: <defaults>
</compile_context>

<pallas_src>
import functools

import jax
import jax.numpy as jnp
from jax import lax
from jax.experimental import pallas as pl
from jax.experimental.pallas import tpu as pltpu
from jax.experimental.pallas import tpu_sc as plsc

NC = 2
NS = 16
NW = NC * NS
CHUNK = 128


def _sc_segment_sum(h_pad, src_w, dst_w, zeros_d, n_pad, d):
  k = src_w.shape[1]
  rows_per_tile = n_pad // NS
  mesh = plsc.VectorSubcoreMesh(core_axis_name="c", subcore_axis_name="s")

  @functools.partial(
      pl.kernel,
      out_type=jax.ShapeDtypeStruct((NC, n_pad, d), jnp.float32),
      mesh=mesh,
      scratch_types=[
          pltpu.VMEM((CHUNK,), jnp.int32),
          pltpu.VMEM((CHUNK,), jnp.int32),
          pltpu.VMEM((k, CHUNK), jnp.int32),
          pltpu.VMEM((CHUNK, d), jnp.float32),
          pltpu.VMEM((CHUNK, d), jnp.float32),
          pltpu.VMEM_SHARED((n_pad, d), jnp.float32),
          pltpu.SemaphoreType.DMA,
          pltpu.SemaphoreType.DMA,
          pltpu.SemaphoreType.DMA,
          pltpu.SemaphoreType.DMA,
          pltpu.SemaphoreType.DMA,
          pltpu.SemaphoreType.DMA,
      ],
  )
  def kfn(h_hbm, src_hbm, dst_hbm, z_hbm, out_hbm,
          sidx0, sidx1, dst_v, buf0, buf1, acc,
          gsem0, gsem1, ssem0, ssem1, isem0, isem1):
    cid = lax.axis_index("c")
    sid = lax.axis_index("s")
    wid = sid * NC + cid
    bufs = (buf0, buf1)
    sidxs = (sidx0, sidx1)
    gsems = (gsem0, gsem1)
    ssems = (ssem0, ssem1)
    isems = (isem0, isem1)
    half = CHUNK // 2

    def gfire(idxref, bufref, sem):
      pltpu.async_copy(h_hbm.at[idxref.at[pl.ds(0, half)]],
                       bufref.at[pl.ds(0, half)], sem)
      pltpu.async_copy(h_hbm.at[idxref.at[pl.ds(half, half)]],
                       bufref.at[pl.ds(half, half)], sem)

    def gwait(idxref, bufref, sem):
      pltpu.make_async_copy(h_hbm.at[idxref.at[pl.ds(0, half)]],
                            bufref.at[pl.ds(0, half)], sem).wait()
      pltpu.make_async_copy(h_hbm.at[idxref.at[pl.ds(half, half)]],
                            bufref.at[pl.ds(half, half)], sem).wait()

    pltpu.sync_copy(src_hbm.at[wid, 0], sidx0)
    gfire(sidx0, buf0, gsem0)
    pltpu.async_copy(src_hbm.at[wid, 1], sidx1, isem1)
    pltpu.sync_copy(dst_hbm.at[wid], dst_v)
    pltpu.sync_copy(z_hbm, buf1)
    r0 = sid * rows_per_tile
    for t in range(rows_per_tile // CHUNK):
      pltpu.sync_copy(buf1, acc.at[pl.ds(r0 + t * CHUNK, CHUNK)])
    plsc.subcore_barrier()

    def pair(jq, carry):
      for p in range(2):
        j = jq * 2 + p
        nxt = j + 1
        gwait(sidxs[p], bufs[p], gsems[p])

        @pl.when(j + 2 < k)
        def _():
          pltpu.async_copy(src_hbm.at[wid, j + 2], sidxs[p], isems[p])

        pltpu.async_copy(bufs[p], acc.at[dst_v.at[j]], ssems[p], add=True)

        @pl.when(nxt < k)
        def _():
          @pl.when(j >= 1)
          def _():
            pltpu.make_async_copy(bufs[1 - p], acc.at[dst_v.at[j - 1]],
                                  ssems[1 - p]).wait()
          pltpu.make_async_copy(src_hbm.at[wid, nxt], sidxs[1 - p],
                                isems[1 - p]).wait()
          gfire(sidxs[1 - p], bufs[1 - p], gsems[1 - p])
      return carry

    lax.fori_loop(0, k // 2, pair, 0)
    pltpu.make_async_copy(bufs[0], acc.at[dst_v.at[k - 2]], ssems[0]).wait()
    pltpu.make_async_copy(bufs[1], acc.at[dst_v.at[k - 1]], ssems[1]).wait()
    plsc.subcore_barrier()
    pltpu.sync_copy(acc.at[pl.ds(r0, rows_per_tile)],
                    out_hbm.at[cid, pl.ds(r0, rows_per_tile)])

  return kfn(h_pad, src_w, dst_w, zeros_d)


def _sc_degree(dst_w, zeros_d, ones_d, n_pad, d):
  k = dst_w.shape[1]
  rows_per_tile = n_pad // NS
  mesh = plsc.VectorSubcoreMesh(core_axis_name="c", subcore_axis_name="s")

  @functools.partial(
      pl.kernel,
      out_type=jax.ShapeDtypeStruct((NC, n_pad, d), jnp.float32),
      mesh=mesh,
      scratch_types=[
          pltpu.VMEM((k, CHUNK), jnp.int32),
          pltpu.VMEM((CHUNK, d), jnp.float32),
          pltpu.VMEM_SHARED((n_pad, d), jnp.float32),
          pltpu.SemaphoreType.DMA,
      ],
  )
  def kfn(dst_hbm, z_hbm, o_hbm, out_hbm, dst_v, buf, acc, sem):
    cid = lax.axis_index("c")
    sid = lax.axis_index("s")
    wid = sid * NC + cid
    pltpu.sync_copy(dst_hbm.at[wid], dst_v)
    pltpu.sync_copy(z_hbm, buf)
    r0 = sid * rows_per_tile
    for t in range(rows_per_tile // CHUNK):
      pltpu.sync_copy(buf, acc.at[pl.ds(r0 + t * CHUNK, CHUNK)])
    plsc.subcore_barrier()
    pltpu.sync_copy(o_hbm, buf)

    def fire(j, carry):
      pltpu.async_copy(buf, acc.at[dst_v.at[j]], sem, add=True)
      return carry

    lax.fori_loop(0, k, fire, 0)

    def drain(j, carry):
      pltpu.make_async_copy(buf, acc.at[dst_v.at[j]], sem).wait()
      return carry

    lax.fori_loop(0, k, drain, 0)
    plsc.subcore_barrier()
    pltpu.sync_copy(acc.at[pl.ds(r0, rows_per_tile)],
                    out_hbm.at[cid, pl.ds(r0, rows_per_tile)])

  return kfn(dst_w, zeros_d, ones_d)


def _tc_embed(nt2, emb_pad, n_pad, d, g_pad, bn=512):
  def body(nt_ref, emb_ref, out_ref):
    idx = nt_ref[...]
    oh = (idx == lax.broadcasted_iota(jnp.int32, (bn, g_pad), 1)
          ).astype(jnp.float32)
    out_ref[...] = jnp.dot(oh, emb_ref[...],
                           preferred_element_type=jnp.float32)

  return pl.pallas_call(
      body,
      grid=(n_pad // bn,),
      in_specs=[
          pl.BlockSpec((bn, 1), lambda i: (i, 0)),
          pl.BlockSpec((g_pad, d), lambda i: (0, 0)),
      ],
      out_specs=pl.BlockSpec((bn, d), lambda i: (i, 0)),
      out_shape=jax.ShapeDtypeStruct((n_pad, d), jnp.float32),
  )(nt2, emb_pad)


def _tc_update(h, p0, p1, dg0, dg1, ws, wn, bias, n_pad, d, bn=512):
  def body(h_ref, p0_ref, p1_ref, d0_ref, d1_ref, ws_ref, wn_ref, b_ref,
           out_ref):
    deg = jnp.maximum(d0_ref[...][:, :1] + d1_ref[...][:, :1], 1.0)
    agg = (p0_ref[...] + p1_ref[...]) / deg
    out_ref[...] = jnp.maximum(
        jnp.dot(h_ref[...], ws_ref[...], preferred_element_type=jnp.float32)
        + jnp.dot(agg, wn_ref[...], preferred_element_type=jnp.float32)
        + b_ref[...], 0.0)

  full = lambda i: (0, 0)
  row = lambda i: (i, 0)
  return pl.pallas_call(
      body,
      grid=(n_pad // bn,),
      in_specs=[
          pl.BlockSpec((bn, d), row),
          pl.BlockSpec((bn, d), row),
          pl.BlockSpec((bn, d), row),
          pl.BlockSpec((bn, 16), row),
          pl.BlockSpec((bn, 16), row),
          pl.BlockSpec((d, d), full),
          pl.BlockSpec((d, d), full),
          pl.BlockSpec((1, d), full),
      ],
      out_specs=pl.BlockSpec((bn, d), row),
      out_shape=jax.ShapeDtypeStruct((n_pad, d), jnp.float32),
  )(h, p0, p1, dg0, dg1, ws, wn, bias)


def _tc_heads(h, aw1, ab1, aw2, ab2, cw1, cb1, cw2r, cb2, n_pad, d, ah, act,
              ch, bn=512):
  def body(h_ref, aw1_ref, ab1_ref, aw2_ref, ab2_ref, cw1_ref, cb1_ref,
           cw2_ref, cb2_ref, v_ref, lg_ref):
    hh = h_ref[...]
    chid = jnp.maximum(
        jnp.dot(hh, cw1_ref[...], preferred_element_type=jnp.float32)
        + cb1_ref[...], 0.0)
    v_ref[...] = (jnp.sum(chid * cw2_ref[...], axis=1, keepdims=True)
                  + cb2_ref[0, 0])
    ahid = jnp.maximum(
        jnp.dot(hh, aw1_ref[...], preferred_element_type=jnp.float32)
        + ab1_ref[...], 0.0)
    lg_ref[...] = (jnp.dot(ahid, aw2_ref[...],
                           preferred_element_type=jnp.float32) + ab2_ref[...])

  full = lambda i: (0, 0)
  row = lambda i: (i, 0)
  return pl.pallas_call(
      body,
      grid=(n_pad // bn,),
      in_specs=[
          pl.BlockSpec((bn, d), row),
          pl.BlockSpec((d, ah), full),
          pl.BlockSpec((1, ah), full),
          pl.BlockSpec((ah, act), full),
          pl.BlockSpec((1, act), full),
          pl.BlockSpec((d, ch), full),
          pl.BlockSpec((1, ch), full),
          pl.BlockSpec((1, ch), full),
          pl.BlockSpec((1, 1), full),
      ],
      out_specs=[
          pl.BlockSpec((bn, 1), row),
          pl.BlockSpec((bn, act), row),
      ],
      out_shape=[
          jax.ShapeDtypeStruct((n_pad, 1), jnp.float32),
          jax.ShapeDtypeStruct((n_pad, act), jnp.float32),
      ],
  )(h, aw1, ab1, aw2, ab2, cw1, cb1, cw2r, cb2)


def _prep_edges(src, dst, n, parts):
  e = src.shape[0]
  per_w = -(-e // parts)
  k = -(-per_w // CHUNK)
  k = ((k + 3) // 4) * 4
  pad_flat = parts * per_w - e
  src = jnp.concatenate([src, jnp.full((pad_flat,), n, jnp.int32)])
  dst = jnp.concatenate([dst, jnp.full((pad_flat,), n, jnp.int32)])
  src = src.reshape(parts, per_w)
  dst = dst.reshape(parts, per_w)
  pad_w = k * CHUNK - per_w
  src_w = jnp.concatenate(
      [src, jnp.full((parts, pad_w), n, jnp.int32)],
      axis=1).reshape(parts, k, CHUNK)
  dst_w = jnp.concatenate(
      [dst, jnp.full((parts, pad_w), n, jnp.int32)],
      axis=1).reshape(parts, k, CHUNK)
  return src_w, dst_w


def kernel(node_type, edge_index, emb, W_self, W_neigh, b,
           aW1, ab1, aW2, ab2, cW1, cb1, cW2, cb2):
  n = node_type.shape[0]
  e = edge_index.shape[1]
  g, d = emb.shape
  num_layers = W_self.shape[0]
  ah = aW1.shape[1]
  act = aW2.shape[1]
  ch = cW1.shape[1]

  stripe = NS * CHUNK
  n_pad = ((n + 1 + stripe - 1) // stripe) * stripe
  g_pad = ((g + 7) // 8) * 8

  nt = node_type.astype(jnp.int32)
  src = edge_index[0].astype(jnp.int32)
  dst = edge_index[1].astype(jnp.int32)
  src_w, dst_w = _prep_edges(src, dst, n, NW)

  zeros_d = jnp.zeros((CHUNK, d), jnp.float32)
  ones_d = jnp.ones((CHUNK, d), jnp.float32)

  nt2 = jnp.pad(nt, (0, n_pad - n)).reshape(n_pad, 1)
  emb_pad = jnp.pad(emb, ((0, g_pad - g), (0, 0)))

  h = _tc_embed(nt2, emb_pad, n_pad, d, g_pad)
  degp = _sc_degree(dst_w, zeros_d, ones_d, n_pad, d)
  dg0 = degp[0, :, :16]
  dg1 = degp[1, :, :16]

  for l in range(num_layers):
    part = _sc_segment_sum(h, src_w, dst_w, zeros_d, n_pad, d)
    h = _tc_update(h, part[0], part[1], dg0, dg1,
                   W_self[l], W_neigh[l], b[l].reshape(1, d), n_pad, d)

  vs, lg = _tc_heads(h, aW1, ab1.reshape(1, ah), aW2, ab2.reshape(1, act),
                     cW1, cb1.reshape(1, ch), cW2.reshape(1, ch),
                     cb2.reshape(1, 1), n_pad, d, ah, act, ch)
  return jnp.concatenate([vs[:n], lg[:n]], axis=1)

# --- scband reference (transcript-rebuilt; emitter-appended) ---
"""Pipeline reference for scband-actor-critic-41094247088741 (READ-ONLY COPY).

The authoritative reference and input builder live on the scoring server;
editing this copy changes nothing except your own understanding.
"""

import jax, jax.numpy as jnp
import numpy as np

N = 10000
E = 320000
NUM_GATE = 29
D = 128
AH = 256
CH = 128
ACT = 128
L = 6


def setup_inputs(seed: int = 0) -> dict:
    key = jax.random.key(seed)
    ks = jax.random.split(key, 12)

    def init_w(k, shape, fan_in):
        return (jax.random.normal(k, shape, dtype=jnp.float32) * (1.0 / np.sqrt(fan_in))).astype(jnp.float32)

    node_type = jax.random.randint(ks[0], (N,), 0, NUM_GATE, dtype=jnp.int64) if jax.config.jax_enable_x64 else jax.random.randint(ks[0], (N,), 0, NUM_GATE, dtype=jnp.int32)
    edge_index = jax.random.randint(ks[1], (2, E), 0, N, dtype=jnp.int64) if jax.config.jax_enable_x64 else jax.random.randint(ks[1], (2, E), 0, N, dtype=jnp.int32)

    emb = init_w(ks[2], (NUM_GATE, D), NUM_GATE)
    W_self = init_w(ks[3], (L, D, D), D)
    W_neigh = init_w(ks[4], (L, D, D), D)
    b = jnp.zeros((L, D), dtype=jnp.float32)
    aW1 = init_w(ks[5], (D, AH), D)
    ab1 = jnp.zeros((AH,), dtype=jnp.float32)
    aW2 = init_w(ks[6], (AH, ACT), AH)
    ab2 = jnp.zeros((ACT,), dtype=jnp.float32)
    cW1 = init_w(ks[7], (D, CH), D)
    cb1 = jnp.zeros((CH,), dtype=jnp.float32)
    cW2 = init_w(ks[8], (CH, 1), CH)
    cb2 = jnp.zeros((1,), dtype=jnp.float32)

    return {
        "node_type": node_type,
        "edge_index": edge_index,
        "emb": emb,
        "W_self": W_self,
        "W_neigh": W_neigh,
        "b": b,
        "aW1": aW1, "ab1": ab1, "aW2": aW2, "ab2": ab2,
        "cW1": cW1, "cb1": cb1, "cW2": cw2_fix(cW2), "cb2": cb2,
    }


def cw2_fix(x):
    return x


def reference(node_type, edge_index, emb, W_self, W_neigh, b,
              aW1, ab1, aW2, ab2, cW1, cb1, cW2, cb2):
    # QGNN: 6 rounds of mean-aggregation message passing (gather by src,
    # scatter-add by dst), starting from gate-type embedding lookup.
    src = edge_index[0]
    dst = edge_index[1]
    h = jnp.take(emb, node_type, axis=0)  # embedding lookup [N, D]
    n = h.shape[0]
    deg = jax.ops.segment_sum(jnp.ones_like(src, dtype=jnp.float32), dst, num_segments=n)
    deg = jnp.maximum(deg, 1.0)[:, None]
    for l in range(L):
        msg = jnp.take(h, src, axis=0)                      # gather [E, D]
        agg = jax.ops.segment_sum(msg, dst, num_segments=n) / deg  # scatter-add + mean
        h = jax.nn.relu(h @ W_self[l] + agg @ W_neigh[l] + b[l])
    # critic head: per-node state values
    node_vs = jax.nn.relu(h @ cW1 + cb1) @ cW2 + cb2        # [N, 1]
    # actor head: per-node xfer logits
    xfer_logits = jax.nn.relu(h @ aW1 + ab1) @ aW2 + ab2    # [N, ACT]
    return jnp.concatenate([node_vs, xfer_logits], axis=1)  # [N, 1+ACT]

if __name__ == "__main__":
    import jax
    _d = setup_inputs()
    print(jax.jit(kernel)(*tuple(_d.values())))

</pallas_src>

<mosaic_0001>
#map = affine_map<(d0, d1) -> (0, 0, 0)>
#map1 = affine_map<(d0, d1) -> (0, 0)>
module attributes {stable_mosaic.version = 14 : i64} {
  func.func @kfn(%arg0: i32, %arg1: i32, %arg2: memref<32x80x128xi32, #tpu.memory_space<hbm>>, %arg3: memref<128x128xf32, #tpu.memory_space<hbm>>, %arg4: memref<128x128xf32, #tpu.memory_space<hbm>>, %arg5: memref<2x10240x128xf32, #tpu.memory_space<hbm>>, %arg6: memref<80x128xi32, #tpu.memory_space<vmem>>, %arg7: memref<128x128xf32, #tpu.memory_space<vmem>>, %arg8: memref<10240x128xf32, #tpu.memory_space<vmem_shared>>, %arg9: memref<!tpu.dma_semaphore, #tpu.memory_space<semaphore_mem>>) attributes {dimension_semantics = [#tpu.dimension_semantics<core_parallel>, #tpu.dimension_semantics<subcore_parallel>], iteration_bounds = array<i64: 2, 16>, scalar_prefetch = 0 : i64, scratch_operands = 4 : i64, tpu.core_type = #tpu.core_type<sc_vector_subcore>, window_params = [{transform_indices = #map}, {transform_indices = #map1}, {transform_indices = #map1}, {transform_indices = #map}]} {
    %mul3A = arith.constant 2 : i32
    %mul3A_0 = arith.muli %arg1, %mul3A : i32
    %add3A = arith.addi %mul3A_0, %arg0 : i32
    "tpu.region"() ({
      %run_scoped3A = tpu.sem_alloc : memref<!tpu.dma_semaphore, #tpu.memory_space<semaphore_mem>>
      %dma_start3A = arith.constant 0 : i32
      %dma_start3A_25 = arith.constant 0 : i32
      %dma_start3A_26 = tpu.memref_slice %arg2[%add3A, %dma_start3A, %dma_start3A_25] : memref<32x80x128xi32, #tpu.memory_space<hbm>> -> memref<1x80x128xi32, #tpu.memory_space<hbm>>
      %dma_start3A_27 = tpu.memref_squeeze %dma_start3A_26 : memref<1x80x128xi32, #tpu.memory_space<hbm>> -> memref<80x128xi32, #tpu.memory_space<hbm>>
      %dma_start3A_28 = arith.constant 0 : i32
      %dma_start3A_29 = arith.constant 0 : i32
      %dma_start3A_30 = tpu.memref_slice %arg2[%add3A, %dma_start3A_28, %dma_start3A_29] : memref<32x80x128xi32, #tpu.memory_space<hbm>> -> memref<1x80x128xi32, #tpu.memory_space<hbm>>
      %dma_start3A_31 = tpu.memref_squeeze %dma_start3A_30 : memref<1x80x128xi32, #tpu.memory_space<hbm>> -> memref<80x128xi32, #tpu.memory_space<hbm>>
      tpu.enqueue_dma source(%dma_start3A_31 : memref<80x128xi32, #tpu.memory_space<hbm>>) target(%arg6 : memref<80x128xi32, #tpu.memory_space<vmem>>) target_semaphore(%run_scoped3A : memref<!tpu.dma_semaphore, #tpu.memory_space<semaphore_mem>>)
      %dma_wait3A = arith.constant 0 : i32
      %dma_wait3A_32 = arith.constant 0 : i32
      %dma_wait3A_33 = tpu.memref_slice %arg2[%add3A, %dma_wait3A, %dma_wait3A_32] : memref<32x80x128xi32, #tpu.memory_space<hbm>> -> memref<1x80x128xi32, #tpu.memory_space<hbm>>
      %dma_wait3A_34 = tpu.memref_squeeze %dma_wait3A_33 : memref<1x80x128xi32, #tpu.memory_space<hbm>> -> memref<80x128xi32, #tpu.memory_space<hbm>>
      %dma_wait3A_35 = arith.constant 0 : i32
      %dma_wait3A_36 = arith.constant 0 : i32
      %dma_wait3A_37 = tpu.memref_slice %arg2[%add3A, %dma_wait3A_35, %dma_wait3A_36] : memref<32x80x128xi32, #tpu.memory_space<hbm>> -> memref<1x80x128xi32, #tpu.memory_space<hbm>>
      %dma_wait3A_38 = tpu.memref_squeeze %dma_wait3A_37 : memref<1x80x128xi32, #tpu.memory_space<hbm>> -> memref<80x128xi32, #tpu.memory_space<hbm>>
      tpu.wait_dma2 semaphore(%run_scoped3A : memref<!tpu.dma_semaphore, #tpu.memory_space<semaphore_mem>>) src(%dma_wait3A_38 : memref<80x128xi32, #tpu.memory_space<hbm>>) dst(%arg6 : memref<80x128xi32, #tpu.memory_space<vmem>>)
      tpu.yield
    }) : () -> ()
    "tpu.region"() ({
      %run_scoped3A = tpu.sem_alloc : memref<!tpu.dma_semaphore, #tpu.memory_space<semaphore_mem>>
      tpu.enqueue_dma source(%arg3 : memref<128x128xf32, #tpu.memory_space<hbm>>) target(%arg7 : memref<128x128xf32, #tpu.memory_space<vmem>>) target_semaphore(%run_scoped3A : memref<!tpu.dma_semaphore, #tpu.memory_space<semaphore_mem>>)
      tpu.wait_dma2 semaphore(%run_scoped3A : memref<!tpu.dma_semaphore, #tpu.memory_space<semaphore_mem>>) src(%arg3 : memref<128x128xf32, #tpu.memory_space<hbm>>) dst(%arg7 : memref<128x128xf32, #tpu.memory_space<vmem>>)
      tpu.yield
    }) : () -> ()
    %mul3A_1 = arith.constant 640 : i32
    %mul3A_2 = arith.muli %arg1, %mul3A_1 : i32
    %add3A_3 = arith.constant 0 : i32
    %add3A_4 = arith.addi %mul3A_2, %add3A_3 : i32
    "tpu.region"() ({
      %run_scoped3A = tpu.sem_alloc : memref<!tpu.dma_semaphore, #tpu.memory_space<semaphore_mem>>
      %dma_start3A = arith.constant 0 : i32
      %dma_start3A_25 = tpu.memref_slice %arg8[%add3A_4, %dma_start3A] : memref<10240x128xf32, #tpu.memory_space<vmem_shared>> -> memref<128x128xf32, #tpu.memory_space<vmem_shared>>
      %dma_start3A_26 = arith.constant 0 : i32
      %dma_start3A_27 = tpu.memref_slice %arg8[%add3A_4, %dma_start3A_26] : memref<10240x128xf32, #tpu.memory_space<vmem_shared>> -> memref<128x128xf32, #tpu.memory_space<vmem_shared>>
      tpu.enqueue_dma source(%arg7 : memref<128x128xf32, #tpu.memory_space<vmem>>) target(%dma_start3A_27 : memref<128x128xf32, #tpu.memory_space<vmem_shared>>) target_semaphore(%run_scoped3A : memref<!tpu.dma_semaphore, #tpu.memory_space<semaphore_mem>>)
      %dma_wait3A = arith.constant 0 : i32
      %dma_wait3A_28 = tpu.memref_slice %arg8[%add3A_4, %dma_wait3A] : memref<10240x128xf32, #tpu.memory_space<vmem_shared>> -> memref<128x128xf32, #tpu.memory_space<vmem_shared>>
      %dma_wait3A_29 = arith.constant 0 : i32
      %dma_wait3A_30 = tpu.memref_slice %arg8[%add3A_4, %dma_wait3A_29] : memref<10240x128xf32, #tpu.memory_space<vmem_shared>> -> memref<128x128xf32, #tpu.memory_space<vmem_shared>>
      tpu.wait_dma2 semaphore(%run_scoped3A : memref<!tpu.dma_semaphore, #tpu.memory_space<semaphore_mem>>) src(%arg7 : memref<128x128xf32, #tpu.memory_space<vmem>>) dst(%dma_wait3A_30 : memref<128x128xf32, #tpu.memory_space<vmem_shared>>)
      tpu.yield
    }) : () -> ()
    %add3A_5 = arith.constant 128 : i32
    %add3A_6 = arith.addi %mul3A_2, %add3A_5 : i32
    "tpu.region"() ({
      %run_scoped3A = tpu.sem_alloc : memref<!tpu.dma_semaphore, #tpu.memory_space<semaphore_mem>>
      %dma_start3A = arith.constant 0 : i32
      %dma_start3A_25 = tpu.memref_slice %arg8[%add3A_6, %dma_start3A] : memref<10240x128xf32, #tpu.memory_space<vmem_shared>> -> memref<128x128xf32, #tpu.memory_space<vmem_shared>>
      %dma_start3A_26 = arith.constant 0 : i32
      %dma_start3A_27 = tpu.memref_slice %arg8[%add3A_6, %dma_start3A_26] : memref<10240x128xf32, #tpu.memory_space<vmem_shared>> -> memref<128x128xf32, #tpu.memory_space<vmem_shared>>
      tpu.enqueue_dma source(%arg7 : memref<128x128xf32, #tpu.memory_space<vmem>>) target(%dma_start3A_27 : memref<128x128xf32, #tpu.memory_space<vmem_shared>>) target_semaphore(%run_scoped3A : memref<!tpu.dma_semaphore, #tpu.memory_space<semaphore_mem>>)
      %dma_wait3A = arith.constant 0 : i32
      %dma_wait3A_28 = tpu.memref_slice %arg8[%add3A_6, %dma_wait3A] : memref<10240x128xf32, #tpu.memory_space<vmem_shared>> -> memref<128x128xf32, #tpu.memory_space<vmem_shared>>
      %dma_wait3A_29 = arith.constant 0 : i32
      %dma_wait3A_30 = tpu.memref_slice %arg8[%add3A_6, %dma_wait3A_29] : memref<10240x128xf32, #tpu.memory_space<vmem_shared>> -> memref<128x128xf32, #tpu.memory_space<vmem_shared>>
      tpu.wait_dma2 semaphore(%run_scoped3A : memref<!tpu.dma_semaphore, #tpu.memory_space<semaphore_mem>>) src(%arg7 : memref<128x128xf32, #tpu.memory_space<vmem>>) dst(%dma_wait3A_30 : memref<128x128xf32, #tpu.memory_space<vmem_shared>>)
      tpu.yield
    }) : () -> ()
    %add3A_7 = arith.constant 256 : i32
    %add3A_8 = arith.addi %mul3A_2, %add3A_7 : i32
    "tpu.region"() ({
      %run_scoped3A = tpu.sem_alloc : memref<!tpu.dma_semaphore, #tpu.memory_space<semaphore_mem>>
      %dma_start3A = arith.constant 0 : i32
      %dma_start3A_25 = tpu.memref_slice %arg8[%add3A_8, %dma_start3A] : memref<10240x128xf32, #tpu.memory_space<vmem_shared>> -> memref<128x128xf32, #tpu.memory_space<vmem_shared>>
      %dma_start3A_26 = arith.constant 0 : i32
      %dma_start3A_27 = tpu.memref_slice %arg8[%add3A_8, %dma_start3A_26] : memref<10240x128xf32, #tpu.memory_space<vmem_shared>> -> memref<128x128xf32, #tpu.memory_space<vmem_shared>>
      tpu.enqueue_dma source(%arg7 : memref<128x128xf32, #tpu.memory_space<vmem>>) target(%dma_start3A_27 : memref<128x128xf32, #tpu.memory_space<vmem_shared>>) target_semaphore(%run_scoped3A : memref<!tpu.dma_semaphore, #tpu.memory_space<semaphore_mem>>)
      %dma_wait3A = arith.constant 0 : i32
      %dma_wait3A_28 = tpu.memref_slice %arg8[%add3A_8, %dma_wait3A] : memref<10240x128xf32, #tpu.memory_space<vmem_shared>> -> memref<128x128xf32, #tpu.memory_space<vmem_shared>>
      %dma_wait3A_29 = arith.constant 0 : i32
      %dma_wait3A_30 = tpu.memref_slice %arg8[%add3A_8, %dma_wait3A_29] : memref<10240x128xf32, #tpu.memory_space<vmem_shared>> -> memref<128x128xf32, #tpu.memory_space<vmem_shared>>
      tpu.wait_dma2 semaphore(%run_scoped3A : memref<!tpu.dma_semaphore, #tpu.memory_space<semaphore_mem>>) src(%arg7 : memref<128x128xf32, #tpu.memory_space<vmem>>) dst(%dma_wait3A_30 : memref<128x128xf32, #tpu.memory_space<vmem_shared>>)
      tpu.yield
    }) : () -> ()
    %add3A_9 = arith.constant 384 : i32
    %add3A_10 = arith.addi %mul3A_2, %add3A_9 : i32
    "tpu.region"() ({
      %run_scoped3A = tpu.sem_alloc : memref<!tpu.dma_semaphore, #tpu.memory_space<semaphore_mem>>
      %dma_start3A = arith.constant 0 : i32
      %dma_start3A_25 = tpu.memref_slice %arg8[%add3A_10, %dma_start3A] : memref<10240x128xf32, #tpu.memory_space<vmem_shared>> -> memref<128x128xf32, #tpu.memory_space<vmem_shared>>
      %dma_start3A_26 = arith.constant 0 : i32
      %dma_start3A_27 = tpu.memref_slice %arg8[%add3A_10, %dma_start3A_26] : memref<10240x128xf32, #tpu.memory_space<vmem_shared>> -> memref<128x128xf32, #tpu.memory_space<vmem_shared>>
      tpu.enqueue_dma source(%arg7 : memref<128x128xf32, #tpu.memory_space<vmem>>) target(%dma_start3A_27 : memref<128x128xf32, #tpu.memory_space<vmem_shared>>) target_semaphore(%run_scoped3A : memref<!tpu.dma_semaphore, #tpu.memory_space<semaphore_mem>>)
      %dma_wait3A = arith.constant 0 : i32
      %dma_wait3A_28 = tpu.memref_slice %arg8[%add3A_10, %dma_wait3A] : memref<10240x128xf32, #tpu.memory_space<vmem_shared>> -> memref<128x128xf32, #tpu.memory_space<vmem_shared>>
      %dma_wait3A_29 = arith.constant 0 : i32
      %dma_wait3A_30 = tpu.memref_slice %arg8[%add3A_10, %dma_wait3A_29] : memref<10240x128xf32, #tpu.memory_space<vmem_shared>> -> memref<128x128xf32, #tpu.memory_space<vmem_shared>>
      tpu.wait_dma2 semaphore(%run_scoped3A : memref<!tpu.dma_semaphore, #tpu.memory_space<semaphore_mem>>) src(%arg7 : memref<128x128xf32, #tpu.memory_space<vmem>>) dst(%dma_wait3A_30 : memref<128x128xf32, #tpu.memory_space<vmem_shared>>)
      tpu.yield
    }) : () -> ()
    %add3A_11 = arith.constant 512 : i32
    %add3A_12 = arith.addi %mul3A_2, %add3A_11 : i32
    "tpu.region"() ({
      %run_scoped3A = tpu.sem_alloc : memref<!tpu.dma_semaphore, #tpu.memory_space<semaphore_mem>>
      %dma_start3A = arith.constant 0 : i32
      %dma_start3A_25 = tpu.memref_slice %arg8[%add3A_12, %dma_start3A] : memref<10240x128xf32, #tpu.memory_space<vmem_shared>> -> memref<128x128xf32, #tpu.memory_space<vmem_shared>>
      %dma_start3A_26 = arith.constant 0 : i32
      %dma_start3A_27 = tpu.memref_slice %arg8[%add3A_12, %dma_start3A_26] : memref<10240x128xf32, #tpu.memory_space<vmem_shared>> -> memref<128x128xf32, #tpu.memory_space<vmem_shared>>
      tpu.enqueue_dma source(%arg7 : memref<128x128xf32, #tpu.memory_space<vmem>>) target(%dma_start3A_27 : memref<128x128xf32, #tpu.memory_space<vmem_shared>>) target_semaphore(%run_scoped3A : memref<!tpu.dma_semaphore, #tpu.memory_space<semaphore_mem>>)
      %dma_wait3A = arith.constant 0 : i32
      %dma_wait3A_28 = tpu.memref_slice %arg8[%add3A_12, %dma_wait3A] : memref<10240x128xf32, #tpu.memory_space<vmem_shared>> -> memref<128x128xf32, #tpu.memory_space<vmem_shared>>
      %dma_wait3A_29 = arith.constant 0 : i32
      %dma_wait3A_30 = tpu.memref_slice %arg8[%add3A_12, %dma_wait3A_29] : memref<10240x128xf32, #tpu.memory_space<vmem_shared>> -> memref<128x128xf32, #tpu.memory_space<vmem_shared>>
      tpu.wait_dma2 semaphore(%run_scoped3A : memref<!tpu.dma_semaphore, #tpu.memory_space<semaphore_mem>>) src(%arg7 : memref<128x128xf32, #tpu.memory_space<vmem>>) dst(%dma_wait3A_30 : memref<128x128xf32, #tpu.memory_space<vmem_shared>>)
      tpu.yield
    }) : () -> ()
    %barrier3A = arith.constant 0 : index
    tpu.barrier barrier_id(%barrier3A)
    "tpu.region"() ({
      %run_scoped3A = tpu.sem_alloc : memref<!tpu.dma_semaphore, #tpu.memory_space<semaphore_mem>>
      tpu.enqueue_dma source(%arg4 : memref<128x128xf32, #tpu.memory_space<hbm>>) target(%arg7 : memref<128x128xf32, #tpu.memory_space<vmem>>) target_semaphore(%run_scoped3A : memref<!tpu.dma_semaphore, #tpu.memory_space<semaphore_mem>>)
      tpu.wait_dma2 semaphore(%run_scoped3A : memref<!tpu.dma_semaphore, #tpu.memory_space<semaphore_mem>>) src(%arg4 : memref<128x128xf32, #tpu.memory_space<hbm>>) dst(%arg7 : memref<128x128xf32, #tpu.memory_space<vmem>>)
      tpu.yield
    }) : () -> ()
    %scan3A = arith.constant 0 : i32
    %scan3A_13 = arith.constant 0 : i32
    %scan3A_14 = arith.constant 80 : i32
    %scan3A_15 = arith.addi %scan3A_13, %scan3A_14 : i32
    %scan3A_16 = arith.constant 1 : i32
    scf.for %scan3A_25 = %scan3A_13 to %scan3A_15 step %scan3A_16  : i32 {
      %dma_start3A = arith.constant 0 : i32
      %dma_start3A_26 = tpu.memref_slice %arg6[%scan3A_25, %dma_start3A] : memref<80x128xi32, #tpu.memory_space<vmem>> -> memref<1x128xi32, #tpu.memory_space<vmem>>
      %dma_start3A_27 = tpu.memref_squeeze %dma_start3A_26 : memref<1x128xi32, #tpu.memory_space<vmem>> -> memref<128xi32, #tpu.memory_space<vmem>>
      %dma_start3A_28 = arith.constant 0 : i32
      %dma_start3A_29 = arith.constant 0 : i32
      %dma_start3A_30 = tpu.memref_slice %arg8[%dma_start3A_28, %dma_start3A_29] : memref<10240x128xf32, #tpu.memory_space<vmem_shared>> -> memref<10240x128xf32, #tpu.memory_space<vmem_shared>>
      tpu.enqueue_indirect_dma source(%arg7 : memref<128x128xf32, #tpu.memory_space<vmem>>) target(%dma_start3A_30 : memref<10240x128xf32, #tpu.memory_space<vmem_shared>>) offsets(%dma_start3A_27 : memref<128xi32, #tpu.memory_space<vmem>>) semaphore(%arg9 : memref<!tpu.dma_semaphore, #tpu.memory_space<semaphore_mem>>) {add = true}
    }
    %scan3A_17 = arith.constant 80 : i32
    %scan3A_18 = arith.constant 0 : i32
    %scan3A_19 = arith.constant 0 : i32
    %scan3A_20 = arith.constant 80 : i32
    %scan3A_21 = arith.addi %scan3A_19, %scan3A_20 : i32
    %scan3A_22 = arith.constant 1 : i32
    scf.for %scan3A_25 = %scan3A_19 to %scan3A_21 step %scan3A_22  : i32 {
      %dma_wait3A = arith.constant 0 : i32
      %dma_wait3A_26 = tpu.memref_slice %arg6[%scan3A_25, %dma_wait3A] : memref<80x128xi32, #tpu.memory_space<vmem>> -> memref<1x128xi32, #tpu.memory_space<vmem>>
      %dma_wait3A_27 = tpu.memref_squeeze %dma_wait3A_26 : memref<1x128xi32, #tpu.memory_space<vmem>> -> memref<128xi32, #tpu.memory_space<vmem>>
      %dma_wait3A_28 = arith.constant 0 : i32
      %dma_wait3A_29 = arith.constant 0 : i32
      %dma_wait3A_30 = tpu.memref_slice %arg8[%dma_wait3A_28, %dma_wait3A_29] : memref<10240x128xf32, #tpu.memory_space<vmem_shared>> -> memref<10240x128xf32, #tpu.memory_space<vmem_shared>>
      tpu.wait_indirect_dma semaphore(%arg9 : memref<!tpu.dma_semaphore, #tpu.memory_space<semaphore_mem>>) src(%arg7 : memref<128x128xf32, #tpu.memory_space<vmem>>) dst(%dma_wait3A_30 : memref<10240x128xf32, #tpu.memory_space<vmem_shared>>)
    }
    %scan3A_23 = arith.constant 80 : i32
    %barrier3A_24 = arith.constant 0 : index
    tpu.barrier barrier_id(%barrier3A_24)
    "tpu.region"() ({
      %run_scoped3A = tpu.sem_alloc : memref<!tpu.dma_semaphore, #tpu.memory_space<semaphore_mem>>
      %dma_start3A = arith.constant 0 : i32
      %dma_start3A_25 = tpu.memref_slice %arg5[%arg0, %mul3A_2, %dma_start3A] : memref<2x10240x128xf32, #tpu.memory_space<hbm>> -> memref<1x640x128xf32, #tpu.memory_space<hbm>>
      %dma_start3A_26 = tpu.memref_squeeze %dma_start3A_25 : memref<1x640x128xf32, #tpu.memory_space<hbm>> -> memref<640x128xf32, #tpu.memory_space<hbm>>
      %dma_start3A_27 = arith.constant 0 : i32
      %dma_start3A_28 = tpu.memref_slice %arg8[%mul3A_2, %dma_start3A_27] : memref<10240x128xf32, #tpu.memory_space<vmem_shared>> -> memref<640x128xf32, #tpu.memory_space<vmem_shared>>
      tpu.enqueue_dma source(%dma_start3A_28 : memref<640x128xf32, #tpu.memory_space<vmem_shared>>) target(%dma_start3A_26 : memref<640x128xf32, #tpu.memory_space<hbm>>) target_semaphore(%run_scoped3A : memref<!tpu.dma_semaphore, #tpu.memory_space<semaphore_mem>>)
      %dma_wait3A = arith.constant 0 : i32
      %dma_wait3A_29 = tpu.memref_slice %arg5[%arg0, %mul3A_2, %dma_wait3A] : memref<2x10240x128xf32, #tpu.memory_space<hbm>> -> memref<1x640x128xf32, #tpu.memory_space<hbm>>
      %dma_wait3A_30 = tpu.memref_squeeze %dma_wait3A_29 : memref<1x640x128xf32, #tpu.memory_space<hbm>> -> memref<640x128xf32, #tpu.memory_space<hbm>>
      %dma_wait3A_31 = arith.constant 0 : i32
      %dma_wait3A_32 = tpu.memref_slice %arg8[%mul3A_2, %dma_wait3A_31] : memref<10240x128xf32, #tpu.memory_space<vmem_shared>> -> memref<640x128xf32, #tpu.memory_space<vmem_shared>>
      tpu.wait_dma2 semaphore(%run_scoped3A : memref<!tpu.dma_semaphore, #tpu.memory_space<semaphore_mem>>) src(%dma_wait3A_32 : memref<640x128xf32, #tpu.memory_space<vmem_shared>>) dst(%dma_wait3A_30 : memref<640x128xf32, #tpu.memory_space<hbm>>)
      tpu.yield
    }) : () -> ()
    return
  }
}

#map = affine_map<(d0, d1) -> (0, 0)>
#map1 = affine_map<(d0, d1) -> (0, 0, 0)>
module attributes {stable_mosaic.version = 14 : i64} {
  func.func @kfn(%arg0: i32, %arg1: i32, %arg2: memref<10240x128xf32, #tpu.memory_space<hbm>>, %arg3: memref<32x80x128xi32, #tpu.memory_space<hbm>>, %arg4: memref<32x80x128xi32, #tpu.memory_space<hbm>>, %arg5: memref<128x128xf32, #tpu.memory_space<hbm>>, %arg6: memref<2x10240x128xf32, #tpu.memory_space<hbm>>, %arg7: memref<128xi32, #tpu.memory_space<vmem>>, %arg8: memref<128xi32, #tpu.memory_space<vmem>>, %arg9: memref<80x128xi32, #tpu.memory_space<vmem>>, %arg10: memref<128x128xf32, #tpu.memory_space<vmem>>, %arg11: memref<128x128xf32, #tpu.memory_space<vmem>>, %arg12: memref<10240x128xf32, #tpu.memory_space<vmem_shared>>, %arg13: memref<!tpu.dma_semaphore, #tpu.memory_space<semaphore_mem>>, %arg14: memref<!tpu.dma_semaphore, #tpu.memory_space<semaphore_mem>>, %arg15: memref<!tpu.dma_semaphore, #tpu.memory_space<semaphore_mem>>, %arg16: memref<!tpu.dma_semaphore, #tpu.memory_space<semaphore_mem>>, %arg17: memref<!tpu.dma_semaphore, #tpu.memory_space<semaphore_mem>>, %arg18: memref<!tpu.dma_semaphore, #tpu.memory_space<semaphore_mem>>) attributes {dimension_semantics = [#tpu.dimension_semantics<core_parallel>, #tpu.dimension_semantics<subcore_parallel>], iteration_bounds = array<i64: 2, 16>, scalar_prefetch = 0 : i64, scratch_operands = 12 : i64, tpu.core_type = #tpu.core_type<sc_vector_subcore>, window_params = [{transform_indices = #map}, {transform_indices = #map1}, {transform_indices = #map1}, {transform_indices = #map}, {transform_indices = #map1}]} {
    %mul3A = arith.constant 2 : i32
    %mul3A_0 = arith.muli %arg1, %mul3A : i32
    %add3A = arith.addi %mul3A_0, %arg0 : i32
    %run_scoped3A = arith.constant 0 : i32
    "tpu.region"() ({
      %run_scoped3A_54 = tpu.sem_alloc : memref<!tpu.dma_semaphore, #tpu.memory_space<semaphore_mem>>
      %dma_start3A_55 = arith.constant 0 : i32
      %dma_start3A_56 = tpu.memref_slice %arg3[%add3A, %run_scoped3A, %dma_start3A_55] : memref<32x80x128xi32, #tpu.memory_space<hbm>> -> memref<1x1x128xi32, #tpu.memory_space<hbm>>
      %dma_start3A_57 = tpu.memref_squeeze %dma_start3A_56 : memref<1x1x128xi32, #tpu.memory_space<hbm>> -> memref<128xi32, #tpu.memory_space<hbm>>
      %dma_start3A_58 = arith.constant 0 : i32
      %dma_start3A_59 = tpu.memref_slice %arg3[%add3A, %run_scoped3A, %dma_start3A_58] : memref<32x80x128xi32, #tpu.memory_space<hbm>> -> memref<1x1x128xi32, #tpu.memory_space<hbm>>
      %dma_start3A_60 = tpu.memref_squeeze %dma_start3A_59 : memref<1x1x128xi32, #tpu.memory_space<hbm>> -> memref<128xi32, #tpu.memory_space<hbm>>
      tpu.enqueue_dma source(%dma_start3A_60 : memref<128xi32, #tpu.memory_space<hbm>>) target(%arg7 : memref<128xi32, #tpu.memory_space<vmem>>) target_semaphore(%run_scoped3A_54 : memref<!tpu.dma_semaphore, #tpu.memory_space<semaphore_mem>>)
      %dma_wait3A_61 = arith.constant 0 : i32
      %dma_wait3A_62 = tpu.memref_slice %arg3[%add3A, %run_scoped3A, %dma_wait3A_61] : memref<32x80x128xi32, #tpu.memory_space<hbm>> -> memref<1x1x128xi32, #tpu.memory_space<hbm>>
      %dma_wait3A_63 = tpu.memref_squeeze %dma_wait3A_62 : memref<1x1x128xi32, #tpu.memory_space<hbm>> -> memref<128xi32, #tpu.memory_space<hbm>>
      %dma_wait3A_64 = arith.constant 0 : i32
      %dma_wait3A_65 = tpu.memref_slice %arg3[%add3A, %run_scoped3A, %dma_wait3A_64] : memref<32x80x128xi32, #tpu.memory_space<hbm>> -> memref<1x1x128xi32, #tpu.memory_space<hbm>>
      %dma_wait3A_66 = tpu.memref_squeeze %dma_wait3A_65 : memref<1x1x128xi32, #tpu.memory_space<hbm>> -> memref<128xi32, #tpu.memory_space<hbm>>
      tpu.wait_dma2 semaphore(%run_scoped3A_54 : memref<!tpu.dma_semaphore, #tpu.memory_space<semaphore_mem>>) src(%dma_wait3A_66 : memref<128xi32, #tpu.memory_space<hbm>>) dst(%arg7 : memref<128xi32, #tpu.memory_space<vmem>>)
      tpu.yield
    }) : () -> ()
    %dma_start3A = arith.constant 0 : i32
    %dma_start3A_1 = arith.constant 0 : i32
    %dma_start3A_2 = tpu.memref_slice %arg10[%dma_start3A, %dma_start3A_1] : memref<128x128xf32, #tpu.memory_space<vmem>> -> memref<64x128xf32, #tpu.memory_space<vmem>>
    %dma_start3A_3 = arith.constant 0 : i32
    %dma_start3A_4 = tpu.memref_slice %arg7[%dma_start3A_3] : memref<128xi32, #tpu.memory_space<vmem>> -> memref<64xi32, #tpu.memory_space<vmem>>
    %dma_start3A_5 = arith.constant 0 : i32
    %dma_start3A_6 = arith.constant 0 : i32
    %dma_start3A_7 = tpu.memref_slice %arg2[%dma_start3A_5, %dma_start3A_6] : memref<10240x128xf32, #tpu.memory_space<hbm>> -> memref<10240x128xf32, #tpu.memory_space<hbm>>
    tpu.enqueue_indirect_dma source(%dma_start3A_7 : memref<10240x128xf32, #tpu.memory_space<hbm>>) target(%dma_start3A_2 : memref<64x128xf32, #tpu.memory_space<vmem>>) offsets(%dma_start3A_4 : memref<64xi32, #tpu.memory_space<vmem>>) semaphore(%arg13 : memref<!tpu.dma_semaphore, #tpu.memory_space<semaphore_mem>>)
    %dma_start3A_8 = arith.constant 64 : i32
    %dma_start3A_9 = arith.constant 0 : i32
    %dma_start3A_10 = tpu.memref_slice %arg10[%dma_start3A_8, %dma_start3A_9] : memref<128x128xf32, #tpu.memory_space<vmem>> -> memref<64x128xf32, #tpu.memory_space<vmem>>
    %dma_start3A_11 = arith.constant 64 : i32
    %dma_start3A_12 = tpu.memref_slice %arg7[%dma_start3A_11] : memref<128xi32, #tpu.memory_space<vmem>> -> memref<64xi32, #tpu.memory_space<vmem>>
    %dma_start3A_13 = arith.constant 0 : i32
    %dma_start3A_14 = arith.constant 0 : i32
    %dma_start3A_15 = tpu.memref_slice %arg2[%dma_start3A_13, %dma_start3A_14] : memref<10240x128xf32, #tpu.memory_space<hbm>> -> memref<10240x128xf32, #tpu.memory_space<hbm>>
    tpu.enqueue_indirect_dma source(%dma_start3A_15 : memref<10240x128xf32, #tpu.memory_space<hbm>>) target(%dma_start3A_10 : memref<64x128xf32, #tpu.memory_space<vmem>>) offsets(%dma_start3A_12 : memref<64xi32, #tpu.memory_space<vmem>>) semaphore(%arg13 : memref<!tpu.dma_semaphore, #tpu.memory_space<semaphore_mem>>)
    %dma_start3A_16 = arith.constant 1 : i32
    %dma_start3A_17 = arith.constant 0 : i32
    %dma_start3A_18 = tpu.memref_slice %arg3[%add3A, %dma_start3A_16, %dma_start3A_17] : memref<32x80x128xi32, #tpu.memory_space<hbm>> -> memref<1x1x128xi32, #tpu.memory_space<hbm>>
    %dma_start3A_19 = tpu.memref_squeeze %dma_start3A_18 : memref<1x1x128xi32, #tpu.memory_space<hbm>> -> memref<128xi32, #tpu.memory_space<hbm>>
    %dma_start3A_20 = arith.constant 0 : i32
    %dma_start3A_21 = tpu.memref_slice %arg3[%add3A, %dma_start3A_16, %dma_start3A_20] : memref<32x80x128xi32, #tpu.memory_space<hbm>> -> memref<1x1x128xi32, #tpu.memory_space<hbm>>
    %dma_start3A_22 = tpu.memref_squeeze %dma_start3A_21 : memref<1x1x128xi32, #tpu.memory_space<hbm>> -> memref<128xi32, #tpu.memory_space<hbm>>
    tpu.enqueue_dma source(%dma_start3A_22 : memref<128xi32, #tpu.memory_space<hbm>>) target(%arg8 : memref<128xi32, #tpu.memory_space<vmem>>) target_semaphore(%arg18 : memref<!tpu.dma_semaphore, #tpu.memory_space<semaphore_mem>>)
    "tpu.region"() ({
      %run_scoped3A_54 = tpu.sem_alloc : memref<!tpu.dma_semaphore, #tpu.memory_space<semaphore_mem>>
      %dma_start3A_55 = arith.constant 0 : i32
      %dma_start3A_56 = arith.constant 0 : i32
      %dma_start3A_57 = tpu.memref_slice %arg4[%add3A, %dma_start3A_55, %dma_start3A_56] : memref<32x80x128xi32, #tpu.memory_space<hbm>> -> memref<1x80x128xi32, #tpu.memory_space<hbm>>
      %dma_start3A_58 = tpu.memref_squeeze %dma_start3A_57 : memref<1x80x128xi32, #tpu.memory_space<hbm>> -> memref<80x128xi32, #tpu.memory_space<hbm>>
      %dma_start3A_59 = arith.constant 0 : i32
      %dma_start3A_60 = arith.constant 0 : i32
      %dma_start3A_61 = tpu.memref_slice %arg4[%add3A, %dma_start3A_59, %dma_start3A_60] : memref<32x80x128xi32, #tpu.memory_space<hbm>> -> memref<1x80x128xi32, #tpu.memory_space<hbm>>
      %dma_start3A_62 = tpu.memref_squeeze %dma_start3A_61 : memref<1x80x128xi32, #tpu.memory_space<hbm>> -> memref<80x128xi32, #tpu.memory_space<hbm>>
      tpu.enqueue_dma source(%dma_start3A_62 : memref<80x128xi32, #tpu.memory_space<hbm>>) target(%arg9 : memref<80x128xi32, #tpu.memory_space<vmem>>) target_semaphore(%run_scoped3A_54 : memref<!tpu.dma_semaphore, #tpu.memory_space<semaphore_mem>>)
      %dma_wait3A_63 = arith.constant 0 : i32
      %dma_wait3A_64 = arith.constant 0 : i32
      %dma_wait3A_65 = tpu.memref_slice %arg4[%add3A, %dma_wait3A_63, %dma_wait3A_64] : memref<32x80x128xi32, #tpu.memory_space<hbm>> -> memref<1x80x128xi32, #tpu.memory_space<hbm>>
      %dma_wait3A_66 = tpu.memref_squeeze %dma_wait3A_65 : memref<1x80x128xi32, #tpu.memory_space<hbm>> -> memref<80x128xi32, #tpu.memory_space<hbm>>
      %dma_wait3A_67 = arith.constant 0 : i32
      %dma_wait3A_68 = arith.constant 0 : i32
      %dma_wait3A_69 = tpu.memref_slice %arg4[%add3A, %dma_wait3A_67, %dma_wait3A_68] : memref<32x80x128xi32, #tpu.memory_space<hbm>> -> memref<1x80x128xi32, #tpu.memory_space<hbm>>
      %dma_wait3A_70 = tpu.memref_squeeze %dma_wait3A_69 : memref<1x80x128xi32, #tpu.memory_space<hbm>> -> memref<80x128xi32, #tpu.memory_space<hbm>>
      tpu.wait_dma2 semaphore(%run_scoped3A_54 : memref<!tpu.dma_semaphore, #tpu.memory_space<semaphore_mem>>) src(%dma_wait3A_70 : memref<80x128xi32, #tpu.memory_space<hbm>>) dst(%arg9 : memref<80x128xi32, #tpu.memory_space<vmem>>)
      tpu.yield
    }) : () -> ()
    "tpu.region"() ({
      %run_scoped3A_54 = tpu.sem_alloc : memref<!tpu.dma_semaphore, #tpu.memory_space<semaphore_mem>>
      tpu.enqueue_dma source(%arg5 : memref<128x128xf32, #tpu.memory_space<hbm>>) target(%arg11 : memref<128x128xf32, #tpu.memory_space<vmem>>) target_semaphore(%run_scoped3A_54 : memref<!tpu.dma_semaphore, #tpu.memory_space<semaphore_mem>>)
      tpu.wait_dma2 semaphore(%run_scoped3A_54 : memref<!tpu.dma_semaphore, #tpu.memory_space<semaphore_mem>>) src(%arg5 : memref<128x128xf32, #tpu.memory_space<hbm>>) dst(%arg11 : memref<128x128xf32, #tpu.memory_space<vmem>>)
      tpu.yield
    }) : () -> ()
    %mul3A_23 = arith.constant 640 : i32
    %mul3A_24 = arith.muli %arg1, %mul3A_23 : i32
    %add3A_25 = arith.constant 0 : i32
    %add3A_26 = arith.addi %mul3A_24, %add3A_25 : i32
    "tpu.region"() ({
      %run_scoped3A_54 = tpu.sem_alloc : memref<!tpu.dma_semaphore, #tpu.memory_space<semaphore_mem>>
      %dma_start3A_55 = arith.constant 0 : i32
      %dma_start3A_56 = tpu.memref_slice %arg12[%add3A_26, %dma_start3A_55] : memref<10240x128xf32, #tpu.memory_space<vmem_shared>> -> memref<128x128xf32, #tpu.memory_space<vmem_shared>>
      %dma_start3A_57 = arith.constant 0 : i32
      %dma_start3A_58 = tpu.memref_slice %arg12[%add3A_26, %dma_start3A_57] : memref<10240x128xf32, #tpu.memory_space<vmem_shared>> -> memref<128x128xf32, #tpu.memory_space<vmem_shared>>
      tpu.enqueue_dma source(%arg11 : memref<128x128xf32, #tpu.memory_space<vmem>>) target(%dma_start3A_58 : memref<128x128xf32, #tpu.memory_space<vmem_shared>>) target_semaphore(%run_scoped3A_54 : memref<!tpu.dma_semaphore, #tpu.memory_space<semaphore_mem>>)
      %dma_wait3A_59 = arith.constant 0 : i32
      %dma_wait3A_60 = tpu.memref_slice %arg12[%add3A_26, %dma_wait3A_59] : memref<10240x128xf32, #tpu.memory_space<vmem_shared>> -> memref<128x128xf32, #tpu.memory_space<vmem_shared>>
      %dma_wait3A_61 = arith.constant 0 : i32
      %dma_wait3A_62 = tpu.memref_slice %arg12[%add3A_26, %dma_wait3A_61] : memref<10240x128xf32, #tpu.memory_space<vmem_shared>> -> memref<128x128xf32, #tpu.memory_space<vmem_shared>>
      tpu.wait_dma2 semaphore(%run_scoped3A_54 : memref<!tpu.dma_semaphore, #tpu.memory_space<semaphore_mem>>) src(%arg11 : memref<128x128xf32, #tpu.memory_space<vmem>>) dst(%dma_wait3A_62 : memref<128x128xf32, #tpu.memory_space<vmem_shared>>)
      tpu.yield
    }) : () -> ()
    %add3A_27 = arith.constant 128 : i32
    %add3A_28 = arith.addi %mul3A_24, %add3A_27 : i32
    "tpu.region"() ({
      %run_scoped3A_54 = tpu.sem_alloc : memref<!tpu.dma_semaphore, #tpu.memory_space<semaphore_mem>>
      %dma_start3A_55 = arith.constant 0 : i32
      %dma_start3A_56 = tpu.memref_slice %arg12[%add3A_28, %dma_start3A_55] : memref<10240x128xf32, #tpu.memory_space<vmem_shared>> -> memref<128x128xf32, #tpu.memory_space<vmem_shared>>
      %dma_start3A_57 = arith.constant 0 : i32
      %dma_start3A_58 = tpu.memref_slice %arg12[%add3A_28, %dma_start3A_57] : memref<10240x128xf32, #tpu.memory_space<vmem_shared>> -> memref<128x128xf32, #tpu.memory_space<vmem_shared>>
      tpu.enqueue_dma source(%arg11 : memref<128x128xf32, #tpu.memory_space<vmem>>) target(%dma_start3A_58 : memref<128x128xf32, #tpu.memory_space<vmem_shared>>) target_semaphore(%run_scoped3A_54 : memref<!tpu.dma_semaphore, #tpu.memory_space<semaphore_mem>>)
      %dma_wait3A_59 = arith.constant 0 : i32
      %dma_wait3A_60 = tpu.memref_slice %arg12[%add3A_28, %dma_wait3A_59] : memref<10240x128xf32, #tpu.memory_space<vmem_shared>> -> memref<128x128xf32, #tpu.memory_space<vmem_shared>>
      %dma_wait3A_61 = arith.constant 0 : i32
      %dma_wait3A_62 = tpu.memref_slice %arg12[%add3A_28, %dma_wait3A_61] : memref<10240x128xf32, #tpu.memory_space<vmem_shared>> -> memref<128x128xf32, #tpu.memory_space<vmem_shared>>
      tpu.wait_dma2 semaphore(%run_scoped3A_54 : memref<!tpu.dma_semaphore, #tpu.memory_space<semaphore_mem>>) src(%arg11 : memref<128x128xf32, #tpu.memory_space<vmem>>) dst(%dma_wait3A_62 : memref<128x128xf32, #tpu.memory_space<vmem_shared>>)
      tpu.yield
    }) : () -> ()
    %add3A_29 = arith.constant 256 : i32
    %add3A_30 = arith.addi %mul3A_24, %add3A_29 : i32
    "tpu.region"() ({
      %run_scoped3A_54 = tpu.sem_alloc : memref<!tpu.dma_semaphore, #tpu.memory_space<semaphore_mem>>
      %dma_start3A_55 = arith.constant 0 : i32
      %dma_start3A_56 = tpu.memref_slice %arg12[%add3A_30, %dma_start3A_55] : memref<10240x128xf32, #tpu.memory_space<vmem_shared>> -> memref<128x128xf32, #tpu.memory_space<vmem_shared>>
      %dma_start3A_57 = arith.constant 0 : i32
      %dma_start3A_58 = tpu.memref_slice %arg12[%add3A_30, %dma_start3A_57] : memref<10240x128xf32, #tpu.memory_space<vmem_shared>> -> memref<128x128xf32, #tpu.memory_space<vmem_shared>>
      tpu.enqueue_dma source(%arg11 : memref<128x128xf32, #tpu.memory_space<vmem>>) target(%dma_start3A_58 : memref<128x128xf32, #tpu.memory_space<vmem_shared>>) target_semaphore(%run_scoped3A_54 : memref<!tpu.dma_semaphore, #tpu.memory_space<semaphore_mem>>)
      %dma_wait3A_59 = arith.constant 0 : i32
      %dma_wait3A_60 = tpu.memref_slice %arg12[%add3A_30, %dma_wait3A_59] : memref<10240x128xf32, #tpu.memory_space<vmem_shared>> -> memref<128x128xf32, #tpu.memory_space<vmem_shared>>
      %dma_wait3A_61 = arith.constant 0 : i32
      %dma_wait3A_62 = tpu.memref_slice %arg12[%add3A_30, %dma_wait3A_61] : memref<10240x128xf32, #tpu.memory_space<vmem_shared>> -> memref<128x128xf32, #tpu.memory_space<vmem_shared>>
      tpu.wait_dma2 semaphore(%run_scoped3A_54 : memref<!tpu.dma_semaphore, #tpu.memory_space<semaphore_mem>>) src(%arg11 : memref<128x128xf32, #tpu.memory_space<vmem>>) dst(%dma_wait3A_62 : memref<128x128xf32, #tpu.memory_space<vmem_shared>>)
      tpu.yield
    }) : () -> ()
    %add3A_31 = arith.constant 384 : i32
    %add3A_32 = arith.addi %mul3A_24, %add3A_31 : i32
    "tpu.region"() ({
      %run_scoped3A_54 = tpu.sem_alloc : memref<!tpu.dma_semaphore, #tpu.memory_space<semaphore_mem>>
      %dma_start3A_55 = arith.constant 0 : i32
      %dma_start3A_56 = tpu.memref_slice %arg12[%add3A_32, %dma_start3A_55] : memref<10240x128xf32, #tpu.memory_space<vmem_shared>> -> memref<128x128xf32, #tpu.memory_space<vmem_shared>>
      %dma_start3A_57 = arith.constant 0 : i32
      %dma_start3A_58 = tpu.memref_slice %arg12[%add3A_32, %dma_start3A_57] : memref<10240x128xf32, #tpu.memory_space<vmem_shared>> -> memref<128x128xf32, #tpu.memory_space<vmem_shared>>
      tpu.enqueue_dma source(%arg11 : memref<128x128xf32, #tpu.memory_space<vmem>>) target(%dma_start3A_58 : memref<128x128xf32, #tpu.memory_space<vmem_shared>>) target_semaphore(%run_scoped3A_54 : memref<!tpu.dma_semaphore, #tpu.memory_space<semaphore_mem>>)
      %dma_wait3A_59 = arith.constant 0 : i32
      %dma_wait3A_60 = tpu.memref_slice %arg12[%add3A_32, %dma_wait3A_59] : memref<10240x128xf32, #tpu.memory_space<vmem_shared>> -> memref<128x128xf32, #tpu.memory_space<vmem_shared>>
      %dma_wait3A_61 = arith.constant 0 : i32
      %dma_wait3A_62 = tpu.memref_slice %arg12[%add3A_32, %dma_wait3A_61] : memref<10240x128xf32, #tpu.memory_space<vmem_shared>> -> memref<128x128xf32, #tpu.memory_space<vmem_shared>>
      tpu.wait_dma2 semaphore(%run_scoped3A_54 : memref<!tpu.dma_semaphore, #tpu.memory_space<semaphore_mem>>) src(%arg11 : memref<128x128xf32, #tpu.memory_space<vmem>>) dst(%dma_wait3A_62 : memref<128x128xf32, #tpu.memory_space<vmem_shared>>)
      tpu.yield
    }) : () -> ()
    %add3A_33 = arith.constant 512 : i32
    %add3A_34 = arith.addi %mul3A_24, %add3A_33 : i32
    "tpu.region"() ({
      %run_scoped3A_54 = tpu.sem_alloc : memref<!tpu.dma_semaphore, #tpu.memory_space<semaphore_mem>>
      %dma_start3A_55 = arith.constant 0 : i32
      %dma_start3A_56 = tpu.memref_slice %arg12[%add3A_34, %dma_start3A_55] : memref<10240x128xf32, #tpu.memory_space<vmem_shared>> -> memref<128x128xf32, #tpu.memory_space<vmem_shared>>
      %dma_start3A_57 = arith.constant 0 : i32
      %dma_start3A_58 = tpu.memref_slice %arg12[%add3A_34, %dma_start3A_57] : memref<10240x128xf32, #tpu.memory_space<vmem_shared>> -> memref<128x128xf32, #tpu.memory_space<vmem_shared>>
      tpu.enqueue_dma source(%arg11 : memref<128x128xf32, #tpu.memory_space<vmem>>) target(%dma_start3A_58 : memref<128x128xf32, #tpu.memory_space<vmem_shared>>) target_semaphore(%run_scoped3A_54 : memref<!tpu.dma_semaphore, #tpu.memory_space<semaphore_mem>>)
      %dma_wait3A_59 = arith.constant 0 : i32
      %dma_wait3A_60 = tpu.memref_slice %arg12[%add3A_34, %dma_wait3A_59] : memref<10240x128xf32, #tpu.memory_space<vmem_shared>> -> memref<128x128xf32, #tpu.memory_space<vmem_shared>>
      %dma_wait3A_61 = arith.constant 0 : i32
      %dma_wait3A_62 = tpu.memref_slice %arg12[%add3A_34, %dma_wait3A_61] : memref<10240x128xf32, #tpu.memory_space<vmem_shared>> -> memref<128x128xf32, #tpu.memory_space<vmem_shared>>
      tpu.wait_dma2 semaphore(%run_scoped3A_54 : memref<!tpu.dma_semaphore, #tpu.memory_space<semaphore_mem>>) src(%arg11 : memref<128x128xf32, #tpu.memory_space<vmem>>) dst(%dma_wait3A_62 : memref<128x128xf32, #tpu.memory_space<vmem_shared>>)
      tpu.yield
    }) : () -> ()
    %barrier3A = arith.constant 0 : index
    tpu.barrier barrier_id(%barrier3A)
    %scan3A = arith.constant 0 : i32
    %scan3A_35 = arith.constant 0 : i32
    %scan3A_36 = arith.constant 40 : i32
    %scan3A_37 = arith.addi %scan3A_35, %scan3A_36 : i32
    %scan3A_38 = arith.constant 1 : i32
    scf.for %scan3A_54 = %scan3A_35 to %scan3A_37 step %scan3A_38  : i32 {
      %mul3A_55 = arith.constant 2 : i32
      %mul3A_56 = arith.muli %scan3A_54, %mul3A_55 : i32
      %add3A_57 = arith.constant 0 : i32
      %add3A_58 = arith.addi %mul3A_56, %add3A_57 : i32
      %add3A_59 = arith.constant 1 : i32
      %add3A_60 = arith.addi %add3A_58, %add3A_59 : i32
      %dma_wait3A_61 = arith.constant 0 : i32
      %dma_wait3A_62 = arith.constant 0 : i32
      %dma_wait3A_63 = tpu.memref_slice %arg10[%dma_wait3A_61, %dma_wait3A_62] : memref<128x128xf32, #tpu.memory_space<vmem>> -> memref<64x128xf32, #tpu.memory_space<vmem>>
      %dma_wait3A_64 = arith.constant 0 : i32
      %dma_wait3A_65 = tpu.memref_slice %arg7[%dma_wait3A_64] : memref<128xi32, #tpu.memory_space<vmem>> -> memref<64xi32, #tpu.memory_space<vmem>>
      %dma_wait3A_66 = arith.constant 0 : i32
      %dma_wait3A_67 = arith.constant 0 : i32
      %dma_wait3A_68 = tpu.memref_slice %arg2[%dma_wait3A_66, %dma_wait3A_67] : memref<10240x128xf32, #tpu.memory_space<hbm>> -> memref<10240x128xf32, #tpu.memory_space<hbm>>
      tpu.wait_indirect_dma semaphore(%arg13 : memref<!tpu.dma_semaphore, #tpu.memory_space<semaphore_mem>>) src(%dma_wait3A_68 : memref<10240x128xf32, #tpu.memory_space<hbm>>) dst(%dma_wait3A_63 : memref<64x128xf32, #tpu.memory_space<vmem>>)
      %dma_wait3A_69 = arith.constant 64 : i32
      %dma_wait3A_70 = arith.constant 0 : i32
      %dma_wait3A_71 = tpu.memref_slice %arg10[%dma_wait3A_69, %dma_wait3A_70] : memref<128x128xf32, #tpu.memory_space<vmem>> -> memref<64x128xf32, #tpu.memory_space<vmem>>
      %dma_wait3A_72 = arith.constant 64 : i32
      %dma_wait3A_73 = tpu.memref_slice %arg7[%dma_wait3A_72] : memref<128xi32, #tpu.memory_space<vmem>> -> memref<64xi32, #tpu.memory_space<vmem>>
      %dma_wait3A_74 = arith.constant 0 : i32
      %dma_wait3A_75 = arith.constant 0 : i32
      %dma_wait3A_76 = tpu.memref_slice %arg2[%dma_wait3A_74, %dma_wait3A_75] : memref<10240x128xf32, #tpu.memory_space<hbm>> -> memref<10240x128xf32, #tpu.memory_space<hbm>>
      tpu.wait_indirect_dma semaphore(%arg13 : memref<!tpu.dma_semaphore, #tpu.memory_space<semaphore_mem>>) src(%dma_wait3A_76 : memref<10240x128xf32, #tpu.memory_space<hbm>>) dst(%dma_wait3A_71 : memref<64x128xf32, #tpu.memory_space<vmem>>)
      %add3A_77 = arith.constant 2 : i32
      %add3A_78 = arith.addi %add3A_58, %add3A_77 : i32
      %lt3A = arith.constant 80 : i32
      %lt3A_79 = arith.cmpi slt, %add3A_78, %lt3A : i32
      %convert_element_type3A = arith.extui %lt3A_79 : i1 to i32
      %cond3A = arith.constant 0 : i32
      %cond3A_80 = arith.cmpi ne, %convert_element_type3A, %cond3A : i32
      scf.if %cond3A_80 {
        %add3A_132 = arith.constant 2 : i32
        %add3A_133 = arith.addi %add3A_58, %add3A_132 : i32
        %dma_start3A_134 = arith.constant 0 : i32
        %dma_start3A_135 = tpu.memref_slice %arg3[%add3A, %add3A_133, %dma_start3A_134] : memref<32x80x128xi32, #tpu.memory_space<hbm>> -> memref<1x1x128xi32, #tpu.memory_space<hbm>>
        %dma_start3A_136 = tpu.memref_squeeze %dma_start3A_135 : memref<1x1x128xi32, #tpu.memory_space<hbm>> -> memref<128xi32, #tpu.memory_space<hbm>>
        %dma_start3A_137 = arith.constant 0 : i32
        %dma_start3A_138 = tpu.memref_slice %arg3[%add3A, %add3A_133, %dma_start3A_137] : memref<32x80x128xi32, #tpu.memory_space<hbm>> -> memref<1x1x128xi32, #tpu.memory_space<hbm>>
        %dma_start3A_139 = tpu.memref_squeeze %dma_start3A_138 : memref<1x1x128xi32, #tpu.memory_space<hbm>> -> memref<128xi32, #tpu.memory_space<hbm>>
        tpu.enqueue_dma source(%dma_start3A_139 : memref<128xi32, #tpu.memory_space<hbm>>) target(%arg7 : memref<128xi32, #tpu.memory_space<vmem>>) target_semaphore(%arg17 : memref<!tpu.dma_semaphore, #tpu.memory_space<semaphore_mem>>)
      } else {
      }
      %dma_start3A_81 = arith.constant 0 : i32
      %dma_start3A_82 = tpu.memref_slice %arg9[%add3A_58, %dma_start3A_81] : memref<80x128xi32, #tpu.memory_space<vmem>> -> memref<1x128xi32, #tpu.memory_space<vmem>>
      %dma_start3A_83 = tpu.memref_squeeze %dma_start3A_82 : memref<1x128xi32, #tpu.memory_space<vmem>> -> memref<128xi32, #tpu.memory_space<vmem>>
      %dma_start3A_84 = arith.constant 0 : i32
      %dma_start3A_85 = arith.constant 0 : i32
      %dma_start3A_86 = tpu.memref_slice %arg12[%dma_start3A_84, %dma_start3A_85] : memref<10240x128xf32, #tpu.memory_space<vmem_shared>> -> memref<10240x128xf32, #tpu.memory_space<vmem_shared>>
      tpu.enqueue_indirect_dma source(%arg10 : memref<128x128xf32, #tpu.memory_space<vmem>>) target(%dma_start3A_86 : memref<10240x128xf32, #tpu.memory_space<vmem_shared>>) offsets(%dma_start3A_83 : memref<128xi32, #tpu.memory_space<vmem>>) semaphore(%arg15 : memref<!tpu.dma_semaphore, #tpu.memory_space<semaphore_mem>>) {add = true}
      %lt3A_87 = arith.constant 80 : i32
      %lt3A_88 = arith.cmpi slt, %add3A_60, %lt3A_87 : i32
      %convert_element_type3A_89 = arith.extui %lt3A_88 : i1 to i32
      %cond3A_90 = arith.constant 0 : i32
      %cond3A_91 = arith.cmpi ne, %convert_element_type3A_89, %cond3A_90 : i32
      scf.if %cond3A_91 {
        %ge3A = arith.constant 1 : i32
        %ge3A_132 = arith.cmpi sge, %add3A_58, %ge3A : i32
        %convert_element_type3A_133 = arith.extui %ge3A_132 : i1 to i32
        %cond3A_134 = arith.constant 0 : i32
        %cond3A_135 = arith.cmpi ne, %convert_element_type3A_133, %cond3A_134 : i32
        scf.if %cond3A_135 {
          %sub3A = arith.constant 1 : i32
          %sub3A_158 = arith.subi %add3A_58, %sub3A : i32
          %dma_wait3A_159 = arith.constant 0 : i32
          %dma_wait3A_160 = tpu.memref_slice %arg9[%sub3A_158, %dma_wait3A_159] : memref<80x128xi32, #tpu.memory_space<vmem>> -> memref<1x128xi32, #tpu.memory_space<vmem>>
          %dma_wait3A_161 = tpu.memref_squeeze %dma_wait3A_160 : memref<1x128xi32, #tpu.memory_space<vmem>> -> memref<128xi32, #tpu.memory_space<vmem>>
          %dma_wait3A_162 = arith.constant 0 : i32
          %dma_wait3A_163 = arith.constant 0 : i32
          %dma_wait3A_164 = tpu.memref_slice %arg12[%dma_wait3A_162, %dma_wait3A_163] : memref<10240x128xf32, #tpu.memory_space<vmem_shared>> -> memref<10240x128xf32, #tpu.memory_space<vmem_shared>>
          tpu.wait_indirect_dma semaphore(%arg16 : memref<!tpu.dma_semaphore, #tpu.memory_space<semaphore_mem>>) src(%arg11 : memref<128x128xf32, #tpu.memory_space<vmem>>) dst(%dma_wait3A_164 : memref<10240x128xf32, #tpu.memory_space<vmem_shared>>)
        } else {
        }
        %dma_wait3A_136 = arith.constant 0 : i32
        %dma_wait3A_137 = tpu.memref_slice %arg3[%add3A, %add3A_60, %dma_wait3A_136] : memref<32x80x128xi32, #tpu.memory_space<hbm>> -> memref<1x1x128xi32, #tpu.memory_space<hbm>>
        %dma_wait3A_138 = tpu.memref_squeeze %dma_wait3A_137 : memref<1x1x128xi32, #tpu.memory_space<hbm>> -> memref<128xi32, #tpu.memory_space<hbm>>
        %dma_wait3A_139 = arith.constant 0 : i32
        %dma_wait3A_140 = tpu.memref_slice %arg3[%add3A, %add3A_60, %dma_wait3A_139] : memref<32x80x128xi32, #tpu.memory_space<hbm>> -> memref<1x1x128xi32, #tpu.memory_space<hbm>>
        %dma_wait3A_141 = tpu.memref_squeeze %dma_wait3A_140 : memref<1x1x128xi32, #tpu.memory_space<hbm>> -> memref<128xi32, #tpu.memory_space<hbm>>
        tpu.wait_dma2 semaphore(%arg18 : memref<!tpu.dma_semaphore, #tpu.memory_space<semaphore_mem>>) src(%dma_wait3A_141 : memref<128xi32, #tpu.memory_space<hbm>>) dst(%arg8 : memref<128xi32, #tpu.memory_space<vmem>>)
        %dma_start3A_142 = arith.constant 0 : i32
        %dma_start3A_143 = arith.constant 0 : i32
        %dma_start3A_144 = tpu.memref_slice %arg11[%dma_start3A_142, %dma_start3A_143] : memref<128x128xf32, #tpu.memory_space<vmem>> -> memref<64x128xf32, #tpu.memory_space<vmem>>
        %dma_start3A_145 = arith.constant 0 : i32
        %dma_start3A_146 = tpu.memref_slice %arg8[%dma_start3A_145] : memref<128xi32, #tpu.memory_space<vmem>> -> memref<64xi32, #tpu.memory_space<vmem>>
        %dma_start3A_147 = arith.constant 0 : i32
        %dma_start3A_148 = arith.constant 0 : i32
        %dma_start3A_149 = tpu.memref_slice %arg2[%dma_start3A_147, %dma_start3A_148] : memref<10240x128xf32, #tpu.memory_space<hbm>> -> memref<10240x128xf32, #tpu.memory_space<hbm>>
        tpu.enqueue_indirect_dma source(%dma_start3A_149 : memref<10240x128xf32, #tpu.memory_space<hbm>>) target(%dma_start3A_144 : memref<64x128xf32, #tpu.memory_space<vmem>>) offsets(%dma_start3A_146 : memref<64xi32, #tpu.memory_space<vmem>>) semaphore(%arg14 : memref<!tpu.dma_semaphore, #tpu.memory_space<semaphore_mem>>)
        %dma_start3A_150 = arith.constant 64 : i32
        %dma_start3A_151 = arith.constant 0 : i32
        %dma_start3A_152 = tpu.memref_slice %arg11[%dma_start3A_150, %dma_start3A_151] : memref<128x128xf32, #tpu.memory_space<vmem>> -> memref<64x128xf32, #tpu.memory_space<vmem>>
        %dma_start3A_153 = arith.constant 64 : i32
        %dma_start3A_154 = tpu.memref_slice %arg8[%dma_start3A_153] : memref<128xi32, #tpu.memory_space<vmem>> -> memref<64xi32, #tpu.memory_space<vmem>>
        %dma_start3A_155 = arith.constant 0 : i32
        %dma_start3A_156 = arith.constant 0 : i32
        %dma_start3A_157 = tpu.memref_slice %arg2[%dma_start3A_155, %dma_start3A_156] : memref<10240x128xf32, #tpu.memory_space<hbm>> -> memref<10240x128xf32, #tpu.memory_space<hbm>>
        tpu.enqueue_indirect_dma source(%dma_start3A_157 : memref<10240x128xf32, #tpu.memory_space<hbm>>) target(%dma_start3A_152 : memref<64x128xf32, #tpu.memory_space<vmem>>) offsets(%dma_start3A_154 : memref<64xi32, #tpu.memory_space<vmem>>) semaphore(%arg14 : memref<!tpu.dma_semaphore, #tpu.memory_space<semaphore_mem>>)
      } else {
      }
      %mul3A_92 = arith.constant 2 : i32
      %mul3A_93 = arith.muli %scan3A_54, %mul3A_92 : i32
      %add3A_94 = arith.constant 1 : i32
      %add3A_95 = arith.addi %mul3A_93, %add3A_94 : i32
      %add3A_96 = arith.constant 1 : i32
      %add3A_97 = arith.addi %add3A_95, %add3A_96 : i32
      %dma_wait3A_98 = arith.constant 0 : i32
      %dma_wait3A_99 = arith.constant 0 : i32
      %dma_wait3A_100 = tpu.memref_slice %arg11[%dma_wait3A_98, %dma_wait3A_99] : memref<128x128xf32, #tpu.memory_space<vmem>> -> memref<64x128xf32, #tpu.memory_space<vmem>>
      %dma_wait3A_101 = arith.constant 0 : i32
      %dma_wait3A_102 = tpu.memref_slice %arg8[%dma_wait3A_101] : memref<128xi32, #tpu.memory_space<vmem>> -> memref<64xi32, #tpu.memory_space<vmem>>
      %dma_wait3A_103 = arith.constant 0 : i32
      %dma_wait3A_104 = arith.constant 0 : i32
      %dma_wait3A_105 = tpu.memref_slice %arg2[%dma_wait3A_103, %dma_wait3A_104] : memref<10240x128xf32, #tpu.memory_space<hbm>> -> memref<10240x128xf32, #tpu.memory_space<hbm>>
      tpu.wait_indirect_dma semaphore(%arg14 : memref<!tpu.dma_semaphore, #tpu.memory_space<semaphore_mem>>) src(%dma_wait3A_105 : memref<10240x128xf32, #tpu.memory_space<hbm>>) dst(%dma_wait3A_100 : memref<64x128xf32, #tpu.memory_space<vmem>>)
      %dma_wait3A_106 = arith.constant 64 : i32
      %dma_wait3A_107 = arith.constant 0 : i32
      %dma_wait3A_108 = tpu.memref_slice %arg11[%dma_wait3A_106, %dma_wait3A_107] : memref<128x128xf32, #tpu.memory_space<vmem>> -> memref<64x128xf32, #tpu.memory_space<vmem>>
      %dma_wait3A_109 = arith.constant 64 : i32
      %dma_wait3A_110 = tpu.memref_slice %arg8[%dma_wait3A_109] : memref<128xi32, #tpu.memory_space<vmem>> -> memref<64xi32, #tpu.memory_space<vmem>>
      %dma_wait3A_111 = arith.constant 0 : i32
      %dma_wait3A_112 = arith.constant 0 : i32
      %dma_wait3A_113 = tpu.memref_slice %arg2[%dma_wait3A_111, %dma_wait3A_112] : memref<10240x128xf32, #tpu.memory_space<hbm>> -> memref<10240x128xf32, #tpu.memory_space<hbm>>
      tpu.wait_indirect_dma semaphore(%arg14 : memref<!tpu.dma_semaphore, #tpu.memory_space<semaphore_mem>>) src(%dma_wait3A_113 : memref<10240x128xf32, #tpu.memory_space<hbm>>) dst(%dma_wait3A_108 : memref<64x128xf32, #tpu.memory_space<vmem>>)
      %add3A_114 = arith.constant 2 : i32
      %add3A_115 = arith.addi %add3A_95, %add3A_114 : i32
      %lt3A_116 = arith.constant 80 : i32
      %lt3A_117 = arith.cmpi slt, %add3A_115, %lt3A_116 : i32
      %convert_element_type3A_118 = arith.extui %lt3A_117 : i1 to i32
      %cond3A_119 = arith.constant 0 : i32
      %cond3A_120 = arith.cmpi ne, %convert_element_type3A_118, %cond3A_119 : i32
      scf.if %cond3A_120 {
        %add3A_132 = arith.constant 2 : i32
        %add3A_133 = arith.addi %add3A_95, %add3A_132 : i32
        %dma_start3A_134 = arith.constant 0 : i32
        %dma_start3A_135 = tpu.memref_slice %arg3[%add3A, %add3A_133, %dma_start3A_134] : memref<32x80x128xi32, #tpu.memory_space<hbm>> -> memref<1x1x128xi32, #tpu.memory_space<hbm>>
        %dma_start3A_136 = tpu.memref_squeeze %dma_start3A_135 : memref<1x1x128xi32, #tpu.memory_space<hbm>> -> memref<128xi32, #tpu.memory_space<hbm>>
        %dma_start3A_137 = arith.constant 0 : i32
        %dma_start3A_138 = tpu.memref_slice %arg3[%add3A, %add3A_133, %dma_start3A_137] : memref<32x80x128xi32, #tpu.memory_space<hbm>> -> memref<1x1x128xi32, #tpu.memory_space<hbm>>
        %dma_start3A_139 = tpu.memref_squeeze %dma_start3A_138 : memref<1x1x128xi32, #tpu.memory_space<hbm>> -> memref<128xi32, #tpu.memory_space<hbm>>
        tpu.enqueue_dma source(%dma_start3A_139 : memref<128xi32, #tpu.memory_space<hbm>>) target(%arg8 : memref<128xi32, #tpu.memory_space<vmem>>) target_semaphore(%arg18 : memref<!tpu.dma_semaphore, #tpu.memory_space<semaphore_mem>>)
      } else {
      }
      %dma_start3A_121 = arith.constant 0 : i32
      %dma_start3A_122 = tpu.memref_slice %arg9[%add3A_95, %dma_start3A_121] : memref<80x128xi32, #tpu.memory_space<vmem>> -> memref<1x128xi32, #tpu.memory_space<vmem>>
      %dma_start3A_123 = tpu.memref_squeeze %dma_start3A_122 : memref<1x128xi32, #tpu.memory_space<vmem>> -> memref<128xi32, #tpu.memory_space<vmem>>
      %dma_start3A_124 = arith.constant 0 : i32
      %dma_start3A_125 = arith.constant 0 : i32
      %dma_start3A_126 = tpu.memref_slice %arg12[%dma_start3A_124, %dma_start3A_125] : memref<10240x128xf32, #tpu.memory_space<vmem_shared>> -> memref<10240x128xf32, #tpu.memory_space<vmem_shared>>
      tpu.enqueue_indirect_dma source(%arg11 : memref<128x128xf32, #tpu.memory_space<vmem>>) target(%dma_start3A_126 : memref<10240x128xf32, #tpu.memory_space<vmem_shared>>) offsets(%dma_start3A_123 : memref<128xi32, #tpu.memory_space<vmem>>) semaphore(%arg16 : memref<!tpu.dma_semaphore, #tpu.memory_space<semaphore_mem>>) {add = true}
      %lt3A_127 = arith.constant 80 : i32
      %lt3A_128 = arith.cmpi slt, %add3A_97, %lt3A_127 : i32
      %convert_element_type3A_129 = arith.extui %lt3A_128 : i1 to i32
      %cond3A_130 = arith.constant 0 : i32
      %cond3A_131 = arith.cmpi ne, %convert_element_type3A_129, %cond3A_130 : i32
      scf.if %cond3A_131 {
        %ge3A = arith.constant 1 : i32
        %ge3A_132 = arith.cmpi sge, %add3A_95, %ge3A : i32
        %convert_element_type3A_133 = arith.extui %ge3A_132 : i1 to i32
        %cond3A_134 = arith.constant 0 : i32
        %cond3A_135 = arith.cmpi ne, %convert_element_type3A_133, %cond3A_134 : i32
        scf.if %cond3A_135 {
          %sub3A = arith.constant 1 : i32
          %sub3A_158 = arith.subi %add3A_95, %sub3A : i32
          %dma_wait3A_159 = arith.constant 0 : i32
          %dma_wait3A_160 = tpu.memref_slice %arg9[%sub3A_158, %dma_wait3A_159] : memref<80x128xi32, #tpu.memory_space<vmem>> -> memref<1x128xi32, #tpu.memory_space<vmem>>
          %dma_wait3A_161 = tpu.memref_squeeze %dma_wait3A_160 : memref<1x128xi32, #tpu.memory_space<vmem>> -> memref<128xi32, #tpu.memory_space<vmem>>
          %dma_wait3A_162 = arith.constant 0 : i32
          %dma_wait3A_163 = arith.constant 0 : i32
          %dma_wait3A_164 = tpu.memref_slice %arg12[%dma_wait3A_162, %dma_wait3A_163] : memref<10240x128xf32, #tpu.memory_space<vmem_shared>> -> memref<10240x128xf32, #tpu.memory_space<vmem_shared>>
          tpu.wait_indirect_dma semaphore(%arg15 : memref<!tpu.dma_semaphore, #tpu.memory_space<semaphore_mem>>) src(%arg10 : memref<128x128xf32, #tpu.memory_space<vmem>>) dst(%dma_wait3A_164 : memref<10240x128xf32, #tpu.memory_space<vmem_shared>>)
        } else {
        }
        %dma_wait3A_136 = arith.constant 0 : i32
        %dma_wait3A_137 = tpu.memref_slice %arg3[%add3A, %add3A_97, %dma_wait3A_136] : memref<32x80x128xi32, #tpu.memory_space<hbm>> -> memref<1x1x128xi32, #tpu.memory_space<hbm>>
        %dma_wait3A_138 = tpu.memref_squeeze %dma_wait3A_137 : memref<1x1x128xi32, #tpu.memory_space<hbm>> -> memref<128xi32, #tpu.memory_space<hbm>>
        %dma_wait3A_139 = arith.constant 0 : i32
        %dma_wait3A_140 = tpu.memref_slice %arg3[%add3A, %add3A_97, %dma_wait3A_139] : memref<32x80x128xi32, #tpu.memory_space<hbm>> -> memref<1x1x128xi32, #tpu.memory_space<hbm>>
        %dma_wait3A_141 = tpu.memref_squeeze %dma_wait3A_140 : memref<1x1x128xi32, #tpu.memory_space<hbm>> -> memref<128xi32, #tpu.memory_space<hbm>>
        tpu.wait_dma2 semaphore(%arg17 : memref<!tpu.dma_semaphore, #tpu.memory_space<semaphore_mem>>) src(%dma_wait3A_141 : memref<128xi32, #tpu.memory_space<hbm>>) dst(%arg7 : memref<128xi32, #tpu.memory_space<vmem>>)
        %dma_start3A_142 = arith.constant 0 : i32
        %dma_start3A_143 = arith.constant 0 : i32
        %dma_start3A_144 = tpu.memref_slice %arg10[%dma_start3A_142, %dma_start3A_143] : memref<128x128xf32, #tpu.memory_space<vmem>> -> memref<64x128xf32, #tpu.memory_space<vmem>>
        %dma_start3A_145 = arith.constant 0 : i32
        %dma_start3A_146 = tpu.memref_slice %arg7[%dma_start3A_145] : memref<128xi32, #tpu.memory_space<vmem>> -> memref<64xi32, #tpu.memory_space<vmem>>
        %dma_start3A_147 = arith.constant 0 : i32
        %dma_start3A_148 = arith.constant 0 : i32
        %dma_start3A_149 = tpu.memref_slice %arg2[%dma_start3A_147, %dma_start3A_148] : memref<10240x128xf32, #tpu.memory_space<hbm>> -> memref<10240x128xf32, #tpu.memory_space<hbm>>
        tpu.enqueue_indirect_dma source(%dma_start3A_149 : memref<10240x128xf32, #tpu.memory_space<hbm>>) target(%dma_start3A_144 : memref<64x128xf32, #tpu.memory_space<vmem>>) offsets(%dma_start3A_146 : memref<64xi32, #tpu.memory_space<vmem>>) semaphore(%arg13 : memref<!tpu.dma_semaphore, #tpu.memory_space<semaphore_mem>>)
        %dma_start3A_150 = arith.constant 64 : i32
        %dma_start3A_151 = arith.constant 0 : i32
        %dma_start3A_152 = tpu.memref_slice %arg10[%dma_start3A_150, %dma_start3A_151] : memref<128x128xf32, #tpu.memory_space<vmem>> -> memref<64x128xf32, #tpu.memory_space<vmem>>
        %dma_start3A_153 = arith.constant 64 : i32
        %dma_start3A_154 = tpu.memref_slice %arg7[%dma_start3A_153] : memref<128xi32, #tpu.memory_space<vmem>> -> memref<64xi32, #tpu.memory_space<vmem>>
        %dma_start3A_155 = arith.constant 0 : i32
        %dma_start3A_156 = arith.constant 0 : i32
        %dma_start3A_157 = tpu.memref_slice %arg2[%dma_start3A_155, %dma_start3A_156] : memref<10240x128xf32, #tpu.memory_space<hbm>> -> memref<10240x128xf32, #tpu.memory_space<hbm>>
        tpu.enqueue_indirect_dma source(%dma_start3A_157 : memref<10240x128xf32, #tpu.memory_space<hbm>>) target(%dma_start3A_152 : memref<64x128xf32, #tpu.memory_space<vmem>>) offsets(%dma_start3A_154 : memref<64xi32, #tpu.memory_space<vmem>>) semaphore(%arg13 : memref<!tpu.dma_semaphore, #tpu.memory_space<semaphore_mem>>)
      } else {
      }
    }
    %scan3A_39 = arith.constant 40 : i32
    %dma_wait3A = arith.constant 78 : i32
    %dma_wait3A_40 = arith.constant 0 : i32
    %dma_wait3A_41 = tpu.memref_slice %arg9[%dma_wait3A, %dma_wait3A_40] : memref<80x128xi32, #tpu.memory_space<vmem>> -> memref<1x128xi32, #tpu.memory_space<vmem>>
    %dma_wait3A_42 = tpu.memref_squeeze %dma_wait3A_41 : memref<1x128xi32, #tpu.memory_space<vmem>> -> memref<128xi32, #tpu.memory_space<vmem>>
    %dma_wait3A_43 = arith.constant 0 : i32
    %dma_wait3A_44 = arith.constant 0 : i32
    %dma_wait3A_45 = tpu.memref_slice %arg12[%dma_wait3A_43, %dma_wait3A_44] : memref<10240x128xf32, #tpu.memory_space<vmem_shared>> -> memref<10240x128xf32, #tpu.memory_space<vmem_shared>>
    tpu.wait_indirect_dma semaphore(%arg15 : memref<!tpu.dma_semaphore, #tpu.memory_space<semaphore_mem>>) src(%arg10 : memref<128x128xf32, #tpu.memory_space<vmem>>) dst(%dma_wait3A_45 : memref<10240x128xf32, #tpu.memory_space<vmem_shared>>)
    %dma_wait3A_46 = arith.constant 79 : i32
    %dma_wait3A_47 = arith.constant 0 : i32
    %dma_wait3A_48 = tpu.memref_slice %arg9[%dma_wait3A_46, %dma_wait3A_47] : memref<80x128xi32, #tpu.memory_space<vmem>> -> memref<1x128xi32, #tpu.memory_space<vmem>>
    %dma_wait3A_49 = tpu.memref_squeeze %dma_wait3A_48 : memref<1x128xi32, #tpu.memory_space<vmem>> -> memref<128xi32, #tpu.memory_space<vmem>>
    %dma_wait3A_50 = arith.constant 0 : i32
    %dma_wait3A_51 = arith.constant 0 : i32
    %dma_wait3A_52 = tpu.memref_slice %arg12[%dma_wait3A_50, %dma_wait3A_51] : memref<10240x128xf32, #tpu.memory_space<vmem_shared>> -> memref<10240x128xf32, #tpu.memory_space<vmem_shared>>
    tpu.wait_indirect_dma semaphore(%arg16 : memref<!tpu.dma_semaphore, #tpu.memory_space<semaphore_mem>>) src(%arg11 : memref<128x128xf32, #tpu.memory_space<vmem>>) dst(%dma_wait3A_52 : memref<10240x128xf32, #tpu.memory_space<vmem_shared>>)
    %barrier3A_53 = arith.constant 0 : index
    tpu.barrier barrier_id(%barrier3A_53)
    "tpu.region"() ({
      %run_scoped3A_54 = tpu.sem_alloc : memref<!tpu.dma_semaphore, #tpu.memory_space<semaphore_mem>>
      %dma_start3A_55 = arith.constant 0 : i32
      %dma_start3A_56 = tpu.memref_slice %arg6[%arg0, %mul3A_24, %dma_start3A_55] : memref<2x10240x128xf32, #tpu.memory_space<hbm>> -> memref<1x640x128xf32, #tpu.memory_space<hbm>>
      %dma_start3A_57 = tpu.memref_squeeze %dma_start3A_56 : memref<1x640x128xf32, #tpu.memory_space<hbm>> -> memref<640x128xf32, #tpu.memory_space<hbm>>
      %dma_start3A_58 = arith.constant 0 : i32
      %dma_start3A_59 = tpu.memref_slice %arg12[%mul3A_24, %dma_start3A_58] : memref<10240x128xf32, #tpu.memory_space<vmem_shared>> -> memref<640x128xf32, #tpu.memory_space<vmem_shared>>
      tpu.enqueue_dma source(%dma_start3A_59 : memref<640x128xf32, #tpu.memory_space<vmem_shared>>) target(%dma_start3A_57 : memref<640x128xf32, #tpu.memory_space<hbm>>) target_semaphore(%run_scoped3A_54 : memref<!tpu.dma_semaphore, #tpu.memory_space<semaphore_mem>>)
      %dma_wait3A_60 = arith.constant 0 : i32
      %dma_wait3A_61 = tpu.memref_slice %arg6[%arg0, %mul3A_24, %dma_wait3A_60] : memref<2x10240x128xf32, #tpu.memory_space<hbm>> -> memref<1x640x128xf32, #tpu.memory_space<hbm>>
      %dma_wait3A_62 = tpu.memref_squeeze %dma_wait3A_61 : memref<1x640x128xf32, #tpu.memory_space<hbm>> -> memref<640x128xf32, #tpu.memory_space<hbm>>
      %dma_wait3A_63 = arith.constant 0 : i32
      %dma_wait3A_64 = tpu.memref_slice %arg12[%mul3A_24, %dma_wait3A_63] : memref<10240x128xf32, #tpu.memory_space<vmem_shared>> -> memref<640x128xf32, #tpu.memory_space<vmem_shared>>
      tpu.wait_dma2 semaphore(%run_scoped3A_54 : memref<!tpu.dma_semaphore, #tpu.memory_space<semaphore_mem>>) src(%dma_wait3A_64 : memref<640x128xf32, #tpu.memory_space<vmem_shared>>) dst(%dma_wait3A_62 : memref<640x128xf32, #tpu.memory_space<hbm>>)
      tpu.yield
    }) : () -> ()
    return
  }
}

#map = affine_map<(d0, d1) -> (0, 0)>
#map1 = affine_map<(d0, d1) -> (0, 0, 0)>
module attributes {stable_mosaic.version = 14 : i64} {
  func.func @kfn(%arg0: i32, %arg1: i32, %arg2: memref<10240x128xf32, #tpu.memory_space<hbm>>, %arg3: memref<32x80x128xi32, #tpu.memory_space<hbm>>, %arg4: memref<32x80x128xi32, #tpu.memory_space<hbm>>, %arg5: memref<128x128xf32, #tpu.memory_space<hbm>>, %arg6: memref<2x10240x128xf32, #tpu.memory_space<hbm>>, %arg7: memref<128xi32, #tpu.memory_space<vmem>>, %arg8: memref<128xi32, #tpu.memory_space<vmem>>, %arg9: memref<80x128xi32, #tpu.memory_space<vmem>>, %arg10: memref<128x128xf32, #tpu.memory_space<vmem>>, %arg11: memref<128x128xf32, #tpu.memory_space<vmem>>, %arg12: memref<10240x128xf32, #tpu.memory_space<vmem_shared>>, %arg13: memref<!tpu.dma_semaphore, #tpu.memory_space<semaphore_mem>>, %arg14: memref<!tpu.dma_semaphore, #tpu.memory_space<semaphore_mem>>, %arg15: memref<!tpu.dma_semaphore, #tpu.memory_space<semaphore_mem>>, %arg16: memref<!tpu.dma_semaphore, #tpu.memory_space<semaphore_mem>>, %arg17: memref<!tpu.dma_semaphore, #tpu.memory_space<semaphore_mem>>, %arg18: memref<!tpu.dma_semaphore, #tpu.memory_space<semaphore_mem>>) attributes {dimension_semantics = [#tpu.dimension_semantics<core_parallel>, #tpu.dimension_semantics<subcore_parallel>], iteration_bounds = array<i64: 2, 16>, scalar_prefetch = 0 : i64, scratch_operands = 12 : i64, tpu.core_type = #tpu.core_type<sc_vector_subcore>, window_params = [{transform_indices = #map}, {transform_indices = #map1}, {transform_indices = #map1}, {transform_indices = #map}, {transform_indices = #map1}]} {
    %mul3A = arith.constant 2 : i32
    %mul3A_0 = arith.muli %arg1, %mul3A : i32
    %add3A = arith.addi %mul3A_0, %arg0 : i32
    %run_scoped3A = arith.constant 0 : i32
    "tpu.region"() ({
      %run_scoped3A_54 = tpu.sem_alloc : memref<!tpu.dma_semaphore, #tpu.memory_space<semaphore_mem>>
      %dma_start3A_55 = arith.constant 0 : i32
      %dma_start3A_56 = tpu.memref_slice %arg3[%add3A, %run_scoped3A, %dma_start3A_55] : memref<32x80x128xi32, #tpu.memory_space<hbm>> -> memref<1x1x128xi32, #tpu.memory_space<hbm>>
      %dma_start3A_57 = tpu.memref_squeeze %dma_start3A_56 : memref<1x1x128xi32, #tpu.memory_space<hbm>> -> memref<128xi32, #tpu.memory_space<hbm>>
      %dma_start3A_58 = arith.constant 0 : i32
      %dma_start3A_59 = tpu.memref_slice %arg3[%add3A, %run_scoped3A, %dma_start3A_58] : memref<32x80x128xi32, #tpu.memory_space<hbm>> -> memref<1x1x128xi32, #tpu.memory_space<hbm>>
      %dma_start3A_60 = tpu.memref_squeeze %dma_start3A_59 : memref<1x1x128xi32, #tpu.memory_space<hbm>> -> memref<128xi32, #tpu.memory_space<hbm>>
      tpu.enqueue_dma source(%dma_start3A_60 : memref<128xi32, #tpu.memory_space<hbm>>) target(%arg7 : memref<128xi32, #tpu.memory_space<vmem>>) target_semaphore(%run_scoped3A_54 : memref<!tpu.dma_semaphore, #tpu.memory_space<semaphore_mem>>)
      %dma_wait3A_61 = arith.constant 0 : i32
      %dma_wait3A_62 = tpu.memref_slice %arg3[%add3A, %run_scoped3A, %dma_wait3A_61] : memref<32x80x128xi32, #tpu.memory_space<hbm>> -> memref<1x1x128xi32, #tpu.memory_space<hbm>>
      %dma_wait3A_63 = tpu.memref_squeeze %dma_wait3A_62 : memref<1x1x128xi32, #tpu.memory_space<hbm>> -> memref<128xi32, #tpu.memory_space<hbm>>
      %dma_wait3A_64 = arith.constant 0 : i32
      %dma_wait3A_65 = tpu.memref_slice %arg3[%add3A, %run_scoped3A, %dma_wait3A_64] : memref<32x80x128xi32, #tpu.memory_space<hbm>> -> memref<1x1x128xi32, #tpu.memory_space<hbm>>
      %dma_wait3A_66 = tpu.memref_squeeze %dma_wait3A_65 : memref<1x1x128xi32, #tpu.memory_space<hbm>> -> memref<128xi32, #tpu.memory_space<hbm>>
      tpu.wait_dma2 semaphore(%run_scoped3A_54 : memref<!tpu.dma_semaphore, #tpu.memory_space<semaphore_mem>>) src(%dma_wait3A_66 : memref<128xi32, #tpu.memory_space<hbm>>) dst(%arg7 : memref<128xi32, #tpu.memory_space<vmem>>)
      tpu.yield
    }) : () -> ()
    %dma_start3A = arith.constant 0 : i32
    %dma_start3A_1 = arith.constant 0 : i32
    %dma_start3A_2 = tpu.memref_slice %arg10[%dma_start3A, %dma_start3A_1] : memref<128x128xf32, #tpu.memory_space<vmem>> -> memref<64x128xf32, #tpu.memory_space<vmem>>
    %dma_start3A_3 = arith.constant 0 : i32
    %dma_start3A_4 = tpu.memref_slice %arg7[%dma_start3A_3] : memref<128xi32, #tpu.memory_space<vmem>> -> memref<64xi32, #tpu.memory_space<vmem>>
    %dma_start3A_5 = arith.constant 0 : i32
    %dma_start3A_6 = arith.constant 0 : i32
    %dma_start3A_7 = tpu.memref_slice %arg2[%dma_start3A_5, %dma_start3A_6] : memref<10240x128xf32, #tpu.memory_space<hbm>> -> memref<10240x128xf32, #tpu.memory_space<hbm>>
    tpu.enqueue_indirect_dma source(%dma_start3A_7 : memref<10240x128xf32, #tpu.memory_space<hbm>>) target(%dma_start3A_2 : memref<64x128xf32, #tpu.memory_space<vmem>>) offsets(%dma_start3A_4 : memref<64xi32, #tpu.memory_space<vmem>>) semaphore(%arg13 : memref<!tpu.dma_semaphore, #tpu.memory_space<semaphore_mem>>)
    %dma_start3A_8 = arith.constant 64 : i32
    %dma_start3A_9 = arith.constant 0 : i32
    %dma_start3A_10 = tpu.memref_slice %arg10[%dma_start3A_8, %dma_start3A_9] : memref<128x128xf32, #tpu.memory_space<vmem>> -> memref<64x128xf32, #tpu.memory_space<vmem>>
    %dma_start3A_11 = arith.constant 64 : i32
    %dma_start3A_12 = tpu.memref_slice %arg7[%dma_start3A_11] : memref<128xi32, #tpu.memory_space<vmem>> -> memref<64xi32, #tpu.memory_space<vmem>>
    %dma_start3A_13 = arith.constant 0 : i32
    %dma_start3A_14 = arith.constant 0 : i32
    %dma_start3A_15 = tpu.memref_slice %arg2[%dma_start3A_13, %dma_start3A_14] : memref<10240x128xf32, #tpu.memory_space<hbm>> -> memref<10240x128xf32, #tpu.memory_space<hbm>>
    tpu.enqueue_indirect_dma source(%dma_start3A_15 : memref<10240x128xf32, #tpu.memory_space<hbm>>) target(%dma_start3A_10 : memref<64x128xf32, #tpu.memory_space<vmem>>) offsets(%dma_start3A_12 : memref<64xi32, #tpu.memory_space<vmem>>) semaphore(%arg13 : memref<!tpu.dma_semaphore, #tpu.memory_space<semaphore_mem>>)
    %dma_start3A_16 = arith.constant 1 : i32
    %dma_start3A_17 = arith.constant 0 : i32
    %dma_start3A_18 = tpu.memref_slice %arg3[%add3A, %dma_start3A_16, %dma_start3A_17] : memref<32x80x128xi32, #tpu.memory_space<hbm>> -> memref<1x1x128xi32, #tpu.memory_space<hbm>>
    %dma_start3A_19 = tpu.memref_squeeze %dma_start3A_18 : memref<1x1x128xi32, #tpu.memory_space<hbm>> -> memref<128xi32, #tpu.memory_space<hbm>>
    %dma_start3A_20 = arith.constant 0 : i32
    %dma_start3A_21 = tpu.memref_slice %arg3[%add3A, %dma_start3A_16, %dma_start3A_20] : memref<32x80x128xi32, #tpu.memory_space<hbm>> -> memref<1x1x128xi32, #tpu.memory_space<hbm>>
    %dma_start3A_22 = tpu.memref_squeeze %dma_start3A_21 : memref<1x1x128xi32, #tpu.memory_space<hbm>> -> memref<128xi32, #tpu.memory_space<hbm>>
    tpu.enqueue_dma source(%dma_start3A_22 : memref<128xi32, #tpu.memory_space<hbm>>) target(%arg8 : memref<128xi32, #tpu.memory_space<vmem>>) target_semaphore(%arg18 : memref<!tpu.dma_semaphore, #tpu.memory_space<semaphore_mem>>)
    "tpu.region"() ({
      %run_scoped3A_54 = tpu.sem_alloc : memref<!tpu.dma_semaphore, #tpu.memory_space<semaphore_mem>>
      %dma_start3A_55 = arith.constant 0 : i32
      %dma_start3A_56 = arith.constant 0 : i32
      %dma_start3A_57 = tpu.memref_slice %arg4[%add3A, %dma_start3A_55, %dma_start3A_56] : memref<32x80x128xi32, #tpu.memory_space<hbm>> -> memref<1x80x128xi32, #tpu.memory_space<hbm>>
      %dma_start3A_58 = tpu.memref_squeeze %dma_start3A_57 : memref<1x80x128xi32, #tpu.memory_space<hbm>> -> memref<80x128xi32, #tpu.memory_space<hbm>>
      %dma_start3A_59 = arith.constant 0 : i32
      %dma_start3A_60 = arith.constant 0 : i32
      %dma_start3A_61 = tpu.memref_slice %arg4[%add3A, %dma_start3A_59, %dma_start3A_60] : memref<32x80x128xi32, #tpu.memory_space<hbm>> -> memref<1x80x128xi32, #tpu.memory_space<hbm>>
      %dma_start3A_62 = tpu.memref_squeeze %dma_start3A_61 : memref<1x80x128xi32, #tpu.memory_space<hbm>> -> memref<80x128xi32, #tpu.memory_space<hbm>>
      tpu.enqueue_dma source(%dma_start3A_62 : memref<80x128xi32, #tpu.memory_space<hbm>>) target(%arg9 : memref<80x128xi32, #tpu.memory_space<vmem>>) target_semaphore(%run_scoped3A_54 : memref<!tpu.dma_semaphore, #tpu.memory_space<semaphore_mem>>)
      %dma_wait3A_63 = arith.constant 0 : i32
      %dma_wait3A_64 = arith.constant 0 : i32
      %dma_wait3A_65 = tpu.memref_slice %arg4[%add3A, %dma_wait3A_63, %dma_wait3A_64] : memref<32x80x128xi32, #tpu.memory_space<hbm>> -> memref<1x80x128xi32, #tpu.memory_space<hbm>>
      %dma_wait3A_66 = tpu.memref_squeeze %dma_wait3A_65 : memref<1x80x128xi32, #tpu.memory_space<hbm>> -> memref<80x128xi32, #tpu.memory_space<hbm>>
      %dma_wait3A_67 = arith.constant 0 : i32
      %dma_wait3A_68 = arith.constant 0 : i32
      %dma_wait3A_69 = tpu.memref_slice %arg4[%add3A, %dma_wait3A_67, %dma_wait3A_68] : memref<32x80x128xi32, #tpu.memory_space<hbm>> -> memref<1x80x128xi32, #tpu.memory_space<hbm>>
      %dma_wait3A_70 = tpu.memref_squeeze %dma_wait3A_69 : memref<1x80x128xi32, #tpu.memory_space<hbm>> -> memref<80x128xi32, #tpu.memory_space<hbm>>
      tpu.wait_dma2 semaphore(%run_scoped3A_54 : memref<!tpu.dma_semaphore, #tpu.memory_space<semaphore_mem>>) src(%dma_wait3A_70 : memref<80x128xi32, #tpu.memory_space<hbm>>) dst(%arg9 : memref<80x128xi32, #tpu.memory_space<vmem>>)
      tpu.yield
    }) : () -> ()
    "tpu.region"() ({
      %run_scoped3A_54 = tpu.sem_alloc : memref<!tpu.dma_semaphore, #tpu.memory_space<semaphore_mem>>
      tpu.enqueue_dma source(%arg5 : memref<128x128xf32, #tpu.memory_space<hbm>>) target(%arg11 : memref<128x128xf32, #tpu.memory_space<vmem>>) target_semaphore(%run_scoped3A_54 : memref<!tpu.dma_semaphore, #tpu.memory_space<semaphore_mem>>)
      tpu.wait_dma2 semaphore(%run_scoped3A_54 : memref<!tpu.dma_semaphore, #tpu.memory_space<semaphore_mem>>) src(%arg5 : memref<128x128xf32, #tpu.memory_space<hbm>>) dst(%arg11 : memref<128x128xf32, #tpu.memory_space<vmem>>)
      tpu.yield
    }) : () -> ()
    %mul3A_23 = arith.constant 640 : i32
    %mul3A_24 = arith.muli %arg1, %mul3A_23 : i32
    %add3A_25 = arith.constant 0 : i32
    %add3A_26 = arith.addi %mul3A_24, %add3A_25 : i32
    "tpu.region"() ({
      %run_scoped3A_54 = tpu.sem_alloc : memref<!tpu.dma_semaphore, #tpu.memory_space<semaphore_mem>>
      %dma_start3A_55 = arith.constant 0 : i32
      %dma_start3A_56 = tpu.memref_slice %arg12[%add3A_26, %dma_start3A_55] : memref<10240x128xf32, #tpu.memory_space<vmem_shared>> -> memref<128x128xf32, #tpu.memory_space<vmem_shared>>
      %dma_start3A_57 = arith.constant 0 : i32
      %dma_start3A_58 = tpu.memref_slice %arg12[%add3A_26, %dma_start3A_57] : memref<10240x128xf32, #tpu.memory_space<vmem_shared>> -> memref<128x128xf32, #tpu.memory_space<vmem_shared>>
      tpu.enqueue_dma source(%arg11 : memref<128x128xf32, #tpu.memory_space<vmem>>) target(%dma_start3A_58 : memref<128x128xf32, #tpu.memory_space<vmem_shared>>) target_semaphore(%run_scoped3A_54 : memref<!tpu.dma_semaphore, #tpu.memory_space<semaphore_mem>>)
      %dma_wait3A_59 = arith.constant 0 : i32
      %dma_wait3A_60 = tpu.memref_slice %arg12[%add3A_26, %dma_wait3A_59] : memref<10240x128xf32, #tpu.memory_space<vmem_shared>> -> memref<128x128xf32, #tpu.memory_space<vmem_shared>>
      %dma_wait3A_61 = arith.constant 0 : i32
      %dma_wait3A_62 = tpu.memref_slice %arg12[%add3A_26, %dma_wait3A_61] : memref<10240x128xf32, #tpu.memory_space<vmem_shared>> -> memref<128x128xf32, #tpu.memory_space<vmem_shared>>
      tpu.wait_dma2 semaphore(%run_scoped3A_54 : memref<!tpu.dma_semaphore, #tpu.memory_space<semaphore_mem>>) src(%arg11 : memref<128x128xf32, #tpu.memory_space<vmem>>) dst(%dma_wait3A_62 : memref<128x128xf32, #tpu.memory_space<vmem_shared>>)
      tpu.yield
    }) : () -> ()
    %add3A_27 = arith.constant 128 : i32
    %add3A_28 = arith.addi %mul3A_24, %add3A_27 : i32
    "tpu.region"() ({
      %run_scoped3A_54 = tpu.sem_alloc : memref<!tpu.dma_semaphore, #tpu.memory_space<semaphore_mem>>
      %dma_start3A_55 = arith.constant 0 : i32
      %dma_start3A_56 = tpu.memref_slice %arg12[%add3A_28, %dma_start3A_55] : memref<10240x128xf32, #tpu.memory_space<vmem_shared>> -> memref<128x128xf32, #tpu.memory_space<vmem_shared>>
      %dma_start3A_57 = arith.constant 0 : i32
      %dma_start3A_58 = tpu.memref_slice %arg12[%add3A_28, %dma_start3A_57] : memref<10240x128xf32, #tpu.memory_space<vmem_shared>> -> memref<128x128xf32, #tpu.memory_space<vmem_shared>>
      tpu.enqueue_dma source(%arg11 : memref<128x128xf32, #tpu.memory_space<vmem>>) target(%dma_start3A_58 : memref<128x128xf32, #tpu.memory_space<vmem_shared>>) target_semaphore(%run_scoped3A_54 : memref<!tpu.dma_semaphore, #tpu.memory_space<semaphore_mem>>)
      %dma_wait3A_59 = arith.constant 0 : i32
      %dma_wait3A_60 = tpu.memref_slice %arg12[%add3A_28, %dma_wait3A_59] : memref<10240x128xf32, #tpu.memory_space<vmem_shared>> -> memref<128x128xf32, #tpu.memory_space<vmem_shared>>
      %dma_wait3A_61 = arith.constant 0 : i32
      %dma_wait3A_62 = tpu.memref_slice %arg12[%add3A_28, %dma_wait3A_61] : memref<10240x128xf32, #tpu.memory_space<vmem_shared>> -> memref<128x128xf32, #tpu.memory_space<vmem_shared>>
      tpu.wait_dma2 semaphore(%run_scoped3A_54 : memref<!tpu.dma_semaphore, #tpu.memory_space<semaphore_mem>>) src(%arg11 : memref<128x128xf32, #tpu.memory_space<vmem>>) dst(%dma_wait3A_62 : memref<128x128xf32, #tpu.memory_space<vmem_shared>>)
      tpu.yield
    }) : () -> ()
    %add3A_29 = arith.constant 256 : i32
    %add3A_30 = arith.addi %mul3A_24, %add3A_29 : i32
    "tpu.region"() ({
      %run_scoped3A_54 = tpu.sem_alloc : memref<!tpu.dma_semaphore, #tpu.memory_space<semaphore_mem>>
      %dma_start3A_55 = arith.constant 0 : i32
      %dma_start3A_56 = tpu.memref_slice %arg12[%add3A_30, %dma_start3A_55] : memref<10240x128xf32, #tpu.memory_space<vmem_shared>> -> memref<128x128xf32, #tpu.memory_space<vmem_shared>>
      %dma_start3A_57 = arith.constant 0 : i32
      %dma_start3A_58 = tpu.memref_slice %arg12[%add3A_30, %dma_start3A_57] : memref<10240x128xf32, #tpu.memory_space<vmem_shared>> -> memref<128x128xf32, #tpu.memory_space<vmem_shared>>
      tpu.enqueue_dma source(%arg11 : memref<128x128xf32, #tpu.memory_space<vmem>>) target(%dma_start3A_58 : memref<128x128xf32, #tpu.memory_space<vmem_shared>>) target_semaphore(%run_scoped3A_54 : memref<!tpu.dma_semaphore, #tpu.memory_space<semaphore_mem>>)
      %dma_wait3A_59 = arith.constant 0 : i32
      %dma_wait3A_60 = tpu.memref_slice %arg12[%add3A_30, %dma_wait3A_59] : memref<10240x128xf32, #tpu.memory_space<vmem_shared>> -> memref<128x128xf32, #tpu.memory_space<vmem_shared>>
      %dma_wait3A_61 = arith.constant 0 : i32
      %dma_wait3A_62 = tpu.memref_slice %arg12[%add3A_30, %dma_wait3A_61] : memref<10240x128xf32, #tpu.memory_space<vmem_shared>> -> memref<128x128xf32, #tpu.memory_space<vmem_shared>>
      tpu.wait_dma2 semaphore(%run_scoped3A_54 : memref<!tpu.dma_semaphore, #tpu.memory_space<semaphore_mem>>) src(%arg11 : memref<128x128xf32, #tpu.memory_space<vmem>>) dst(%dma_wait3A_62 : memref<128x128xf32, #tpu.memory_space<vmem_shared>>)
      tpu.yield
    }) : () -> ()
    %add3A_31 = arith.constant 384 : i32
    %add3A_32 = arith.addi %mul3A_24, %add3A_31 : i32
    "tpu.region"() ({
      %run_scoped3A_54 = tpu.sem_alloc : memref<!tpu.dma_semaphore, #tpu.memory_space<semaphore_mem>>
      %dma_start3A_55 = arith.constant 0 : i32
      %dma_start3A_56 = tpu.memref_slice %arg12[%add3A_32, %dma_start3A_55] : memref<10240x128xf32, #tpu.memory_space<vmem_shared>> -> memref<128x128xf32, #tpu.memory_space<vmem_shared>>
      %dma_start3A_57 = arith.constant 0 : i32
      %dma_start3A_58 = tpu.memref_slice %arg12[%add3A_32, %dma_start3A_57] : memref<10240x128xf32, #tpu.memory_space<vmem_shared>> -> memref<128x128xf32, #tpu.memory_space<vmem_shared>>
      tpu.enqueue_dma source(%arg11 : memref<128x128xf32, #tpu.memory_space<vmem>>) target(%dma_start3A_58 : memref<128x128xf32, #tpu.memory_space<vmem_shared>>) target_semaphore(%run_scoped3A_54 : memref<!tpu.dma_semaphore, #tpu.memory_space<semaphore_mem>>)
      %dma_wait3A_59 = arith.constant 0 : i32
      %dma_wait3A_60 = tpu.memref_slice %arg12[%add3A_32, %dma_wait3A_59] : memref<10240x128xf32, #tpu.memory_space<vmem_shared>> -> memref<128x128xf32, #tpu.memory_space<vmem_shared>>
      %dma_wait3A_61 = arith.constant 0 : i32
      %dma_wait3A_62 = tpu.memref_slice %arg12[%add3A_32, %dma_wait3A_61] : memref<10240x128xf32, #tpu.memory_space<vmem_shared>> -> memref<128x128xf32, #tpu.memory_space<vmem_shared>>
      tpu.wait_dma2 semaphore(%run_scoped3A_54 : memref<!tpu.dma_semaphore, #tpu.memory_space<semaphore_mem>>) src(%arg11 : memref<128x128xf32, #tpu.memory_space<vmem>>) dst(%dma_wait3A_62 : memref<128x128xf32, #tpu.memory_space<vmem_shared>>)
      tpu.yield
    }) : () -> ()
    %add3A_33 = arith.constant 512 : i32
    %add3A_34 = arith.addi %mul3A_24, %add3A_33 : i32
    "tpu.region"() ({
      %run_scoped3A_54 = tpu.sem_alloc : memref<!tpu.dma_semaphore, #tpu.memory_space<semaphore_mem>>
      %dma_start3A_55 = arith.constant 0 : i32
      %dma_start3A_56 = tpu.memref_slice %arg12[%add3A_34, %dma_start3A_55] : memref<10240x128xf32, #tpu.memory_space<vmem_shared>> -> memref<128x128xf32, #tpu.memory_space<vmem_shared>>
      %dma_start3A_57 = arith.constant 0 : i32
      %dma_start3A_58 = tpu.memref_slice %arg12[%add3A_34, %dma_start3A_57] : memref<10240x128xf32, #tpu.memory_space<vmem_shared>> -> memref<128x128xf32, #tpu.memory_space<vmem_shared>>
      tpu.enqueue_dma source(%arg11 : memref<128x128xf32, #tpu.memory_space<vmem>>) target(%dma_start3A_58 : memref<128x128xf32, #tpu.memory_space<vmem_shared>>) target_semaphore(%run_scoped3A_54 : memref<!tpu.dma_semaphore, #tpu.memory_space<semaphore_mem>>)
      %dma_wait3A_59 = arith.constant 0 : i32
      %dma_wait3A_60 = tpu.memref_slice %arg12[%add3A_34, %dma_wait3A_59] : memref<10240x128xf32, #tpu.memory_space<vmem_shared>> -> memref<128x128xf32, #tpu.memory_space<vmem_shared>>
      %dma_wait3A_61 = arith.constant 0 : i32
      %dma_wait3A_62 = tpu.memref_slice %arg12[%add3A_34, %dma_wait3A_61] : memref<10240x128xf32, #tpu.memory_space<vmem_shared>> -> memref<128x128xf32, #tpu.memory_space<vmem_shared>>
      tpu.wait_dma2 semaphore(%run_scoped3A_54 : memref<!tpu.dma_semaphore, #tpu.memory_space<semaphore_mem>>) src(%arg11 : memref<128x128xf32, #tpu.memory_space<vmem>>) dst(%dma_wait3A_62 : memref<128x128xf32, #tpu.memory_space<vmem_shared>>)
      tpu.yield
    }) : () -> ()
    %barrier3A = arith.constant 0 : index
    tpu.barrier barrier_id(%barrier3A)
    %scan3A = arith.constant 0 : i32
    %scan3A_35 = arith.constant 0 : i32
    %scan3A_36 = arith.constant 40 : i32
    %scan3A_37 = arith.addi %scan3A_35, %scan3A_36 : i32
    %scan3A_38 = arith.constant 1 : i32
    scf.for %scan3A_54 = %scan3A_35 to %scan3A_37 step %scan3A_38  : i32 {
      %mul3A_55 = arith.constant 2 : i32
      %mul3A_56 = arith.muli %scan3A_54, %mul3A_55 : i32
      %add3A_57 = arith.constant 0 : i32
      %add3A_58 = arith.addi %mul3A_56, %add3A_57 : i32
      %add3A_59 = arith.constant 1 : i32
      %add3A_60 = arith.addi %add3A_58, %add3A_59 : i32
      %dma_wait3A_61 = arith.constant 0 : i32
      %dma_wait3A_62 = arith.constant 0 : i32
      %dma_wait3A_63 = tpu.memref_slice %arg10[%dma_wait3A_61, %dma_wait3A_62] : memref<128x128xf32, #tpu.memory_space<vmem>> -> memref<64x128xf32, #tpu.memory_space<vmem>>
      %dma_wait3A_64 = arith.constant 0 : i32
      %dma_wait3A_65 = tpu.memref_slice %arg7[%dma_wait3A_64] : memref<128xi32, #tpu.memory_space<vmem>> -> memref<64xi32, #tpu.memory_space<vmem>>
      %dma_wait3A_66 = arith.constant 0 : i32
      %dma_wait3A_67 = arith.constant 0 : i32
      %dma_wait3A_68 = tpu.memref_slice %arg2[%dma_wait3A_66, %dma_wait3A_67] : memref<10240x128xf32, #tpu.memory_space<hbm>> -> memref<10240x128xf32, #tpu.memory_space<hbm>>
      tpu.wait_indirect_dma semaphore(%arg13 : memref<!tpu.dma_semaphore, #tpu.memory_space<semaphore_mem>>) src(%dma_wait3A_68 : memref<10240x128xf32, #tpu.memory_space<hbm>>) dst(%dma_wait3A_63 : memref<64x128xf32, #tpu.memory_space<vmem>>)
      %dma_wait3A_69 = arith.constant 64 : i32
      %dma_wait3A_70 = arith.constant 0 : i32
      %dma_wait3A_71 = tpu.memref_slice %arg10[%dma_wait3A_69, %dma_wait3A_70] : memref<128x128xf32, #tpu.memory_space<vmem>> -> memref<64x128xf32, #tpu.memory_space<vmem>>
      %dma_wait3A_72 = arith.constant 64 : i32
      %dma_wait3A_73 = tpu.memref_slice %arg7[%dma_wait3A_72] : memref<128xi32, #tpu.memory_space<vmem>> -> memref<64xi32, #tpu.memory_space<vmem>>
      %dma_wait3A_74 = arith.constant 0 : i32
      %dma_wait3A_75 = arith.constant 0 : i32
      %dma_wait3A_76 = tpu.memref_slice %arg2[%dma_wait3A_74, %dma_wait3A_75] : memref<10240x128xf32, #tpu.memory_space<hbm>> -> memref<10240x128xf32, #tpu.memory_space<hbm>>
      tpu.wait_indirect_dma semaphore(%arg13 : memref<!tpu.dma_semaphore, #tpu.memory_space<semaphore_mem>>) src(%dma_wait3A_76 : memref<10240x128xf32, #tpu.memory_space<hbm>>) dst(%dma_wait3A_71 : memref<64x128xf32, #tpu.memory_space<vmem>>)
      %add3A_77 = arith.constant 2 : i32
      %add3A_78 = arith.addi %add3A_58, %add3A_77 : i32
      %lt3A = arith.constant 80 : i32
      %lt3A_79 = arith.cmpi slt, %add3A_78, %lt3A : i32
      %convert_element_type3A = arith.extui %lt3A_79 : i1 to i32
      %cond3A = arith.constant 0 : i32
      %cond3A_80 = arith.cmpi ne, %convert_element_type3A, %cond3A : i32
      scf.if %cond3A_80 {
        %add3A_132 = arith.constant 2 : i32
        %add3A_133 = arith.addi %add3A_58, %add3A_132 : i32
        %dma_start3A_134 = arith.constant 0 : i32
        %dma_start3A_135 = tpu.memref_slice %arg3[%add3A, %add3A_133, %dma_start3A_134] : memref<32x80x128xi32, #tpu.memory_space<hbm>> -> memref<1x1x128xi32, #tpu.memory_space<hbm>>
        %dma_start3A_136 = tpu.memref_squeeze %dma_start3A_135 : memref<1x1x128xi32, #tpu.memory_space<hbm>> -> memref<128xi32, #tpu.memory_space<hbm>>
        %dma_start3A_137 = arith.constant 0 : i32
        %dma_start3A_138 = tpu.memref_slice %arg3[%add3A, %add3A_133, %dma_start3A_137] : memref<32x80x128xi32, #tpu.memory_space<hbm>> -> memref<1x1x128xi32, #tpu.memory_space<hbm>>
        %dma_start3A_139 = tpu.memref_squeeze %dma_start3A_138 : memref<1x1x128xi32, #tpu.memory_space<hbm>> -> memref<128xi32, #tpu.memory_space<hbm>>
        tpu.enqueue_dma source(%dma_start3A_139 : memref<128xi32, #tpu.memory_space<hbm>>) target(%arg7 : memref<128xi32, #tpu.memory_space<vmem>>) target_semaphore(%arg17 : memref<!tpu.dma_semaphore, #tpu.memory_space<semaphore_mem>>)
      } else {
      }
      %dma_start3A_81 = arith.constant 0 : i32
      %dma_start3A_82 = tpu.memref_slice %arg9[%add3A_58, %dma_start3A_81] : memref<80x128xi32, #tpu.memory_space<vmem>> -> memref<1x128xi32, #tpu.memory_space<vmem>>
      %dma_start3A_83 = tpu.memref_squeeze %dma_start3A_82 : memref<1x128xi32, #tpu.memory_space<vmem>> -> memref<128xi32, #tpu.memory_space<vmem>>
      %dma_start3A_84 = arith.constant 0 : i32
      %dma_start3A_85 = arith.constant 0 : i32
      %dma_start3A_86 = tpu.memref_slice %arg12[%dma_start3A_84, %dma_start3A_85] : memref<10240x128xf32, #tpu.memory_space<vmem_shared>> -> memref<10240x128xf32, #tpu.memory_space<vmem_shared>>
      tpu.enqueue_indirect_dma source(%arg10 : memref<128x128xf32, #tpu.memory_space<vmem>>) target(%dma_start3A_86 : memref<10240x128xf32, #tpu.memory_space<vmem_shared>>) offsets(%dma_start3A_83 : memref<128xi32, #tpu.memory_space<vmem>>) semaphore(%arg15 : memref<!tpu.dma_semaphore, #tpu.memory_space<semaphore_mem>>) {add = true}
      %lt3A_87 = arith.constant 80 : i32
      %lt3A_88 = arith.cmpi slt, %add3A_60, %lt3A_87 : i32
      %convert_element_type3A_89 = arith.extui %lt3A_88 : i1 to i32
      %cond3A_90 = arith.constant 0 : i32
      %cond3A_91 = arith.cmpi ne, %convert_element_type3A_89, %cond3A_90 : i32
      scf.if %cond3A_91 {
        %ge3A = arith.constant 1 : i32
        %ge3A_132 = arith.cmpi sge, %add3A_58, %ge3A : i32
        %convert_element_type3A_133 = arith.extui %ge3A_132 : i1 to i32
        %cond3A_134 = arith.constant 0 : i32
        %cond3A_135 = arith.cmpi ne, %convert_element_type3A_133, %cond3A_134 : i32
        scf.if %cond3A_135 {
          %sub3A = arith.constant 1 : i32
          %sub3A_158 = arith.subi %add3A_58, %sub3A : i32
          %dma_wait3A_159 = arith.constant 0 : i32
          %dma_wait3A_160 = tpu.memref_slice %arg9[%sub3A_158, %dma_wait3A_159] : memref<80x128xi32, #tpu.memory_space<vmem>> -> memref<1x128xi32, #tpu.memory_space<vmem>>
          %dma_wait3A_161 = tpu.memref_squeeze %dma_wait3A_160 : memref<1x128xi32, #tpu.memory_space<vmem>> -> memref<128xi32, #tpu.memory_space<vmem>>
          %dma_wait3A_162 = arith.constant 0 : i32
          %dma_wait3A_163 = arith.constant 0 : i32
          %dma_wait3A_164 = tpu.memref_slice %arg12[%dma_wait3A_162, %dma_wait3A_163] : memref<10240x128xf32, #tpu.memory_space<vmem_shared>> -> memref<10240x128xf32, #tpu.memory_space<vmem_shared>>
          tpu.wait_indirect_dma semaphore(%arg16 : memref<!tpu.dma_semaphore, #tpu.memory_space<semaphore_mem>>) src(%arg11 : memref<128x128xf32, #tpu.memory_space<vmem>>) dst(%dma_wait3A_164 : memref<10240x128xf32, #tpu.memory_space<vmem_shared>>)
        } else {
        }
        %dma_wait3A_136 = arith.constant 0 : i32
        %dma_wait3A_137 = tpu.memref_slice %arg3[%add3A, %add3A_60, %dma_wait3A_136] : memref<32x80x128xi32, #tpu.memory_space<hbm>> -> memref<1x1x128xi32, #tpu.memory_space<hbm>>
        %dma_wait3A_138 = tpu.memref_squeeze %dma_wait3A_137 : memref<1x1x128xi32, #tpu.memory_space<hbm>> -> memref<128xi32, #tpu.memory_space<hbm>>
        %dma_wait3A_139 = arith.constant 0 : i32
        %dma_wait3A_140 = tpu.memref_slice %arg3[%add3A, %add3A_60, %dma_wait3A_139] : memref<32x80x128xi32, #tpu.memory_space<hbm>> -> memref<1x1x128xi32, #tpu.memory_space<hbm>>
        %dma_wait3A_141 = tpu.memref_squeeze %dma_wait3A_140 : memref<1x1x128xi32, #tpu.memory_space<hbm>> -> memref<128xi32, #tpu.memory_space<hbm>>
        tpu.wait_dma2 semaphore(%arg18 : memref<!tpu.dma_semaphore, #tpu.memory_space<semaphore_mem>>) src(%dma_wait3A_141 : memref<128xi32, #tpu.memory_space<hbm>>) dst(%arg8 : memref<128xi32, #tpu.memory_space<vmem>>)
        %dma_start3A_142 = arith.constant 0 : i32
        %dma_start3A_143 = arith.constant 0 : i32
        %dma_start3A_144 = tpu.memref_slice %arg11[%dma_start3A_142, %dma_start3A_143] : memref<128x128xf32, #tpu.memory_space<vmem>> -> memref<64x128xf32, #tpu.memory_space<vmem>>
        %dma_start3A_145 = arith.constant 0 : i32
        %dma_start3A_146 = tpu.memref_slice %arg8[%dma_start3A_145] : memref<128xi32, #tpu.memory_space<vmem>> -> memref<64xi32, #tpu.memory_space<vmem>>
        %dma_start3A_147 = arith.constant 0 : i32
        %dma_start3A_148 = arith.constant 0 : i32
        %dma_start3A_149 = tpu.memref_slice %arg2[%dma_start3A_147, %dma_start3A_148] : memref<10240x128xf32, #tpu.memory_space<hbm>> -> memref<10240x128xf32, #tpu.memory_space<hbm>>
        tpu.enqueue_indirect_dma source(%dma_start3A_149 : memref<10240x128xf32, #tpu.memory_space<hbm>>) target(%dma_start3A_144 : memref<64x128xf32, #tpu.memory_space<vmem>>) offsets(%dma_start3A_146 : memref<64xi32, #tpu.memory_space<vmem>>) semaphore(%arg14 : memref<!tpu.dma_semaphore, #tpu.memory_space<semaphore_mem>>)
        %dma_start3A_150 = arith.constant 64 : i32
        %dma_start3A_151 = arith.constant 0 : i32
        %dma_start3A_152 = tpu.memref_slice %arg11[%dma_start3A_150, %dma_start3A_151] : memref<128x128xf32, #tpu.memory_space<vmem>> -> memref<64x128xf32, #tpu.memory_space<vmem>>
        %dma_start3A_153 = arith.constant 64 : i32
        %dma_start3A_154 = tpu.memref_slice %arg8[%dma_start3A_153] : memref<128xi32, #tpu.memory_space<vmem>> -> memref<64xi32, #tpu.memory_space<vmem>>
        %dma_start3A_155 = arith.constant 0 : i32
        %dma_start3A_156 = arith.constant 0 : i32
        %dma_start3A_157 = tpu.memref_slice %arg2[%dma_start3A_155, %dma_start3A_156] : memref<10240x128xf32, #tpu.memory_space<hbm>> -> memref<10240x128xf32, #tpu.memory_space<hbm>>
        tpu.enqueue_indirect_dma source(%dma_start3A_157 : memref<10240x128xf32, #tpu.memory_space<hbm>>) target(%dma_start3A_152 : memref<64x128xf32, #tpu.memory_space<vmem>>) offsets(%dma_start3A_154 : memref<64xi32, #tpu.memory_space<vmem>>) semaphore(%arg14 : memref<!tpu.dma_semaphore, #tpu.memory_space<semaphore_mem>>)
      } else {
      }
      %mul3A_92 = arith.constant 2 : i32
      %mul3A_93 = arith.muli %scan3A_54, %mul3A_92 : i32
      %add3A_94 = arith.constant 1 : i32
      %add3A_95 = arith.addi %mul3A_93, %add3A_94 : i32
      %add3A_96 = arith.constant 1 : i32
      %add3A_97 = arith.addi %add3A_95, %add3A_96 : i32
      %dma_wait3A_98 = arith.constant 0 : i32
      %dma_wait3A_99 = arith.constant 0 : i32
      %dma_wait3A_100 = tpu.memref_slice %arg11[%dma_wait3A_98, %dma_wait3A_99] : memref<128x128xf32, #tpu.memory_space<vmem>> -> memref<64x128xf32, #tpu.memory_space<vmem>>
      %dma_wait3A_101 = arith.constant 0 : i32
      %dma_wait3A_102 = tpu.memref_slice %arg8[%dma_wait3A_101] : memref<128xi32, #tpu.memory_space<vmem>> -> memref<64xi32, #tpu.memory_space<vmem>>
      %dma_wait3A_103 = arith.constant 0 : i32
      %dma_wait3A_104 = arith.constant 0 : i32
      %dma_wait3A_105 = tpu.memref_slice %arg2[%dma_wait3A_103, %dma_wait3A_104] : memref<10240x128xf32, #tpu.memory_space<hbm>> -> memref<10240x128xf32, #tpu.memory_space<hbm>>
      tpu.wait_indirect_dma semaphore(%arg14 : memref<!tpu.dma_semaphore, #tpu.memory_space<semaphore_mem>>) src(%dma_wait3A_105 : memref<10240x128xf32, #tpu.memory_space<hbm>>) dst(%dma_wait3A_100 : memref<64x128xf32, #tpu.memory_space<vmem>>)
      %dma_wait3A_106 = arith.constant 64 : i32
      %dma_wait3A_107 = arith.constant 0 : i32
      %dma_wait3A_108 = tpu.memref_slice %arg11[%dma_wait3A_106, %dma_wait3A_107] : memref<128x128xf32, #tpu.memory_space<vmem>> -> memref<64x128xf32, #tpu.memory_space<vmem>>
      %dma_wait3A_109 = arith.constant 64 : i32
      %dma_wait3A_110 = tpu.memref_slice %arg8[%dma_wait3A_109] : memref<128xi32, #tpu.memory_space<vmem>> -> memref<64xi32, #tpu.memory_space<vmem>>
      %dma_wait3A_111 = arith.constant 0 : i32
      %dma_wait3A_112 = arith.constant 0 : i32
      %dma_wait3A_113 = tpu.memref_slice %arg2[%dma_wait3A_111, %dma_wait3A_112] : memref<10240x128xf32, #tpu.memory_space<hbm>> -> memref<10240x128xf32, #tpu.memory_space<hbm>>
      tpu.wait_indirect_dma semaphore(%arg14 : memref<!tpu.dma_semaphore, #tpu.memory_space<semaphore_mem>>) src(%dma_wait3A_113 : memref<10240x128xf32, #tpu.memory_space<hbm>>) dst(%dma_wait3A_108 : memref<64x128xf32, #tpu.memory_space<vmem>>)
      %add3A_114 = arith.constant 2 : i32
      %add3A_115 = arith.addi %add3A_95, %add3A_114 : i32
      %lt3A_116 = arith.constant 80 : i32
      %lt3A_117 = arith.cmpi slt, %add3A_115, %lt3A_116 : i32
      %convert_element_type3A_118 = arith.extui %lt3A_117 : i1 to i32
      %cond3A_119 = arith.constant 0 : i32
      %cond3A_120 = arith.cmpi ne, %convert_element_type3A_118, %cond3A_119 : i32
      scf.if %cond3A_120 {
        %add3A_132 = arith.constant 2 : i32
        %add3A_133 = arith.addi %add3A_95, %add3A_132 : i32
        %dma_start3A_134 = arith.constant 0 : i32
        %dma_start3A_135 = tpu.memref_slice %arg3[%add3A, %add3A_133, %dma_start3A_134] : memref<32x80x128xi32, #tpu.memory_space<hbm>> -> memref<1x1x128xi32, #tpu.memory_space<hbm>>
        %dma_start3A_136 = tpu.memref_squeeze %dma_start3A_135 : memref<1x1x128xi32, #tpu.memory_space<hbm>> -> memref<128xi32, #tpu.memory_space<hbm>>
        %dma_start3A_137 = arith.constant 0 : i32
        %dma_start3A_138 = tpu.memref_slice %arg3[%add3A, %add3A_133, %dma_start3A_137] : memref<32x80x128xi32, #tpu.memory_space<hbm>> -> memref<1x1x128xi32, #tpu.memory_space<hbm>>
        %dma_start3A_139 = tpu.memref_squeeze %dma_start3A_138 : memref<1x1x128xi32, #tpu.memory_space<hbm>> -> memref<128xi32, #tpu.memory_space<hbm>>
        tpu.enqueue_dma source(%dma_start3A_139 : memref<128xi32, #tpu.memory_space<hbm>>) target(%arg8 : memref<128xi32, #tpu.memory_space<vmem>>) target_semaphore(%arg18 : memref<!tpu.dma_semaphore, #tpu.memory_space<semaphore_mem>>)
      } else {
      }
      %dma_start3A_121 = arith.constant 0 : i32
      %dma_start3A_122 = tpu.memref_slice %arg9[%add3A_95, %dma_start3A_121] : memref<80x128xi32, #tpu.memory_space<vmem>> -> memref<1x128xi32, #tpu.memory_space<vmem>>
      %dma_start3A_123 = tpu.memref_squeeze %dma_start3A_122 : memref<1x128xi32, #tpu.memory_space<vmem>> -> memref<128xi32, #tpu.memory_space<vmem>>
      %dma_start3A_124 = arith.constant 0 : i32
      %dma_start3A_125 = arith.constant 0 : i32
      %dma_start3A_126 = tpu.memref_slice %arg12[%dma_start3A_124, %dma_start3A_125] : memref<10240x128xf32, #tpu.memory_space<vmem_shared>> -> memref<10240x128xf32, #tpu.memory_space<vmem_shared>>
      tpu.enqueue_indirect_dma source(%arg11 : memref<128x128xf32, #tpu.memory_space<vmem>>) target(%dma_start3A_126 : memref<10240x128xf32, #tpu.memory_space<vmem_shared>>) offsets(%dma_start3A_123 : memref<128xi32, #tpu.memory_space<vmem>>) semaphore(%arg16 : memref<!tpu.dma_semaphore, #tpu.memory_space<semaphore_mem>>) {add = true}
      %lt3A_127 = arith.constant 80 : i32
      %lt3A_128 = arith.cmpi slt, %add3A_97, %lt3A_127 : i32
      %convert_element_type3A_129 = arith.extui %lt3A_128 : i1 to i32
      %cond3A_130 = arith.constant 0 : i32
      %cond3A_131 = arith.cmpi ne, %convert_element_type3A_129, %cond3A_130 : i32
      scf.if %cond3A_131 {
        %ge3A = arith.constant 1 : i32
        %ge3A_132 = arith.cmpi sge, %add3A_95, %ge3A : i32
        %convert_element_type3A_133 = arith.extui %ge3A_132 : i1 to i32
        %cond3A_134 = arith.constant 0 : i32
        %cond3A_135 = arith.cmpi ne, %convert_element_type3A_133, %cond3A_134 : i32
        scf.if %cond3A_135 {
          %sub3A = arith.constant 1 : i32
          %sub3A_158 = arith.subi %add3A_95, %sub3A : i32
          %dma_wait3A_159 = arith.constant 0 : i32
          %dma_wait3A_160 = tpu.memref_slice %arg9[%sub3A_158, %dma_wait3A_159] : memref<80x128xi32, #tpu.memory_space<vmem>> -> memref<1x128xi32, #tpu.memory_space<vmem>>
          %dma_wait3A_161 = tpu.memref_squeeze %dma_wait3A_160 : memref<1x128xi32, #tpu.memory_space<vmem>> -> memref<128xi32, #tpu.memory_space<vmem>>
          %dma_wait3A_162 = arith.constant 0 : i32
          %dma_wait3A_163 = arith.constant 0 : i32
          %dma_wait3A_164 = tpu.memref_slice %arg12[%dma_wait3A_162, %dma_wait3A_163] : memref<10240x128xf32, #tpu.memory_space<vmem_shared>> -> memref<10240x128xf32, #tpu.memory_space<vmem_shared>>
          tpu.wait_indirect_dma semaphore(%arg15 : memref<!tpu.dma_semaphore, #tpu.memory_space<semaphore_mem>>) src(%arg10 : memref<128x128xf32, #tpu.memory_space<vmem>>) dst(%dma_wait3A_164 : memref<10240x128xf32, #tpu.memory_space<vmem_shared>>)
        } else {
        }
        %dma_wait3A_136 = arith.constant 0 : i32
        %dma_wait3A_137 = tpu.memref_slice %arg3[%add3A, %add3A_97, %dma_wait3A_136] : memref<32x80x128xi32, #tpu.memory_space<hbm>> -> memref<1x1x128xi32, #tpu.memory_space<hbm>>
        %dma_wait3A_138 = tpu.memref_squeeze %dma_wait3A_137 : memref<1x1x128xi32, #tpu.memory_space<hbm>> -> memref<128xi32, #tpu.memory_space<hbm>>
        %dma_wait3A_139 = arith.constant 0 : i32
        %dma_wait3A_140 = tpu.memref_slice %arg3[%add3A, %add3A_97, %dma_wait3A_139] : memref<32x80x128xi32, #tpu.memory_space<hbm>> -> memref<1x1x128xi32, #tpu.memory_space<hbm>>
        %dma_wait3A_141 = tpu.memref_squeeze %dma_wait3A_140 : memref<1x1x128xi32, #tpu.memory_space<hbm>> -> memref<128xi32, #tpu.memory_space<hbm>>
        tpu.wait_dma2 semaphore(%arg17 : memref<!tpu.dma_semaphore, #tpu.memory_space<semaphore_mem>>) src(%dma_wait3A_141 : memref<128xi32, #tpu.memory_space<hbm>>) dst(%arg7 : memref<128xi32, #tpu.memory_space<vmem>>)
        %dma_start3A_142 = arith.constant 0 : i32
        %dma_start3A_143 = arith.constant 0 : i32
        %dma_start3A_144 = tpu.memref_slice %arg10[%dma_start3A_142, %dma_start3A_143] : memref<128x128xf32, #tpu.memory_space<vmem>> -> memref<64x128xf32, #tpu.memory_space<vmem>>
        %dma_start3A_145 = arith.constant 0 : i32
        %dma_start3A_146 = tpu.memref_slice %arg7[%dma_start3A_145] : memref<128xi32, #tpu.memory_space<vmem>> -> memref<64xi32, #tpu.memory_space<vmem>>
        %dma_start3A_147 = arith.constant 0 : i32
        %dma_start3A_148 = arith.constant 0 : i32
        %dma_start3A_149 = tpu.memref_slice %arg2[%dma_start3A_147, %dma_start3A_148] : memref<10240x128xf32, #tpu.memory_space<hbm>> -> memref<10240x128xf32, #tpu.memory_space<hbm>>
        tpu.enqueue_indirect_dma source(%dma_start3A_149 : memref<10240x128xf32, #tpu.memory_space<hbm>>) target(%dma_start3A_144 : memref<64x128xf32, #tpu.memory_space<vmem>>) offsets(%dma_start3A_146 : memref<64xi32, #tpu.memory_space<vmem>>) semaphore(%arg13 : memref<!tpu.dma_semaphore, #tpu.memory_space<semaphore_mem>>)
        %dma_start3A_150 = arith.constant 64 : i32
        %dma_start3A_151 = arith.constant 0 : i32
        %dma_start3A_152 = tpu.memref_slice %arg10[%dma_start3A_150, %dma_start3A_151] : memref<128x128xf32, #tpu.memory_space<vmem>> -> memref<64x128xf32, #tpu.memory_space<vmem>>
        %dma_start3A_153 = arith.constant 64 : i32
        %dma_start3A_154 = tpu.memref_slice %arg7[%dma_start3A_153] : memref<128xi32, #tpu.memory_space<vmem>> -> memref<64xi32, #tpu.memory_space<vmem>>
        %dma_start3A_155 = arith.constant 0 : i32
        %dma_start3A_156 = arith.constant 0 : i32
        %dma_start3A_157 = tpu.memref_slice %arg2[%dma_start3A_155, %dma_start3A_156] : memref<10240x128xf32, #tpu.memory_space<hbm>> -> memref<10240x128xf32, #tpu.memory_space<hbm>>
        tpu.enqueue_indirect_dma source(%dma_start3A_157 : memref<10240x128xf32, #tpu.memory_space<hbm>>) target(%dma_start3A_152 : memref<64x128xf32, #tpu.memory_space<vmem>>) offsets(%dma_start3A_154 : memref<64xi32, #tpu.memory_space<vmem>>) semaphore(%arg13 : memref<!tpu.dma_semaphore, #tpu.memory_space<semaphore_mem>>)
      } else {
      }
    }
    %scan3A_39 = arith.constant 40 : i32
    %dma_wait3A = arith.constant 78 : i32
    %dma_wait3A_40 = arith.constant 0 : i32
    %dma_wait3A_41 = tpu.memref_slice %arg9[%dma_wait3A, %dma_wait3A_40] : memref<80x128xi32, #tpu.memory_space<vmem>> -> memref<1x128xi32, #tpu.memory_space<vmem>>
    %dma_wait3A_42 = tpu.memref_squeeze %dma_wait3A_41 : memref<1x128xi32, #tpu.memory_space<vmem>> -> memref<128xi32, #tpu.memory_space<vmem>>
    %dma_wait3A_43 = arith.constant 0 : i32
    %dma_wait3A_44 = arith.constant 0 : i32
    %dma_wait3A_45 = tpu.memref_slice %arg12[%dma_wait3A_43, %dma_wait3A_44] : memref<10240x128xf32, #tpu.memory_space<vmem_shared>> -> memref<10240x128xf32, #tpu.memory_space<vmem_shared>>
    tpu.wait_indirect_dma semaphore(%arg15 : memref<!tpu.dma_semaphore, #tpu.memory_space<semaphore_mem>>) src(%arg10 : memref<128x128xf32, #tpu.memory_space<vmem>>) dst(%dma_wait3A_45 : memref<10240x128xf32, #tpu.memory_space<vmem_shared>>)
    %dma_wait3A_46 = arith.constant 79 : i32
    %dma_wait3A_47 = arith.constant 0 : i32
    %dma_wait3A_48 = tpu.memref_slice %arg9[%dma_wait3A_46, %dma_wait3A_47] : memref<80x128xi32, #tpu.memory_space<vmem>> -> memref<1x128xi32, #tpu.memory_space<vmem>>
    %dma_wait3A_49 = tpu.memref_squeeze %dma_wait3A_48 : memref<1x128xi32, #tpu.memory_space<vmem>> -> memref<128xi32, #tpu.memory_space<vmem>>
    %dma_wait3A_50 = arith.constant 0 : i32
    %dma_wait3A_51 = arith.constant 0 : i32
    %dma_wait3A_52 = tpu.memref_slice %arg12[%dma_wait3A_50, %dma_wait3A_51] : memref<10240x128xf32, #tpu.memory_space<vmem_shared>> -> memref<10240x128xf32, #tpu.memory_space<vmem_shared>>
    tpu.wait_indirect_dma semaphore(%arg16 : memref<!tpu.dma_semaphore, #tpu.memory_space<semaphore_mem>>) src(%arg11 : memref<128x128xf32, #tpu.memory_space<vmem>>) dst(%dma_wait3A_52 : memref<10240x128xf32, #tpu.memory_space<vmem_shared>>)
    %barrier3A_53 = arith.constant 0 : index
    tpu.barrier barrier_id(%barrier3A_53)
    "tpu.region"() ({
      %run_scoped3A_54 = tpu.sem_alloc : memref<!tpu.dma_semaphore, #tpu.memory_space<semaphore_mem>>
      %dma_start3A_55 = arith.constant 0 : i32
      %dma_start3A_56 = tpu.memref_slice %arg6[%arg0, %mul3A_24, %dma_start3A_55] : memref<2x10240x128xf32, #tpu.memory_space<hbm>> -> memref<1x640x128xf32, #tpu.memory_space<hbm>>
      %dma_start3A_57 = tpu.memref_squeeze %dma_start3A_56 : memref<1x640x128xf32, #tpu.memory_space<hbm>> -> memref<640x128xf32, #tpu.memory_space<hbm>>
      %dma_start3A_58 = arith.constant 0 : i32
      %dma_start3A_59 = tpu.memref_slice %arg12[%mul3A_24, %dma_start3A_58] : memref<10240x128xf32, #tpu.memory_space<vmem_shared>> -> memref<640x128xf32, #tpu.memory_space<vmem_shared>>
      tpu.enqueue_dma source(%dma_start3A_59 : memref<640x128xf32, #tpu.memory_space<vmem_shared>>) target(%dma_start3A_57 : memref<640x128xf32, #tpu.memory_space<hbm>>) target_semaphore(%run_scoped3A_54 : memref<!tpu.dma_semaphore, #tpu.memory_space<semaphore_mem>>)
      %dma_wait3A_60 = arith.constant 0 : i32
      %dma_wait3A_61 = tpu.memref_slice %arg6[%arg0, %mul3A_24, %dma_wait3A_60] : memref<2x10240x128xf32, #tpu.memory_space<hbm>> -> memref<1x640x128xf32, #tpu.memory_space<hbm>>
      %dma_wait3A_62 = tpu.memref_squeeze %dma_wait3A_61 : memref<1x640x128xf32, #tpu.memory_space<hbm>> -> memref<640x128xf32, #tpu.memory_space<hbm>>
      %dma_wait3A_63 = arith.constant 0 : i32
      %dma_wait3A_64 = tpu.memref_slice %arg12[%mul3A_24, %dma_wait3A_63] : memref<10240x128xf32, #tpu.memory_space<vmem_shared>> -> memref<640x128xf32, #tpu.memory_space<vmem_shared>>
      tpu.wait_dma2 semaphore(%run_scoped3A_54 : memref<!tpu.dma_semaphore, #tpu.memory_space<semaphore_mem>>) src(%dma_wait3A_64 : memref<640x128xf32, #tpu.memory_space<vmem_shared>>) dst(%dma_wait3A_62 : memref<640x128xf32, #tpu.memory_space<hbm>>)
      tpu.yield
    }) : () -> ()
    return
  }
}

#map = affine_map<(d0, d1) -> (0, 0)>
#map1 = affine_map<(d0, d1) -> (0, 0, 0)>
module attributes {stable_mosaic.version = 14 : i64} {
  func.func @kfn(%arg0: i32, %arg1: i32, %arg2: memref<10240x128xf32, #tpu.memory_space<hbm>>, %arg3: memref<32x80x128xi32, #tpu.memory_space<hbm>>, %arg4: memref<32x80x128xi32, #tpu.memory_space<hbm>>, %arg5: memref<128x128xf32, #tpu.memory_space<hbm>>, %arg6: memref<2x10240x128xf32, #tpu.memory_space<hbm>>, %arg7: memref<128xi32, #tpu.memory_space<vmem>>, %arg8: memref<128xi32, #tpu.memory_space<vmem>>, %arg9: memref<80x128xi32, #tpu.memory_space<vmem>>, %arg10: memref<128x128xf32, #tpu.memory_space<vmem>>, %arg11: memref<128x128xf32, #tpu.memory_space<vmem>>, %arg12: memref<10240x128xf32, #tpu.memory_space<vmem_shared>>, %arg13: memref<!tpu.dma_semaphore, #tpu.memory_space<semaphore_mem>>, %arg14: memref<!tpu.dma_semaphore, #tpu.memory_space<semaphore_mem>>, %arg15: memref<!tpu.dma_semaphore, #tpu.memory_space<semaphore_mem>>, %arg16: memref<!tpu.dma_semaphore, #tpu.memory_space<semaphore_mem>>, %arg17: memref<!tpu.dma_semaphore, #tpu.memory_space<semaphore_mem>>, %arg18: memref<!tpu.dma_semaphore, #tpu.memory_space<semaphore_mem>>) attributes {dimension_semantics = [#tpu.dimension_semantics<core_parallel>, #tpu.dimension_semantics<subcore_parallel>], iteration_bounds = array<i64: 2, 16>, scalar_prefetch = 0 : i64, scratch_operands = 12 : i64, tpu.core_type = #tpu.core_type<sc_vector_subcore>, window_params = [{transform_indices = #map}, {transform_indices = #map1}, {transform_indices = #map1}, {transform_indices = #map}, {transform_indices = #map1}]} {
    %mul3A = arith.constant 2 : i32
    %mul3A_0 = arith.muli %arg1, %mul3A : i32
    %add3A = arith.addi %mul3A_0, %arg0 : i32
    %run_scoped3A = arith.constant 0 : i32
    "tpu.region"() ({
      %run_scoped3A_54 = tpu.sem_alloc : memref<!tpu.dma_semaphore, #tpu.memory_space<semaphore_mem>>
      %dma_start3A_55 = arith.constant 0 : i32
      %dma_start3A_56 = tpu.memref_slice %arg3[%add3A, %run_scoped3A, %dma_start3A_55] : memref<32x80x128xi32, #tpu.memory_space<hbm>> -> memref<1x1x128xi32, #tpu.memory_space<hbm>>
      %dma_start3A_57 = tpu.memref_squeeze %dma_start3A_56 : memref<1x1x128xi32, #tpu.memory_space<hbm>> -> memref<128xi32, #tpu.memory_space<hbm>>
      %dma_start3A_58 = arith.constant 0 : i32
      %dma_start3A_59 = tpu.memref_slice %arg3[%add3A, %run_scoped3A, %dma_start3A_58] : memref<32x80x128xi32, #tpu.memory_space<hbm>> -> memref<1x1x128xi32, #tpu.memory_space<hbm>>
      %dma_start3A_60 = tpu.memref_squeeze %dma_start3A_59 : memref<1x1x128xi32, #tpu.memory_space<hbm>> -> memref<128xi32, #tpu.memory_space<hbm>>
      tpu.enqueue_dma source(%dma_start3A_60 : memref<128xi32, #tpu.memory_space<hbm>>) target(%arg7 : memref<128xi32, #tpu.memory_space<vmem>>) target_semaphore(%run_scoped3A_54 : memref<!tpu.dma_semaphore, #tpu.memory_space<semaphore_mem>>)
      %dma_wait3A_61 = arith.constant 0 : i32
      %dma_wait3A_62 = tpu.memref_slice %arg3[%add3A, %run_scoped3A, %dma_wait3A_61] : memref<32x80x128xi32, #tpu.memory_space<hbm>> -> memref<1x1x128xi32, #tpu.memory_space<hbm>>
      %dma_wait3A_63 = tpu.memref_squeeze %dma_wait3A_62 : memref<1x1x128xi32, #tpu.memory_space<hbm>> -> memref<128xi32, #tpu.memory_space<hbm>>
      %dma_wait3A_64 = arith.constant 0 : i32
      %dma_wait3A_65 = tpu.memref_slice %arg3[%add3A, %run_scoped3A, %dma_wait3A_64] : memref<32x80x128xi32, #tpu.memory_space<hbm>> -> memref<1x1x128xi32, #tpu.memory_space<hbm>>
      %dma_wait3A_66 = tpu.memref_squeeze %dma_wait3A_65 : memref<1x1x128xi32, #tpu.memory_space<hbm>> -> memref<128xi32, #tpu.memory_space<hbm>>
      tpu.wait_dma2 semaphore(%run_scoped3A_54 : memref<!tpu.dma_semaphore, #tpu.memory_space<semaphore_mem>>) src(%dma_wait3A_66 : memref<128xi32, #tpu.memory_space<hbm>>) dst(%arg7 : memref<128xi32, #tpu.memory_space<vmem>>)
      tpu.yield
    }) : () -> ()
    %dma_start3A = arith.constant 0 : i32
    %dma_start3A_1 = arith.constant 0 : i32
    %dma_start3A_2 = tpu.memref_slice %arg10[%dma_start3A, %dma_start3A_1] : memref<128x128xf32, #tpu.memory_space<vmem>> -> memref<64x128xf32, #tpu.memory_space<vmem>>
    %dma_start3A_3 = arith.constant 0 : i32
    %dma_start3A_4 = tpu.memref_slice %arg7[%dma_start3A_3] : memref<128xi32, #tpu.memory_space<vmem>> -> memref<64xi32, #tpu.memory_space<vmem>>
    %dma_start3A_5 = arith.constant 0 : i32
    %dma_start3A_6 = arith.constant 0 : i32
    %dma_start3A_7 = tpu.memref_slice %arg2[%dma_start3A_5, %dma_start3A_6] : memref<10240x128xf32, #tpu.memory_space<hbm>> -> memref<10240x128xf32, #tpu.memory_space<hbm>>
    tpu.enqueue_indirect_dma source(%dma_start3A_7 : memref<10240x128xf32, #tpu.memory_space<hbm>>) target(%dma_start3A_2 : memref<64x128xf32, #tpu.memory_space<vmem>>) offsets(%dma_start3A_4 : memref<64xi32, #tpu.memory_space<vmem>>) semaphore(%arg13 : memref<!tpu.dma_semaphore, #tpu.memory_space<semaphore_mem>>)
    %dma_start3A_8 = arith.constant 64 : i32
    %dma_start3A_9 = arith.constant 0 : i32
    %dma_start3A_10 = tpu.memref_slice %arg10[%dma_start3A_8, %dma_start3A_9] : memref<128x128xf32, #tpu.memory_space<vmem>> -> memref<64x128xf32, #tpu.memory_space<vmem>>
    %dma_start3A_11 = arith.constant 64 : i32
    %dma_start3A_12 = tpu.memref_slice %arg7[%dma_start3A_11] : memref<128xi32, #tpu.memory_space<vmem>> -> memref<64xi32, #tpu.memory_space<vmem>>
    %dma_start3A_13 = arith.constant 0 : i32
    %dma_start3A_14 = arith.constant 0 : i32
    %dma_start3A_15 = tpu.memref_slice %arg2[%dma_start3A_13, %dma_start3A_14] : memref<10240x128xf32, #tpu.memory_space<hbm>> -> memref<10240x128xf32, #tpu.memory_space<hbm>>
    tpu.enqueue_indirect_dma source(%dma_start3A_15 : memref<10240x128xf32, #tpu.memory_space<hbm>>) target(%dma_start3A_10 : memref<64x128xf32, #tpu.memory_space<vmem>>) offsets(%dma_start3A_12 : memref<64xi32, #tpu.memory_space<vmem>>) semaphore(%arg13 : memref<!tpu.dma_semaphore, #tpu.memory_space<semaphore_mem>>)
    %dma_start3A_16 = arith.constant 1 : i32
    %dma_start3A_17 = arith.constant 0 : i32
    %dma_start3A_18 = tpu.memref_slice %arg3[%add3A, %dma_start3A_16, %dma_start3A_17] : memref<32x80x128xi32, #tpu.memory_space<hbm>> -> memref<1x1x128xi32, #tpu.memory_space<hbm>>
    %dma_start3A_19 = tpu.memref_squeeze %dma_start3A_18 : memref<1x1x128xi32, #tpu.memory_space<hbm>> -> memref<128xi32, #tpu.memory_space<hbm>>
    %dma_start3A_20 = arith.constant 0 : i32
    %dma_start3A_21 = tpu.memref_slice %arg3[%add3A, %dma_start3A_16, %dma_start3A_20] : memref<32x80x128xi32, #tpu.memory_space<hbm>> -> memref<1x1x128xi32, #tpu.memory_space<hbm>>
    %dma_start3A_22 = tpu.memref_squeeze %dma_start3A_21 : memref<1x1x128xi32, #tpu.memory_space<hbm>> -> memref<128xi32, #tpu.memory_space<hbm>>
    tpu.enqueue_dma source(%dma_start3A_22 : memref<128xi32, #tpu.memory_space<hbm>>) target(%arg8 : memref<128xi32, #tpu.memory_space<vmem>>) target_semaphore(%arg18 : memref<!tpu.dma_semaphore, #tpu.memory_space<semaphore_mem>>)
    "tpu.region"() ({
      %run_scoped3A_54 = tpu.sem_alloc : memref<!tpu.dma_semaphore, #tpu.memory_space<semaphore_mem>>
      %dma_start3A_55 = arith.constant 0 : i32
      %dma_start3A_56 = arith.constant 0 : i32
      %dma_start3A_57 = tpu.memref_slice %arg4[%add3A, %dma_start3A_55, %dma_start3A_56] : memref<32x80x128xi32, #tpu.memory_space<hbm>> -> memref<1x80x128xi32, #tpu.memory_space<hbm>>
      %dma_start3A_58 = tpu.memref_squeeze %dma_start3A_57 : memref<1x80x128xi32, #tpu.memory_space<hbm>> -> memref<80x128xi32, #tpu.memory_space<hbm>>
      %dma_start3A_59 = arith.constant 0 : i32
      %dma_start3A_60 = arith.constant 0 : i32
      %dma_start3A_61 = tpu.memref_slice %arg4[%add3A, %dma_start3A_59, %dma_start3A_60] : memref<32x80x128xi32, #tpu.memory_space<hbm>> -> memref<1x80x128xi32, #tpu.memory_space<hbm>>
      %dma_start3A_62 = tpu.memref_squeeze %dma_start3A_61 : memref<1x80x128xi32, #tpu.memory_space<hbm>> -> memref<80x128xi32, #tpu.memory_space<hbm>>
      tpu.enqueue_dma source(%dma_start3A_62 : memref<80x128xi32, #tpu.memory_space<hbm>>) target(%arg9 : memref<80x128xi32, #tpu.memory_space<vmem>>) target_semaphore(%run_scoped3A_54 : memref<!tpu.dma_semaphore, #tpu.memory_space<semaphore_mem>>)
      %dma_wait3A_63 = arith.constant 0 : i32
      %dma_wait3A_64 = arith.constant 0 : i32
      %dma_wait3A_65 = tpu.memref_slice %arg4[%add3A, %dma_wait3A_63, %dma_wait3A_64] : memref<32x80x128xi32, #tpu.memory_space<hbm>> -> memref<1x80x128xi32, #tpu.memory_space<hbm>>
      %dma_wait3A_66 = tpu.memref_squeeze %dma_wait3A_65 : memref<1x80x128xi32, #tpu.memory_space<hbm>> -> memref<80x128xi32, #tpu.memory_space<hbm>>
      %dma_wait3A_67 = arith.constant 0 : i32
      %dma_wait3A_68 = arith.constant 0 : i32
      %dma_wait3A_69 = tpu.memref_slice %arg4[%add3A, %dma_wait3A_67, %dma_wait3A_68] : memref<32x80x128xi32, #tpu.memory_space<hbm>> -> memref<1x80x128xi32, #tpu.memory_space<hbm>>
      %dma_wait3A_70 = tpu.memref_squeeze %dma_wait3A_69 : memref<1x80x128xi32, #tpu.memory_space<hbm>> -> memref<80x128xi32, #tpu.memory_space<hbm>>
      tpu.wait_dma2 semaphore(%run_scoped3A_54 : memref<!tpu.dma_semaphore, #tpu.memory_space<semaphore_mem>>) src(%dma_wait3A_70 : memref<80x128xi32, #tpu.memory_space<hbm>>) dst(%arg9 : memref<80x128xi32, #tpu.memory_space<vmem>>)
      tpu.yield
    }) : () -> ()
    "tpu.region"() ({
      %run_scoped3A_54 = tpu.sem_alloc : memref<!tpu.dma_semaphore, #tpu.memory_space<semaphore_mem>>
      tpu.enqueue_dma source(%arg5 : memref<128x128xf32, #tpu.memory_space<hbm>>) target(%arg11 : memref<128x128xf32, #tpu.memory_space<vmem>>) target_semaphore(%run_scoped3A_54 : memref<!tpu.dma_semaphore, #tpu.memory_space<semaphore_mem>>)
      tpu.wait_dma2 semaphore(%run_scoped3A_54 : memref<!tpu.dma_semaphore, #tpu.memory_space<semaphore_mem>>) src(%arg5 : memref<128x128xf32, #tpu.memory_space<hbm>>) dst(%arg11 : memref<128x128xf32, #tpu.memory_space<vmem>>)
      tpu.yield
    }) : () -> ()
    %mul3A_23 = arith.constant 640 : i32
    %mul3A_24 = arith.muli %arg1, %mul3A_23 : i32
    %add3A_25 = arith.constant 0 : i32
    %add3A_26 = arith.addi %mul3A_24, %add3A_25 : i32
    "tpu.region"() ({
      %run_scoped3A_54 = tpu.sem_alloc : memref<!tpu.dma_semaphore, #tpu.memory_space<semaphore_mem>>
      %dma_start3A_55 = arith.constant 0 : i32
      %dma_start3A_56 = tpu.memref_slice %arg12[%add3A_26, %dma_start3A_55] : memref<10240x128xf32, #tpu.memory_space<vmem_shared>> -> memref<128x128xf32, #tpu.memory_space<vmem_shared>>
      %dma_start3A_57 = arith.constant 0 : i32
      %dma_start3A_58 = tpu.memref_slice %arg12[%add3A_26, %dma_start3A_57] : memref<10240x128xf32, #tpu.memory_space<vmem_shared>> -> memref<128x128xf32, #tpu.memory_space<vmem_shared>>
      tpu.enqueue_dma source(%arg11 : memref<128x128xf32, #tpu.memory_space<vmem>>) target(%dma_start3A_58 : memref<128x128xf32, #tpu.memory_space<vmem_shared>>) target_semaphore(%run_scoped3A_54 : memref<!tpu.dma_semaphore, #tpu.memory_space<semaphore_mem>>)
      %dma_wait3A_59 = arith.constant 0 : i32
      %dma_wait3A_60 = tpu.memref_slice %arg12[%add3A_26, %dma_wait3A_59] : memref<10240x128xf32, #tpu.memory_space<vmem_shared>> -> memref<128x128xf32, #tpu.memory_space<vmem_shared>>
      %dma_wait3A_61 = arith.constant 0 : i32
      %dma_wait3A_62 = tpu.memref_slice %arg12[%add3A_26, %dma_wait3A_61] : memref<10240x128xf32, #tpu.memory_space<vmem_shared>> -> memref<128x128xf32, #tpu.memory_space<vmem_shared>>
      tpu.wait_dma2 semaphore(%run_scoped3A_54 : memref<!tpu.dma_semaphore, #tpu.memory_space<semaphore_mem>>) src(%arg11 : memref<128x128xf32, #tpu.memory_space<vmem>>) dst(%dma_wait3A_62 : memref<128x128xf32, #tpu.memory_space<vmem_shared>>)
      tpu.yield
    }) : () -> ()
    %add3A_27 = arith.constant 128 : i32
    %add3A_28 = arith.addi %mul3A_24, %add3A_27 : i32
    "tpu.region"() ({
      %run_scoped3A_54 = tpu.sem_alloc : memref<!tpu.dma_semaphore, #tpu.memory_space<semaphore_mem>>
      %dma_start3A_55 = arith.constant 0 : i32
      %dma_start3A_56 = tpu.memref_slice %arg12[%add3A_28, %dma_start3A_55] : memref<10240x128xf32, #tpu.memory_space<vmem_shared>> -> memref<128x128xf32, #tpu.memory_space<vmem_shared>>
      %dma_start3A_57 = arith.constant 0 : i32
      %dma_start3A_58 = tpu.memref_slice %arg12[%add3A_28, %dma_start3A_57] : memref<10240x128xf32, #tpu.memory_space<vmem_shared>> -> memref<128x128xf32, #tpu.memory_space<vmem_shared>>
      tpu.enqueue_dma source(%arg11 : memref<128x128xf32, #tpu.memory_space<vmem>>) target(%dma_start3A_58 : memref<128x128xf32, #tpu.memory_space<vmem_shared>>) target_semaphore(%run_scoped3A_54 : memref<!tpu.dma_semaphore, #tpu.memory_space<semaphore_mem>>)
      %dma_wait3A_59 = arith.constant 0 : i32
      %dma_wait3A_60 = tpu.memref_slice %arg12[%add3A_28, %dma_wait3A_59] : memref<10240x128xf32, #tpu.memory_space<vmem_shared>> -> memref<128x128xf32, #tpu.memory_space<vmem_shared>>
      %dma_wait3A_61 = arith.constant 0 : i32
      %dma_wait3A_62 = tpu.memref_slice %arg12[%add3A_28, %dma_wait3A_61] : memref<10240x128xf32, #tpu.memory_space<vmem_shared>> -> memref<128x128xf32, #tpu.memory_space<vmem_shared>>
      tpu.wait_dma2 semaphore(%run_scoped3A_54 : memref<!tpu.dma_semaphore, #tpu.memory_space<semaphore_mem>>) src(%arg11 : memref<128x128xf32, #tpu.memory_space<vmem>>) dst(%dma_wait3A_62 : memref<128x128xf32, #tpu.memory_space<vmem_shared>>)
      tpu.yield
    }) : () -> ()
    %add3A_29 = arith.constant 256 : i32
    %add3A_30 = arith.addi %mul3A_24, %add3A_29 : i32
    "tpu.region"() ({
      %run_scoped3A_54 = tpu.sem_alloc : memref<!tpu.dma_semaphore, #tpu.memory_space<semaphore_mem>>
      %dma_start3A_55 = arith.constant 0 : i32
      %dma_start3A_56 = tpu.memref_slice %arg12[%add3A_30, %dma_start3A_55] : memref<10240x128xf32, #tpu.memory_space<vmem_shared>> -> memref<128x128xf32, #tpu.memory_space<vmem_shared>>
      %dma_start3A_57 = arith.constant 0 : i32
      %dma_start3A_58 = tpu.memref_slice %arg12[%add3A_30, %dma_start3A_57] : memref<10240x128xf32, #tpu.memory_space<vmem_shared>> -> memref<128x128xf32, #tpu.memory_space<vmem_shared>>
      tpu.enqueue_dma source(%arg11 : memref<128x128xf32, #tpu.memory_space<vmem>>) target(%dma_start3A_58 : memref<128x128xf32, #tpu.memory_space<vmem_shared>>) target_semaphore(%run_scoped3A_54 : memref<!tpu.dma_semaphore, #tpu.memory_space<semaphore_mem>>)
      %dma_wait3A_59 = arith.constant 0 : i32
      %dma_wait3A_60 = tpu.memref_slice %arg12[%add3A_30, %dma_wait3A_59] : memref<10240x128xf32, #tpu.memory_space<vmem_shared>> -> memref<128x128xf32, #tpu.memory_space<vmem_shared>>
      %dma_wait3A_61 = arith.constant 0 : i32
      %dma_wait3A_62 = tpu.memref_slice %arg12[%add3A_30, %dma_wait3A_61] : memref<10240x128xf32, #tpu.memory_space<vmem_shared>> -> memref<128x128xf32, #tpu.memory_space<vmem_shared>>
      tpu.wait_dma2 semaphore(%run_scoped3A_54 : memref<!tpu.dma_semaphore, #tpu.memory_space<semaphore_mem>>) src(%arg11 : memref<128x128xf32, #tpu.memory_space<vmem>>) dst(%dma_wait3A_62 : memref<128x128xf32, #tpu.memory_space<vmem_shared>>)
      tpu.yield
    }) : () -> ()
    %add3A_31 = arith.constant 384 : i32
    %add3A_32 = arith.addi %mul3A_24, %add3A_31 : i32
    "tpu.region"() ({
      %run_scoped3A_54 = tpu.sem_alloc : memref<!tpu.dma_semaphore, #tpu.memory_space<semaphore_mem>>
      %dma_start3A_55 = arith.constant 0 : i32
      %dma_start3A_56 = tpu.memref_slice %arg12[%add3A_32, %dma_start3A_55] : memref<10240x128xf32, #tpu.memory_space<vmem_shared>> -> memref<128x128xf32, #tpu.memory_space<vmem_shared>>
      %dma_start3A_57 = arith.constant 0 : i32
      %dma_start3A_58 = tpu.memref_slice %arg12[%add3A_32, %dma_start3A_57] : memref<10240x128xf32, #tpu.memory_space<vmem_shared>> -> memref<128x128xf32, #tpu.memory_space<vmem_shared>>
      tpu.enqueue_dma source(%arg11 : memref<128x128xf32, #tpu.memory_space<vmem>>) target(%dma_start3A_58 : memref<128x128xf32, #tpu.memory_space<vmem_shared>>) target_semaphore(%run_scoped3A_54 : memref<!tpu.dma_semaphore, #tpu.memory_space<semaphore_mem>>)
      %dma_wait3A_59 = arith.constant 0 : i32
      %dma_wait3A_60 = tpu.memref_slice %arg12[%add3A_32, %dma_wait3A_59] : memref<10240x128xf32, #tpu.memory_space<vmem_shared>> -> memref<128x128xf32, #tpu.memory_space<vmem_shared>>
      %dma_wait3A_61 = arith.constant 0 : i32
      %dma_wait3A_62 = tpu.memref_slice %arg12[%add3A_32, %dma_wait3A_61] : memref<10240x128xf32, #tpu.memory_space<vmem_shared>> -> memref<128x128xf32, #tpu.memory_space<vmem_shared>>
      tpu.wait_dma2 semaphore(%run_scoped3A_54 : memref<!tpu.dma_semaphore, #tpu.memory_space<semaphore_mem>>) src(%arg11 : memref<128x128xf32, #tpu.memory_space<vmem>>) dst(%dma_wait3A_62 : memref<128x128xf32, #tpu.memory_space<vmem_shared>>)
      tpu.yield
    }) : () -> ()
    %add3A_33 = arith.constant 512 : i32
    %add3A_34 = arith.addi %mul3A_24, %add3A_33 : i32
    "tpu.region"() ({
      %run_scoped3A_54 = tpu.sem_alloc : memref<!tpu.dma_semaphore, #tpu.memory_space<semaphore_mem>>
      %dma_start3A_55 = arith.constant 0 : i32
      %dma_start3A_56 = tpu.memref_slice %arg12[%add3A_34, %dma_start3A_55] : memref<10240x128xf32, #tpu.memory_space<vmem_shared>> -> memref<128x128xf32, #tpu.memory_space<vmem_shared>>
      %dma_start3A_57 = arith.constant 0 : i32
      %dma_start3A_58 = tpu.memref_slice %arg12[%add3A_34, %dma_start3A_57] : memref<10240x128xf32, #tpu.memory_space<vmem_shared>> -> memref<128x128xf32, #tpu.memory_space<vmem_shared>>
      tpu.enqueue_dma source(%arg11 : memref<128x128xf32, #tpu.memory_space<vmem>>) target(%dma_start3A_58 : memref<128x128xf32, #tpu.memory_space<vmem_shared>>) target_semaphore(%run_scoped3A_54 : memref<!tpu.dma_semaphore, #tpu.memory_space<semaphore_mem>>)
      %dma_wait3A_59 = arith.constant 0 : i32
      %dma_wait3A_60 = tpu.memref_slice %arg12[%add3A_34, %dma_wait3A_59] : memref<10240x128xf32, #tpu.memory_space<vmem_shared>> -> memref<128x128xf32, #tpu.memory_space<vmem_shared>>
      %dma_wait3A_61 = arith.constant 0 : i32
      %dma_wait3A_62 = tpu.memref_slice %arg12[%add3A_34, %dma_wait3A_61] : memref<10240x128xf32, #tpu.memory_space<vmem_shared>> -> memref<128x128xf32, #tpu.memory_space<vmem_shared>>
      tpu.wait_dma2 semaphore(%run_scoped3A_54 : memref<!tpu.dma_semaphore, #tpu.memory_space<semaphore_mem>>) src(%arg11 : memref<128x128xf32, #tpu.memory_space<vmem>>) dst(%dma_wait3A_62 : memref<128x128xf32, #tpu.memory_space<vmem_shared>>)
      tpu.yield
    }) : () -> ()
    %barrier3A = arith.constant 0 : index
    tpu.barrier barrier_id(%barrier3A)
    %scan3A = arith.constant 0 : i32
    %scan3A_35 = arith.constant 0 : i32
    %scan3A_36 = arith.constant 40 : i32
    %scan3A_37 = arith.addi %scan3A_35, %scan3A_36 : i32
    %scan3A_38 = arith.constant 1 : i32
    scf.for %scan3A_54 = %scan3A_35 to %scan3A_37 step %scan3A_38  : i32 {
      %mul3A_55 = arith.constant 2 : i32
      %mul3A_56 = arith.muli %scan3A_54, %mul3A_55 : i32
      %add3A_57 = arith.constant 0 : i32
      %add3A_58 = arith.addi %mul3A_56, %add3A_57 : i32
      %add3A_59 = arith.constant 1 : i32
      %add3A_60 = arith.addi %add3A_58, %add3A_59 : i32
      %dma_wait3A_61 = arith.constant 0 : i32
      %dma_wait3A_62 = arith.constant 0 : i32
      %dma_wait3A_63 = tpu.memref_slice %arg10[%dma_wait3A_61, %dma_wait3A_62] : memref<128x128xf32, #tpu.memory_space<vmem>> -> memref<64x128xf32, #tpu.memory_space<vmem>>
      %dma_wait3A_64 = arith.constant 0 : i32
      %dma_wait3A_65 = tpu.memref_slice %arg7[%dma_wait3A_64] : memref<128xi32, #tpu.memory_space<vmem>> -> memref<64xi32, #tpu.memory_space<vmem>>
      %dma_wait3A_66 = arith.constant 0 : i32
      %dma_wait3A_67 = arith.constant 0 : i32
      %dma_wait3A_68 = tpu.memref_slice %arg2[%dma_wait3A_66, %dma_wait3A_67] : memref<10240x128xf32, #tpu.memory_space<hbm>> -> memref<10240x128xf32, #tpu.memory_space<hbm>>
      tpu.wait_indirect_dma semaphore(%arg13 : memref<!tpu.dma_semaphore, #tpu.memory_space<semaphore_mem>>) src(%dma_wait3A_68 : memref<10240x128xf32, #tpu.memory_space<hbm>>) dst(%dma_wait3A_63 : memref<64x128xf32, #tpu.memory_space<vmem>>)
      %dma_wait3A_69 = arith.constant 64 : i32
      %dma_wait3A_70 = arith.constant 0 : i32
      %dma_wait3A_71 = tpu.memref_slice %arg10[%dma_wait3A_69, %dma_wait3A_70] : memref<128x128xf32, #tpu.memory_space<vmem>> -> memref<64x128xf32, #tpu.memory_space<vmem>>
      %dma_wait3A_72 = arith.constant 64 : i32
      %dma_wait3A_73 = tpu.memref_slice %arg7[%dma_wait3A_72] : memref<128xi32, #tpu.memory_space<vmem>> -> memref<64xi32, #tpu.memory_space<vmem>>
      %dma_wait3A_74 = arith.constant 0 : i32
      %dma_wait3A_75 = arith.constant 0 : i32
      %dma_wait3A_76 = tpu.memref_slice %arg2[%dma_wait3A_74, %dma_wait3A_75] : memref<10240x128xf32, #tpu.memory_space<hbm>> -> memref<10240x128xf32, #tpu.memory_space<hbm>>
      tpu.wait_indirect_dma semaphore(%arg13 : memref<!tpu.dma_semaphore, #tpu.memory_space<semaphore_mem>>) src(%dma_wait3A_76 : memref<10240x128xf32, #tpu.memory_space<hbm>>) dst(%dma_wait3A_71 : memref<64x128xf32, #tpu.memory_space<vmem>>)
      %add3A_77 = arith.constant 2 : i32
      %add3A_78 = arith.addi %add3A_58, %add3A_77 : i32
      %lt3A = arith.constant 80 : i32
      %lt3A_79 = arith.cmpi slt, %add3A_78, %lt3A : i32
      %convert_element_type3A = arith.extui %lt3A_79 : i1 to i32
      %cond3A = arith.constant 0 : i32
      %cond3A_80 = arith.cmpi ne, %convert_element_type3A, %cond3A : i32
      scf.if %cond3A_80 {
        %add3A_132 = arith.constant 2 : i32
        %add3A_133 = arith.addi %add3A_58, %add3A_132 : i32
        %dma_start3A_134 = arith.constant 0 : i32
        %dma_start3A_135 = tpu.memref_slice %arg3[%add3A, %add3A_133, %dma_start3A_134] : memref<32x80x128xi32, #tpu.memory_space<hbm>> -> memref<1x1x128xi32, #tpu.memory_space<hbm>>
        %dma_start3A_136 = tpu.memref_squeeze %dma_start3A_135 : memref<1x1x128xi32, #tpu.memory_space<hbm>> -> memref<128xi32, #tpu.memory_space<hbm>>
        %dma_start3A_137 = arith.constant 0 : i32
        %dma_start3A_138 = tpu.memref_slice %arg3[%add3A, %add3A_133, %dma_start3A_137] : memref<32x80x128xi32, #tpu.memory_space<hbm>> -> memref<1x1x128xi32, #tpu.memory_space<hbm>>
        %dma_start3A_139 = tpu.memref_squeeze %dma_start3A_138 : memref<1x1x128xi32, #tpu.memory_space<hbm>> -> memref<128xi32, #tpu.memory_space<hbm>>
        tpu.enqueue_dma source(%dma_start3A_139 : memref<128xi32, #tpu.memory_space<hbm>>) target(%arg7 : memref<128xi32, #tpu.memory_space<vmem>>) target_semaphore(%arg17 : memref<!tpu.dma_semaphore, #tpu.memory_space<semaphore_mem>>)
      } else {
      }
      %dma_start3A_81 = arith.constant 0 : i32
      %dma_start3A_82 = tpu.memref_slice %arg9[%add3A_58, %dma_start3A_81] : memref<80x128xi32, #tpu.memory_space<vmem>> -> memref<1x128xi32, #tpu.memory_space<vmem>>
      %dma_start3A_83 = tpu.memref_squeeze %dma_start3A_82 : memref<1x128xi32, #tpu.memory_space<vmem>> -> memref<128xi32, #tpu.memory_space<vmem>>
      %dma_start3A_84 = arith.constant 0 : i32
      %dma_start3A_85 = arith.constant 0 : i32
      %dma_start3A_86 = tpu.memref_slice %arg12[%dma_start3A_84, %dma_start3A_85] : memref<10240x128xf32, #tpu.memory_space<vmem_shared>> -> memref<10240x128xf32, #tpu.memory_space<vmem_shared>>
      tpu.enqueue_indirect_dma source(%arg10 : memref<128x128xf32, #tpu.memory_space<vmem>>) target(%dma_start3A_86 : memref<10240x128xf32, #tpu.memory_space<vmem_shared>>) offsets(%dma_start3A_83 : memref<128xi32, #tpu.memory_space<vmem>>) semaphore(%arg15 : memref<!tpu.dma_semaphore, #tpu.memory_space<semaphore_mem>>) {add = true}
      %lt3A_87 = arith.constant 80 : i32
      %lt3A_88 = arith.cmpi slt, %add3A_60, %lt3A_87 : i32
      %convert_element_type3A_89 = arith.extui %lt3A_88 : i1 to i32
      %cond3A_90 = arith.constant 0 : i32
      %cond3A_91 = arith.cmpi ne, %convert_element_type3A_89, %cond3A_90 : i32
      scf.if %cond3A_91 {
        %ge3A = arith.constant 1 : i32
        %ge3A_132 = arith.cmpi sge, %add3A_58, %ge3A : i32
        %convert_element_type3A_133 = arith.extui %ge3A_132 : i1 to i32
        %cond3A_134 = arith.constant 0 : i32
        %cond3A_135 = arith.cmpi ne, %convert_element_type3A_133, %cond3A_134 : i32
        scf.if %cond3A_135 {
          %sub3A = arith.constant 1 : i32
          %sub3A_158 = arith.subi %add3A_58, %sub3A : i32
          %dma_wait3A_159 = arith.constant 0 : i32
          %dma_wait3A_160 = tpu.memref_slice %arg9[%sub3A_158, %dma_wait3A_159] : memref<80x128xi32, #tpu.memory_space<vmem>> -> memref<1x128xi32, #tpu.memory_space<vmem>>
          %dma_wait3A_161 = tpu.memref_squeeze %dma_wait3A_160 : memref<1x128xi32, #tpu.memory_space<vmem>> -> memref<128xi32, #tpu.memory_space<vmem>>
          %dma_wait3A_162 = arith.constant 0 : i32
          %dma_wait3A_163 = arith.constant 0 : i32
          %dma_wait3A_164 = tpu.memref_slice %arg12[%dma_wait3A_162, %dma_wait3A_163] : memref<10240x128xf32, #tpu.memory_space<vmem_shared>> -> memref<10240x128xf32, #tpu.memory_space<vmem_shared>>
          tpu.wait_indirect_dma semaphore(%arg16 : memref<!tpu.dma_semaphore, #tpu.memory_space<semaphore_mem>>) src(%arg11 : memref<128x128xf32, #tpu.memory_space<vmem>>) dst(%dma_wait3A_164 : memref<10240x128xf32, #tpu.memory_space<vmem_shared>>)
        } else {
        }
        %dma_wait3A_136 = arith.constant 0 : i32
        %dma_wait3A_137 = tpu.memref_slice %arg3[%add3A, %add3A_60, %dma_wait3A_136] : memref<32x80x128xi32, #tpu.memory_space<hbm>> -> memref<1x1x128xi32, #tpu.memory_space<hbm>>
        %dma_wait3A_138 = tpu.memref_squeeze %dma_wait3A_137 : memref<1x1x128xi32, #tpu.memory_space<hbm>> -> memref<128xi32, #tpu.memory_space<hbm>>
        %dma_wait3A_139 = arith.constant 0 : i32
        %dma_wait3A_140 = tpu.memref_slice %arg3[%add3A, %add3A_60, %dma_wait3A_139] : memref<32x80x128xi32, #tpu.memory_space<hbm>> -> memref<1x1x128xi32, #tpu.memory_space<hbm>>
        %dma_wait3A_141 = tpu.memref_squeeze %dma_wait3A_140 : memref<1x1x128xi32, #tpu.memory_space<hbm>> -> memref<128xi32, #tpu.memory_space<hbm>>
        tpu.wait_dma2 semaphore(%arg18 : memref<!tpu.dma_semaphore, #tpu.memory_space<semaphore_mem>>) src(%dma_wait3A_141 : memref<128xi32, #tpu.memory_space<hbm>>) dst(%arg8 : memref<128xi32, #tpu.memory_space<vmem>>)
        %dma_start3A_142 = arith.constant 0 : i32
        %dma_start3A_143 = arith.constant 0 : i32
        %dma_start3A_144 = tpu.memref_slice %arg11[%dma_start3A_142, %dma_start3A_143] : memref<128x128xf32, #tpu.memory_space<vmem>> -> memref<64x128xf32, #tpu.memory_space<vmem>>
        %dma_start3A_145 = arith.constant 0 : i32
        %dma_start3A_146 = tpu.memref_slice %arg8[%dma_start3A_145] : memref<128xi32, #tpu.memory_space<vmem>> -> memref<64xi32, #tpu.memory_space<vmem>>
        %dma_start3A_147 = arith.constant 0 : i32
        %dma_start3A_148 = arith.constant 0 : i32
        %dma_start3A_149 = tpu.memref_slice %arg2[%dma_start3A_147, %dma_start3A_148] : memref<10240x128xf32, #tpu.memory_space<hbm>> -> memref<10240x128xf32, #tpu.memory_space<hbm>>
        tpu.enqueue_indirect_dma source(%dma_start3A_149 : memref<10240x128xf32, #tpu.memory_space<hbm>>) target(%dma_start3A_144 : memref<64x128xf32, #tpu.memory_space<vmem>>) offsets(%dma_start3A_146 : memref<64xi32, #tpu.memory_space<vmem>>) semaphore(%arg14 : memref<!tpu.dma_semaphore, #tpu.memory_space<semaphore_mem>>)
        %dma_start3A_150 = arith.constant 64 : i32
        %dma_start3A_151 = arith.constant 0 : i32
        %dma_start3A_152 = tpu.memref_slice %arg11[%dma_start3A_150, %dma_start3A_151] : memref<128x128xf32, #tpu.memory_space<vmem>> -> memref<64x128xf32, #tpu.memory_space<vmem>>
        %dma_start3A_153 = arith.constant 64 : i32
        %dma_start3A_154 = tpu.memref_slice %arg8[%dma_start3A_153] : memref<128xi32, #tpu.memory_space<vmem>> -> memref<64xi32, #tpu.memory_space<vmem>>
        %dma_start3A_155 = arith.constant 0 : i32
        %dma_start3A_156 = arith.constant 0 : i32
        %dma_start3A_157 = tpu.memref_slice %arg2[%dma_start3A_155, %dma_start3A_156] : memref<10240x128xf32, #tpu.memory_space<hbm>> -> memref<10240x128xf32, #tpu.memory_space<hbm>>
        tpu.enqueue_indirect_dma source(%dma_start3A_157 : memref<10240x128xf32, #tpu.memory_space<hbm>>) target(%dma_start3A_152 : memref<64x128xf32, #tpu.memory_space<vmem>>) offsets(%dma_start3A_154 : memref<64xi32, #tpu.memory_space<vmem>>) semaphore(%arg14 : memref<!tpu.dma_semaphore, #tpu.memory_space<semaphore_mem>>)
      } else {
      }
      %mul3A_92 = arith.constant 2 : i32
      %mul3A_93 = arith.muli %scan3A_54, %mul3A_92 : i32
      %add3A_94 = arith.constant 1 : i32
      %add3A_95 = arith.addi %mul3A_93, %add3A_94 : i32
      %add3A_96 = arith.constant 1 : i32
      %add3A_97 = arith.addi %add3A_95, %add3A_96 : i32
      %dma_wait3A_98 = arith.constant 0 : i32
      %dma_wait3A_99 = arith.constant 0 : i32
      %dma_wait3A_100 = tpu.memref_slice %arg11[%dma_wait3A_98, %dma_wait3A_99] : memref<128x128xf32, #tpu.memory_space<vmem>> -> memref<64x128xf32, #tpu.memory_space<vmem>>
      %dma_wait3A_101 = arith.constant 0 : i32
      %dma_wait3A_102 = tpu.memref_slice %arg8[%dma_wait3A_101] : memref<128xi32, #tpu.memory_space<vmem>> -> memref<64xi32, #tpu.memory_space<vmem>>
      %dma_wait3A_103 = arith.constant 0 : i32
      %dma_wait3A_104 = arith.constant 0 : i32
      %dma_wait3A_105 = tpu.memref_slice %arg2[%dma_wait3A_103, %dma_wait3A_104] : memref<10240x128xf32, #tpu.memory_space<hbm>> -> memref<10240x128xf32, #tpu.memory_space<hbm>>
      tpu.wait_indirect_dma semaphore(%arg14 : memref<!tpu.dma_semaphore, #tpu.memory_space<semaphore_mem>>) src(%dma_wait3A_105 : memref<10240x128xf32, #tpu.memory_space<hbm>>) dst(%dma_wait3A_100 : memref<64x128xf32, #tpu.memory_space<vmem>>)
      %dma_wait3A_106 = arith.constant 64 : i32
      %dma_wait3A_107 = arith.constant 0 : i32
      %dma_wait3A_108 = tpu.memref_slice %arg11[%dma_wait3A_106, %dma_wait3A_107] : memref<128x128xf32, #tpu.memory_space<vmem>> -> memref<64x128xf32, #tpu.memory_space<vmem>>
      %dma_wait3A_109 = arith.constant 64 : i32
      %dma_wait3A_110 = tpu.memref_slice %arg8[%dma_wait3A_109] : memref<128xi32, #tpu.memory_space<vmem>> -> memref<64xi32, #tpu.memory_space<vmem>>
      %dma_wait3A_111 = arith.constant 0 : i32
      %dma_wait3A_112 = arith.constant 0 : i32
      %dma_wait3A_113 = tpu.memref_slice %arg2[%dma_wait3A_111, %dma_wait3A_112] : memref<10240x128xf32, #tpu.memory_space<hbm>> -> memref<10240x128xf32, #tpu.memory_space<hbm>>
      tpu.wait_indirect_dma semaphore(%arg14 : memref<!tpu.dma_semaphore, #tpu.memory_space<semaphore_mem>>) src(%dma_wait3A_113 : memref<10240x128xf32, #tpu.memory_space<hbm>>) dst(%dma_wait3A_108 : memref<64x128xf32, #tpu.memory_space<vmem>>)
      %add3A_114 = arith.constant 2 : i32
      %add3A_115 = arith.addi %add3A_95, %add3A_114 : i32
      %lt3A_116 = arith.constant 80 : i32
      %lt3A_117 = arith.cmpi slt, %add3A_115, %lt3A_116 : i32
      %convert_element_type3A_118 = arith.extui %lt3A_117 : i1 to i32
      %cond3A_119 = arith.constant 0 : i32
      %cond3A_120 = arith.cmpi ne, %convert_element_type3A_118, %cond3A_119 : i32
      scf.if %cond3A_120 {
        %add3A_132 = arith.constant 2 : i32
        %add3A_133 = arith.addi %add3A_95, %add3A_132 : i32
        %dma_start3A_134 = arith.constant 0 : i32
        %dma_start3A_135 = tpu.memref_slice %arg3[%add3A, %add3A_133, %dma_start3A_134] : memref<32x80x128xi32, #tpu.memory_space<hbm>> -> memref<1x1x128xi32, #tpu.memory_space<hbm>>
        %dma_start3A_136 = tpu.memref_squeeze %dma_start3A_135 : memref<1x1x128xi32, #tpu.memory_space<hbm>> -> memref<128xi32, #tpu.memory_space<hbm>>
        %dma_start3A_137 = arith.constant 0 : i32
        %dma_start3A_138 = tpu.memref_slice %arg3[%add3A, %add3A_133, %dma_start3A_137] : memref<32x80x128xi32, #tpu.memory_space<hbm>> -> memref<1x1x128xi32, #tpu.memory_space<hbm>>
        %dma_start3A_139 = tpu.memref_squeeze %dma_start3A_138 : memref<1x1x128xi32, #tpu.memory_space<hbm>> -> memref<128xi32, #tpu.memory_space<hbm>>
        tpu.enqueue_dma source(%dma_start3A_139 : memref<128xi32, #tpu.memory_space<hbm>>) target(%arg8 : memref<128xi32, #tpu.memory_space<vmem>>) target_semaphore(%arg18 : memref<!tpu.dma_semaphore, #tpu.memory_space<semaphore_mem>>)
      } else {
      }
      %dma_start3A_121 = arith.constant 0 : i32
      %dma_start3A_122 = tpu.memref_slice %arg9[%add3A_95, %dma_start3A_121] : memref<80x128xi32, #tpu.memory_space<vmem>> -> memref<1x128xi32, #tpu.memory_space<vmem>>
      %dma_start3A_123 = tpu.memref_squeeze %dma_start3A_122 : memref<1x128xi32, #tpu.memory_space<vmem>> -> memref<128xi32, #tpu.memory_space<vmem>>
      %dma_start3A_124 = arith.constant 0 : i32
      %dma_start3A_125 = arith.constant 0 : i32
      %dma_start3A_126 = tpu.memref_slice %arg12[%dma_start3A_124, %dma_start3A_125] : memref<10240x128xf32, #tpu.memory_space<vmem_shared>> -> memref<10240x128xf32, #tpu.memory_space<vmem_shared>>
      tpu.enqueue_indirect_dma source(%arg11 : memref<128x128xf32, #tpu.memory_space<vmem>>) target(%dma_start3A_126 : memref<10240x128xf32, #tpu.memory_space<vmem_shared>>) offsets(%dma_start3A_123 : memref<128xi32, #tpu.memory_space<vmem>>) semaphore(%arg16 : memref<!tpu.dma_semaphore, #tpu.memory_space<semaphore_mem>>) {add = true}
      %lt3A_127 = arith.constant 80 : i32
      %lt3A_128 = arith.cmpi slt, %add3A_97, %lt3A_127 : i32
      %convert_element_type3A_129 = arith.extui %lt3A_128 : i1 to i32
      %cond3A_130 = arith.constant 0 : i32
      %cond3A_131 = arith.cmpi ne, %convert_element_type3A_129, %cond3A_130 : i32
      scf.if %cond3A_131 {
        %ge3A = arith.constant 1 : i32
        %ge3A_132 = arith.cmpi sge, %add3A_95, %ge3A : i32
        %convert_element_type3A_133 = arith.extui %ge3A_132 : i1 to i32
        %cond3A_134 = arith.constant 0 : i32
        %cond3A_135 = arith.cmpi ne, %convert_element_type3A_133, %cond3A_134 : i32
        scf.if %cond3A_135 {
          %sub3A = arith.constant 1 : i32
          %sub3A_158 = arith.subi %add3A_95, %sub3A : i32
          %dma_wait3A_159 = arith.constant 0 : i32
          %dma_wait3A_160 = tpu.memref_slice %arg9[%sub3A_158, %dma_wait3A_159] : memref<80x128xi32, #tpu.memory_space<vmem>> -> memref<1x128xi32, #tpu.memory_space<vmem>>
          %dma_wait3A_161 = tpu.memref_squeeze %dma_wait3A_160 : memref<1x128xi32, #tpu.memory_space<vmem>> -> memref<128xi32, #tpu.memory_space<vmem>>
          %dma_wait3A_162 = arith.constant 0 : i32
          %dma_wait3A_163 = arith.constant 0 : i32
          %dma_wait3A_164 = tpu.memref_slice %arg12[%dma_wait3A_162, %dma_wait3A_163] : memref<10240x128xf32, #tpu.memory_space<vmem_shared>> -> memref<10240x128xf32, #tpu.memory_space<vmem_shared>>
          tpu.wait_indirect_dma semaphore(%arg15 : memref<!tpu.dma_semaphore, #tpu.memory_space<semaphore_mem>>) src(%arg10 : memref<128x128xf32, #tpu.memory_space<vmem>>) dst(%dma_wait3A_164 : memref<10240x128xf32, #tpu.memory_space<vmem_shared>>)
        } else {
        }
        %dma_wait3A_136 = arith.constant 0 : i32
        %dma_wait3A_137 = tpu.memref_slice %arg3[%add3A, %add3A_97, %dma_wait3A_136] : memref<32x80x128xi32, #tpu.memory_space<hbm>> -> memref<1x1x128xi32, #tpu.memory_space<hbm>>
        %dma_wait3A_138 = tpu.memref_squeeze %dma_wait3A_137 : memref<1x1x128xi32, #tpu.memory_space<hbm>> -> memref<128xi32, #tpu.memory_space<hbm>>
        %dma_wait3A_139 = arith.constant 0 : i32
        %dma_wait3A_140 = tpu.memref_slice %arg3[%add3A, %add3A_97, %dma_wait3A_139] : memref<32x80x128xi32, #tpu.memory_space<hbm>> -> memref<1x1x128xi32, #tpu.memory_space<hbm>>
        %dma_wait3A_141 = tpu.memref_squeeze %dma_wait3A_140 : memref<1x1x128xi32, #tpu.memory_space<hbm>> -> memref<128xi32, #tpu.memory_space<hbm>>
        tpu.wait_dma2 semaphore(%arg17 : memref<!tpu.dma_semaphore, #tpu.memory_space<semaphore_mem>>) src(%dma_wait3A_141 : memref<128xi32, #tpu.memory_space<hbm>>) dst(%arg7 : memref<128xi32, #tpu.memory_space<vmem>>)
        %dma_start3A_142 = arith.constant 0 : i32
        %dma_start3A_143 = arith.constant 0 : i32
        %dma_start3A_144 = tpu.memref_slice %arg10[%dma_start3A_142, %dma_start3A_143] : memref<128x128xf32, #tpu.memory_space<vmem>> -> memref<64x128xf32, #tpu.memory_space<vmem>>
        %dma_start3A_145 = arith.constant 0 : i32
        %dma_start3A_146 = tpu.memref_slice %arg7[%dma_start3A_145] : memref<128xi32, #tpu.memory_space<vmem>> -> memref<64xi32, #tpu.memory_space<vmem>>
        %dma_start3A_147 = arith.constant 0 : i32
        %dma_start3A_148 = arith.constant 0 : i32
        %dma_start3A_149 = tpu.memref_slice %arg2[%dma_start3A_147, %dma_start3A_148] : memref<10240x128xf32, #tpu.memory_space<hbm>> -> memref<10240x128xf32, #tpu.memory_space<hbm>>
        tpu.enqueue_indirect_dma source(%dma_start3A_149 : memref<10240x128xf32, #tpu.memory_space<hbm>>) target(%dma_start3A_144 : memref<64x128xf32, #tpu.memory_space<vmem>>) offsets(%dma_start3A_146 : memref<64xi32, #tpu.memory_space<vmem>>) semaphore(%arg13 : memref<!tpu.dma_semaphore, #tpu.memory_space<semaphore_mem>>)
        %dma_start3A_150 = arith.constant 64 : i32
        %dma_start3A_151 = arith.constant 0 : i32
        %dma_start3A_152 = tpu.memref_slice %arg10[%dma_start3A_150, %dma_start3A_151] : memref<128x128xf32, #tpu.memory_space<vmem>> -> memref<64x128xf32, #tpu.memory_space<vmem>>
        %dma_start3A_153 = arith.constant 64 : i32
        %dma_start3A_154 = tpu.memref_slice %arg7[%dma_start3A_153] : memref<128xi32, #tpu.memory_space<vmem>> -> memref<64xi32, #tpu.memory_space<vmem>>
        %dma_start3A_155 = arith.constant 0 : i32
        %dma_start3A_156 = arith.constant 0 : i32
        %dma_start3A_157 = tpu.memref_slice %arg2[%dma_start3A_155, %dma_start3A_156] : memref<10240x128xf32, #tpu.memory_space<hbm>> -> memref<10240x128xf32, #tpu.memory_space<hbm>>
        tpu.enqueue_indirect_dma source(%dma_start3A_157 : memref<10240x128xf32, #tpu.memory_space<hbm>>) target(%dma_start3A_152 : memref<64x128xf32, #tpu.memory_space<vmem>>) offsets(%dma_start3A_154 : memref<64xi32, #tpu.memory_space<vmem>>) semaphore(%arg13 : memref<!tpu.dma_semaphore, #tpu.memory_space<semaphore_mem>>)
      } else {
      }
    }
    %scan3A_39 = arith.constant 40 : i32
    %dma_wait3A = arith.constant 78 : i32
    %dma_wait3A_40 = arith.constant 0 : i32
    %dma_wait3A_41 = tpu.memref_slice %arg9[%dma_wait3A, %dma_wait3A_40] : memref<80x128xi32, #tpu.memory_space<vmem>> -> memref<1x128xi32, #tpu.memory_space<vmem>>
    %dma_wait3A_42 = tpu.memref_squeeze %dma_wait3A_41 : memref<1x128xi32, #tpu.memory_space<vmem>> -> memref<128xi32, #tpu.memory_space<vmem>>
    %dma_wait3A_43 = arith.constant 0 : i32
    %dma_wait3A_44 = arith.constant 0 : i32
    %dma_wait3A_45 = tpu.memref_slice %arg12[%dma_wait3A_43, %dma_wait3A_44] : memref<10240x128xf32, #tpu.memory_space<vmem_shared>> -> memref<10240x128xf32, #tpu.memory_space<vmem_shared>>
    tpu.wait_indirect_dma semaphore(%arg15 : memref<!tpu.dma_semaphore, #tpu.memory_space<semaphore_mem>>) src(%arg10 : memref<128x128xf32, #tpu.memory_space<vmem>>) dst(%dma_wait3A_45 : memref<10240x128xf32, #tpu.memory_space<vmem_shared>>)
    %dma_wait3A_46 = arith.constant 79 : i32
    %dma_wait3A_47 = arith.constant 0 : i32
    %dma_wait3A_48 = tpu.memref_slice %arg9[%dma_wait3A_46, %dma_wait3A_47] : memref<80x128xi32, #tpu.memory_space<vmem>> -> memref<1x128xi32, #tpu.memory_space<vmem>>
    %dma_wait3A_49 = tpu.memref_squeeze %dma_wait3A_48 : memref<1x128xi32, #tpu.memory_space<vmem>> -> memref<128xi32, #tpu.memory_space<vmem>>
    %dma_wait3A_50 = arith.constant 0 : i32
    %dma_wait3A_51 = arith.constant 0 : i32
    %dma_wait3A_52 = tpu.memref_slice %arg12[%dma_wait3A_50, %dma_wait3A_51] : memref<10240x128xf32, #tpu.memory_space<vmem_shared>> -> memref<10240x128xf32, #tpu.memory_space<vmem_shared>>
    tpu.wait_indirect_dma semaphore(%arg16 : memref<!tpu.dma_semaphore, #tpu.memory_space<semaphore_mem>>) src(%arg11 : memref<128x128xf32, #tpu.memory_space<vmem>>) dst(%dma_wait3A_52 : memref<10240x128xf32, #tpu.memory_space<vmem_shared>>)
    %barrier3A_53 = arith.constant 0 : index
    tpu.barrier barrier_id(%barrier3A_53)
    "tpu.region"() ({
      %run_scoped3A_54 = tpu.sem_alloc : memref<!tpu.dma_semaphore, #tpu.memory_space<semaphore_mem>>
      %dma_start3A_55 = arith.constant 0 : i32
      %dma_start3A_56 = tpu.memref_slice %arg6[%arg0, %mul3A_24, %dma_start3A_55] : memref<2x10240x128xf32, #tpu.memory_space<hbm>> -> memref<1x640x128xf32, #tpu.memory_space<hbm>>
      %dma_start3A_57 = tpu.memref_squeeze %dma_start3A_56 : memref<1x640x128xf32, #tpu.memory_space<hbm>> -> memref<640x128xf32, #tpu.memory_space<hbm>>
      %dma_start3A_58 = arith.constant 0 : i32
      %dma_start3A_59 = tpu.memref_slice %arg12[%mul3A_24, %dma_start3A_58] : memref<10240x128xf32, #tpu.memory_space<vmem_shared>> -> memref<640x128xf32, #tpu.memory_space<vmem_shared>>
      tpu.enqueue_dma source(%dma_start3A_59 : memref<640x128xf32, #tpu.memory_space<vmem_shared>>) target(%dma_start3A_57 : memref<640x128xf32, #tpu.memory_space<hbm>>) target_semaphore(%run_scoped3A_54 : memref<!tpu.dma_semaphore, #tpu.memory_space<semaphore_mem>>)
      %dma_wait3A_60 = arith.constant 0 : i32
      %dma_wait3A_61 = tpu.memref_slice %arg6[%arg0, %mul3A_24, %dma_wait3A_60] : memref<2x10240x128xf32, #tpu.memory_space<hbm>> -> memref<1x640x128xf32, #tpu.memory_space<hbm>>
      %dma_wait3A_62 = tpu.memref_squeeze %dma_wait3A_61 : memref<1x640x128xf32, #tpu.memory_space<hbm>> -> memref<640x128xf32, #tpu.memory_space<hbm>>
      %dma_wait3A_63 = arith.constant 0 : i32
      %dma_wait3A_64 = tpu.memref_slice %arg12[%mul3A_24, %dma_wait3A_63] : memref<10240x128xf32, #tpu.memory_space<vmem_shared>> -> memref<640x128xf32, #tpu.memory_space<vmem_shared>>
      tpu.wait_dma2 semaphore(%run_scoped3A_54 : memref<!tpu.dma_semaphore, #tpu.memory_space<semaphore_mem>>) src(%dma_wait3A_64 : memref<640x128xf32, #tpu.memory_space<vmem_shared>>) dst(%dma_wait3A_62 : memref<640x128xf32, #tpu.memory_space<hbm>>)
      tpu.yield
    }) : () -> ()
    return
  }
}

#map = affine_map<(d0, d1) -> (0, 0)>
#map1 = affine_map<(d0, d1) -> (0, 0, 0)>
module attributes {stable_mosaic.version = 14 : i64} {
  func.func @kfn(%arg0: i32, %arg1: i32, %arg2: memref<10240x128xf32, #tpu.memory_space<hbm>>, %arg3: memref<32x80x128xi32, #tpu.memory_space<hbm>>, %arg4: memref<32x80x128xi32, #tpu.memory_space<hbm>>, %arg5: memref<128x128xf32, #tpu.memory_space<hbm>>, %arg6: memref<2x10240x128xf32, #tpu.memory_space<hbm>>, %arg7: memref<128xi32, #tpu.memory_space<vmem>>, %arg8: memref<128xi32, #tpu.memory_space<vmem>>, %arg9: memref<80x128xi32, #tpu.memory_space<vmem>>, %arg10: memref<128x128xf32, #tpu.memory_space<vmem>>, %arg11: memref<128x128xf32, #tpu.memory_space<vmem>>, %arg12: memref<10240x128xf32, #tpu.memory_space<vmem_shared>>, %arg13: memref<!tpu.dma_semaphore, #tpu.memory_space<semaphore_mem>>, %arg14: memref<!tpu.dma_semaphore, #tpu.memory_space<semaphore_mem>>, %arg15: memref<!tpu.dma_semaphore, #tpu.memory_space<semaphore_mem>>, %arg16: memref<!tpu.dma_semaphore, #tpu.memory_space<semaphore_mem>>, %arg17: memref<!tpu.dma_semaphore, #tpu.memory_space<semaphore_mem>>, %arg18: memref<!tpu.dma_semaphore, #tpu.memory_space<semaphore_mem>>) attributes {dimension_semantics = [#tpu.dimension_semantics<core_parallel>, #tpu.dimension_semantics<subcore_parallel>], iteration_bounds = array<i64: 2, 16>, scalar_prefetch = 0 : i64, scratch_operands = 12 : i64, tpu.core_type = #tpu.core_type<sc_vector_subcore>, window_params = [{transform_indices = #map}, {transform_indices = #map1}, {transform_indices = #map1}, {transform_indices = #map}, {transform_indices = #map1}]} {
    %mul3A = arith.constant 2 : i32
    %mul3A_0 = arith.muli %arg1, %mul3A : i32
    %add3A = arith.addi %mul3A_0, %arg0 : i32
    %run_scoped3A = arith.constant 0 : i32
    "tpu.region"() ({
      %run_scoped3A_54 = tpu.sem_alloc : memref<!tpu.dma_semaphore, #tpu.memory_space<semaphore_mem>>
      %dma_start3A_55 = arith.constant 0 : i32
      %dma_start3A_56 = tpu.memref_slice %arg3[%add3A, %run_scoped3A, %dma_start3A_55] : memref<32x80x128xi32, #tpu.memory_space<hbm>> -> memref<1x1x128xi32, #tpu.memory_space<hbm>>
      %dma_start3A_57 = tpu.memref_squeeze %dma_start3A_56 : memref<1x1x128xi32, #tpu.memory_space<hbm>> -> memref<128xi32, #tpu.memory_space<hbm>>
      %dma_start3A_58 = arith.constant 0 : i32
      %dma_start3A_59 = tpu.memref_slice %arg3[%add3A, %run_scoped3A, %dma_start3A_58] : memref<32x80x128xi32, #tpu.memory_space<hbm>> -> memref<1x1x128xi32, #tpu.memory_space<hbm>>
      %dma_start3A_60 = tpu.memref_squeeze %dma_start3A_59 : memref<1x1x128xi32, #tpu.memory_space<hbm>> -> memref<128xi32, #tpu.memory_space<hbm>>
      tpu.enqueue_dma source(%dma_start3A_60 : memref<128xi32, #tpu.memory_space<hbm>>) target(%arg7 : memref<128xi32, #tpu.memory_space<vmem>>) target_semaphore(%run_scoped3A_54 : memref<!tpu.dma_semaphore, #tpu.memory_space<semaphore_mem>>)
      %dma_wait3A_61 = arith.constant 0 : i32
      %dma_wait3A_62 = tpu.memref_slice %arg3[%add3A, %run_scoped3A, %dma_wait3A_61] : memref<32x80x128xi32, #tpu.memory_space<hbm>> -> memref<1x1x128xi32, #tpu.memory_space<hbm>>
      %dma_wait3A_63 = tpu.memref_squeeze %dma_wait3A_62 : memref<1x1x128xi32, #tpu.memory_space<hbm>> -> memref<128xi32, #tpu.memory_space<hbm>>
      %dma_wait3A_64 = arith.constant 0 : i32
      %dma_wait3A_65 = tpu.memref_slice %arg3[%add3A, %run_scoped3A, %dma_wait3A_64] : memref<32x80x128xi32, #tpu.memory_space<hbm>> -> memref<1x1x128xi32, #tpu.memory_space<hbm>>
      %dma_wait3A_66 = tpu.memref_squeeze %dma_wait3A_65 : memref<1x1x128xi32, #tpu.memory_space<hbm>> -> memref<128xi32, #tpu.memory_space<hbm>>
      tpu.wait_dma2 semaphore(%run_scoped3A_54 : memref<!tpu.dma_semaphore, #tpu.memory_space<semaphore_mem>>) src(%dma_wait3A_66 : memref<128xi32, #tpu.memory_space<hbm>>) dst(%arg7 : memref<128xi32, #tpu.memory_space<vmem>>)
      tpu.yield
    }) : () -> ()
    %dma_start3A = arith.constant 0 : i32
    %dma_start3A_1 = arith.constant 0 : i32
    %dma_start3A_2 = tpu.memref_slice %arg10[%dma_start3A, %dma_start3A_1] : memref<128x128xf32, #tpu.memory_space<vmem>> -> memref<64x128xf32, #tpu.memory_space<vmem>>
    %dma_start3A_3 = arith.constant 0 : i32
    %dma_start3A_4 = tpu.memref_slice %arg7[%dma_start3A_3] : memref<128xi32, #tpu.memory_space<vmem>> -> memref<64xi32, #tpu.memory_space<vmem>>
    %dma_start3A_5 = arith.constant 0 : i32
    %dma_start3A_6 = arith.constant 0 : i32
    %dma_start3A_7 = tpu.memref_slice %arg2[%dma_start3A_5, %dma_start3A_6] : memref<10240x128xf32, #tpu.memory_space<hbm>> -> memref<10240x128xf32, #tpu.memory_space<hbm>>
    tpu.enqueue_indirect_dma source(%dma_start3A_7 : memref<10240x128xf32, #tpu.memory_space<hbm>>) target(%dma_start3A_2 : memref<64x128xf32, #tpu.memory_space<vmem>>) offsets(%dma_start3A_4 : memref<64xi32, #tpu.memory_space<vmem>>) semaphore(%arg13 : memref<!tpu.dma_semaphore, #tpu.memory_space<semaphore_mem>>)
    %dma_start3A_8 = arith.constant 64 : i32
    %dma_start3A_9 = arith.constant 0 : i32
    %dma_start3A_10 = tpu.memref_slice %arg10[%dma_start3A_8, %dma_start3A_9] : memref<128x128xf32, #tpu.memory_space<vmem>> -> memref<64x128xf32, #tpu.memory_space<vmem>>
    %dma_start3A_11 = arith.constant 64 : i32
    %dma_start3A_12 = tpu.memref_slice %arg7[%dma_start3A_11] : memref<128xi32, #tpu.memory_space<vmem>> -> memref<64xi32, #tpu.memory_space<vmem>>
    %dma_start3A_13 = arith.constant 0 : i32
    %dma_start3A_14 = arith.constant 0 : i32
    %dma_start3A_15 = tpu.memref_slice %arg2[%dma_start3A_13, %dma_start3A_14] : memref<10240x128xf32, #tpu.memory_space<hbm>> -> memref<10240x128xf32, #tpu.memory_space<hbm>>
    tpu.enqueue_indirect_dma source(%dma_start3A_15 : memref<10240x128xf32, #tpu.memory_space<hbm>>) target(%dma_start3A_10 : memref<64x128xf32, #tpu.memory_space<vmem>>) offsets(%dma_start3A_12 : memref<64xi32, #tpu.memory_space<vmem>>) semaphore(%arg13 : memref<!tpu.dma_semaphore, #tpu.memory_space<semaphore_mem>>)
    %dma_start3A_16 = arith.constant 1 : i32
    %dma_start3A_17 = arith.constant 0 : i32
    %dma_start3A_18 = tpu.memref_slice %arg3[%add3A, %dma_start3A_16, %dma_start3A_17] : memref<32x80x128xi32, #tpu.memory_space<hbm>> -> memref<1x1x128xi32, #tpu.memory_space<hbm>>
    %dma_start3A_19 = tpu.memref_squeeze %dma_start3A_18 : memref<1x1x128xi32, #tpu.memory_space<hbm>> -> memref<128xi32, #tpu.memory_space<hbm>>
    %dma_start3A_20 = arith.constant 0 : i32
    %dma_start3A_21 = tpu.memref_slice %arg3[%add3A, %dma_start3A_16, %dma_start3A_20] : memref<32x80x128xi32, #tpu.memory_space<hbm>> -> memref<1x1x128xi32, #tpu.memory_space<hbm>>
    %dma_start3A_22 = tpu.memref_squeeze %dma_start3A_21 : memref<1x1x128xi32, #tpu.memory_space<hbm>> -> memref<128xi32, #tpu.memory_space<hbm>>
    tpu.enqueue_dma source(%dma_start3A_22 : memref<128xi32, #tpu.memory_space<hbm>>) target(%arg8 : memref<128xi32, #tpu.memory_space<vmem>>) target_semaphore(%arg18 : memref<!tpu.dma_semaphore, #tpu.memory_space<semaphore_mem>>)
    "tpu.region"() ({
      %run_scoped3A_54 = tpu.sem_alloc : memref<!tpu.dma_semaphore, #tpu.memory_space<semaphore_mem>>
      %dma_start3A_55 = arith.constant 0 : i32
      %dma_start3A_56 = arith.constant 0 : i32
      %dma_start3A_57 = tpu.memref_slice %arg4[%add3A, %dma_start3A_55, %dma_start3A_56] : memref<32x80x128xi32, #tpu.memory_space<hbm>> -> memref<1x80x128xi32, #tpu.memory_space<hbm>>
      %dma_start3A_58 = tpu.memref_squeeze %dma_start3A_57 : memref<1x80x128xi32, #tpu.memory_space<hbm>> -> memref<80x128xi32, #tpu.memory_space<hbm>>
      %dma_start3A_59 = arith.constant 0 : i32
      %dma_start3A_60 = arith.constant 0 : i32
      %dma_start3A_61 = tpu.memref_slice %arg4[%add3A, %dma_start3A_59, %dma_start3A_60] : memref<32x80x128xi32, #tpu.memory_space<hbm>> -> memref<1x80x128xi32, #tpu.memory_space<hbm>>
      %dma_start3A_62 = tpu.memref_squeeze %dma_start3A_61 : memref<1x80x128xi32, #tpu.memory_space<hbm>> -> memref<80x128xi32, #tpu.memory_space<hbm>>
      tpu.enqueue_dma source(%dma_start3A_62 : memref<80x128xi32, #tpu.memory_space<hbm>>) target(%arg9 : memref<80x128xi32, #tpu.memory_space<vmem>>) target_semaphore(%run_scoped3A_54 : memref<!tpu.dma_semaphore, #tpu.memory_space<semaphore_mem>>)
      %dma_wait3A_63 = arith.constant 0 : i32
      %dma_wait3A_64 = arith.constant 0 : i32
      %dma_wait3A_65 = tpu.memref_slice %arg4[%add3A, %dma_wait3A_63, %dma_wait3A_64] : memref<32x80x128xi32, #tpu.memory_space<hbm>> -> memref<1x80x128xi32, #tpu.memory_space<hbm>>
      %dma_wait3A_66 = tpu.memref_squeeze %dma_wait3A_65 : memref<1x80x128xi32, #tpu.memory_space<hbm>> -> memref<80x128xi32, #tpu.memory_space<hbm>>
      %dma_wait3A_67 = arith.constant 0 : i32
      %dma_wait3A_68 = arith.constant 0 : i32
      %dma_wait3A_69 = tpu.memref_slice %arg4[%add3A, %dma_wait3A_67, %dma_wait3A_68] : memref<32x80x128xi32, #tpu.memory_space<hbm>> -> memref<1x80x128xi32, #tpu.memory_space<hbm>>
      %dma_wait3A_70 = tpu.memref_squeeze %dma_wait3A_69 : memref<1x80x128xi32, #tpu.memory_space<hbm>> -> memref<80x128xi32, #tpu.memory_space<hbm>>
      tpu.wait_dma2 semaphore(%run_scoped3A_54 : memref<!tpu.dma_semaphore, #tpu.memory_space<semaphore_mem>>) src(%dma_wait3A_70 : memref<80x128xi32, #tpu.memory_space<hbm>>) dst(%arg9 : memref<80x128xi32, #tpu.memory_space<vmem>>)
      tpu.yield
    }) : () -> ()
    "tpu.region"() ({
      %run_scoped3A_54 = tpu.sem_alloc : memref<!tpu.dma_semaphore, #tpu.memory_space<semaphore_mem>>
      tpu.enqueue_dma source(%arg5 : memref<128x128xf32, #tpu.memory_space<hbm>>) target(%arg11 : memref<128x128xf32, #tpu.memory_space<vmem>>) target_semaphore(%run_scoped3A_54 : memref<!tpu.dma_semaphore, #tpu.memory_space<semaphore_mem>>)
      tpu.wait_dma2 semaphore(%run_scoped3A_54 : memref<!tpu.dma_semaphore, #tpu.memory_space<semaphore_mem>>) src(%arg5 : memref<128x128xf32, #tpu.memory_space<hbm>>) dst(%arg11 : memref<128x128xf32, #tpu.memory_space<vmem>>)
      tpu.yield
    }) : () -> ()
    %mul3A_23 = arith.constant 640 : i32
    %mul3A_24 = arith.muli %arg1, %mul3A_23 : i32
    %add3A_25 = arith.constant 0 : i32
    %add3A_26 = arith.addi %mul3A_24, %add3A_25 : i32
    "tpu.region"() ({
      %run_scoped3A_54 = tpu.sem_alloc : memref<!tpu.dma_semaphore, #tpu.memory_space<semaphore_mem>>
      %dma_start3A_55 = arith.constant 0 : i32
      %dma_start3A_56 = tpu.memref_slice %arg12[%add3A_26, %dma_start3A_55] : memref<10240x128xf32, #tpu.memory_space<vmem_shared>> -> memref<128x128xf32, #tpu.memory_space<vmem_shared>>
      %dma_start3A_57 = arith.constant 0 : i32
      %dma_start3A_58 = tpu.memref_slice %arg12[%add3A_26, %dma_start3A_57] : memref<10240x128xf32, #tpu.memory_space<vmem_shared>> -> memref<128x128xf32, #tpu.memory_space<vmem_shared>>
      tpu.enqueue_dma source(%arg11 : memref<128x128xf32, #tpu.memory_space<vmem>>) target(%dma_start3A_58 : memref<128x128xf32, #tpu.memory_space<vmem_shared>>) target_semaphore(%run_scoped3A_54 : memref<!tpu.dma_semaphore, #tpu.memory_space<semaphore_mem>>)
      %dma_wait3A_59 = arith.constant 0 : i32
      %dma_wait3A_60 = tpu.memref_slice %arg12[%add3A_26, %dma_wait3A_59] : memref<10240x128xf32, #tpu.memory_space<vmem_shared>> -> memref<128x128xf32, #tpu.memory_space<vmem_shared>>
      %dma_wait3A_61 = arith.constant 0 : i32
      %dma_wait3A_62 = tpu.memref_slice %arg12[%add3A_26, %dma_wait3A_61] : memref<10240x128xf32, #tpu.memory_space<vmem_shared>> -> memref<128x128xf32, #tpu.memory_space<vmem_shared>>
      tpu.wait_dma2 semaphore(%run_scoped3A_54 : memref<!tpu.dma_semaphore, #tpu.memory_space<semaphore_mem>>) src(%arg11 : memref<128x128xf32, #tpu.memory_space<vmem>>) dst(%dma_wait3A_62 : memref<128x128xf32, #tpu.memory_space<vmem_shared>>)
      tpu.yield
    }) : () -> ()
    %add3A_27 = arith.constant 128 : i32
    %add3A_28 = arith.addi %mul3A_24, %add3A_27 : i32
    "tpu.region"() ({
      %run_scoped3A_54 = tpu.sem_alloc : memref<!tpu.dma_semaphore, #tpu.memory_space<semaphore_mem>>
      %dma_start3A_55 = arith.constant 0 : i32
      %dma_start3A_56 = tpu.memref_slice %arg12[%add3A_28, %dma_start3A_55] : memref<10240x128xf32, #tpu.memory_space<vmem_shared>> -> memref<128x128xf32, #tpu.memory_space<vmem_shared>>
      %dma_start3A_57 = arith.constant 0 : i32
      %dma_start3A_58 = tpu.memref_slice %arg12[%add3A_28, %dma_start3A_57] : memref<10240x128xf32, #tpu.memory_space<vmem_shared>> -> memref<128x128xf32, #tpu.memory_space<vmem_shared>>
      tpu.enqueue_dma source(%arg11 : memref<128x128xf32, #tpu.memory_space<vmem>>) target(%dma_start3A_58 : memref<128x128xf32, #tpu.memory_space<vmem_shared>>) target_semaphore(%run_scoped3A_54 : memref<!tpu.dma_semaphore, #tpu.memory_space<semaphore_mem>>)
      %dma_wait3A_59 = arith.constant 0 : i32
      %dma_wait3A_60 = tpu.memref_slice %arg12[%add3A_28, %dma_wait3A_59] : memref<10240x128xf32, #tpu.memory_space<vmem_shared>> -> memref<128x128xf32, #tpu.memory_space<vmem_shared>>
      %dma_wait3A_61 = arith.constant 0 : i32
      %dma_wait3A_62 = tpu.memref_slice %arg12[%add3A_28, %dma_wait3A_61] : memref<10240x128xf32, #tpu.memory_space<vmem_shared>> -> memref<128x128xf32, #tpu.memory_space<vmem_shared>>
      tpu.wait_dma2 semaphore(%run_scoped3A_54 : memref<!tpu.dma_semaphore, #tpu.memory_space<semaphore_mem>>) src(%arg11 : memref<128x128xf32, #tpu.memory_space<vmem>>) dst(%dma_wait3A_62 : memref<128x128xf32, #tpu.memory_space<vmem_shared>>)
      tpu.yield
    }) : () -> ()
    %add3A_29 = arith.constant 256 : i32
    %add3A_30 = arith.addi %mul3A_24, %add3A_29 : i32
    "tpu.region"() ({
      %run_scoped3A_54 = tpu.sem_alloc : memref<!tpu.dma_semaphore, #tpu.memory_space<semaphore_mem>>
      %dma_start3A_55 = arith.constant 0 : i32
      %dma_start3A_56 = tpu.memref_slice %arg12[%add3A_30, %dma_start3A_55] : memref<10240x128xf32, #tpu.memory_space<vmem_shared>> -> memref<128x128xf32, #tpu.memory_space<vmem_shared>>
      %dma_start3A_57 = arith.constant 0 : i32
      %dma_start3A_58 = tpu.memref_slice %arg12[%add3A_30, %dma_start3A_57] : memref<10240x128xf32, #tpu.memory_space<vmem_shared>> -> memref<128x128xf32, #tpu.memory_space<vmem_shared>>
      tpu.enqueue_dma source(%arg11 : memref<128x128xf32, #tpu.memory_space<vmem>>) target(%dma_start3A_58 : memref<128x128xf32, #tpu.memory_space<vmem_shared>>) target_semaphore(%run_scoped3A_54 : memref<!tpu.dma_semaphore, #tpu.memory_space<semaphore_mem>>)
      %dma_wait3A_59 = arith.constant 0 : i32
      %dma_wait3A_60 = tpu.memref_slice %arg12[%add3A_30, %dma_wait3A_59] : memref<10240x128xf32, #tpu.memory_space<vmem_shared>> -> memref<128x128xf32, #tpu.memory_space<vmem_shared>>
      %dma_wait3A_61 = arith.constant 0 : i32
      %dma_wait3A_62 = tpu.memref_slice %arg12[%add3A_30, %dma_wait3A_61] : memref<10240x128xf32, #tpu.memory_space<vmem_shared>> -> memref<128x128xf32, #tpu.memory_space<vmem_shared>>
      tpu.wait_dma2 semaphore(%run_scoped3A_54 : memref<!tpu.dma_semaphore, #tpu.memory_space<semaphore_mem>>) src(%arg11 : memref<128x128xf32, #tpu.memory_space<vmem>>) dst(%dma_wait3A_62 : memref<128x128xf32, #tpu.memory_space<vmem_shared>>)
      tpu.yield
    }) : () -> ()
    %add3A_31 = arith.constant 384 : i32
    %add3A_32 = arith.addi %mul3A_24, %add3A_31 : i32
    "tpu.region"() ({
      %run_scoped3A_54 = tpu.sem_alloc : memref<!tpu.dma_semaphore, #tpu.memory_space<semaphore_mem>>
      %dma_start3A_55 = arith.constant 0 : i32
      %dma_start3A_56 = tpu.memref_slice %arg12[%add3A_32, %dma_start3A_55] : memref<10240x128xf32, #tpu.memory_space<vmem_shared>> -> memref<128x128xf32, #tpu.memory_space<vmem_shared>>
      %dma_start3A_57 = arith.constant 0 : i32
      %dma_start3A_58 = tpu.memref_slice %arg12[%add3A_32, %dma_start3A_57] : memref<10240x128xf32, #tpu.memory_space<vmem_shared>> -> memref<128x128xf32, #tpu.memory_space<vmem_shared>>
      tpu.enqueue_dma source(%arg11 : memref<128x128xf32, #tpu.memory_space<vmem>>) target(%dma_start3A_58 : memref<128x128xf32, #tpu.memory_space<vmem_shared>>) target_semaphore(%run_scoped3A_54 : memref<!tpu.dma_semaphore, #tpu.memory_space<semaphore_mem>>)
      %dma_wait3A_59 = arith.constant 0 : i32
      %dma_wait3A_60 = tpu.memref_slice %arg12[%add3A_32, %dma_wait3A_59] : memref<10240x128xf32, #tpu.memory_space<vmem_shared>> -> memref<128x128xf32, #tpu.memory_space<vmem_shared>>
      %dma_wait3A_61 = arith.constant 0 : i32
      %dma_wait3A_62 = tpu.memref_slice %arg12[%add3A_32, %dma_wait3A_61] : memref<10240x128xf32, #tpu.memory_space<vmem_shared>> -> memref<128x128xf32, #tpu.memory_space<vmem_shared>>
      tpu.wait_dma2 semaphore(%run_scoped3A_54 : memref<!tpu.dma_semaphore, #tpu.memory_space<semaphore_mem>>) src(%arg11 : memref<128x128xf32, #tpu.memory_space<vmem>>) dst(%dma_wait3A_62 : memref<128x128xf32, #tpu.memory_space<vmem_shared>>)
      tpu.yield
    }) : () -> ()
    %add3A_33 = arith.constant 512 : i32
    %add3A_34 = arith.addi %mul3A_24, %add3A_33 : i32
    "tpu.region"() ({
      %run_scoped3A_54 = tpu.sem_alloc : memref<!tpu.dma_semaphore, #tpu.memory_space<semaphore_mem>>
      %dma_start3A_55 = arith.constant 0 : i32
      %dma_start3A_56 = tpu.memref_slice %arg12[%add3A_34, %dma_start3A_55] : memref<10240x128xf32, #tpu.memory_space<vmem_shared>> -> memref<128x128xf32, #tpu.memory_space<vmem_shared>>
      %dma_start3A_57 = arith.constant 0 : i32
      %dma_start3A_58 = tpu.memref_slice %arg12[%add3A_34, %dma_start3A_57] : memref<10240x128xf32, #tpu.memory_space<vmem_shared>> -> memref<128x128xf32, #tpu.memory_space<vmem_shared>>
      tpu.enqueue_dma source(%arg11 : memref<128x128xf32, #tpu.memory_space<vmem>>) target(%dma_start3A_58 : memref<128x128xf32, #tpu.memory_space<vmem_shared>>) target_semaphore(%run_scoped3A_54 : memref<!tpu.dma_semaphore, #tpu.memory_space<semaphore_mem>>)
      %dma_wait3A_59 = arith.constant 0 : i32
      %dma_wait3A_60 = tpu.memref_slice %arg12[%add3A_34, %dma_wait3A_59] : memref<10240x128xf32, #tpu.memory_space<vmem_shared>> -> memref<128x128xf32, #tpu.memory_space<vmem_shared>>
      %dma_wait3A_61 = arith.constant 0 : i32
      %dma_wait3A_62 = tpu.memref_slice %arg12[%add3A_34, %dma_wait3A_61] : memref<10240x128xf32, #tpu.memory_space<vmem_shared>> -> memref<128x128xf32, #tpu.memory_space<vmem_shared>>
      tpu.wait_dma2 semaphore(%run_scoped3A_54 : memref<!tpu.dma_semaphore, #tpu.memory_space<semaphore_mem>>) src(%arg11 : memref<128x128xf32, #tpu.memory_space<vmem>>) dst(%dma_wait3A_62 : memref<128x128xf32, #tpu.memory_space<vmem_shared>>)
      tpu.yield
    }) : () -> ()
    %barrier3A = arith.constant 0 : index
    tpu.barrier barrier_id(%barrier3A)
    %scan3A = arith.constant 0 : i32
    %scan3A_35 = arith.constant 0 : i32
    %scan3A_36 = arith.constant 40 : i32
    %scan3A_37 = arith.addi %scan3A_35, %scan3A_36 : i32
    %scan3A_38 = arith.constant 1 : i32
    scf.for %scan3A_54 = %scan3A_35 to %scan3A_37 step %scan3A_38  : i32 {
      %mul3A_55 = arith.constant 2 : i32
      %mul3A_56 = arith.muli %scan3A_54, %mul3A_55 : i32
      %add3A_57 = arith.constant 0 : i32
      %add3A_58 = arith.addi %mul3A_56, %add3A_57 : i32
      %add3A_59 = arith.constant 1 : i32
      %add3A_60 = arith.addi %add3A_58, %add3A_59 : i32
      %dma_wait3A_61 = arith.constant 0 : i32
      %dma_wait3A_62 = arith.constant 0 : i32
      %dma_wait3A_63 = tpu.memref_slice %arg10[%dma_wait3A_61, %dma_wait3A_62] : memref<128x128xf32, #tpu.memory_space<vmem>> -> memref<64x128xf32, #tpu.memory_space<vmem>>
      %dma_wait3A_64 = arith.constant 0 : i32
      %dma_wait3A_65 = tpu.memref_slice %arg7[%dma_wait3A_64] : memref<128xi32, #tpu.memory_space<vmem>> -> memref<64xi32, #tpu.memory_space<vmem>>
      %dma_wait3A_66 = arith.constant 0 : i32
      %dma_wait3A_67 = arith.constant 0 : i32
      %dma_wait3A_68 = tpu.memref_slice %arg2[%dma_wait3A_66, %dma_wait3A_67] : memref<10240x128xf32, #tpu.memory_space<hbm>> -> memref<10240x128xf32, #tpu.memory_space<hbm>>
      tpu.wait_indirect_dma semaphore(%arg13 : memref<!tpu.dma_semaphore, #tpu.memory_space<semaphore_mem>>) src(%dma_wait3A_68 : memref<10240x128xf32, #tpu.memory_space<hbm>>) dst(%dma_wait3A_63 : memref<64x128xf32, #tpu.memory_space<vmem>>)
      %dma_wait3A_69 = arith.constant 64 : i32
      %dma_wait3A_70 = arith.constant 0 : i32
      %dma_wait3A_71 = tpu.memref_slice %arg10[%dma_wait3A_69, %dma_wait3A_70] : memref<128x128xf32, #tpu.memory_space<vmem>> -> memref<64x128xf32, #tpu.memory_space<vmem>>
      %dma_wait3A_72 = arith.constant 64 : i32
      %dma_wait3A_73 = tpu.memref_slice %arg7[%dma_wait3A_72] : memref<128xi32, #tpu.memory_space<vmem>> -> memref<64xi32, #tpu.memory_space<vmem>>
      %dma_wait3A_74 = arith.constant 0 : i32
      %dma_wait3A_75 = arith.constant 0 : i32
      %dma_wait3A_76 = tpu.memref_slice %arg2[%dma_wait3A_74, %dma_wait3A_75] : memref<10240x128xf32, #tpu.memory_space<hbm>> -> memref<10240x128xf32, #tpu.memory_space<hbm>>
      tpu.wait_indirect_dma semaphore(%arg13 : memref<!tpu.dma_semaphore, #tpu.memory_space<semaphore_mem>>) src(%dma_wait3A_76 : memref<10240x128xf32, #tpu.memory_space<hbm>>) dst(%dma_wait3A_71 : memref<64x128xf32, #tpu.memory_space<vmem>>)
      %add3A_77 = arith.constant 2 : i32
      %add3A_78 = arith.addi %add3A_58, %add3A_77 : i32
      %lt3A = arith.constant 80 : i32
      %lt3A_79 = arith.cmpi slt, %add3A_78, %lt3A : i32
      %convert_element_type3A = arith.extui %lt3A_79 : i1 to i32
      %cond3A = arith.constant 0 : i32
      %cond3A_80 = arith.cmpi ne, %convert_element_type3A, %cond3A : i32
      scf.if %cond3A_80 {
        %add3A_132 = arith.constant 2 : i32
        %add3A_133 = arith.addi %add3A_58, %add3A_132 : i32
        %dma_start3A_134 = arith.constant 0 : i32
        %dma_start3A_135 = tpu.memref_slice %arg3[%add3A, %add3A_133, %dma_start3A_134] : memref<32x80x128xi32, #tpu.memory_space<hbm>> -> memref<1x1x128xi32, #tpu.memory_space<hbm>>
        %dma_start3A_136 = tpu.memref_squeeze %dma_start3A_135 : memref<1x1x128xi32, #tpu.memory_space<hbm>> -> memref<128xi32, #tpu.memory_space<hbm>>
        %dma_start3A_137 = arith.constant 0 : i32
        %dma_start3A_138 = tpu.memref_slice %arg3[%add3A, %add3A_133, %dma_start3A_137] : memref<32x80x128xi32, #tpu.memory_space<hbm>> -> memref<1x1x128xi32, #tpu.memory_space<hbm>>
        %dma_start3A_139 = tpu.memref_squeeze %dma_start3A_138 : memref<1x1x128xi32, #tpu.memory_space<hbm>> -> memref<128xi32, #tpu.memory_space<hbm>>
        tpu.enqueue_dma source(%dma_start3A_139 : memref<128xi32, #tpu.memory_space<hbm>>) target(%arg7 : memref<128xi32, #tpu.memory_space<vmem>>) target_semaphore(%arg17 : memref<!tpu.dma_semaphore, #tpu.memory_space<semaphore_mem>>)
      } else {
      }
      %dma_start3A_81 = arith.constant 0 : i32
      %dma_start3A_82 = tpu.memref_slice %arg9[%add3A_58, %dma_start3A_81] : memref<80x128xi32, #tpu.memory_space<vmem>> -> memref<1x128xi32, #tpu.memory_space<vmem>>
      %dma_start3A_83 = tpu.memref_squeeze %dma_start3A_82 : memref<1x128xi32, #tpu.memory_space<vmem>> -> memref<128xi32, #tpu.memory_space<vmem>>
      %dma_start3A_84 = arith.constant 0 : i32
      %dma_start3A_85 = arith.constant 0 : i32
      %dma_start3A_86 = tpu.memref_slice %arg12[%dma_start3A_84, %dma_start3A_85] : memref<10240x128xf32, #tpu.memory_space<vmem_shared>> -> memref<10240x128xf32, #tpu.memory_space<vmem_shared>>
      tpu.enqueue_indirect_dma source(%arg10 : memref<128x128xf32, #tpu.memory_space<vmem>>) target(%dma_start3A_86 : memref<10240x128xf32, #tpu.memory_space<vmem_shared>>) offsets(%dma_start3A_83 : memref<128xi32, #tpu.memory_space<vmem>>) semaphore(%arg15 : memref<!tpu.dma_semaphore, #tpu.memory_space<semaphore_mem>>) {add = true}
      %lt3A_87 = arith.constant 80 : i32
      %lt3A_88 = arith.cmpi slt, %add3A_60, %lt3A_87 : i32
      %convert_element_type3A_89 = arith.extui %lt3A_88 : i1 to i32
      %cond3A_90 = arith.constant 0 : i32
      %cond3A_91 = arith.cmpi ne, %convert_element_type3A_89, %cond3A_90 : i32
      scf.if %cond3A_91 {
        %ge3A = arith.constant 1 : i32
        %ge3A_132 = arith.cmpi sge, %add3A_58, %ge3A : i32
        %convert_element_type3A_133 = arith.extui %ge3A_132 : i1 to i32
        %cond3A_134 = arith.constant 0 : i32
        %cond3A_135 = arith.cmpi ne, %convert_element_type3A_133, %cond3A_134 : i32
        scf.if %cond3A_135 {
          %sub3A = arith.constant 1 : i32
          %sub3A_158 = arith.subi %add3A_58, %sub3A : i32
          %dma_wait3A_159 = arith.constant 0 : i32
          %dma_wait3A_160 = tpu.memref_slice %arg9[%sub3A_158, %dma_wait3A_159] : memref<80x128xi32, #tpu.memory_space<vmem>> -> memref<1x128xi32, #tpu.memory_space<vmem>>
          %dma_wait3A_161 = tpu.memref_squeeze %dma_wait3A_160 : memref<1x128xi32, #tpu.memory_space<vmem>> -> memref<128xi32, #tpu.memory_space<vmem>>
          %dma_wait3A_162 = arith.constant 0 : i32
          %dma_wait3A_163 = arith.constant 0 : i32
          %dma_wait3A_164 = tpu.memref_slice %arg12[%dma_wait3A_162, %dma_wait3A_163] : memref<10240x128xf32, #tpu.memory_space<vmem_shared>> -> memref<10240x128xf32, #tpu.memory_space<vmem_shared>>
          tpu.wait_indirect_dma semaphore(%arg16 : memref<!tpu.dma_semaphore, #tpu.memory_space<semaphore_mem>>) src(%arg11 : memref<128x128xf32, #tpu.memory_space<vmem>>) dst(%dma_wait3A_164 : memref<10240x128xf32, #tpu.memory_space<vmem_shared>>)
        } else {
        }
        %dma_wait3A_136 = arith.constant 0 : i32
        %dma_wait3A_137 = tpu.memref_slice %arg3[%add3A, %add3A_60, %dma_wait3A_136] : memref<32x80x128xi32, #tpu.memory_space<hbm>> -> memref<1x1x128xi32, #tpu.memory_space<hbm>>
        %dma_wait3A_138 = tpu.memref_squeeze %dma_wait3A_137 : memref<1x1x128xi32, #tpu.memory_space<hbm>> -> memref<128xi32, #tpu.memory_space<hbm>>
        %dma_wait3A_139 = arith.constant 0 : i32
        %dma_wait3A_140 = tpu.memref_slice %arg3[%add3A, %add3A_60, %dma_wait3A_139] : memref<32x80x128xi32, #tpu.memory_space<hbm>> -> memref<1x1x128xi32, #tpu.memory_space<hbm>>
        %dma_wait3A_141 = tpu.memref_squeeze %dma_wait3A_140 : memref<1x1x128xi32, #tpu.memory_space<hbm>> -> memref<128xi32, #tpu.memory_space<hbm>>
        tpu.wait_dma2 semaphore(%arg18 : memref<!tpu.dma_semaphore, #tpu.memory_space<semaphore_mem>>) src(%dma_wait3A_141 : memref<128xi32, #tpu.memory_space<hbm>>) dst(%arg8 : memref<128xi32, #tpu.memory_space<vmem>>)
        %dma_start3A_142 = arith.constant 0 : i32
        %dma_start3A_143 = arith.constant 0 : i32
        %dma_start3A_144 = tpu.memref_slice %arg11[%dma_start3A_142, %dma_start3A_143] : memref<128x128xf32, #tpu.memory_space<vmem>> -> memref<64x128xf32, #tpu.memory_space<vmem>>
        %dma_start3A_145 = arith.constant 0 : i32
        %dma_start3A_146 = tpu.memref_slice %arg8[%dma_start3A_145] : memref<128xi32, #tpu.memory_space<vmem>> -> memref<64xi32, #tpu.memory_space<vmem>>
        %dma_start3A_147 = arith.constant 0 : i32
        %dma_start3A_148 = arith.constant 0 : i32
        %dma_start3A_149 = tpu.memref_slice %arg2[%dma_start3A_147, %dma_start3A_148] : memref<10240x128xf32, #tpu.memory_space<hbm>> -> memref<10240x128xf32, #tpu.memory_space<hbm>>
        tpu.enqueue_indirect_dma source(%dma_start3A_149 : memref<10240x128xf32, #tpu.memory_space<hbm>>) target(%dma_start3A_144 : memref<64x128xf32, #tpu.memory_space<vmem>>) offsets(%dma_start3A_146 : memref<64xi32, #tpu.memory_space<vmem>>) semaphore(%arg14 : memref<!tpu.dma_semaphore, #tpu.memory_space<semaphore_mem>>)
        %dma_start3A_150 = arith.constant 64 : i32
        %dma_start3A_151 = arith.constant 0 : i32
        %dma_start3A_152 = tpu.memref_slice %arg11[%dma_start3A_150, %dma_start3A_151] : memref<128x128xf32, #tpu.memory_space<vmem>> -> memref<64x128xf32, #tpu.memory_space<vmem>>
        %dma_start3A_153 = arith.constant 64 : i32
        %dma_start3A_154 = tpu.memref_slice %arg8[%dma_start3A_153] : memref<128xi32, #tpu.memory_space<vmem>> -> memref<64xi32, #tpu.memory_space<vmem>>
        %dma_start3A_155 = arith.constant 0 : i32
        %dma_start3A_156 = arith.constant 0 : i32
        %dma_start3A_157 = tpu.memref_slice %arg2[%dma_start3A_155, %dma_start3A_156] : memref<10240x128xf32, #tpu.memory_space<hbm>> -> memref<10240x128xf32, #tpu.memory_space<hbm>>
        tpu.enqueue_indirect_dma source(%dma_start3A_157 : memref<10240x128xf32, #tpu.memory_space<hbm>>) target(%dma_start3A_152 : memref<64x128xf32, #tpu.memory_space<vmem>>) offsets(%dma_start3A_154 : memref<64xi32, #tpu.memory_space<vmem>>) semaphore(%arg14 : memref<!tpu.dma_semaphore, #tpu.memory_space<semaphore_mem>>)
      } else {
      }
      %mul3A_92 = arith.constant 2 : i32
      %mul3A_93 = arith.muli %scan3A_54, %mul3A_92 : i32
      %add3A_94 = arith.constant 1 : i32
      %add3A_95 = arith.addi %mul3A_93, %add3A_94 : i32
      %add3A_96 = arith.constant 1 : i32
      %add3A_97 = arith.addi %add3A_95, %add3A_96 : i32
      %dma_wait3A_98 = arith.constant 0 : i32
      %dma_wait3A_99 = arith.constant 0 : i32
      %dma_wait3A_100 = tpu.memref_slice %arg11[%dma_wait3A_98, %dma_wait3A_99] : memref<128x128xf32, #tpu.memory_space<vmem>> -> memref<64x128xf32, #tpu.memory_space<vmem>>
      %dma_wait3A_101 = arith.constant 0 : i32
      %dma_wait3A_102 = tpu.memref_slice %arg8[%dma_wait3A_101] : memref<128xi32, #tpu.memory_space<vmem>> -> memref<64xi32, #tpu.memory_space<vmem>>
      %dma_wait3A_103 = arith.constant 0 : i32
      %dma_wait3A_104 = arith.constant 0 : i32
      %dma_wait3A_105 = tpu.memref_slice %arg2[%dma_wait3A_103, %dma_wait3A_104] : memref<10240x128xf32, #tpu.memory_space<hbm>> -> memref<10240x128xf32, #tpu.memory_space<hbm>>
      tpu.wait_indirect_dma semaphore(%arg14 : memref<!tpu.dma_semaphore, #tpu.memory_space<semaphore_mem>>) src(%dma_wait3A_105 : memref<10240x128xf32, #tpu.memory_space<hbm>>) dst(%dma_wait3A_100 : memref<64x128xf32, #tpu.memory_space<vmem>>)
      %dma_wait3A_106 = arith.constant 64 : i32
      %dma_wait3A_107 = arith.constant 0 : i32
      %dma_wait3A_108 = tpu.memref_slice %arg11[%dma_wait3A_106, %dma_wait3A_107] : memref<128x128xf32, #tpu.memory_space<vmem>> -> memref<64x128xf32, #tpu.memory_space<vmem>>
      %dma_wait3A_109 = arith.constant 64 : i32
      %dma_wait3A_110 = tpu.memref_slice %arg8[%dma_wait3A_109] : memref<128xi32, #tpu.memory_space<vmem>> -> memref<64xi32, #tpu.memory_space<vmem>>
      %dma_wait3A_111 = arith.constant 0 : i32
      %dma_wait3A_112 = arith.constant 0 : i32
      %dma_wait3A_113 = tpu.memref_slice %arg2[%dma_wait3A_111, %dma_wait3A_112] : memref<10240x128xf32, #tpu.memory_space<hbm>> -> memref<10240x128xf32, #tpu.memory_space<hbm>>
      tpu.wait_indirect_dma semaphore(%arg14 : memref<!tpu.dma_semaphore, #tpu.memory_space<semaphore_mem>>) src(%dma_wait3A_113 : memref<10240x128xf32, #tpu.memory_space<hbm>>) dst(%dma_wait3A_108 : memref<64x128xf32, #tpu.memory_space<vmem>>)
      %add3A_114 = arith.constant 2 : i32
      %add3A_115 = arith.addi %add3A_95, %add3A_114 : i32
      %lt3A_116 = arith.constant 80 : i32
      %lt3A_117 = arith.cmpi slt, %add3A_115, %lt3A_116 : i32
      %convert_element_type3A_118 = arith.extui %lt3A_117 : i1 to i32
      %cond3A_119 = arith.constant 0 : i32
      %cond3A_120 = arith.cmpi ne, %convert_element_type3A_118, %cond3A_119 : i32
      scf.if %cond3A_120 {
        %add3A_132 = arith.constant 2 : i32
        %add3A_133 = arith.addi %add3A_95, %add3A_132 : i32
        %dma_start3A_134 = arith.constant 0 : i32
        %dma_start3A_135 = tpu.memref_slice %arg3[%add3A, %add3A_133, %dma_start3A_134] : memref<32x80x128xi32, #tpu.memory_space<hbm>> -> memref<1x1x128xi32, #tpu.memory_space<hbm>>
        %dma_start3A_136 = tpu.memref_squeeze %dma_start3A_135 : memref<1x1x128xi32, #tpu.memory_space<hbm>> -> memref<128xi32, #tpu.memory_space<hbm>>
        %dma_start3A_137 = arith.constant 0 : i32
        %dma_start3A_138 = tpu.memref_slice %arg3[%add3A, %add3A_133, %dma_start3A_137] : memref<32x80x128xi32, #tpu.memory_space<hbm>> -> memref<1x1x128xi32, #tpu.memory_space<hbm>>
        %dma_start3A_139 = tpu.memref_squeeze %dma_start3A_138 : memref<1x1x128xi32, #tpu.memory_space<hbm>> -> memref<128xi32, #tpu.memory_space<hbm>>
        tpu.enqueue_dma source(%dma_start3A_139 : memref<128xi32, #tpu.memory_space<hbm>>) target(%arg8 : memref<128xi32, #tpu.memory_space<vmem>>) target_semaphore(%arg18 : memref<!tpu.dma_semaphore, #tpu.memory_space<semaphore_mem>>)
      } else {
      }
      %dma_start3A_121 = arith.constant 0 : i32
      %dma_start3A_122 = tpu.memref_slice %arg9[%add3A_95, %dma_start3A_121] : memref<80x128xi32, #tpu.memory_space<vmem>> -> memref<1x128xi32, #tpu.memory_space<vmem>>
      %dma_start3A_123 = tpu.memref_squeeze %dma_start3A_122 : memref<1x128xi32, #tpu.memory_space<vmem>> -> memref<128xi32, #tpu.memory_space<vmem>>
      %dma_start3A_124 = arith.constant 0 : i32
      %dma_start3A_125 = arith.constant 0 : i32
      %dma_start3A_126 = tpu.memref_slice %arg12[%dma_start3A_124, %dma_start3A_125] : memref<10240x128xf32, #tpu.memory_space<vmem_shared>> -> memref<10240x128xf32, #tpu.memory_space<vmem_shared>>
      tpu.enqueue_indirect_dma source(%arg11 : memref<128x128xf32, #tpu.memory_space<vmem>>) target(%dma_start3A_126 : memref<10240x128xf32, #tpu.memory_space<vmem_shared>>) offsets(%dma_start3A_123 : memref<128xi32, #tpu.memory_space<vmem>>) semaphore(%arg16 : memref<!tpu.dma_semaphore, #tpu.memory_space<semaphore_mem>>) {add = true}
      %lt3A_127 = arith.constant 80 : i32
      %lt3A_128 = arith.cmpi slt, %add3A_97, %lt3A_127 : i32
      %convert_element_type3A_129 = arith.extui %lt3A_128 : i1 to i32
      %cond3A_130 = arith.constant 0 : i32
      %cond3A_131 = arith.cmpi ne, %convert_element_type3A_129, %cond3A_130 : i32
      scf.if %cond3A_131 {
        %ge3A = arith.constant 1 : i32
        %ge3A_132 = arith.cmpi sge, %add3A_95, %ge3A : i32
        %convert_element_type3A_133 = arith.extui %ge3A_132 : i1 to i32
        %cond3A_134 = arith.constant 0 : i32
        %cond3A_135 = arith.cmpi ne, %convert_element_type3A_133, %cond3A_134 : i32
        scf.if %cond3A_135 {
          %sub3A = arith.constant 1 : i32
          %sub3A_158 = arith.subi %add3A_95, %sub3A : i32
          %dma_wait3A_159 = arith.constant 0 : i32
          %dma_wait3A_160 = tpu.memref_slice %arg9[%sub3A_158, %dma_wait3A_159] : memref<80x128xi32, #tpu.memory_space<vmem>> -> memref<1x128xi32, #tpu.memory_space<vmem>>
          %dma_wait3A_161 = tpu.memref_squeeze %dma_wait3A_160 : memref<1x128xi32, #tpu.memory_space<vmem>> -> memref<128xi32, #tpu.memory_space<vmem>>
          %dma_wait3A_162 = arith.constant 0 : i32
          %dma_wait3A_163 = arith.constant 0 : i32
          %dma_wait3A_164 = tpu.memref_slice %arg12[%dma_wait3A_162, %dma_wait3A_163] : memref<10240x128xf32, #tpu.memory_space<vmem_shared>> -> memref<10240x128xf32, #tpu.memory_space<vmem_shared>>
          tpu.wait_indirect_dma semaphore(%arg15 : memref<!tpu.dma_semaphore, #tpu.memory_space<semaphore_mem>>) src(%arg10 : memref<128x128xf32, #tpu.memory_space<vmem>>) dst(%dma_wait3A_164 : memref<10240x128xf32, #tpu.memory_space<vmem_shared>>)
        } else {
        }
        %dma_wait3A_136 = arith.constant 0 : i32
        %dma_wait3A_137 = tpu.memref_slice %arg3[%add3A, %add3A_97, %dma_wait3A_136] : memref<32x80x128xi32, #tpu.memory_space<hbm>> -> memref<1x1x128xi32, #tpu.memory_space<hbm>>
        %dma_wait3A_138 = tpu.memref_squeeze %dma_wait3A_137 : memref<1x1x128xi32, #tpu.memory_space<hbm>> -> memref<128xi32, #tpu.memory_space<hbm>>
        %dma_wait3A_139 = arith.constant 0 : i32
        %dma_wait3A_140 = tpu.memref_slice %arg3[%add3A, %add3A_97, %dma_wait3A_139] : memref<32x80x128xi32, #tpu.memory_space<hbm>> -> memref<1x1x128xi32, #tpu.memory_space<hbm>>
        %dma_wait3A_141 = tpu.memref_squeeze %dma_wait3A_140 : memref<1x1x128xi32, #tpu.memory_space<hbm>> -> memref<128xi32, #tpu.memory_space<hbm>>
        tpu.wait_dma2 semaphore(%arg17 : memref<!tpu.dma_semaphore, #tpu.memory_space<semaphore_mem>>) src(%dma_wait3A_141 : memref<128xi32, #tpu.memory_space<hbm>>) dst(%arg7 : memref<128xi32, #tpu.memory_space<vmem>>)
        %dma_start3A_142 = arith.constant 0 : i32
        %dma_start3A_143 = arith.constant 0 : i32
        %dma_start3A_144 = tpu.memref_slice %arg10[%dma_start3A_142, %dma_start3A_143] : memref<128x128xf32, #tpu.memory_space<vmem>> -> memref<64x128xf32, #tpu.memory_space<vmem>>
        %dma_start3A_145 = arith.constant 0 : i32
        %dma_start3A_146 = tpu.memref_slice %arg7[%dma_start3A_145] : memref<128xi32, #tpu.memory_space<vmem>> -> memref<64xi32, #tpu.memory_space<vmem>>
        %dma_start3A_147 = arith.constant 0 : i32
        %dma_start3A_148 = arith.constant 0 : i32
        %dma_start3A_149 = tpu.memref_slice %arg2[%dma_start3A_147, %dma_start3A_148] : memref<10240x128xf32, #tpu.memory_space<hbm>> -> memref<10240x128xf32, #tpu.memory_space<hbm>>
        tpu.enqueue_indirect_dma source(%dma_start3A_149 : memref<10240x128xf32, #tpu.memory_space<hbm>>) target(%dma_start3A_144 : memref<64x128xf32, #tpu.memory_space<vmem>>) offsets(%dma_start3A_146 : memref<64xi32, #tpu.memory_space<vmem>>) semaphore(%arg13 : memref<!tpu.dma_semaphore, #tpu.memory_space<semaphore_mem>>)
        %dma_start3A_150 = arith.constant 64 : i32
        %dma_start3A_151 = arith.constant 0 : i32
        %dma_start3A_152 = tpu.memref_slice %arg10[%dma_start3A_150, %dma_start3A_151] : memref<128x128xf32, #tpu.memory_space<vmem>> -> memref<64x128xf32, #tpu.memory_space<vmem>>
        %dma_start3A_153 = arith.constant 64 : i32
        %dma_start3A_154 = tpu.memref_slice %arg7[%dma_start3A_153] : memref<128xi32, #tpu.memory_space<vmem>> -> memref<64xi32, #tpu.memory_space<vmem>>
        %dma_start3A_155 = arith.constant 0 : i32
        %dma_start3A_156 = arith.constant 0 : i32
        %dma_start3A_157 = tpu.memref_slice %arg2[%dma_start3A_155, %dma_start3A_156] : memref<10240x128xf32, #tpu.memory_space<hbm>> -> memref<10240x128xf32, #tpu.memory_space<hbm>>
        tpu.enqueue_indirect_dma source(%dma_start3A_157 : memref<10240x128xf32, #tpu.memory_space<hbm>>) target(%dma_start3A_152 : memref<64x128xf32, #tpu.memory_space<vmem>>) offsets(%dma_start3A_154 : memref<64xi32, #tpu.memory_space<vmem>>) semaphore(%arg13 : memref<!tpu.dma_semaphore, #tpu.memory_space<semaphore_mem>>)
      } else {
      }
    }
    %scan3A_39 = arith.constant 40 : i32
    %dma_wait3A = arith.constant 78 : i32
    %dma_wait3A_40 = arith.constant 0 : i32
    %dma_wait3A_41 = tpu.memref_slice %arg9[%dma_wait3A, %dma_wait3A_40] : memref<80x128xi32, #tpu.memory_space<vmem>> -> memref<1x128xi32, #tpu.memory_space<vmem>>
    %dma_wait3A_42 = tpu.memref_squeeze %dma_wait3A_41 : memref<1x128xi32, #tpu.memory_space<vmem>> -> memref<128xi32, #tpu.memory_space<vmem>>
    %dma_wait3A_43 = arith.constant 0 : i32
    %dma_wait3A_44 = arith.constant 0 : i32
    %dma_wait3A_45 = tpu.memref_slice %arg12[%dma_wait3A_43, %dma_wait3A_44] : memref<10240x128xf32, #tpu.memory_space<vmem_shared>> -> memref<10240x128xf32, #tpu.memory_space<vmem_shared>>
    tpu.wait_indirect_dma semaphore(%arg15 : memref<!tpu.dma_semaphore, #tpu.memory_space<semaphore_mem>>) src(%arg10 : memref<128x128xf32, #tpu.memory_space<vmem>>) dst(%dma_wait3A_45 : memref<10240x128xf32, #tpu.memory_space<vmem_shared>>)
    %dma_wait3A_46 = arith.constant 79 : i32
    %dma_wait3A_47 = arith.constant 0 : i32
    %dma_wait3A_48 = tpu.memref_slice %arg9[%dma_wait3A_46, %dma_wait3A_47] : memref<80x128xi32, #tpu.memory_space<vmem>> -> memref<1x128xi32, #tpu.memory_space<vmem>>
    %dma_wait3A_49 = tpu.memref_squeeze %dma_wait3A_48 : memref<1x128xi32, #tpu.memory_space<vmem>> -> memref<128xi32, #tpu.memory_space<vmem>>
    %dma_wait3A_50 = arith.constant 0 : i32
    %dma_wait3A_51 = arith.constant 0 : i32
    %dma_wait3A_52 = tpu.memref_slice %arg12[%dma_wait3A_50, %dma_wait3A_51] : memref<10240x128xf32, #tpu.memory_space<vmem_shared>> -> memref<10240x128xf32, #tpu.memory_space<vmem_shared>>
    tpu.wait_indirect_dma semaphore(%arg16 : memref<!tpu.dma_semaphore, #tpu.memory_space<semaphore_mem>>) src(%arg11 : memref<128x128xf32, #tpu.memory_space<vmem>>) dst(%dma_wait3A_52 : memref<10240x128xf32, #tpu.memory_space<vmem_shared>>)
    %barrier3A_53 = arith.constant 0 : index
    tpu.barrier barrier_id(%barrier3A_53)
    "tpu.region"() ({
      %run_scoped3A_54 = tpu.sem_alloc : memref<!tpu.dma_semaphore, #tpu.memory_space<semaphore_mem>>
      %dma_start3A_55 = arith.constant 0 : i32
      %dma_start3A_56 = tpu.memref_slice %arg6[%arg0, %mul3A_24, %dma_start3A_55] : memref<2x10240x128xf32, #tpu.memory_space<hbm>> -> memref<1x640x128xf32, #tpu.memory_space<hbm>>
      %dma_start3A_57 = tpu.memref_squeeze %dma_start3A_56 : memref<1x640x128xf32, #tpu.memory_space<hbm>> -> memref<640x128xf32, #tpu.memory_space<hbm>>
      %dma_start3A_58 = arith.constant 0 : i32
      %dma_start3A_59 = tpu.memref_slice %arg12[%mul3A_24, %dma_start3A_58] : memref<10240x128xf32, #tpu.memory_space<vmem_shared>> -> memref<640x128xf32, #tpu.memory_space<vmem_shared>>
      tpu.enqueue_dma source(%dma_start3A_59 : memref<640x128xf32, #tpu.memory_space<vmem_shared>>) target(%dma_start3A_57 : memref<640x128xf32, #tpu.memory_space<hbm>>) target_semaphore(%run_scoped3A_54 : memref<!tpu.dma_semaphore, #tpu.memory_space<semaphore_mem>>)
      %dma_wait3A_60 = arith.constant 0 : i32
      %dma_wait3A_61 = tpu.memref_slice %arg6[%arg0, %mul3A_24, %dma_wait3A_60] : memref<2x10240x128xf32, #tpu.memory_space<hbm>> -> memref<1x640x128xf32, #tpu.memory_space<hbm>>
      %dma_wait3A_62 = tpu.memref_squeeze %dma_wait3A_61 : memref<1x640x128xf32, #tpu.memory_space<hbm>> -> memref<640x128xf32, #tpu.memory_space<hbm>>
      %dma_wait3A_63 = arith.constant 0 : i32
      %dma_wait3A_64 = tpu.memref_slice %arg12[%mul3A_24, %dma_wait3A_63] : memref<10240x128xf32, #tpu.memory_space<vmem_shared>> -> memref<640x128xf32, #tpu.memory_space<vmem_shared>>
      tpu.wait_dma2 semaphore(%run_scoped3A_54 : memref<!tpu.dma_semaphore, #tpu.memory_space<semaphore_mem>>) src(%dma_wait3A_64 : memref<640x128xf32, #tpu.memory_space<vmem_shared>>) dst(%dma_wait3A_62 : memref<640x128xf32, #tpu.memory_space<hbm>>)
      tpu.yield
    }) : () -> ()
    return
  }
}

#map = affine_map<(d0, d1) -> (0, 0)>
#map1 = affine_map<(d0, d1) -> (0, 0, 0)>
module attributes {stable_mosaic.version = 14 : i64} {
  func.func @kfn(%arg0: i32, %arg1: i32, %arg2: memref<10240x128xf32, #tpu.memory_space<hbm>>, %arg3: memref<32x80x128xi32, #tpu.memory_space<hbm>>, %arg4: memref<32x80x128xi32, #tpu.memory_space<hbm>>, %arg5: memref<128x128xf32, #tpu.memory_space<hbm>>, %arg6: memref<2x10240x128xf32, #tpu.memory_space<hbm>>, %arg7: memref<128xi32, #tpu.memory_space<vmem>>, %arg8: memref<128xi32, #tpu.memory_space<vmem>>, %arg9: memref<80x128xi32, #tpu.memory_space<vmem>>, %arg10: memref<128x128xf32, #tpu.memory_space<vmem>>, %arg11: memref<128x128xf32, #tpu.memory_space<vmem>>, %arg12: memref<10240x128xf32, #tpu.memory_space<vmem_shared>>, %arg13: memref<!tpu.dma_semaphore, #tpu.memory_space<semaphore_mem>>, %arg14: memref<!tpu.dma_semaphore, #tpu.memory_space<semaphore_mem>>, %arg15: memref<!tpu.dma_semaphore, #tpu.memory_space<semaphore_mem>>, %arg16: memref<!tpu.dma_semaphore, #tpu.memory_space<semaphore_mem>>, %arg17: memref<!tpu.dma_semaphore, #tpu.memory_space<semaphore_mem>>, %arg18: memref<!tpu.dma_semaphore, #tpu.memory_space<semaphore_mem>>) attributes {dimension_semantics = [#tpu.dimension_semantics<core_parallel>, #tpu.dimension_semantics<subcore_parallel>], iteration_bounds = array<i64: 2, 16>, scalar_prefetch = 0 : i64, scratch_operands = 12 : i64, tpu.core_type = #tpu.core_type<sc_vector_subcore>, window_params = [{transform_indices = #map}, {transform_indices = #map1}, {transform_indices = #map1}, {transform_indices = #map}, {transform_indices = #map1}]} {
    %mul3A = arith.constant 2 : i32
    %mul3A_0 = arith.muli %arg1, %mul3A : i32
    %add3A = arith.addi %mul3A_0, %arg0 : i32
    %run_scoped3A = arith.constant 0 : i32
    "tpu.region"() ({
      %run_scoped3A_54 = tpu.sem_alloc : memref<!tpu.dma_semaphore, #tpu.memory_space<semaphore_mem>>
      %dma_start3A_55 = arith.constant 0 : i32
      %dma_start3A_56 = tpu.memref_slice %arg3[%add3A, %run_scoped3A, %dma_start3A_55] : memref<32x80x128xi32, #tpu.memory_space<hbm>> -> memref<1x1x128xi32, #tpu.memory_space<hbm>>
      %dma_start3A_57 = tpu.memref_squeeze %dma_start3A_56 : memref<1x1x128xi32, #tpu.memory_space<hbm>> -> memref<128xi32, #tpu.memory_space<hbm>>
      %dma_start3A_58 = arith.constant 0 : i32
      %dma_start3A_59 = tpu.memref_slice %arg3[%add3A, %run_scoped3A, %dma_start3A_58] : memref<32x80x128xi32, #tpu.memory_space<hbm>> -> memref<1x1x128xi32, #tpu.memory_space<hbm>>
      %dma_start3A_60 = tpu.memref_squeeze %dma_start3A_59 : memref<1x1x128xi32, #tpu.memory_space<hbm>> -> memref<128xi32, #tpu.memory_space<hbm>>
      tpu.enqueue_dma source(%dma_start3A_60 : memref<128xi32, #tpu.memory_space<hbm>>) target(%arg7 : memref<128xi32, #tpu.memory_space<vmem>>) target_semaphore(%run_scoped3A_54 : memref<!tpu.dma_semaphore, #tpu.memory_space<semaphore_mem>>)
      %dma_wait3A_61 = arith.constant 0 : i32
      %dma_wait3A_62 = tpu.memref_slice %arg3[%add3A, %run_scoped3A, %dma_wait3A_61] : memref<32x80x128xi32, #tpu.memory_space<hbm>> -> memref<1x1x128xi32, #tpu.memory_space<hbm>>
      %dma_wait3A_63 = tpu.memref_squeeze %dma_wait3A_62 : memref<1x1x128xi32, #tpu.memory_space<hbm>> -> memref<128xi32, #tpu.memory_space<hbm>>
      %dma_wait3A_64 = arith.constant 0 : i32
      %dma_wait3A_65 = tpu.memref_slice %arg3[%add3A, %run_scoped3A, %dma_wait3A_64] : memref<32x80x128xi32, #tpu.memory_space<hbm>> -> memref<1x1x128xi32, #tpu.memory_space<hbm>>
      %dma_wait3A_66 = tpu.memref_squeeze %dma_wait3A_65 : memref<1x1x128xi32, #tpu.memory_space<hbm>> -> memref<128xi32, #tpu.memory_space<hbm>>
      tpu.wait_dma2 semaphore(%run_scoped3A_54 : memref<!tpu.dma_semaphore, #tpu.memory_space<semaphore_mem>>) src(%dma_wait3A_66 : memref<128xi32, #tpu.memory_space<hbm>>) dst(%arg7 : memref<128xi32, #tpu.memory_space<vmem>>)
      tpu.yield
    }) : () -> ()
    %dma_start3A = arith.constant 0 : i32
    %dma_start3A_1 = arith.constant 0 : i32
    %dma_start3A_2 = tpu.memref_slice %arg10[%dma_start3A, %dma_start3A_1] : memref<128x128xf32, #tpu.memory_space<vmem>> -> memref<64x128xf32, #tpu.memory_space<vmem>>
    %dma_start3A_3 = arith.constant 0 : i32
    %dma_start3A_4 = tpu.memref_slice %arg7[%dma_start3A_3] : memref<128xi32, #tpu.memory_space<vmem>> -> memref<64xi32, #tpu.memory_space<vmem>>
    %dma_start3A_5 = arith.constant 0 : i32
    %dma_start3A_6 = arith.constant 0 : i32
    %dma_start3A_7 = tpu.memref_slice %arg2[%dma_start3A_5, %dma_start3A_6] : memref<10240x128xf32, #tpu.memory_space<hbm>> -> memref<10240x128xf32, #tpu.memory_space<hbm>>
    tpu.enqueue_indirect_dma source(%dma_start3A_7 : memref<10240x128xf32, #tpu.memory_space<hbm>>) target(%dma_start3A_2 : memref<64x128xf32, #tpu.memory_space<vmem>>) offsets(%dma_start3A_4 : memref<64xi32, #tpu.memory_space<vmem>>) semaphore(%arg13 : memref<!tpu.dma_semaphore, #tpu.memory_space<semaphore_mem>>)
    %dma_start3A_8 = arith.constant 64 : i32
    %dma_start3A_9 = arith.constant 0 : i32
    %dma_start3A_10 = tpu.memref_slice %arg10[%dma_start3A_8, %dma_start3A_9] : memref<128x128xf32, #tpu.memory_space<vmem>> -> memref<64x128xf32, #tpu.memory_space<vmem>>
    %dma_start3A_11 = arith.constant 64 : i32
    %dma_start3A_12 = tpu.memref_slice %arg7[%dma_start3A_11] : memref<128xi32, #tpu.memory_space<vmem>> -> memref<64xi32, #tpu.memory_space<vmem>>
    %dma_start3A_13 = arith.constant 0 : i32
    %dma_start3A_14 = arith.constant 0 : i32
    %dma_start3A_15 = tpu.memref_slice %arg2[%dma_start3A_13, %dma_start3A_14] : memref<10240x128xf32, #tpu.memory_space<hbm>> -> memref<10240x128xf32, #tpu.memory_space<hbm>>
    tpu.enqueue_indirect_dma source(%dma_start3A_15 : memref<10240x128xf32, #tpu.memory_space<hbm>>) target(%dma_start3A_10 : memref<64x128xf32, #tpu.memory_space<vmem>>) offsets(%dma_start3A_12 : memref<64xi32, #tpu.memory_space<vmem>>) semaphore(%arg13 : memref<!tpu.dma_semaphore, #tpu.memory_space<semaphore_mem>>)
    %dma_start3A_16 = arith.constant 1 : i32
    %dma_start3A_17 = arith.constant 0 : i32
    %dma_start3A_18 = tpu.memref_slice %arg3[%add3A, %dma_start3A_16, %dma_start3A_17] : memref<32x80x128xi32, #tpu.memory_space<hbm>> -> memref<1x1x128xi32, #tpu.memory_space<hbm>>
    %dma_start3A_19 = tpu.memref_squeeze %dma_start3A_18 : memref<1x1x128xi32, #tpu.memory_space<hbm>> -> memref<128xi32, #tpu.memory_space<hbm>>
    %dma_start3A_20 = arith.constant 0 : i32
    %dma_start3A_21 = tpu.memref_slice %arg3[%add3A, %dma_start3A_16, %dma_start3A_20] : memref<32x80x128xi32, #tpu.memory_space<hbm>> -> memref<1x1x128xi32, #tpu.memory_space<hbm>>
    %dma_start3A_22 = tpu.memref_squeeze %dma_start3A_21 : memref<1x1x128xi32, #tpu.memory_space<hbm>> -> memref<128xi32, #tpu.memory_space<hbm>>
    tpu.enqueue_dma source(%dma_start3A_22 : memref<128xi32, #tpu.memory_space<hbm>>) target(%arg8 : memref<128xi32, #tpu.memory_space<vmem>>) target_semaphore(%arg18 : memref<!tpu.dma_semaphore, #tpu.memory_space<semaphore_mem>>)
    "tpu.region"() ({
      %run_scoped3A_54 = tpu.sem_alloc : memref<!tpu.dma_semaphore, #tpu.memory_space<semaphore_mem>>
      %dma_start3A_55 = arith.constant 0 : i32
      %dma_start3A_56 = arith.constant 0 : i32
      %dma_start3A_57 = tpu.memref_slice %arg4[%add3A, %dma_start3A_55, %dma_start3A_56] : memref<32x80x128xi32, #tpu.memory_space<hbm>> -> memref<1x80x128xi32, #tpu.memory_space<hbm>>
      %dma_start3A_58 = tpu.memref_squeeze %dma_start3A_57 : memref<1x80x128xi32, #tpu.memory_space<hbm>> -> memref<80x128xi32, #tpu.memory_space<hbm>>
      %dma_start3A_59 = arith.constant 0 : i32
      %dma_start3A_60 = arith.constant 0 : i32
      %dma_start3A_61 = tpu.memref_slice %arg4[%add3A, %dma_start3A_59, %dma_start3A_60] : memref<32x80x128xi32, #tpu.memory_space<hbm>> -> memref<1x80x128xi32, #tpu.memory_space<hbm>>
      %dma_start3A_62 = tpu.memref_squeeze %dma_start3A_61 : memref<1x80x128xi32, #tpu.memory_space<hbm>> -> memref<80x128xi32, #tpu.memory_space<hbm>>
      tpu.enqueue_dma source(%dma_start3A_62 : memref<80x128xi32, #tpu.memory_space<hbm>>) target(%arg9 : memref<80x128xi32, #tpu.memory_space<vmem>>) target_semaphore(%run_scoped3A_54 : memref<!tpu.dma_semaphore, #tpu.memory_space<semaphore_mem>>)
      %dma_wait3A_63 = arith.constant 0 : i32
      %dma_wait3A_64 = arith.constant 0 : i32
      %dma_wait3A_65 = tpu.memref_slice %arg4[%add3A, %dma_wait3A_63, %dma_wait3A_64] : memref<32x80x128xi32, #tpu.memory_space<hbm>> -> memref<1x80x128xi32, #tpu.memory_space<hbm>>
      %dma_wait3A_66 = tpu.memref_squeeze %dma_wait3A_65 : memref<1x80x128xi32, #tpu.memory_space<hbm>> -> memref<80x128xi32, #tpu.memory_space<hbm>>
      %dma_wait3A_67 = arith.constant 0 : i32
      %dma_wait3A_68 = arith.constant 0 : i32
      %dma_wait3A_69 = tpu.memref_slice %arg4[%add3A, %dma_wait3A_67, %dma_wait3A_68] : memref<32x80x128xi32, #tpu.memory_space<hbm>> -> memref<1x80x128xi32, #tpu.memory_space<hbm>>
      %dma_wait3A_70 = tpu.memref_squeeze %dma_wait3A_69 : memref<1x80x128xi32, #tpu.memory_space<hbm>> -> memref<80x128xi32, #tpu.memory_space<hbm>>
      tpu.wait_dma2 semaphore(%run_scoped3A_54 : memref<!tpu.dma_semaphore, #tpu.memory_space<semaphore_mem>>) src(%dma_wait3A_70 : memref<80x128xi32, #tpu.memory_space<hbm>>) dst(%arg9 : memref<80x128xi32, #tpu.memory_space<vmem>>)
      tpu.yield
    }) : () -> ()
    "tpu.region"() ({
      %run_scoped3A_54 = tpu.sem_alloc : memref<!tpu.dma_semaphore, #tpu.memory_space<semaphore_mem>>
      tpu.enqueue_dma source(%arg5 : memref<128x128xf32, #tpu.memory_space<hbm>>) target(%arg11 : memref<128x128xf32, #tpu.memory_space<vmem>>) target_semaphore(%run_scoped3A_54 : memref<!tpu.dma_semaphore, #tpu.memory_space<semaphore_mem>>)
      tpu.wait_dma2 semaphore(%run_scoped3A_54 : memref<!tpu.dma_semaphore, #tpu.memory_space<semaphore_mem>>) src(%arg5 : memref<128x128xf32, #tpu.memory_space<hbm>>) dst(%arg11 : memref<128x128xf32, #tpu.memory_space<vmem>>)
      tpu.yield
    }) : () -> ()
    %mul3A_23 = arith.constant 640 : i32
    %mul3A_24 = arith.muli %arg1, %mul3A_23 : i32
    %add3A_25 = arith.constant 0 : i32
    %add3A_26 = arith.addi %mul3A_24, %add3A_25 : i32
    "tpu.region"() ({
      %run_scoped3A_54 = tpu.sem_alloc : memref<!tpu.dma_semaphore, #tpu.memory_space<semaphore_mem>>
      %dma_start3A_55 = arith.constant 0 : i32
      %dma_start3A_56 = tpu.memref_slice %arg12[%add3A_26, %dma_start3A_55] : memref<10240x128xf32, #tpu.memory_space<vmem_shared>> -> memref<128x128xf32, #tpu.memory_space<vmem_shared>>
      %dma_start3A_57 = arith.constant 0 : i32
      %dma_start3A_58 = tpu.memref_slice %arg12[%add3A_26, %dma_start3A_57] : memref<10240x128xf32, #tpu.memory_space<vmem_shared>> -> memref<128x128xf32, #tpu.memory_space<vmem_shared>>
      tpu.enqueue_dma source(%arg11 : memref<128x128xf32, #tpu.memory_space<vmem>>) target(%dma_start3A_58 : memref<128x128xf32, #tpu.memory_space<vmem_shared>>) target_semaphore(%run_scoped3A_54 : memref<!tpu.dma_semaphore, #tpu.memory_space<semaphore_mem>>)
      %dma_wait3A_59 = arith.constant 0 : i32
      %dma_wait3A_60 = tpu.memref_slice %arg12[%add3A_26, %dma_wait3A_59] : memref<10240x128xf32, #tpu.memory_space<vmem_shared>> -> memref<128x128xf32, #tpu.memory_space<vmem_shared>>
      %dma_wait3A_61 = arith.constant 0 : i32
      %dma_wait3A_62 = tpu.memref_slice %arg12[%add3A_26, %dma_wait3A_61] : memref<10240x128xf32, #tpu.memory_space<vmem_shared>> -> memref<128x128xf32, #tpu.memory_space<vmem_shared>>
      tpu.wait_dma2 semaphore(%run_scoped3A_54 : memref<!tpu.dma_semaphore, #tpu.memory_space<semaphore_mem>>) src(%arg11 : memref<128x128xf32, #tpu.memory_space<vmem>>) dst(%dma_wait3A_62 : memref<128x128xf32, #tpu.memory_space<vmem_shared>>)
      tpu.yield
    }) : () -> ()
    %add3A_27 = arith.constant 128 : i32
    %add3A_28 = arith.addi %mul3A_24, %add3A_27 : i32
    "tpu.region"() ({
      %run_scoped3A_54 = tpu.sem_alloc : memref<!tpu.dma_semaphore, #tpu.memory_space<semaphore_mem>>
      %dma_start3A_55 = arith.constant 0 : i32
      %dma_start3A_56 = tpu.memref_slice %arg12[%add3A_28, %dma_start3A_55] : memref<10240x128xf32, #tpu.memory_space<vmem_shared>> -> memref<128x128xf32, #tpu.memory_space<vmem_shared>>
      %dma_start3A_57 = arith.constant 0 : i32
      %dma_start3A_58 = tpu.memref_slice %arg12[%add3A_28, %dma_start3A_57] : memref<10240x128xf32, #tpu.memory_space<vmem_shared>> -> memref<128x128xf32, #tpu.memory_space<vmem_shared>>
      tpu.enqueue_dma source(%arg11 : memref<128x128xf32, #tpu.memory_space<vmem>>) target(%dma_start3A_58 : memref<128x128xf32, #tpu.memory_space<vmem_shared>>) target_semaphore(%run_scoped3A_54 : memref<!tpu.dma_semaphore, #tpu.memory_space<semaphore_mem>>)
      %dma_wait3A_59 = arith.constant 0 : i32
      %dma_wait3A_60 = tpu.memref_slice %arg12[%add3A_28, %dma_wait3A_59] : memref<10240x128xf32, #tpu.memory_space<vmem_shared>> -> memref<128x128xf32, #tpu.memory_space<vmem_shared>>
      %dma_wait3A_61 = arith.constant 0 : i32
      %dma_wait3A_62 = tpu.memref_slice %arg12[%add3A_28, %dma_wait3A_61] : memref<10240x128xf32, #tpu.memory_space<vmem_shared>> -> memref<128x128xf32, #tpu.memory_space<vmem_shared>>
      tpu.wait_dma2 semaphore(%run_scoped3A_54 : memref<!tpu.dma_semaphore, #tpu.memory_space<semaphore_mem>>) src(%arg11 : memref<128x128xf32, #tpu.memory_space<vmem>>) dst(%dma_wait3A_62 : memref<128x128xf32, #tpu.memory_space<vmem_shared>>)
      tpu.yield
    }) : () -> ()
    %add3A_29 = arith.constant 256 : i32
    %add3A_30 = arith.addi %mul3A_24, %add3A_29 : i32
    "tpu.region"() ({
      %run_scoped3A_54 = tpu.sem_alloc : memref<!tpu.dma_semaphore, #tpu.memory_space<semaphore_mem>>
      %dma_start3A_55 = arith.constant 0 : i32
      %dma_start3A_56 = tpu.memref_slice %arg12[%add3A_30, %dma_start3A_55] : memref<10240x128xf32, #tpu.memory_space<vmem_shared>> -> memref<128x128xf32, #tpu.memory_space<vmem_shared>>
      %dma_start3A_57 = arith.constant 0 : i32
      %dma_start3A_58 = tpu.memref_slice %arg12[%add3A_30, %dma_start3A_57] : memref<10240x128xf32, #tpu.memory_space<vmem_shared>> -> memref<128x128xf32, #tpu.memory_space<vmem_shared>>
      tpu.enqueue_dma source(%arg11 : memref<128x128xf32, #tpu.memory_space<vmem>>) target(%dma_start3A_58 : memref<128x128xf32, #tpu.memory_space<vmem_shared>>) target_semaphore(%run_scoped3A_54 : memref<!tpu.dma_semaphore, #tpu.memory_space<semaphore_mem>>)
      %dma_wait3A_59 = arith.constant 0 : i32
      %dma_wait3A_60 = tpu.memref_slice %arg12[%add3A_30, %dma_wait3A_59] : memref<10240x128xf32, #tpu.memory_space<vmem_shared>> -> memref<128x128xf32, #tpu.memory_space<vmem_shared>>
      %dma_wait3A_61 = arith.constant 0 : i32
      %dma_wait3A_62 = tpu.memref_slice %arg12[%add3A_30, %dma_wait3A_61] : memref<10240x128xf32, #tpu.memory_space<vmem_shared>> -> memref<128x128xf32, #tpu.memory_space<vmem_shared>>
      tpu.wait_dma2 semaphore(%run_scoped3A_54 : memref<!tpu.dma_semaphore, #tpu.memory_space<semaphore_mem>>) src(%arg11 : memref<128x128xf32, #tpu.memory_space<vmem>>) dst(%dma_wait3A_62 : memref<128x128xf32, #tpu.memory_space<vmem_shared>>)
      tpu.yield
    }) : () -> ()
    %add3A_31 = arith.constant 384 : i32
    %add3A_32 = arith.addi %mul3A_24, %add3A_31 : i32
    "tpu.region"() ({
      %run_scoped3A_54 = tpu.sem_alloc : memref<!tpu.dma_semaphore, #tpu.memory_space<semaphore_mem>>
      %dma_start3A_55 = arith.constant 0 : i32
      %dma_start3A_56 = tpu.memref_slice %arg12[%add3A_32, %dma_start3A_55] : memref<10240x128xf32, #tpu.memory_space<vmem_shared>> -> memref<128x128xf32, #tpu.memory_space<vmem_shared>>
      %dma_start3A_57 = arith.constant 0 : i32
      %dma_start3A_58 = tpu.memref_slice %arg12[%add3A_32, %dma_start3A_57] : memref<10240x128xf32, #tpu.memory_space<vmem_shared>> -> memref<128x128xf32, #tpu.memory_space<vmem_shared>>
      tpu.enqueue_dma source(%arg11 : memref<128x128xf32, #tpu.memory_space<vmem>>) target(%dma_start3A_58 : memref<128x128xf32, #tpu.memory_space<vmem_shared>>) target_semaphore(%run_scoped3A_54 : memref<!tpu.dma_semaphore, #tpu.memory_space<semaphore_mem>>)
      %dma_wait3A_59 = arith.constant 0 : i32
      %dma_wait3A_60 = tpu.memref_slice %arg12[%add3A_32, %dma_wait3A_59] : memref<10240x128xf32, #tpu.memory_space<vmem_shared>> -> memref<128x128xf32, #tpu.memory_space<vmem_shared>>
      %dma_wait3A_61 = arith.constant 0 : i32
      %dma_wait3A_62 = tpu.memref_slice %arg12[%add3A_32, %dma_wait3A_61] : memref<10240x128xf32, #tpu.memory_space<vmem_shared>> -> memref<128x128xf32, #tpu.memory_space<vmem_shared>>
      tpu.wait_dma2 semaphore(%run_scoped3A_54 : memref<!tpu.dma_semaphore, #tpu.memory_space<semaphore_mem>>) src(%arg11 : memref<128x128xf32, #tpu.memory_space<vmem>>) dst(%dma_wait3A_62 : memref<128x128xf32, #tpu.memory_space<vmem_shared>>)
      tpu.yield
    }) : () -> ()
    %add3A_33 = arith.constant 512 : i32
    %add3A_34 = arith.addi %mul3A_24, %add3A_33 : i32
    "tpu.region"() ({
      %run_scoped3A_54 = tpu.sem_alloc : memref<!tpu.dma_semaphore, #tpu.memory_space<semaphore_mem>>
      %dma_start3A_55 = arith.constant 0 : i32
      %dma_start3A_56 = tpu.memref_slice %arg12[%add3A_34, %dma_start3A_55] : memref<10240x128xf32, #tpu.memory_space<vmem_shared>> -> memref<128x128xf32, #tpu.memory_space<vmem_shared>>
      %dma_start3A_57 = arith.constant 0 : i32
      %dma_start3A_58 = tpu.memref_slice %arg12[%add3A_34, %dma_start3A_57] : memref<10240x128xf32, #tpu.memory_space<vmem_shared>> -> memref<128x128xf32, #tpu.memory_space<vmem_shared>>
      tpu.enqueue_dma source(%arg11 : memref<128x128xf32, #tpu.memory_space<vmem>>) target(%dma_start3A_58 : memref<128x128xf32, #tpu.memory_space<vmem_shared>>) target_semaphore(%run_scoped3A_54 : memref<!tpu.dma_semaphore, #tpu.memory_space<semaphore_mem>>)
      %dma_wait3A_59 = arith.constant 0 : i32
      %dma_wait3A_60 = tpu.memref_slice %arg12[%add3A_34, %dma_wait3A_59] : memref<10240x128xf32, #tpu.memory_space<vmem_shared>> -> memref<128x128xf32, #tpu.memory_space<vmem_shared>>
      %dma_wait3A_61 = arith.constant 0 : i32
      %dma_wait3A_62 = tpu.memref_slice %arg12[%add3A_34, %dma_wait3A_61] : memref<10240x128xf32, #tpu.memory_space<vmem_shared>> -> memref<128x128xf32, #tpu.memory_space<vmem_shared>>
      tpu.wait_dma2 semaphore(%run_scoped3A_54 : memref<!tpu.dma_semaphore, #tpu.memory_space<semaphore_mem>>) src(%arg11 : memref<128x128xf32, #tpu.memory_space<vmem>>) dst(%dma_wait3A_62 : memref<128x128xf32, #tpu.memory_space<vmem_shared>>)
      tpu.yield
    }) : () -> ()
    %barrier3A = arith.constant 0 : index
    tpu.barrier barrier_id(%barrier3A)
    %scan3A = arith.constant 0 : i32
    %scan3A_35 = arith.constant 0 : i32
    %scan3A_36 = arith.constant 40 : i32
    %scan3A_37 = arith.addi %scan3A_35, %scan3A_36 : i32
    %scan3A_38 = arith.constant 1 : i32
    scf.for %scan3A_54 = %scan3A_35 to %scan3A_37 step %scan3A_38  : i32 {
      %mul3A_55 = arith.constant 2 : i32
      %mul3A_56 = arith.muli %scan3A_54, %mul3A_55 : i32
      %add3A_57 = arith.constant 0 : i32
      %add3A_58 = arith.addi %mul3A_56, %add3A_57 : i32
      %add3A_59 = arith.constant 1 : i32
      %add3A_60 = arith.addi %add3A_58, %add3A_59 : i32
      %dma_wait3A_61 = arith.constant 0 : i32
      %dma_wait3A_62 = arith.constant 0 : i32
      %dma_wait3A_63 = tpu.memref_slice %arg10[%dma_wait3A_61, %dma_wait3A_62] : memref<128x128xf32, #tpu.memory_space<vmem>> -> memref<64x128xf32, #tpu.memory_space<vmem>>
      %dma_wait3A_64 = arith.constant 0 : i32
      %dma_wait3A_65 = tpu.memref_slice %arg7[%dma_wait3A_64] : memref<128xi32, #tpu.memory_space<vmem>> -> memref<64xi32, #tpu.memory_space<vmem>>
      %dma_wait3A_66 = arith.constant 0 : i32
      %dma_wait3A_67 = arith.constant 0 : i32
      %dma_wait3A_68 = tpu.memref_slice %arg2[%dma_wait3A_66, %dma_wait3A_67] : memref<10240x128xf32, #tpu.memory_space<hbm>> -> memref<10240x128xf32, #tpu.memory_space<hbm>>
      tpu.wait_indirect_dma semaphore(%arg13 : memref<!tpu.dma_semaphore, #tpu.memory_space<semaphore_mem>>) src(%dma_wait3A_68 : memref<10240x128xf32, #tpu.memory_space<hbm>>) dst(%dma_wait3A_63 : memref<64x128xf32, #tpu.memory_space<vmem>>)
      %dma_wait3A_69 = arith.constant 64 : i32
      %dma_wait3A_70 = arith.constant 0 : i32
      %dma_wait3A_71 = tpu.memref_slice %arg10[%dma_wait3A_69, %dma_wait3A_70] : memref<128x128xf32, #tpu.memory_space<vmem>> -> memref<64x128xf32, #tpu.memory_space<vmem>>
      %dma_wait3A_72 = arith.constant 64 : i32
      %dma_wait3A_73 = tpu.memref_slice %arg7[%dma_wait3A_72] : memref<128xi32, #tpu.memory_space<vmem>> -> memref<64xi32, #tpu.memory_space<vmem>>
      %dma_wait3A_74 = arith.constant 0 : i32
      %dma_wait3A_75 = arith.constant 0 : i32
      %dma_wait3A_76 = tpu.memref_slice %arg2[%dma_wait3A_74, %dma_wait3A_75] : memref<10240x128xf32, #tpu.memory_space<hbm>> -> memref<10240x128xf32, #tpu.memory_space<hbm>>
      tpu.wait_indirect_dma semaphore(%arg13 : memref<!tpu.dma_semaphore, #tpu.memory_space<semaphore_mem>>) src(%dma_wait3A_76 : memref<10240x128xf32, #tpu.memory_space<hbm>>) dst(%dma_wait3A_71 : memref<64x128xf32, #tpu.memory_space<vmem>>)
      %add3A_77 = arith.constant 2 : i32
      %add3A_78 = arith.addi %add3A_58, %add3A_77 : i32
      %lt3A = arith.constant 80 : i32
      %lt3A_79 = arith.cmpi slt, %add3A_78, %lt3A : i32
      %convert_element_type3A = arith.extui %lt3A_79 : i1 to i32
      %cond3A = arith.constant 0 : i32
      %cond3A_80 = arith.cmpi ne, %convert_element_type3A, %cond3A : i32
      scf.if %cond3A_80 {
        %add3A_132 = arith.constant 2 : i32
        %add3A_133 = arith.addi %add3A_58, %add3A_132 : i32
        %dma_start3A_134 = arith.constant 0 : i32
        %dma_start3A_135 = tpu.memref_slice %arg3[%add3A, %add3A_133, %dma_start3A_134] : memref<32x80x128xi32, #tpu.memory_space<hbm>> -> memref<1x1x128xi32, #tpu.memory_space<hbm>>
        %dma_start3A_136 = tpu.memref_squeeze %dma_start3A_135 : memref<1x1x128xi32, #tpu.memory_space<hbm>> -> memref<128xi32, #tpu.memory_space<hbm>>
        %dma_start3A_137 = arith.constant 0 : i32
        %dma_start3A_138 = tpu.memref_slice %arg3[%add3A, %add3A_133, %dma_start3A_137] : memref<32x80x128xi32, #tpu.memory_space<hbm>> -> memref<1x1x128xi32, #tpu.memory_space<hbm>>
        %dma_start3A_139 = tpu.memref_squeeze %dma_start3A_138 : memref<1x1x128xi32, #tpu.memory_space<hbm>> -> memref<128xi32, #tpu.memory_space<hbm>>
        tpu.enqueue_dma source(%dma_start3A_139 : memref<128xi32, #tpu.memory_space<hbm>>) target(%arg7 : memref<128xi32, #tpu.memory_space<vmem>>) target_semaphore(%arg17 : memref<!tpu.dma_semaphore, #tpu.memory_space<semaphore_mem>>)
      } else {
      }
      %dma_start3A_81 = arith.constant 0 : i32
      %dma_start3A_82 = tpu.memref_slice %arg9[%add3A_58, %dma_start3A_81] : memref<80x128xi32, #tpu.memory_space<vmem>> -> memref<1x128xi32, #tpu.memory_space<vmem>>
      %dma_start3A_83 = tpu.memref_squeeze %dma_start3A_82 : memref<1x128xi32, #tpu.memory_space<vmem>> -> memref<128xi32, #tpu.memory_space<vmem>>
      %dma_start3A_84 = arith.constant 0 : i32
      %dma_start3A_85 = arith.constant 0 : i32
      %dma_start3A_86 = tpu.memref_slice %arg12[%dma_start3A_84, %dma_start3A_85] : memref<10240x128xf32, #tpu.memory_space<vmem_shared>> -> memref<10240x128xf32, #tpu.memory_space<vmem_shared>>
      tpu.enqueue_indirect_dma source(%arg10 : memref<128x128xf32, #tpu.memory_space<vmem>>) target(%dma_start3A_86 : memref<10240x128xf32, #tpu.memory_space<vmem_shared>>) offsets(%dma_start3A_83 : memref<128xi32, #tpu.memory_space<vmem>>) semaphore(%arg15 : memref<!tpu.dma_semaphore, #tpu.memory_space<semaphore_mem>>) {add = true}
      %lt3A_87 = arith.constant 80 : i32
      %lt3A_88 = arith.cmpi slt, %add3A_60, %lt3A_87 : i32
      %convert_element_type3A_89 = arith.extui %lt3A_88 : i1 to i32
      %cond3A_90 = arith.constant 0 : i32
      %cond3A_91 = arith.cmpi ne, %convert_element_type3A_89, %cond3A_90 : i32
      scf.if %cond3A_91 {
        %ge3A = arith.constant 1 : i32
        %ge3A_132 = arith.cmpi sge, %add3A_58, %ge3A : i32
        %convert_element_type3A_133 = arith.extui %ge3A_132 : i1 to i32
        %cond3A_134 = arith.constant 0 : i32
        %cond3A_135 = arith.cmpi ne, %convert_element_type3A_133, %cond3A_134 : i32
        scf.if %cond3A_135 {
          %sub3A = arith.constant 1 : i32
          %sub3A_158 = arith.subi %add3A_58, %sub3A : i32
          %dma_wait3A_159 = arith.constant 0 : i32
          %dma_wait3A_160 = tpu.memref_slice %arg9[%sub3A_158, %dma_wait3A_159] : memref<80x128xi32, #tpu.memory_space<vmem>> -> memref<1x128xi32, #tpu.memory_space<vmem>>
          %dma_wait3A_161 = tpu.memref_squeeze %dma_wait3A_160 : memref<1x128xi32, #tpu.memory_space<vmem>> -> memref<128xi32, #tpu.memory_space<vmem>>
          %dma_wait3A_162 = arith.constant 0 : i32
          %dma_wait3A_163 = arith.constant 0 : i32
          %dma_wait3A_164 = tpu.memref_slice %arg12[%dma_wait3A_162, %dma_wait3A_163] : memref<10240x128xf32, #tpu.memory_space<vmem_shared>> -> memref<10240x128xf32, #tpu.memory_space<vmem_shared>>
          tpu.wait_indirect_dma semaphore(%arg16 : memref<!tpu.dma_semaphore, #tpu.memory_space<semaphore_mem>>) src(%arg11 : memref<128x128xf32, #tpu.memory_space<vmem>>) dst(%dma_wait3A_164 : memref<10240x128xf32, #tpu.memory_space<vmem_shared>>)
        } else {
        }
        %dma_wait3A_136 = arith.constant 0 : i32
        %dma_wait3A_137 = tpu.memref_slice %arg3[%add3A, %add3A_60, %dma_wait3A_136] : memref<32x80x128xi32, #tpu.memory_space<hbm>> -> memref<1x1x128xi32, #tpu.memory_space<hbm>>
        %dma_wait3A_138 = tpu.memref_squeeze %dma_wait3A_137 : memref<1x1x128xi32, #tpu.memory_space<hbm>> -> memref<128xi32, #tpu.memory_space<hbm>>
        %dma_wait3A_139 = arith.constant 0 : i32
        %dma_wait3A_140 = tpu.memref_slice %arg3[%add3A, %add3A_60, %dma_wait3A_139] : memref<32x80x128xi32, #tpu.memory_space<hbm>> -> memref<1x1x128xi32, #tpu.memory_space<hbm>>
        %dma_wait3A_141 = tpu.memref_squeeze %dma_wait3A_140 : memref<1x1x128xi32, #tpu.memory_space<hbm>> -> memref<128xi32, #tpu.memory_space<hbm>>
        tpu.wait_dma2 semaphore(%arg18 : memref<!tpu.dma_semaphore, #tpu.memory_space<semaphore_mem>>) src(%dma_wait3A_141 : memref<128xi32, #tpu.memory_space<hbm>>) dst(%arg8 : memref<128xi32, #tpu.memory_space<vmem>>)
        %dma_start3A_142 = arith.constant 0 : i32
        %dma_start3A_143 = arith.constant 0 : i32
        %dma_start3A_144 = tpu.memref_slice %arg11[%dma_start3A_142, %dma_start3A_143] : memref<128x128xf32, #tpu.memory_space<vmem>> -> memref<64x128xf32, #tpu.memory_space<vmem>>
        %dma_start3A_145 = arith.constant 0 : i32
        %dma_start3A_146 = tpu.memref_slice %arg8[%dma_start3A_145] : memref<128xi32, #tpu.memory_space<vmem>> -> memref<64xi32, #tpu.memory_space<vmem>>
        %dma_start3A_147 = arith.constant 0 : i32
        %dma_start3A_148 = arith.constant 0 : i32
        %dma_start3A_149 = tpu.memref_slice %arg2[%dma_start3A_147, %dma_start3A_148] : memref<10240x128xf32, #tpu.memory_space<hbm>> -> memref<10240x128xf32, #tpu.memory_space<hbm>>
        tpu.enqueue_indirect_dma source(%dma_start3A_149 : memref<10240x128xf32, #tpu.memory_space<hbm>>) target(%dma_start3A_144 : memref<64x128xf32, #tpu.memory_space<vmem>>) offsets(%dma_start3A_146 : memref<64xi32, #tpu.memory_space<vmem>>) semaphore(%arg14 : memref<!tpu.dma_semaphore, #tpu.memory_space<semaphore_mem>>)
        %dma_start3A_150 = arith.constant 64 : i32
        %dma_start3A_151 = arith.constant 0 : i32
        %dma_start3A_152 = tpu.memref_slice %arg11[%dma_start3A_150, %dma_start3A_151] : memref<128x128xf32, #tpu.memory_space<vmem>> -> memref<64x128xf32, #tpu.memory_space<vmem>>
        %dma_start3A_153 = arith.constant 64 : i32
        %dma_start3A_154 = tpu.memref_slice %arg8[%dma_start3A_153] : memref<128xi32, #tpu.memory_space<vmem>> -> memref<64xi32, #tpu.memory_space<vmem>>
        %dma_start3A_155 = arith.constant 0 : i32
        %dma_start3A_156 = arith.constant 0 : i32
        %dma_start3A_157 = tpu.memref_slice %arg2[%dma_start3A_155, %dma_start3A_156] : memref<10240x128xf32, #tpu.memory_space<hbm>> -> memref<10240x128xf32, #tpu.memory_space<hbm>>
        tpu.enqueue_indirect_dma source(%dma_start3A_157 : memref<10240x128xf32, #tpu.memory_space<hbm>>) target(%dma_start3A_152 : memref<64x128xf32, #tpu.memory_space<vmem>>) offsets(%dma_start3A_154 : memref<64xi32, #tpu.memory_space<vmem>>) semaphore(%arg14 : memref<!tpu.dma_semaphore, #tpu.memory_space<semaphore_mem>>)
      } else {
      }
      %mul3A_92 = arith.constant 2 : i32
      %mul3A_93 = arith.muli %scan3A_54, %mul3A_92 : i32
      %add3A_94 = arith.constant 1 : i32
      %add3A_95 = arith.addi %mul3A_93, %add3A_94 : i32
      %add3A_96 = arith.constant 1 : i32
      %add3A_97 = arith.addi %add3A_95, %add3A_96 : i32
      %dma_wait3A_98 = arith.constant 0 : i32
      %dma_wait3A_99 = arith.constant 0 : i32
      %dma_wait3A_100 = tpu.memref_slice %arg11[%dma_wait3A_98, %dma_wait3A_99] : memref<128x128xf32, #tpu.memory_space<vmem>> -> memref<64x128xf32, #tpu.memory_space<vmem>>
      %dma_wait3A_101 = arith.constant 0 : i32
      %dma_wait3A_102 = tpu.memref_slice %arg8[%dma_wait3A_101] : memref<128xi32, #tpu.memory_space<vmem>> -> memref<64xi32, #tpu.memory_space<vmem>>
      %dma_wait3A_103 = arith.constant 0 : i32
      %dma_wait3A_104 = arith.constant 0 : i32
      %dma_wait3A_105 = tpu.memref_slice %arg2[%dma_wait3A_103, %dma_wait3A_104] : memref<10240x128xf32, #tpu.memory_space<hbm>> -> memref<10240x128xf32, #tpu.memory_space<hbm>>
      tpu.wait_indirect_dma semaphore(%arg14 : memref<!tpu.dma_semaphore, #tpu.memory_space<semaphore_mem>>) src(%dma_wait3A_105 : memref<10240x128xf32, #tpu.memory_space<hbm>>) dst(%dma_wait3A_100 : memref<64x128xf32, #tpu.memory_space<vmem>>)
      %dma_wait3A_106 = arith.constant 64 : i32
      %dma_wait3A_107 = arith.constant 0 : i32
      %dma_wait3A_108 = tpu.memref_slice %arg11[%dma_wait3A_106, %dma_wait3A_107] : memref<128x128xf32, #tpu.memory_space<vmem>> -> memref<64x128xf32, #tpu.memory_space<vmem>>
      %dma_wait3A_109 = arith.constant 64 : i32
      %dma_wait3A_110 = tpu.memref_slice %arg8[%dma_wait3A_109] : memref<128xi32, #tpu.memory_space<vmem>> -> memref<64xi32, #tpu.memory_space<vmem>>
      %dma_wait3A_111 = arith.constant 0 : i32
      %dma_wait3A_112 = arith.constant 0 : i32
      %dma_wait3A_113 = tpu.memref_slice %arg2[%dma_wait3A_111, %dma_wait3A_112] : memref<10240x128xf32, #tpu.memory_space<hbm>> -> memref<10240x128xf32, #tpu.memory_space<hbm>>
      tpu.wait_indirect_dma semaphore(%arg14 : memref<!tpu.dma_semaphore, #tpu.memory_space<semaphore_mem>>) src(%dma_wait3A_113 : memref<10240x128xf32, #tpu.memory_space<hbm>>) dst(%dma_wait3A_108 : memref<64x128xf32, #tpu.memory_space<vmem>>)
      %add3A_114 = arith.constant 2 : i32
      %add3A_115 = arith.addi %add3A_95, %add3A_114 : i32
      %lt3A_116 = arith.constant 80 : i32
      %lt3A_117 = arith.cmpi slt, %add3A_115, %lt3A_116 : i32
      %convert_element_type3A_118 = arith.extui %lt3A_117 : i1 to i32
      %cond3A_119 = arith.constant 0 : i32
      %cond3A_120 = arith.cmpi ne, %convert_element_type3A_118, %cond3A_119 : i32
      scf.if %cond3A_120 {
        %add3A_132 = arith.constant 2 : i32
        %add3A_133 = arith.addi %add3A_95, %add3A_132 : i32
        %dma_start3A_134 = arith.constant 0 : i32
        %dma_start3A_135 = tpu.memref_slice %arg3[%add3A, %add3A_133, %dma_start3A_134] : memref<32x80x128xi32, #tpu.memory_space<hbm>> -> memref<1x1x128xi32, #tpu.memory_space<hbm>>
        %dma_start3A_136 = tpu.memref_squeeze %dma_start3A_135 : memref<1x1x128xi32, #tpu.memory_space<hbm>> -> memref<128xi32, #tpu.memory_space<hbm>>
        %dma_start3A_137 = arith.constant 0 : i32
        %dma_start3A_138 = tpu.memref_slice %arg3[%add3A, %add3A_133, %dma_start3A_137] : memref<32x80x128xi32, #tpu.memory_space<hbm>> -> memref<1x1x128xi32, #tpu.memory_space<hbm>>
        %dma_start3A_139 = tpu.memref_squeeze %dma_start3A_138 : memref<1x1x128xi32, #tpu.memory_space<hbm>> -> memref<128xi32, #tpu.memory_space<hbm>>
        tpu.enqueue_dma source(%dma_start3A_139 : memref<128xi32, #tpu.memory_space<hbm>>) target(%arg8 : memref<128xi32, #tpu.memory_space<vmem>>) target_semaphore(%arg18 : memref<!tpu.dma_semaphore, #tpu.memory_space<semaphore_mem>>)
      } else {
      }
      %dma_start3A_121 = arith.constant 0 : i32
      %dma_start3A_122 = tpu.memref_slice %arg9[%add3A_95, %dma_start3A_121] : memref<80x128xi32, #tpu.memory_space<vmem>> -> memref<1x128xi32, #tpu.memory_space<vmem>>
      %dma_start3A_123 = tpu.memref_squeeze %dma_start3A_122 : memref<1x128xi32, #tpu.memory_space<vmem>> -> memref<128xi32, #tpu.memory_space<vmem>>
      %dma_start3A_124 = arith.constant 0 : i32
      %dma_start3A_125 = arith.constant 0 : i32
      %dma_start3A_126 = tpu.memref_slice %arg12[%dma_start3A_124, %dma_start3A_125] : memref<10240x128xf32, #tpu.memory_space<vmem_shared>> -> memref<10240x128xf32, #tpu.memory_space<vmem_shared>>
      tpu.enqueue_indirect_dma source(%arg11 : memref<128x128xf32, #tpu.memory_space<vmem>>) target(%dma_start3A_126 : memref<10240x128xf32, #tpu.memory_space<vmem_shared>>) offsets(%dma_start3A_123 : memref<128xi32, #tpu.memory_space<vmem>>) semaphore(%arg16 : memref<!tpu.dma_semaphore, #tpu.memory_space<semaphore_mem>>) {add = true}
      %lt3A_127 = arith.constant 80 : i32
      %lt3A_128 = arith.cmpi slt, %add3A_97, %lt3A_127 : i32
      %convert_element_type3A_129 = arith.extui %lt3A_128 : i1 to i32
      %cond3A_130 = arith.constant 0 : i32
      %cond3A_131 = arith.cmpi ne, %convert_element_type3A_129, %cond3A_130 : i32
      scf.if %cond3A_131 {
        %ge3A = arith.constant 1 : i32
        %ge3A_132 = arith.cmpi sge, %add3A_95, %ge3A : i32
        %convert_element_type3A_133 = arith.extui %ge3A_132 : i1 to i32
        %cond3A_134 = arith.constant 0 : i32
        %cond3A_135 = arith.cmpi ne, %convert_element_type3A_133, %cond3A_134 : i32
        scf.if %cond3A_135 {
          %sub3A = arith.constant 1 : i32
          %sub3A_158 = arith.subi %add3A_95, %sub3A : i32
          %dma_wait3A_159 = arith.constant 0 : i32
          %dma_wait3A_160 = tpu.memref_slice %arg9[%sub3A_158, %dma_wait3A_159] : memref<80x128xi32, #tpu.memory_space<vmem>> -> memref<1x128xi32, #tpu.memory_space<vmem>>
          %dma_wait3A_161 = tpu.memref_squeeze %dma_wait3A_160 : memref<1x128xi32, #tpu.memory_space<vmem>> -> memref<128xi32, #tpu.memory_space<vmem>>
          %dma_wait3A_162 = arith.constant 0 : i32
          %dma_wait3A_163 = arith.constant 0 : i32
          %dma_wait3A_164 = tpu.memref_slice %arg12[%dma_wait3A_162, %dma_wait3A_163] : memref<10240x128xf32, #tpu.memory_space<vmem_shared>> -> memref<10240x128xf32, #tpu.memory_space<vmem_shared>>
          tpu.wait_indirect_dma semaphore(%arg15 : memref<!tpu.dma_semaphore, #tpu.memory_space<semaphore_mem>>) src(%arg10 : memref<128x128xf32, #tpu.memory_space<vmem>>) dst(%dma_wait3A_164 : memref<10240x128xf32, #tpu.memory_space<vmem_shared>>)
        } else {
        }
        %dma_wait3A_136 = arith.constant 0 : i32
        %dma_wait3A_137 = tpu.memref_slice %arg3[%add3A, %add3A_97, %dma_wait3A_136] : memref<32x80x128xi32, #tpu.memory_space<hbm>> -> memref<1x1x128xi32, #tpu.memory_space<hbm>>
        %dma_wait3A_138 = tpu.memref_squeeze %dma_wait3A_137 : memref<1x1x128xi32, #tpu.memory_space<hbm>> -> memref<128xi32, #tpu.memory_space<hbm>>
        %dma_wait3A_139 = arith.constant 0 : i32
        %dma_wait3A_140 = tpu.memref_slice %arg3[%add3A, %add3A_97, %dma_wait3A_139] : memref<32x80x128xi32, #tpu.memory_space<hbm>> -> memref<1x1x128xi32, #tpu.memory_space<hbm>>
        %dma_wait3A_141 = tpu.memref_squeeze %dma_wait3A_140 : memref<1x1x128xi32, #tpu.memory_space<hbm>> -> memref<128xi32, #tpu.memory_space<hbm>>
        tpu.wait_dma2 semaphore(%arg17 : memref<!tpu.dma_semaphore, #tpu.memory_space<semaphore_mem>>) src(%dma_wait3A_141 : memref<128xi32, #tpu.memory_space<hbm>>) dst(%arg7 : memref<128xi32, #tpu.memory_space<vmem>>)
        %dma_start3A_142 = arith.constant 0 : i32
        %dma_start3A_143 = arith.constant 0 : i32
        %dma_start3A_144 = tpu.memref_slice %arg10[%dma_start3A_142, %dma_start3A_143] : memref<128x128xf32, #tpu.memory_space<vmem>> -> memref<64x128xf32, #tpu.memory_space<vmem>>
        %dma_start3A_145 = arith.constant 0 : i32
        %dma_start3A_146 = tpu.memref_slice %arg7[%dma_start3A_145] : memref<128xi32, #tpu.memory_space<vmem>> -> memref<64xi32, #tpu.memory_space<vmem>>
        %dma_start3A_147 = arith.constant 0 : i32
        %dma_start3A_148 = arith.constant 0 : i32
        %dma_start3A_149 = tpu.memref_slice %arg2[%dma_start3A_147, %dma_start3A_148] : memref<10240x128xf32, #tpu.memory_space<hbm>> -> memref<10240x128xf32, #tpu.memory_space<hbm>>
        tpu.enqueue_indirect_dma source(%dma_start3A_149 : memref<10240x128xf32, #tpu.memory_space<hbm>>) target(%dma_start3A_144 : memref<64x128xf32, #tpu.memory_space<vmem>>) offsets(%dma_start3A_146 : memref<64xi32, #tpu.memory_space<vmem>>) semaphore(%arg13 : memref<!tpu.dma_semaphore, #tpu.memory_space<semaphore_mem>>)
        %dma_start3A_150 = arith.constant 64 : i32
        %dma_start3A_151 = arith.constant 0 : i32
        %dma_start3A_152 = tpu.memref_slice %arg10[%dma_start3A_150, %dma_start3A_151] : memref<128x128xf32, #tpu.memory_space<vmem>> -> memref<64x128xf32, #tpu.memory_space<vmem>>
        %dma_start3A_153 = arith.constant 64 : i32
        %dma_start3A_154 = tpu.memref_slice %arg7[%dma_start3A_153] : memref<128xi32, #tpu.memory_space<vmem>> -> memref<64xi32, #tpu.memory_space<vmem>>
        %dma_start3A_155 = arith.constant 0 : i32
        %dma_start3A_156 = arith.constant 0 : i32
        %dma_start3A_157 = tpu.memref_slice %arg2[%dma_start3A_155, %dma_start3A_156] : memref<10240x128xf32, #tpu.memory_space<hbm>> -> memref<10240x128xf32, #tpu.memory_space<hbm>>
        tpu.enqueue_indirect_dma source(%dma_start3A_157 : memref<10240x128xf32, #tpu.memory_space<hbm>>) target(%dma_start3A_152 : memref<64x128xf32, #tpu.memory_space<vmem>>) offsets(%dma_start3A_154 : memref<64xi32, #tpu.memory_space<vmem>>) semaphore(%arg13 : memref<!tpu.dma_semaphore, #tpu.memory_space<semaphore_mem>>)
      } else {
      }
    }
    %scan3A_39 = arith.constant 40 : i32
    %dma_wait3A = arith.constant 78 : i32
    %dma_wait3A_40 = arith.constant 0 : i32
    %dma_wait3A_41 = tpu.memref_slice %arg9[%dma_wait3A, %dma_wait3A_40] : memref<80x128xi32, #tpu.memory_space<vmem>> -> memref<1x128xi32, #tpu.memory_space<vmem>>
    %dma_wait3A_42 = tpu.memref_squeeze %dma_wait3A_41 : memref<1x128xi32, #tpu.memory_space<vmem>> -> memref<128xi32, #tpu.memory_space<vmem>>
    %dma_wait3A_43 = arith.constant 0 : i32
    %dma_wait3A_44 = arith.constant 0 : i32
    %dma_wait3A_45 = tpu.memref_slice %arg12[%dma_wait3A_43, %dma_wait3A_44] : memref<10240x128xf32, #tpu.memory_space<vmem_shared>> -> memref<10240x128xf32, #tpu.memory_space<vmem_shared>>
    tpu.wait_indirect_dma semaphore(%arg15 : memref<!tpu.dma_semaphore, #tpu.memory_space<semaphore_mem>>) src(%arg10 : memref<128x128xf32, #tpu.memory_space<vmem>>) dst(%dma_wait3A_45 : memref<10240x128xf32, #tpu.memory_space<vmem_shared>>)
    %dma_wait3A_46 = arith.constant 79 : i32
    %dma_wait3A_47 = arith.constant 0 : i32
    %dma_wait3A_48 = tpu.memref_slice %arg9[%dma_wait3A_46, %dma_wait3A_47] : memref<80x128xi32, #tpu.memory_space<vmem>> -> memref<1x128xi32, #tpu.memory_space<vmem>>
    %dma_wait3A_49 = tpu.memref_squeeze %dma_wait3A_48 : memref<1x128xi32, #tpu.memory_space<vmem>> -> memref<128xi32, #tpu.memory_space<vmem>>
    %dma_wait3A_50 = arith.constant 0 : i32
    %dma_wait3A_51 = arith.constant 0 : i32
    %dma_wait3A_52 = tpu.memref_slice %arg12[%dma_wait3A_50, %dma_wait3A_51] : memref<10240x128xf32, #tpu.memory_space<vmem_shared>> -> memref<10240x128xf32, #tpu.memory_space<vmem_shared>>
    tpu.wait_indirect_dma semaphore(%arg16 : memref<!tpu.dma_semaphore, #tpu.memory_space<semaphore_mem>>) src(%arg11 : memref<128x128xf32, #tpu.memory_space<vmem>>) dst(%dma_wait3A_52 : memref<10240x128xf32, #tpu.memory_space<vmem_shared>>)
    %barrier3A_53 = arith.constant 0 : index
    tpu.barrier barrier_id(%barrier3A_53)
    "tpu.region"() ({
      %run_scoped3A_54 = tpu.sem_alloc : memref<!tpu.dma_semaphore, #tpu.memory_space<semaphore_mem>>
      %dma_start3A_55 = arith.constant 0 : i32
      %dma_start3A_56 = tpu.memref_slice %arg6[%arg0, %mul3A_24, %dma_start3A_55] : memref<2x10240x128xf32, #tpu.memory_space<hbm>> -> memref<1x640x128xf32, #tpu.memory_space<hbm>>
      %dma_start3A_57 = tpu.memref_squeeze %dma_start3A_56 : memref<1x640x128xf32, #tpu.memory_space<hbm>> -> memref<640x128xf32, #tpu.memory_space<hbm>>
      %dma_start3A_58 = arith.constant 0 : i32
      %dma_start3A_59 = tpu.memref_slice %arg12[%mul3A_24, %dma_start3A_58] : memref<10240x128xf32, #tpu.memory_space<vmem_shared>> -> memref<640x128xf32, #tpu.memory_space<vmem_shared>>
      tpu.enqueue_dma source(%dma_start3A_59 : memref<640x128xf32, #tpu.memory_space<vmem_shared>>) target(%dma_start3A_57 : memref<640x128xf32, #tpu.memory_space<hbm>>) target_semaphore(%run_scoped3A_54 : memref<!tpu.dma_semaphore, #tpu.memory_space<semaphore_mem>>)
      %dma_wait3A_60 = arith.constant 0 : i32
      %dma_wait3A_61 = tpu.memref_slice %arg6[%arg0, %mul3A_24, %dma_wait3A_60] : memref<2x10240x128xf32, #tpu.memory_space<hbm>> -> memref<1x640x128xf32, #tpu.memory_space<hbm>>
      %dma_wait3A_62 = tpu.memref_squeeze %dma_wait3A_61 : memref<1x640x128xf32, #tpu.memory_space<hbm>> -> memref<640x128xf32, #tpu.memory_space<hbm>>
      %dma_wait3A_63 = arith.constant 0 : i32
      %dma_wait3A_64 = tpu.memref_slice %arg12[%mul3A_24, %dma_wait3A_63] : memref<10240x128xf32, #tpu.memory_space<vmem_shared>> -> memref<640x128xf32, #tpu.memory_space<vmem_shared>>
      tpu.wait_dma2 semaphore(%run_scoped3A_54 : memref<!tpu.dma_semaphore, #tpu.memory_space<semaphore_mem>>) src(%dma_wait3A_64 : memref<640x128xf32, #tpu.memory_space<vmem_shared>>) dst(%dma_wait3A_62 : memref<640x128xf32, #tpu.memory_space<hbm>>)
      tpu.yield
    }) : () -> ()
    return
  }
}

#map = affine_map<(d0, d1) -> (0, 0)>
#map1 = affine_map<(d0, d1) -> (0, 0, 0)>
module attributes {stable_mosaic.version = 14 : i64} {
  func.func @kfn(%arg0: i32, %arg1: i32, %arg2: memref<10240x128xf32, #tpu.memory_space<hbm>>, %arg3: memref<32x80x128xi32, #tpu.memory_space<hbm>>, %arg4: memref<32x80x128xi32, #tpu.memory_space<hbm>>, %arg5: memref<128x128xf32, #tpu.memory_space<hbm>>, %arg6: memref<2x10240x128xf32, #tpu.memory_space<hbm>>, %arg7: memref<128xi32, #tpu.memory_space<vmem>>, %arg8: memref<128xi32, #tpu.memory_space<vmem>>, %arg9: memref<80x128xi32, #tpu.memory_space<vmem>>, %arg10: memref<128x128xf32, #tpu.memory_space<vmem>>, %arg11: memref<128x128xf32, #tpu.memory_space<vmem>>, %arg12: memref<10240x128xf32, #tpu.memory_space<vmem_shared>>, %arg13: memref<!tpu.dma_semaphore, #tpu.memory_space<semaphore_mem>>, %arg14: memref<!tpu.dma_semaphore, #tpu.memory_space<semaphore_mem>>, %arg15: memref<!tpu.dma_semaphore, #tpu.memory_space<semaphore_mem>>, %arg16: memref<!tpu.dma_semaphore, #tpu.memory_space<semaphore_mem>>, %arg17: memref<!tpu.dma_semaphore, #tpu.memory_space<semaphore_mem>>, %arg18: memref<!tpu.dma_semaphore, #tpu.memory_space<semaphore_mem>>) attributes {dimension_semantics = [#tpu.dimension_semantics<core_parallel>, #tpu.dimension_semantics<subcore_parallel>], iteration_bounds = array<i64: 2, 16>, scalar_prefetch = 0 : i64, scratch_operands = 12 : i64, tpu.core_type = #tpu.core_type<sc_vector_subcore>, window_params = [{transform_indices = #map}, {transform_indices = #map1}, {transform_indices = #map1}, {transform_indices = #map}, {transform_indices = #map1}]} {
    %mul3A = arith.constant 2 : i32
    %mul3A_0 = arith.muli %arg1, %mul3A : i32
    %add3A = arith.addi %mul3A_0, %arg0 : i32
    %run_scoped3A = arith.constant 0 : i32
    "tpu.region"() ({
      %run_scoped3A_54 = tpu.sem_alloc : memref<!tpu.dma_semaphore, #tpu.memory_space<semaphore_mem>>
      %dma_start3A_55 = arith.constant 0 : i32
      %dma_start3A_56 = tpu.memref_slice %arg3[%add3A, %run_scoped3A, %dma_start3A_55] : memref<32x80x128xi32, #tpu.memory_space<hbm>> -> memref<1x1x128xi32, #tpu.memory_space<hbm>>
      %dma_start3A_57 = tpu.memref_squeeze %dma_start3A_56 : memref<1x1x128xi32, #tpu.memory_space<hbm>> -> memref<128xi32, #tpu.memory_space<hbm>>
      %dma_start3A_58 = arith.constant 0 : i32
      %dma_start3A_59 = tpu.memref_slice %arg3[%add3A, %run_scoped3A, %dma_start3A_58] : memref<32x80x128xi32, #tpu.memory_space<hbm>> -> memref<1x1x128xi32, #tpu.memory_space<hbm>>
      %dma_start3A_60 = tpu.memref_squeeze %dma_start3A_59 : memref<1x1x128xi32, #tpu.memory_space<hbm>> -> memref<128xi32, #tpu.memory_space<hbm>>
      tpu.enqueue_dma source(%dma_start3A_60 : memref<128xi32, #tpu.memory_space<hbm>>) target(%arg7 : memref<128xi32, #tpu.memory_space<vmem>>) target_semaphore(%run_scoped3A_54 : memref<!tpu.dma_semaphore, #tpu.memory_space<semaphore_mem>>)
      %dma_wait3A_61 = arith.constant 0 : i32
      %dma_wait3A_62 = tpu.memref_slice %arg3[%add3A, %run_scoped3A, %dma_wait3A_61] : memref<32x80x128xi32, #tpu.memory_space<hbm>> -> memref<1x1x128xi32, #tpu.memory_space<hbm>>
      %dma_wait3A_63 = tpu.memref_squeeze %dma_wait3A_62 : memref<1x1x128xi32, #tpu.memory_space<hbm>> -> memref<128xi32, #tpu.memory_space<hbm>>
      %dma_wait3A_64 = arith.constant 0 : i32
      %dma_wait3A_65 = tpu.memref_slice %arg3[%add3A, %run_scoped3A, %dma_wait3A_64] : memref<32x80x128xi32, #tpu.memory_space<hbm>> -> memref<1x1x128xi32, #tpu.memory_space<hbm>>
      %dma_wait3A_66 = tpu.memref_squeeze %dma_wait3A_65 : memref<1x1x128xi32, #tpu.memory_space<hbm>> -> memref<128xi32, #tpu.memory_space<hbm>>
      tpu.wait_dma2 semaphore(%run_scoped3A_54 : memref<!tpu.dma_semaphore, #tpu.memory_space<semaphore_mem>>) src(%dma_wait3A_66 : memref<128xi32, #tpu.memory_space<hbm>>) dst(%arg7 : memref<128xi32, #tpu.memory_space<vmem>>)
      tpu.yield
    }) : () -> ()
    %dma_start3A = arith.constant 0 : i32
    %dma_start3A_1 = arith.constant 0 : i32
    %dma_start3A_2 = tpu.memref_slice %arg10[%dma_start3A, %dma_start3A_1] : memref<128x128xf32, #tpu.memory_space<vmem>> -> memref<64x128xf32, #tpu.memory_space<vmem>>
    %dma_start3A_3 = arith.constant 0 : i32
    %dma_start3A_4 = tpu.memref_slice %arg7[%dma_start3A_3] : memref<128xi32, #tpu.memory_space<vmem>> -> memref<64xi32, #tpu.memory_space<vmem>>
    %dma_start3A_5 = arith.constant 0 : i32
    %dma_start3A_6 = arith.constant 0 : i32
    %dma_start3A_7 = tpu.memref_slice %arg2[%dma_start3A_5, %dma_start3A_6] : memref<10240x128xf32, #tpu.memory_space<hbm>> -> memref<10240x128xf32, #tpu.memory_space<hbm>>
    tpu.enqueue_indirect_dma source(%dma_start3A_7 : memref<10240x128xf32, #tpu.memory_space<hbm>>) target(%dma_start3A_2 : memref<64x128xf32, #tpu.memory_space<vmem>>) offsets(%dma_start3A_4 : memref<64xi32, #tpu.memory_space<vmem>>) semaphore(%arg13 : memref<!tpu.dma_semaphore, #tpu.memory_space<semaphore_mem>>)
    %dma_start3A_8 = arith.constant 64 : i32
    %dma_start3A_9 = arith.constant 0 : i32
    %dma_start3A_10 = tpu.memref_slice %arg10[%dma_start3A_8, %dma_start3A_9] : memref<128x128xf32, #tpu.memory_space<vmem>> -> memref<64x128xf32, #tpu.memory_space<vmem>>
    %dma_start3A_11 = arith.constant 64 : i32
    %dma_start3A_12 = tpu.memref_slice %arg7[%dma_start3A_11] : memref<128xi32, #tpu.memory_space<vmem>> -> memref<64xi32, #tpu.memory_space<vmem>>
    %dma_start3A_13 = arith.constant 0 : i32
    %dma_start3A_14 = arith.constant 0 : i32
    %dma_start3A_15 = tpu.memref_slice %arg2[%dma_start3A_13, %dma_start3A_14] : memref<10240x128xf32, #tpu.memory_space<hbm>> -> memref<10240x128xf32, #tpu.memory_space<hbm>>
    tpu.enqueue_indirect_dma source(%dma_start3A_15 : memref<10240x128xf32, #tpu.memory_space<hbm>>) target(%dma_start3A_10 : memref<64x128xf32, #tpu.memory_space<vmem>>) offsets(%dma_start3A_12 : memref<64xi32, #tpu.memory_space<vmem>>) semaphore(%arg13 : memref<!tpu.dma_semaphore, #tpu.memory_space<semaphore_mem>>)
    %dma_start3A_16 = arith.constant 1 : i32
    %dma_start3A_17 = arith.constant 0 : i32
    %dma_start3A_18 = tpu.memref_slice %arg3[%add3A, %dma_start3A_16, %dma_start3A_17] : memref<32x80x128xi32, #tpu.memory_space<hbm>> -> memref<1x1x128xi32, #tpu.memory_space<hbm>>
    %dma_start3A_19 = tpu.memref_squeeze %dma_start3A_18 : memref<1x1x128xi32, #tpu.memory_space<hbm>> -> memref<128xi32, #tpu.memory_space<hbm>>
    %dma_start3A_20 = arith.constant 0 : i32
    %dma_start3A_21 = tpu.memref_slice %arg3[%add3A, %dma_start3A_16, %dma_start3A_20] : memref<32x80x128xi32, #tpu.memory_space<hbm>> -> memref<1x1x128xi32, #tpu.memory_space<hbm>>
    %dma_start3A_22 = tpu.memref_squeeze %dma_start3A_21 : memref<1x1x128xi32, #tpu.memory_space<hbm>> -> memref<128xi32, #tpu.memory_space<hbm>>
    tpu.enqueue_dma source(%dma_start3A_22 : memref<128xi32, #tpu.memory_space<hbm>>) target(%arg8 : memref<128xi32, #tpu.memory_space<vmem>>) target_semaphore(%arg18 : memref<!tpu.dma_semaphore, #tpu.memory_space<semaphore_mem>>)
    "tpu.region"() ({
      %run_scoped3A_54 = tpu.sem_alloc : memref<!tpu.dma_semaphore, #tpu.memory_space<semaphore_mem>>
      %dma_start3A_55 = arith.constant 0 : i32
      %dma_start3A_56 = arith.constant 0 : i32
      %dma_start3A_57 = tpu.memref_slice %arg4[%add3A, %dma_start3A_55, %dma_start3A_56] : memref<32x80x128xi32, #tpu.memory_space<hbm>> -> memref<1x80x128xi32, #tpu.memory_space<hbm>>
      %dma_start3A_58 = tpu.memref_squeeze %dma_start3A_57 : memref<1x80x128xi32, #tpu.memory_space<hbm>> -> memref<80x128xi32, #tpu.memory_space<hbm>>
      %dma_start3A_59 = arith.constant 0 : i32
      %dma_start3A_60 = arith.constant 0 : i32
      %dma_start3A_61 = tpu.memref_slice %arg4[%add3A, %dma_start3A_59, %dma_start3A_60] : memref<32x80x128xi32, #tpu.memory_space<hbm>> -> memref<1x80x128xi32, #tpu.memory_space<hbm>>
      %dma_start3A_62 = tpu.memref_squeeze %dma_start3A_61 : memref<1x80x128xi32, #tpu.memory_space<hbm>> -> memref<80x128xi32, #tpu.memory_space<hbm>>
      tpu.enqueue_dma source(%dma_start3A_62 : memref<80x128xi32, #tpu.memory_space<hbm>>) target(%arg9 : memref<80x128xi32, #tpu.memory_space<vmem>>) target_semaphore(%run_scoped3A_54 : memref<!tpu.dma_semaphore, #tpu.memory_space<semaphore_mem>>)
      %dma_wait3A_63 = arith.constant 0 : i32
      %dma_wait3A_64 = arith.constant 0 : i32
      %dma_wait3A_65 = tpu.memref_slice %arg4[%add3A, %dma_wait3A_63, %dma_wait3A_64] : memref<32x80x128xi32, #tpu.memory_space<hbm>> -> memref<1x80x128xi32, #tpu.memory_space<hbm>>
      %dma_wait3A_66 = tpu.memref_squeeze %dma_wait3A_65 : memref<1x80x128xi32, #tpu.memory_space<hbm>> -> memref<80x128xi32, #tpu.memory_space<hbm>>
      %dma_wait3A_67 = arith.constant 0 : i32
      %dma_wait3A_68 = arith.constant 0 : i32
      %dma_wait3A_69 = tpu.memref_slice %arg4[%add3A, %dma_wait3A_67, %dma_wait3A_68] : memref<32x80x128xi32, #tpu.memory_space<hbm>> -> memref<1x80x128xi32, #tpu.memory_space<hbm>>
      %dma_wait3A_70 = tpu.memref_squeeze %dma_wait3A_69 : memref<1x80x128xi32, #tpu.memory_space<hbm>> -> memref<80x128xi32, #tpu.memory_space<hbm>>
      tpu.wait_dma2 semaphore(%run_scoped3A_54 : memref<!tpu.dma_semaphore, #tpu.memory_space<semaphore_mem>>) src(%dma_wait3A_70 : memref<80x128xi32, #tpu.memory_space<hbm>>) dst(%arg9 : memref<80x128xi32, #tpu.memory_space<vmem>>)
      tpu.yield
    }) : () -> ()
    "tpu.region"() ({
      %run_scoped3A_54 = tpu.sem_alloc : memref<!tpu.dma_semaphore, #tpu.memory_space<semaphore_mem>>
      tpu.enqueue_dma source(%arg5 : memref<128x128xf32, #tpu.memory_space<hbm>>) target(%arg11 : memref<128x128xf32, #tpu.memory_space<vmem>>) target_semaphore(%run_scoped3A_54 : memref<!tpu.dma_semaphore, #tpu.memory_space<semaphore_mem>>)
      tpu.wait_dma2 semaphore(%run_scoped3A_54 : memref<!tpu.dma_semaphore, #tpu.memory_space<semaphore_mem>>) src(%arg5 : memref<128x128xf32, #tpu.memory_space<hbm>>) dst(%arg11 : memref<128x128xf32, #tpu.memory_space<vmem>>)
      tpu.yield
    }) : () -> ()
    %mul3A_23 = arith.constant 640 : i32
    %mul3A_24 = arith.muli %arg1, %mul3A_23 : i32
    %add3A_25 = arith.constant 0 : i32
    %add3A_26 = arith.addi %mul3A_24, %add3A_25 : i32
    "tpu.region"() ({
      %run_scoped3A_54 = tpu.sem_alloc : memref<!tpu.dma_semaphore, #tpu.memory_space<semaphore_mem>>
      %dma_start3A_55 = arith.constant 0 : i32
      %dma_start3A_56 = tpu.memref_slice %arg12[%add3A_26, %dma_start3A_55] : memref<10240x128xf32, #tpu.memory_space<vmem_shared>> -> memref<128x128xf32, #tpu.memory_space<vmem_shared>>
      %dma_start3A_57 = arith.constant 0 : i32
      %dma_start3A_58 = tpu.memref_slice %arg12[%add3A_26, %dma_start3A_57] : memref<10240x128xf32, #tpu.memory_space<vmem_shared>> -> memref<128x128xf32, #tpu.memory_space<vmem_shared>>
      tpu.enqueue_dma source(%arg11 : memref<128x128xf32, #tpu.memory_space<vmem>>) target(%dma_start3A_58 : memref<128x128xf32, #tpu.memory_space<vmem_shared>>) target_semaphore(%run_scoped3A_54 : memref<!tpu.dma_semaphore, #tpu.memory_space<semaphore_mem>>)
      %dma_wait3A_59 = arith.constant 0 : i32
      %dma_wait3A_60 = tpu.memref_slice %arg12[%add3A_26, %dma_wait3A_59] : memref<10240x128xf32, #tpu.memory_space<vmem_shared>> -> memref<128x128xf32, #tpu.memory_space<vmem_shared>>
      %dma_wait3A_61 = arith.constant 0 : i32
      %dma_wait3A_62 = tpu.memref_slice %arg12[%add3A_26, %dma_wait3A_61] : memref<10240x128xf32, #tpu.memory_space<vmem_shared>> -> memref<128x128xf32, #tpu.memory_space<vmem_shared>>
      tpu.wait_dma2 semaphore(%run_scoped3A_54 : memref<!tpu.dma_semaphore, #tpu.memory_space<semaphore_mem>>) src(%arg11 : memref<128x128xf32, #tpu.memory_space<vmem>>) dst(%dma_wait3A_62 : memref<128x128xf32, #tpu.memory_space<vmem_shared>>)
      tpu.yield
    }) : () -> ()
    %add3A_27 = arith.constant 128 : i32
    %add3A_28 = arith.addi %mul3A_24, %add3A_27 : i32
    "tpu.region"() ({
      %run_scoped3A_54 = tpu.sem_alloc : memref<!tpu.dma_semaphore, #tpu.memory_space<semaphore_mem>>
      %dma_start3A_55 = arith.constant 0 : i32
      %dma_start3A_56 = tpu.memref_slice %arg12[%add3A_28, %dma_start3A_55] : memref<10240x128xf32, #tpu.memory_space<vmem_shared>> -> memref<128x128xf32, #tpu.memory_space<vmem_shared>>
      %dma_start3A_57 = arith.constant 0 : i32
      %dma_start3A_58 = tpu.memref_slice %arg12[%add3A_28, %dma_start3A_57] : memref<10240x128xf32, #tpu.memory_space<vmem_shared>> -> memref<128x128xf32, #tpu.memory_space<vmem_shared>>
      tpu.enqueue_dma source(%arg11 : memref<128x128xf32, #tpu.memory_space<vmem>>) target(%dma_start3A_58 : memref<128x128xf32, #tpu.memory_space<vmem_shared>>) target_semaphore(%run_scoped3A_54 : memref<!tpu.dma_semaphore, #tpu.memory_space<semaphore_mem>>)
      %dma_wait3A_59 = arith.constant 0 : i32
      %dma_wait3A_60 = tpu.memref_slice %arg12[%add3A_28, %dma_wait3A_59] : memref<10240x128xf32, #tpu.memory_space<vmem_shared>> -> memref<128x128xf32, #tpu.memory_space<vmem_shared>>
      %dma_wait3A_61 = arith.constant 0 : i32
      %dma_wait3A_62 = tpu.memref_slice %arg12[%add3A_28, %dma_wait3A_61] : memref<10240x128xf32, #tpu.memory_space<vmem_shared>> -> memref<128x128xf32, #tpu.memory_space<vmem_shared>>
      tpu.wait_dma2 semaphore(%run_scoped3A_54 : memref<!tpu.dma_semaphore, #tpu.memory_space<semaphore_mem>>) src(%arg11 : memref<128x128xf32, #tpu.memory_space<vmem>>) dst(%dma_wait3A_62 : memref<128x128xf32, #tpu.memory_space<vmem_shared>>)
      tpu.yield
    }) : () -> ()
    %add3A_29 = arith.constant 256 : i32
    %add3A_30 = arith.addi %mul3A_24, %add3A_29 : i32
    "tpu.region"() ({
      %run_scoped3A_54 = tpu.sem_alloc : memref<!tpu.dma_semaphore, #tpu.memory_space<semaphore_mem>>
      %dma_start3A_55 = arith.constant 0 : i32
      %dma_start3A_56 = tpu.memref_slice %arg12[%add3A_30, %dma_start3A_55] : memref<10240x128xf32, #tpu.memory_space<vmem_shared>> -> memref<128x128xf32, #tpu.memory_space<vmem_shared>>
      %dma_start3A_57 = arith.constant 0 : i32
      %dma_start3A_58 = tpu.memref_slice %arg12[%add3A_30, %dma_start3A_57] : memref<10240x128xf32, #tpu.memory_space<vmem_shared>> -> memref<128x128xf32, #tpu.memory_space<vmem_shared>>
      tpu.enqueue_dma source(%arg11 : memref<128x128xf32, #tpu.memory_space<vmem>>) target(%dma_start3A_58 : memref<128x128xf32, #tpu.memory_space<vmem_shared>>) target_semaphore(%run_scoped3A_54 : memref<!tpu.dma_semaphore, #tpu.memory_space<semaphore_mem>>)
      %dma_wait3A_59 = arith.constant 0 : i32
      %dma_wait3A_60 = tpu.memref_slice %arg12[%add3A_30, %dma_wait3A_59] : memref<10240x128xf32, #tpu.memory_space<vmem_shared>> -> memref<128x128xf32, #tpu.memory_space<vmem_shared>>
      %dma_wait3A_61 = arith.constant 0 : i32
      %dma_wait3A_62 = tpu.memref_slice %arg12[%add3A_30, %dma_wait3A_61] : memref<10240x128xf32, #tpu.memory_space<vmem_shared>> -> memref<128x128xf32, #tpu.memory_space<vmem_shared>>
      tpu.wait_dma2 semaphore(%run_scoped3A_54 : memref<!tpu.dma_semaphore, #tpu.memory_space<semaphore_mem>>) src(%arg11 : memref<128x128xf32, #tpu.memory_space<vmem>>) dst(%dma_wait3A_62 : memref<128x128xf32, #tpu.memory_space<vmem_shared>>)
      tpu.yield
    }) : () -> ()
    %add3A_31 = arith.constant 384 : i32
    %add3A_32 = arith.addi %mul3A_24, %add3A_31 : i32
    "tpu.region"() ({
      %run_scoped3A_54 = tpu.sem_alloc : memref<!tpu.dma_semaphore, #tpu.memory_space<semaphore_mem>>
      %dma_start3A_55 = arith.constant 0 : i32
      %dma_start3A_56 = tpu.memref_slice %arg12[%add3A_32, %dma_start3A_55] : memref<10240x128xf32, #tpu.memory_space<vmem_shared>> -> memref<128x128xf32, #tpu.memory_space<vmem_shared>>
      %dma_start3A_57 = arith.constant 0 : i32
      %dma_start3A_58 = tpu.memref_slice %arg12[%add3A_32, %dma_start3A_57] : memref<10240x128xf32, #tpu.memory_space<vmem_shared>> -> memref<128x128xf32, #tpu.memory_space<vmem_shared>>
      tpu.enqueue_dma source(%arg11 : memref<128x128xf32, #tpu.memory_space<vmem>>) target(%dma_start3A_58 : memref<128x128xf32, #tpu.memory_space<vmem_shared>>) target_semaphore(%run_scoped3A_54 : memref<!tpu.dma_semaphore, #tpu.memory_space<semaphore_mem>>)
      %dma_wait3A_59 = arith.constant 0 : i32
      %dma_wait3A_60 = tpu.memref_slice %arg12[%add3A_32, %dma_wait3A_59] : memref<10240x128xf32, #tpu.memory_space<vmem_shared>> -> memref<128x128xf32, #tpu.memory_space<vmem_shared>>
      %dma_wait3A_61 = arith.constant 0 : i32
      %dma_wait3A_62 = tpu.memref_slice %arg12[%add3A_32, %dma_wait3A_61] : memref<10240x128xf32, #tpu.memory_space<vmem_shared>> -> memref<128x128xf32, #tpu.memory_space<vmem_shared>>
      tpu.wait_dma2 semaphore(%run_scoped3A_54 : memref<!tpu.dma_semaphore, #tpu.memory_space<semaphore_mem>>) src(%arg11 : memref<128x128xf32, #tpu.memory_space<vmem>>) dst(%dma_wait3A_62 : memref<128x128xf32, #tpu.memory_space<vmem_shared>>)
      tpu.yield
    }) : () -> ()
    %add3A_33 = arith.constant 512 : i32
    %add3A_34 = arith.addi %mul3A_24, %add3A_33 : i32
    "tpu.region"() ({
      %run_scoped3A_54 = tpu.sem_alloc : memref<!tpu.dma_semaphore, #tpu.memory_space<semaphore_mem>>
      %dma_start3A_55 = arith.constant 0 : i32
      %dma_start3A_56 = tpu.memref_slice %arg12[%add3A_34, %dma_start3A_55] : memref<10240x128xf32, #tpu.memory_space<vmem_shared>> -> memref<128x128xf32, #tpu.memory_space<vmem_shared>>
      %dma_start3A_57 = arith.constant 0 : i32
      %dma_start3A_58 = tpu.memref_slice %arg12[%add3A_34, %dma_start3A_57] : memref<10240x128xf32, #tpu.memory_space<vmem_shared>> -> memref<128x128xf32, #tpu.memory_space<vmem_shared>>
      tpu.enqueue_dma source(%arg11 : memref<128x128xf32, #tpu.memory_space<vmem>>) target(%dma_start3A_58 : memref<128x128xf32, #tpu.memory_space<vmem_shared>>) target_semaphore(%run_scoped3A_54 : memref<!tpu.dma_semaphore, #tpu.memory_space<semaphore_mem>>)
      %dma_wait3A_59 = arith.constant 0 : i32
      %dma_wait3A_60 = tpu.memref_slice %arg12[%add3A_34, %dma_wait3A_59] : memref<10240x128xf32, #tpu.memory_space<vmem_shared>> -> memref<128x128xf32, #tpu.memory_space<vmem_shared>>
      %dma_wait3A_61 = arith.constant 0 : i32
      %dma_wait3A_62 = tpu.memref_slice %arg12[%add3A_34, %dma_wait3A_61] : memref<10240x128xf32, #tpu.memory_space<vmem_shared>> -> memref<128x128xf32, #tpu.memory_space<vmem_shared>>
      tpu.wait_dma2 semaphore(%run_scoped3A_54 : memref<!tpu.dma_semaphore, #tpu.memory_space<semaphore_mem>>) src(%arg11 : memref<128x128xf32, #tpu.memory_space<vmem>>) dst(%dma_wait3A_62 : memref<128x128xf32, #tpu.memory_space<vmem_shared>>)
      tpu.yield
    }) : () -> ()
    %barrier3A = arith.constant 0 : index
    tpu.barrier barrier_id(%barrier3A)
    %scan3A = arith.constant 0 : i32
    %scan3A_35 = arith.constant 0 : i32
    %scan3A_36 = arith.constant 40 : i32
    %scan3A_37 = arith.addi %scan3A_35, %scan3A_36 : i32
    %scan3A_38 = arith.constant 1 : i32
    scf.for %scan3A_54 = %scan3A_35 to %scan3A_37 step %scan3A_38  : i32 {
      %mul3A_55 = arith.constant 2 : i32
      %mul3A_56 = arith.muli %scan3A_54, %mul3A_55 : i32
      %add3A_57 = arith.constant 0 : i32
      %add3A_58 = arith.addi %mul3A_56, %add3A_57 : i32
      %add3A_59 = arith.constant 1 : i32
      %add3A_60 = arith.addi %add3A_58, %add3A_59 : i32
      %dma_wait3A_61 = arith.constant 0 : i32
      %dma_wait3A_62 = arith.constant 0 : i32
      %dma_wait3A_63 = tpu.memref_slice %arg10[%dma_wait3A_61, %dma_wait3A_62] : memref<128x128xf32, #tpu.memory_space<vmem>> -> memref<64x128xf32, #tpu.memory_space<vmem>>
      %dma_wait3A_64 = arith.constant 0 : i32
      %dma_wait3A_65 = tpu.memref_slice %arg7[%dma_wait3A_64] : memref<128xi32, #tpu.memory_space<vmem>> -> memref<64xi32, #tpu.memory_space<vmem>>
      %dma_wait3A_66 = arith.constant 0 : i32
      %dma_wait3A_67 = arith.constant 0 : i32
      %dma_wait3A_68 = tpu.memref_slice %arg2[%dma_wait3A_66, %dma_wait3A_67] : memref<10240x128xf32, #tpu.memory_space<hbm>> -> memref<10240x128xf32, #tpu.memory_space<hbm>>
      tpu.wait_indirect_dma semaphore(%arg13 : memref<!tpu.dma_semaphore, #tpu.memory_space<semaphore_mem>>) src(%dma_wait3A_68 : memref<10240x128xf32, #tpu.memory_space<hbm>>) dst(%dma_wait3A_63 : memref<64x128xf32, #tpu.memory_space<vmem>>)
      %dma_wait3A_69 = arith.constant 64 : i32
      %dma_wait3A_70 = arith.constant 0 : i32
      %dma_wait3A_71 = tpu.memref_slice %arg10[%dma_wait3A_69, %dma_wait3A_70] : memref<128x128xf32, #tpu.memory_space<vmem>> -> memref<64x128xf32, #tpu.memory_space<vmem>>
      %dma_wait3A_72 = arith.constant 64 : i32
      %dma_wait3A_73 = tpu.memref_slice %arg7[%dma_wait3A_72] : memref<128xi32, #tpu.memory_space<vmem>> -> memref<64xi32, #tpu.memory_space<vmem>>
      %dma_wait3A_74 = arith.constant 0 : i32
      %dma_wait3A_75 = arith.constant 0 : i32
      %dma_wait3A_76 = tpu.memref_slice %arg2[%dma_wait3A_74, %dma_wait3A_75] : memref<10240x128xf32, #tpu.memory_space<hbm>> -> memref<10240x128xf32, #tpu.memory_space<hbm>>
      tpu.wait_indirect_dma semaphore(%arg13 : memref<!tpu.dma_semaphore, #tpu.memory_space<semaphore_mem>>) src(%dma_wait3A_76 : memref<10240x128xf32, #tpu.memory_space<hbm>>) dst(%dma_wait3A_71 : memref<64x128xf32, #tpu.memory_space<vmem>>)
      %add3A_77 = arith.constant 2 : i32
      %add3A_78 = arith.addi %add3A_58, %add3A_77 : i32
      %lt3A = arith.constant 80 : i32
      %lt3A_79 = arith.cmpi slt, %add3A_78, %lt3A : i32
      %convert_element_type3A = arith.extui %lt3A_79 : i1 to i32
      %cond3A = arith.constant 0 : i32
      %cond3A_80 = arith.cmpi ne, %convert_element_type3A, %cond3A : i32
      scf.if %cond3A_80 {
        %add3A_132 = arith.constant 2 : i32
        %add3A_133 = arith.addi %add3A_58, %add3A_132 : i32
        %dma_start3A_134 = arith.constant 0 : i32
        %dma_start3A_135 = tpu.memref_slice %arg3[%add3A, %add3A_133, %dma_start3A_134] : memref<32x80x128xi32, #tpu.memory_space<hbm>> -> memref<1x1x128xi32, #tpu.memory_space<hbm>>
        %dma_start3A_136 = tpu.memref_squeeze %dma_start3A_135 : memref<1x1x128xi32, #tpu.memory_space<hbm>> -> memref<128xi32, #tpu.memory_space<hbm>>
        %dma_start3A_137 = arith.constant 0 : i32
        %dma_start3A_138 = tpu.memref_slice %arg3[%add3A, %add3A_133, %dma_start3A_137] : memref<32x80x128xi32, #tpu.memory_space<hbm>> -> memref<1x1x128xi32, #tpu.memory_space<hbm>>
        %dma_start3A_139 = tpu.memref_squeeze %dma_start3A_138 : memref<1x1x128xi32, #tpu.memory_space<hbm>> -> memref<128xi32, #tpu.memory_space<hbm>>
        tpu.enqueue_dma source(%dma_start3A_139 : memref<128xi32, #tpu.memory_space<hbm>>) target(%arg7 : memref<128xi32, #tpu.memory_space<vmem>>) target_semaphore(%arg17 : memref<!tpu.dma_semaphore, #tpu.memory_space<semaphore_mem>>)
      } else {
      }
      %dma_start3A_81 = arith.constant 0 : i32
      %dma_start3A_82 = tpu.memref_slice %arg9[%add3A_58, %dma_start3A_81] : memref<80x128xi32, #tpu.memory_space<vmem>> -> memref<1x128xi32, #tpu.memory_space<vmem>>
      %dma_start3A_83 = tpu.memref_squeeze %dma_start3A_82 : memref<1x128xi32, #tpu.memory_space<vmem>> -> memref<128xi32, #tpu.memory_space<vmem>>
      %dma_start3A_84 = arith.constant 0 : i32
      %dma_start3A_85 = arith.constant 0 : i32
      %dma_start3A_86 = tpu.memref_slice %arg12[%dma_start3A_84, %dma_start3A_85] : memref<10240x128xf32, #tpu.memory_space<vmem_shared>> -> memref<10240x128xf32, #tpu.memory_space<vmem_shared>>
      tpu.enqueue_indirect_dma source(%arg10 : memref<128x128xf32, #tpu.memory_space<vmem>>) target(%dma_start3A_86 : memref<10240x128xf32, #tpu.memory_space<vmem_shared>>) offsets(%dma_start3A_83 : memref<128xi32, #tpu.memory_space<vmem>>) semaphore(%arg15 : memref<!tpu.dma_semaphore, #tpu.memory_space<semaphore_mem>>) {add = true}
      %lt3A_87 = arith.constant 80 : i32
      %lt3A_88 = arith.cmpi slt, %add3A_60, %lt3A_87 : i32
      %convert_element_type3A_89 = arith.extui %lt3A_88 : i1 to i32
      %cond3A_90 = arith.constant 0 : i32
      %cond3A_91 = arith.cmpi ne, %convert_element_type3A_89, %cond3A_90 : i32
      scf.if %cond3A_91 {
        %ge3A = arith.constant 1 : i32
        %ge3A_132 = arith.cmpi sge, %add3A_58, %ge3A : i32
        %convert_element_type3A_133 = arith.extui %ge3A_132 : i1 to i32
        %cond3A_134 = arith.constant 0 : i32
        %cond3A_135 = arith.cmpi ne, %convert_element_type3A_133, %cond3A_134 : i32
        scf.if %cond3A_135 {
          %sub3A = arith.constant 1 : i32
          %sub3A_158 = arith.subi %add3A_58, %sub3A : i32
          %dma_wait3A_159 = arith.constant 0 : i32
          %dma_wait3A_160 = tpu.memref_slice %arg9[%sub3A_158, %dma_wait3A_159] : memref<80x128xi32, #tpu.memory_space<vmem>> -> memref<1x128xi32, #tpu.memory_space<vmem>>
          %dma_wait3A_161 = tpu.memref_squeeze %dma_wait3A_160 : memref<1x128xi32, #tpu.memory_space<vmem>> -> memref<128xi32, #tpu.memory_space<vmem>>
          %dma_wait3A_162 = arith.constant 0 : i32
          %dma_wait3A_163 = arith.constant 0 : i32
          %dma_wait3A_164 = tpu.memref_slice %arg12[%dma_wait3A_162, %dma_wait3A_163] : memref<10240x128xf32, #tpu.memory_space<vmem_shared>> -> memref<10240x128xf32, #tpu.memory_space<vmem_shared>>
          tpu.wait_indirect_dma semaphore(%arg16 : memref<!tpu.dma_semaphore, #tpu.memory_space<semaphore_mem>>) src(%arg11 : memref<128x128xf32, #tpu.memory_space<vmem>>) dst(%dma_wait3A_164 : memref<10240x128xf32, #tpu.memory_space<vmem_shared>>)
        } else {
        }
        %dma_wait3A_136 = arith.constant 0 : i32
        %dma_wait3A_137 = tpu.memref_slice %arg3[%add3A, %add3A_60, %dma_wait3A_136] : memref<32x80x128xi32, #tpu.memory_space<hbm>> -> memref<1x1x128xi32, #tpu.memory_space<hbm>>
        %dma_wait3A_138 = tpu.memref_squeeze %dma_wait3A_137 : memref<1x1x128xi32, #tpu.memory_space<hbm>> -> memref<128xi32, #tpu.memory_space<hbm>>
        %dma_wait3A_139 = arith.constant 0 : i32
        %dma_wait3A_140 = tpu.memref_slice %arg3[%add3A, %add3A_60, %dma_wait3A_139] : memref<32x80x128xi32, #tpu.memory_space<hbm>> -> memref<1x1x128xi32, #tpu.memory_space<hbm>>
        %dma_wait3A_141 = tpu.memref_squeeze %dma_wait3A_140 : memref<1x1x128xi32, #tpu.memory_space<hbm>> -> memref<128xi32, #tpu.memory_space<hbm>>
        tpu.wait_dma2 semaphore(%arg18 : memref<!tpu.dma_semaphore, #tpu.memory_space<semaphore_mem>>) src(%dma_wait3A_141 : memref<128xi32, #tpu.memory_space<hbm>>) dst(%arg8 : memref<128xi32, #tpu.memory_space<vmem>>)
        %dma_start3A_142 = arith.constant 0 : i32
        %dma_start3A_143 = arith.constant 0 : i32
        %dma_start3A_144 = tpu.memref_slice %arg11[%dma_start3A_142, %dma_start3A_143] : memref<128x128xf32, #tpu.memory_space<vmem>> -> memref<64x128xf32, #tpu.memory_space<vmem>>
        %dma_start3A_145 = arith.constant 0 : i32
        %dma_start3A_146 = tpu.memref_slice %arg8[%dma_start3A_145] : memref<128xi32, #tpu.memory_space<vmem>> -> memref<64xi32, #tpu.memory_space<vmem>>
        %dma_start3A_147 = arith.constant 0 : i32
        %dma_start3A_148 = arith.constant 0 : i32
        %dma_start3A_149 = tpu.memref_slice %arg2[%dma_start3A_147, %dma_start3A_148] : memref<10240x128xf32, #tpu.memory_space<hbm>> -> memref<10240x128xf32, #tpu.memory_space<hbm>>
        tpu.enqueue_indirect_dma source(%dma_start3A_149 : memref<10240x128xf32, #tpu.memory_space<hbm>>) target(%dma_start3A_144 : memref<64x128xf32, #tpu.memory_space<vmem>>) offsets(%dma_start3A_146 : memref<64xi32, #tpu.memory_space<vmem>>) semaphore(%arg14 : memref<!tpu.dma_semaphore, #tpu.memory_space<semaphore_mem>>)
        %dma_start3A_150 = arith.constant 64 : i32
        %dma_start3A_151 = arith.constant 0 : i32
        %dma_start3A_152 = tpu.memref_slice %arg11[%dma_start3A_150, %dma_start3A_151] : memref<128x128xf32, #tpu.memory_space<vmem>> -> memref<64x128xf32, #tpu.memory_space<vmem>>
        %dma_start3A_153 = arith.constant 64 : i32
        %dma_start3A_154 = tpu.memref_slice %arg8[%dma_start3A_153] : memref<128xi32, #tpu.memory_space<vmem>> -> memref<64xi32, #tpu.memory_space<vmem>>
        %dma_start3A_155 = arith.constant 0 : i32
        %dma_start3A_156 = arith.constant 0 : i32
        %dma_start3A_157 = tpu.memref_slice %arg2[%dma_start3A_155, %dma_start3A_156] : memref<10240x128xf32, #tpu.memory_space<hbm>> -> memref<10240x128xf32, #tpu.memory_space<hbm>>
        tpu.enqueue_indirect_dma source(%dma_start3A_157 : memref<10240x128xf32, #tpu.memory_space<hbm>>) target(%dma_start3A_152 : memref<64x128xf32, #tpu.memory_space<vmem>>) offsets(%dma_start3A_154 : memref<64xi32, #tpu.memory_space<vmem>>) semaphore(%arg14 : memref<!tpu.dma_semaphore, #tpu.memory_space<semaphore_mem>>)
      } else {
      }
      %mul3A_92 = arith.constant 2 : i32
      %mul3A_93 = arith.muli %scan3A_54, %mul3A_92 : i32
      %add3A_94 = arith.constant 1 : i32
      %add3A_95 = arith.addi %mul3A_93, %add3A_94 : i32
      %add3A_96 = arith.constant 1 : i32
      %add3A_97 = arith.addi %add3A_95, %add3A_96 : i32
      %dma_wait3A_98 = arith.constant 0 : i32
      %dma_wait3A_99 = arith.constant 0 : i32
      %dma_wait3A_100 = tpu.memref_slice %arg11[%dma_wait3A_98, %dma_wait3A_99] : memref<128x128xf32, #tpu.memory_space<vmem>> -> memref<64x128xf32, #tpu.memory_space<vmem>>
      %dma_wait3A_101 = arith.constant 0 : i32
      %dma_wait3A_102 = tpu.memref_slice %arg8[%dma_wait3A_101] : memref<128xi32, #tpu.memory_space<vmem>> -> memref<64xi32, #tpu.memory_space<vmem>>
      %dma_wait3A_103 = arith.constant 0 : i32
      %dma_wait3A_104 = arith.constant 0 : i32
      %dma_wait3A_105 = tpu.memref_slice %arg2[%dma_wait3A_103, %dma_wait3A_104] : memref<10240x128xf32, #tpu.memory_space<hbm>> -> memref<10240x128xf32, #tpu.memory_space<hbm>>
      tpu.wait_indirect_dma semaphore(%arg14 : memref<!tpu.dma_semaphore, #tpu.memory_space<semaphore_mem>>) src(%dma_wait3A_105 : memref<10240x128xf32, #tpu.memory_space<hbm>>) dst(%dma_wait3A_100 : memref<64x128xf32, #tpu.memory_space<vmem>>)
      %dma_wait3A_106 = arith.constant 64 : i32
      %dma_wait3A_107 = arith.constant 0 : i32
      %dma_wait3A_108 = tpu.memref_slice %arg11[%dma_wait3A_106, %dma_wait3A_107] : memref<128x128xf32, #tpu.memory_space<vmem>> -> memref<64x128xf32, #tpu.memory_space<vmem>>
      %dma_wait3A_109 = arith.constant 64 : i32
      %dma_wait3A_110 = tpu.memref_slice %arg8[%dma_wait3A_109] : memref<128xi32, #tpu.memory_space<vmem>> -> memref<64xi32, #tpu.memory_space<vmem>>
      %dma_wait3A_111 = arith.constant 0 : i32
      %dma_wait3A_112 = arith.constant 0 : i32
      %dma_wait3A_113 = tpu.memref_slice %arg2[%dma_wait3A_111, %dma_wait3A_112] : memref<10240x128xf32, #tpu.memory_space<hbm>> -> memref<10240x128xf32, #tpu.memory_space<hbm>>
      tpu.wait_indirect_dma semaphore(%arg14 : memref<!tpu.dma_semaphore, #tpu.memory_space<semaphore_mem>>) src(%dma_wait3A_113 : memref<10240x128xf32, #tpu.memory_space<hbm>>) dst(%dma_wait3A_108 : memref<64x128xf32, #tpu.memory_space<vmem>>)
      %add3A_114 = arith.constant 2 : i32
      %add3A_115 = arith.addi %add3A_95, %add3A_114 : i32
      %lt3A_116 = arith.constant 80 : i32
      %lt3A_117 = arith.cmpi slt, %add3A_115, %lt3A_116 : i32
      %convert_element_type3A_118 = arith.extui %lt3A_117 : i1 to i32
      %cond3A_119 = arith.constant 0 : i32
      %cond3A_120 = arith.cmpi ne, %convert_element_type3A_118, %cond3A_119 : i32
      scf.if %cond3A_120 {
        %add3A_132 = arith.constant 2 : i32
        %add3A_133 = arith.addi %add3A_95, %add3A_132 : i32
        %dma_start3A_134 = arith.constant 0 : i32
        %dma_start3A_135 = tpu.memref_slice %arg3[%add3A, %add3A_133, %dma_start3A_134] : memref<32x80x128xi32, #tpu.memory_space<hbm>> -> memref<1x1x128xi32, #tpu.memory_space<hbm>>
        %dma_start3A_136 = tpu.memref_squeeze %dma_start3A_135 : memref<1x1x128xi32, #tpu.memory_space<hbm>> -> memref<128xi32, #tpu.memory_space<hbm>>
        %dma_start3A_137 = arith.constant 0 : i32
        %dma_start3A_138 = tpu.memref_slice %arg3[%add3A, %add3A_133, %dma_start3A_137] : memref<32x80x128xi32, #tpu.memory_space<hbm>> -> memref<1x1x128xi32, #tpu.memory_space<hbm>>
        %dma_start3A_139 = tpu.memref_squeeze %dma_start3A_138 : memref<1x1x128xi32, #tpu.memory_space<hbm>> -> memref<128xi32, #tpu.memory_space<hbm>>
        tpu.enqueue_dma source(%dma_start3A_139 : memref<128xi32, #tpu.memory_space<hbm>>) target(%arg8 : memref<128xi32, #tpu.memory_space<vmem>>) target_semaphore(%arg18 : memref<!tpu.dma_semaphore, #tpu.memory_space<semaphore_mem>>)
      } else {
      }
      %dma_start3A_121 = arith.constant 0 : i32
      %dma_start3A_122 = tpu.memref_slice %arg9[%add3A_95, %dma_start3A_121] : memref<80x128xi32, #tpu.memory_space<vmem>> -> memref<1x128xi32, #tpu.memory_space<vmem>>
      %dma_start3A_123 = tpu.memref_squeeze %dma_start3A_122 : memref<1x128xi32, #tpu.memory_space<vmem>> -> memref<128xi32, #tpu.memory_space<vmem>>
      %dma_start3A_124 = arith.constant 0 : i32
      %dma_start3A_125 = arith.constant 0 : i32
      %dma_start3A_126 = tpu.memref_slice %arg12[%dma_start3A_124, %dma_start3A_125] : memref<10240x128xf32, #tpu.memory_space<vmem_shared>> -> memref<10240x128xf32, #tpu.memory_space<vmem_shared>>
      tpu.enqueue_indirect_dma source(%arg11 : memref<128x128xf32, #tpu.memory_space<vmem>>) target(%dma_start3A_126 : memref<10240x128xf32, #tpu.memory_space<vmem_shared>>) offsets(%dma_start3A_123 : memref<128xi32, #tpu.memory_space<vmem>>) semaphore(%arg16 : memref<!tpu.dma_semaphore, #tpu.memory_space<semaphore_mem>>) {add = true}
      %lt3A_127 = arith.constant 80 : i32
      %lt3A_128 = arith.cmpi slt, %add3A_97, %lt3A_127 : i32
      %convert_element_type3A_129 = arith.extui %lt3A_128 : i1 to i32
      %cond3A_130 = arith.constant 0 : i32
      %cond3A_131 = arith.cmpi ne, %convert_element_type3A_129, %cond3A_130 : i32
      scf.if %cond3A_131 {
        %ge3A = arith.constant 1 : i32
        %ge3A_132 = arith.cmpi sge, %add3A_95, %ge3A : i32
        %convert_element_type3A_133 = arith.extui %ge3A_132 : i1 to i32
        %cond3A_134 = arith.constant 0 : i32
        %cond3A_135 = arith.cmpi ne, %convert_element_type3A_133, %cond3A_134 : i32
        scf.if %cond3A_135 {
          %sub3A = arith.constant 1 : i32
          %sub3A_158 = arith.subi %add3A_95, %sub3A : i32
          %dma_wait3A_159 = arith.constant 0 : i32
          %dma_wait3A_160 = tpu.memref_slice %arg9[%sub3A_158, %dma_wait3A_159] : memref<80x128xi32, #tpu.memory_space<vmem>> -> memref<1x128xi32, #tpu.memory_space<vmem>>
          %dma_wait3A_161 = tpu.memref_squeeze %dma_wait3A_160 : memref<1x128xi32, #tpu.memory_space<vmem>> -> memref<128xi32, #tpu.memory_space<vmem>>
          %dma_wait3A_162 = arith.constant 0 : i32
          %dma_wait3A_163 = arith.constant 0 : i32
          %dma_wait3A_164 = tpu.memref_slice %arg12[%dma_wait3A_162, %dma_wait3A_163] : memref<10240x128xf32, #tpu.memory_space<vmem_shared>> -> memref<10240x128xf32, #tpu.memory_space<vmem_shared>>
          tpu.wait_indirect_dma semaphore(%arg15 : memref<!tpu.dma_semaphore, #tpu.memory_space<semaphore_mem>>) src(%arg10 : memref<128x128xf32, #tpu.memory_space<vmem>>) dst(%dma_wait3A_164 : memref<10240x128xf32, #tpu.memory_space<vmem_shared>>)
        } else {
        }
        %dma_wait3A_136 = arith.constant 0 : i32
        %dma_wait3A_137 = tpu.memref_slice %arg3[%add3A, %add3A_97, %dma_wait3A_136] : memref<32x80x128xi32, #tpu.memory_space<hbm>> -> memref<1x1x128xi32, #tpu.memory_space<hbm>>
        %dma_wait3A_138 = tpu.memref_squeeze %dma_wait3A_137 : memref<1x1x128xi32, #tpu.memory_space<hbm>> -> memref<128xi32, #tpu.memory_space<hbm>>
        %dma_wait3A_139 = arith.constant 0 : i32
        %dma_wait3A_140 = tpu.memref_slice %arg3[%add3A, %add3A_97, %dma_wait3A_139] : memref<32x80x128xi32, #tpu.memory_space<hbm>> -> memref<1x1x128xi32, #tpu.memory_space<hbm>>
        %dma_wait3A_141 = tpu.memref_squeeze %dma_wait3A_140 : memref<1x1x128xi32, #tpu.memory_space<hbm>> -> memref<128xi32, #tpu.memory_space<hbm>>
        tpu.wait_dma2 semaphore(%arg17 : memref<!tpu.dma_semaphore, #tpu.memory_space<semaphore_mem>>) src(%dma_wait3A_141 : memref<128xi32, #tpu.memory_space<hbm>>) dst(%arg7 : memref<128xi32, #tpu.memory_space<vmem>>)
        %dma_start3A_142 = arith.constant 0 : i32
        %dma_start3A_143 = arith.constant 0 : i32
        %dma_start3A_144 = tpu.memref_slice %arg10[%dma_start3A_142, %dma_start3A_143] : memref<128x128xf32, #tpu.memory_space<vmem>> -> memref<64x128xf32, #tpu.memory_space<vmem>>
        %dma_start3A_145 = arith.constant 0 : i32
        %dma_start3A_146 = tpu.memref_slice %arg7[%dma_start3A_145] : memref<128xi32, #tpu.memory_space<vmem>> -> memref<64xi32, #tpu.memory_space<vmem>>
        %dma_start3A_147 = arith.constant 0 : i32
        %dma_start3A_148 = arith.constant 0 : i32
        %dma_start3A_149 = tpu.memref_slice %arg2[%dma_start3A_147, %dma_start3A_148] : memref<10240x128xf32, #tpu.memory_space<hbm>> -> memref<10240x128xf32, #tpu.memory_space<hbm>>
        tpu.enqueue_indirect_dma source(%dma_start3A_149 : memref<10240x128xf32, #tpu.memory_space<hbm>>) target(%dma_start3A_144 : memref<64x128xf32, #tpu.memory_space<vmem>>) offsets(%dma_start3A_146 : memref<64xi32, #tpu.memory_space<vmem>>) semaphore(%arg13 : memref<!tpu.dma_semaphore, #tpu.memory_space<semaphore_mem>>)
        %dma_start3A_150 = arith.constant 64 : i32
        %dma_start3A_151 = arith.constant 0 : i32
        %dma_start3A_152 = tpu.memref_slice %arg10[%dma_start3A_150, %dma_start3A_151] : memref<128x128xf32, #tpu.memory_space<vmem>> -> memref<64x128xf32, #tpu.memory_space<vmem>>
        %dma_start3A_153 = arith.constant 64 : i32
        %dma_start3A_154 = tpu.memref_slice %arg7[%dma_start3A_153] : memref<128xi32, #tpu.memory_space<vmem>> -> memref<64xi32, #tpu.memory_space<vmem>>
        %dma_start3A_155 = arith.constant 0 : i32
        %dma_start3A_156 = arith.constant 0 : i32
        %dma_start3A_157 = tpu.memref_slice %arg2[%dma_start3A_155, %dma_start3A_156] : memref<10240x128xf32, #tpu.memory_space<hbm>> -> memref<10240x128xf32, #tpu.memory_space<hbm>>
        tpu.enqueue_indirect_dma source(%dma_start3A_157 : memref<10240x128xf32, #tpu.memory_space<hbm>>) target(%dma_start3A_152 : memref<64x128xf32, #tpu.memory_space<vmem>>) offsets(%dma_start3A_154 : memref<64xi32, #tpu.memory_space<vmem>>) semaphore(%arg13 : memref<!tpu.dma_semaphore, #tpu.memory_space<semaphore_mem>>)
      } else {
      }
    }
    %scan3A_39 = arith.constant 40 : i32
    %dma_wait3A = arith.constant 78 : i32
    %dma_wait3A_40 = arith.constant 0 : i32
    %dma_wait3A_41 = tpu.memref_slice %arg9[%dma_wait3A, %dma_wait3A_40] : memref<80x128xi32, #tpu.memory_space<vmem>> -> memref<1x128xi32, #tpu.memory_space<vmem>>
    %dma_wait3A_42 = tpu.memref_squeeze %dma_wait3A_41 : memref<1x128xi32, #tpu.memory_space<vmem>> -> memref<128xi32, #tpu.memory_space<vmem>>
    %dma_wait3A_43 = arith.constant 0 : i32
    %dma_wait3A_44 = arith.constant 0 : i32
    %dma_wait3A_45 = tpu.memref_slice %arg12[%dma_wait3A_43, %dma_wait3A_44] : memref<10240x128xf32, #tpu.memory_space<vmem_shared>> -> memref<10240x128xf32, #tpu.memory_space<vmem_shared>>
    tpu.wait_indirect_dma semaphore(%arg15 : memref<!tpu.dma_semaphore, #tpu.memory_space<semaphore_mem>>) src(%arg10 : memref<128x128xf32, #tpu.memory_space<vmem>>) dst(%dma_wait3A_45 : memref<10240x128xf32, #tpu.memory_space<vmem_shared>>)
    %dma_wait3A_46 = arith.constant 79 : i32
    %dma_wait3A_47 = arith.constant 0 : i32
    %dma_wait3A_48 = tpu.memref_slice %arg9[%dma_wait3A_46, %dma_wait3A_47] : memref<80x128xi32, #tpu.memory_space<vmem>> -> memref<1x128xi32, #tpu.memory_space<vmem>>
    %dma_wait3A_49 = tpu.memref_squeeze %dma_wait3A_48 : memref<1x128xi32, #tpu.memory_space<vmem>> -> memref<128xi32, #tpu.memory_space<vmem>>
    %dma_wait3A_50 = arith.constant 0 : i32
    %dma_wait3A_51 = arith.constant 0 : i32
    %dma_wait3A_52 = tpu.memref_slice %arg12[%dma_wait3A_50, %dma_wait3A_51] : memref<10240x128xf32, #tpu.memory_space<vmem_shared>> -> memref<10240x128xf32, #tpu.memory_space<vmem_shared>>
    tpu.wait_indirect_dma semaphore(%arg16 : memref<!tpu.dma_semaphore, #tpu.memory_space<semaphore_mem>>) src(%arg11 : memref<128x128xf32, #tpu.memory_space<vmem>>) dst(%dma_wait3A_52 : memref<10240x128xf32, #tpu.memory_space<vmem_shared>>)
    %barrier3A_53 = arith.constant 0 : index
    tpu.barrier barrier_id(%barrier3A_53)
    "tpu.region"() ({
      %run_scoped3A_54 = tpu.sem_alloc : memref<!tpu.dma_semaphore, #tpu.memory_space<semaphore_mem>>
      %dma_start3A_55 = arith.constant 0 : i32
      %dma_start3A_56 = tpu.memref_slice %arg6[%arg0, %mul3A_24, %dma_start3A_55] : memref<2x10240x128xf32, #tpu.memory_space<hbm>> -> memref<1x640x128xf32, #tpu.memory_space<hbm>>
      %dma_start3A_57 = tpu.memref_squeeze %dma_start3A_56 : memref<1x640x128xf32, #tpu.memory_space<hbm>> -> memref<640x128xf32, #tpu.memory_space<hbm>>
      %dma_start3A_58 = arith.constant 0 : i32
      %dma_start3A_59 = tpu.memref_slice %arg12[%mul3A_24, %dma_start3A_58] : memref<10240x128xf32, #tpu.memory_space<vmem_shared>> -> memref<640x128xf32, #tpu.memory_space<vmem_shared>>
      tpu.enqueue_dma source(%dma_start3A_59 : memref<640x128xf32, #tpu.memory_space<vmem_shared>>) target(%dma_start3A_57 : memref<640x128xf32, #tpu.memory_space<hbm>>) target_semaphore(%run_scoped3A_54 : memref<!tpu.dma_semaphore, #tpu.memory_space<semaphore_mem>>)
      %dma_wait3A_60 = arith.constant 0 : i32
      %dma_wait3A_61 = tpu.memref_slice %arg6[%arg0, %mul3A_24, %dma_wait3A_60] : memref<2x10240x128xf32, #tpu.memory_space<hbm>> -> memref<1x640x128xf32, #tpu.memory_space<hbm>>
      %dma_wait3A_62 = tpu.memref_squeeze %dma_wait3A_61 : memref<1x640x128xf32, #tpu.memory_space<hbm>> -> memref<640x128xf32, #tpu.memory_space<hbm>>
      %dma_wait3A_63 = arith.constant 0 : i32
      %dma_wait3A_64 = tpu.memref_slice %arg12[%mul3A_24, %dma_wait3A_63] : memref<10240x128xf32, #tpu.memory_space<vmem_shared>> -> memref<640x128xf32, #tpu.memory_space<vmem_shared>>
      tpu.wait_dma2 semaphore(%run_scoped3A_54 : memref<!tpu.dma_semaphore, #tpu.memory_space<semaphore_mem>>) src(%dma_wait3A_64 : memref<640x128xf32, #tpu.memory_space<vmem_shared>>) dst(%dma_wait3A_62 : memref<640x128xf32, #tpu.memory_space<hbm>>)
      tpu.yield
    }) : () -> ()
    return
  }
}

module attributes {stable_mosaic.version = 14 : i64} {
  func.func @body(%arg0: i32, %arg1: memref<512x1xi32, #tpu.memory_space<vmem>>, %arg2: memref<32x128xf32, #tpu.memory_space<vmem>>, %arg3: memref<512x128xf32, #tpu.memory_space<vmem>>) attributes {dimension_semantics = [#tpu.dimension_semantics<arbitrary>], iteration_bounds = array<i64: 20>, scalar_prefetch = 0 : i64, scratch_operands = 0 : i64, tpu.core_type = #tpu.core_type<tc>, window_params = [{transform_indices = @transform_0, window_bounds = array<i64: 512, 1>}, {pipeline_mode = #tpu.pipeline_mode<synchronous>, transform_indices = @transform_1, window_bounds = array<i64: 32, 128>}, {transform_indices = @transform_2, window_bounds = array<i64: 512, 128>}]} {
    %get3A = arith.constant 0 : index
    %get3A_0 = arith.constant 0 : index
    %get3A_1 = vector.load %arg1[%get3A, %get3A_0] : memref<512x1xi32, #tpu.memory_space<vmem>>, vector<512x1xi32>
    %iota3A = tpu.iota {dimensions = array<i32: 1>} : vector<512x32xi32>
    %eq3A = vector.broadcast %get3A_1 : vector<512x1xi32> to vector<512x32xi32>
    %eq3A_2 = arith.cmpi eq, %eq3A, %iota3A : vector<512x32xi32>
    %convert_element_type3A = arith.extui %eq3A_2 : vector<512x32xi1> to vector<512x32xi32>
    %convert_element_type3A_3 = arith.sitofp %convert_element_type3A : vector<512x32xi32> to vector<512x32xf32>
    %get3A_4 = arith.constant 0 : index
    %get3A_5 = arith.constant 0 : index
    %get3A_6 = vector.load %arg2[%get3A_4, %get3A_5] : memref<32x128xf32, #tpu.memory_space<vmem>>, vector<32x128xf32>
    %dot_general3A = arith.constant dense<0.000000e+00> : vector<512x128xf32>
    %dot_general3A_7 = tpu.matmul %convert_element_type3A_3, %get3A_6, %dot_general3A {dimension_numbers = #tpu.dot_dimension_numbers<[1], [0], [0], [1], [0, 0, 1, 1], [], []>, transpose_lhs_hint = false} : vector<512x32xf32>, vector<32x128xf32>, vector<512x128xf32> -> vector<512x128xf32>
    %swap3A = arith.constant 0 : index
    %swap3A_8 = arith.constant 0 : index
    %swap3A_9 = vector.load %arg3[%swap3A, %swap3A_8] : memref<512x128xf32, #tpu.memory_space<vmem>>, vector<512x128xf32>
    tpu.vector_store %arg3[%swap3A, %swap3A_8], %dot_general3A_7 {strides = array<i32>} : memref<512x128xf32, #tpu.memory_space<vmem>>, vector<512x128xf32>,
    return
  }
  func.func @transform_0(%arg0: i32) -> (i32, i32) {
    %c0_i32 = arith.constant 0 : i32
    %c0_i32_0 = arith.constant 0 : i32
    return %arg0, %c0_i32 : i32, i32
  }
  func.func @transform_1(%arg0: i32) -> (i32, i32) {
    %c0_i32 = arith.constant 0 : i32
    %c0_i32_0 = arith.constant 0 : i32
    %c0_i32_1 = arith.constant 0 : i32
    return %c0_i32, %c0_i32_0 : i32, i32
  }
  func.func @transform_2(%arg0: i32) -> (i32, i32) {
    %c0_i32 = arith.constant 0 : i32
    %c0_i32_0 = arith.constant 0 : i32
    return %arg0, %c0_i32 : i32, i32
  }
}

module attributes {stable_mosaic.version = 14 : i64} {
  func.func @body(%arg0: i32, %arg1: memref<512x128xf32, #tpu.memory_space<vmem>>, %arg2: memref<512x128xf32, #tpu.memory_space<vmem>>, %arg3: memref<512x128xf32, #tpu.memory_space<vmem>>, %arg4: memref<512x16xf32, #tpu.memory_space<vmem>>, %arg5: memref<512x16xf32, #tpu.memory_space<vmem>>, %arg6: memref<128x128xf32, #tpu.memory_space<vmem>>, %arg7: memref<128x128xf32, #tpu.memory_space<vmem>>, %arg8: memref<1x128xf32, #tpu.memory_space<vmem>>, %arg9: memref<512x128xf32, #tpu.memory_space<vmem>>) attributes {dimension_semantics = [#tpu.dimension_semantics<arbitrary>], iteration_bounds = array<i64: 20>, scalar_prefetch = 0 : i64, scratch_operands = 0 : i64, tpu.core_type = #tpu.core_type<tc>, window_params = [{transform_indices = @transform_0, window_bounds = array<i64: 512, 128>}, {transform_indices = @transform_1, window_bounds = array<i64: 512, 128>}, {transform_indices = @transform_2, window_bounds = array<i64: 512, 128>}, {transform_indices = @transform_3, window_bounds = array<i64: 512, 16>}, {transform_indices = @transform_4, window_bounds = array<i64: 512, 16>}, {pipeline_mode = #tpu.pipeline_mode<synchronous>, transform_indices = @transform_5, window_bounds = array<i64: 128, 128>}, {pipeline_mode = #tpu.pipeline_mode<synchronous>, transform_indices = @transform_6, window_bounds = array<i64: 128, 128>}, {pipeline_mode = #tpu.pipeline_mode<synchronous>, transform_indices = @transform_7, window_bounds = array<i64: 1, 128>}, {transform_indices = @transform_8, window_bounds = array<i64: 512, 128>}]} {
    %get3A = arith.constant 0 : index
    %get3A_0 = arith.constant 0 : index
    %get3A_1 = vector.load %arg4[%get3A, %get3A_0] : memref<512x16xf32, #tpu.memory_space<vmem>>, vector<512x16xf32>
    %slice3A = vector.extract_strided_slice %get3A_1 {offsets = [0, 0], sizes = [512, 1], strides = [1, 1]} : vector<512x16xf32> to vector<512x1xf32>
    %get3A_2 = arith.constant 0 : index
    %get3A_3 = arith.constant 0 : index
    %get3A_4 = vector.load %arg5[%get3A_2, %get3A_3] : memref<512x16xf32, #tpu.memory_space<vmem>>, vector<512x16xf32>
    %slice3A_5 = vector.extract_strided_slice %get3A_4 {offsets = [0, 0], sizes = [512, 1], strides = [1, 1]} : vector<512x16xf32> to vector<512x1xf32>
    %add3A = arith.addf %slice3A, %slice3A_5 : vector<512x1xf32>
    %max3A = arith.constant 1.000000e+00 : f32
    %max3A_6 = vector.broadcast %max3A : f32 to vector<512x1xf32>
    %max3A_7 = arith.maximumf %add3A, %max3A_6 : vector<512x1xf32>
    %get3A_8 = arith.constant 0 : index
    %get3A_9 = arith.constant 0 : index
    %get3A_10 = vector.load %arg2[%get3A_8, %get3A_9] : memref<512x128xf32, #tpu.memory_space<vmem>>, vector<512x128xf32>
    %get3A_11 = arith.constant 0 : index
    %get3A_12 = arith.constant 0 : index
    %get3A_13 = vector.load %arg3[%get3A_11, %get3A_12] : memref<512x128xf32, #tpu.memory_space<vmem>>, vector<512x128xf32>
    %add3A_14 = arith.addf %get3A_10, %get3A_13 : vector<512x128xf32>
    %div3A = vector.broadcast %max3A_7 : vector<512x1xf32> to vector<512x128xf32>
    %div3A_15 = arith.divf %add3A_14, %div3A : vector<512x128xf32>
    %get3A_16 = arith.constant 0 : index
    %get3A_17 = arith.constant 0 : index
    %get3A_18 = vector.load %arg1[%get3A_16, %get3A_17] : memref<512x128xf32, #tpu.memory_space<vmem>>, vector<512x128xf32>
    %get3A_19 = arith.constant 0 : index
    %get3A_20 = arith.constant 0 : index
    %get3A_21 = vector.load %arg6[%get3A_19, %get3A_20] : memref<128x128xf32, #tpu.memory_space<vmem>>, vector<128x128xf32>
    %dot_general3A = arith.constant dense<0.000000e+00> : vector<512x128xf32>
    %dot_general3A_22 = tpu.matmul %get3A_18, %get3A_21, %dot_general3A {dimension_numbers = #tpu.dot_dimension_numbers<[1], [0], [0], [1], [0, 0, 1, 1], [], []>, transpose_lhs_hint = false} : vector<512x128xf32>, vector<128x128xf32>, vector<512x128xf32> -> vector<512x128xf32>
    %get3A_23 = arith.constant 0 : index
    %get3A_24 = arith.constant 0 : index
    %get3A_25 = vector.load %arg7[%get3A_23, %get3A_24] : memref<128x128xf32, #tpu.memory_space<vmem>>, vector<128x128xf32>
    %dot_general3A_26 = arith.constant dense<0.000000e+00> : vector<512x128xf32>
    %dot_general3A_27 = tpu.matmul %div3A_15, %get3A_25, %dot_general3A_26 {dimension_numbers = #tpu.dot_dimension_numbers<[1], [0], [0], [1], [0, 0, 1, 1], [], []>, transpose_lhs_hint = false} : vector<512x128xf32>, vector<128x128xf32>, vector<512x128xf32> -> vector<512x128xf32>
    %add3A_28 = arith.addf %dot_general3A_22, %dot_general3A_27 : vector<512x128xf32>
    %get3A_29 = arith.constant 0 : index
    %get3A_30 = arith.constant 0 : index
    %get3A_31 = vector.load %arg8[%get3A_29, %get3A_30] : memref<1x128xf32, #tpu.memory_space<vmem>>, vector<1x128xf32>
    %add3A_32 = vector.broadcast %get3A_31 : vector<1x128xf32> to vector<512x128xf32>
    %add3A_33 = arith.addf %add3A_28, %add3A_32 : vector<512x128xf32>
    %max3A_34 = arith.constant 0.000000e+00 : f32
    %max3A_35 = vector.broadcast %max3A_34 : f32 to vector<512x128xf32>
    %max3A_36 = arith.maximumf %add3A_33, %max3A_35 : vector<512x128xf32>
    %swap3A = arith.constant 0 : index
    %swap3A_37 = arith.constant 0 : index
    %swap3A_38 = vector.load %arg9[%swap3A, %swap3A_37] : memref<512x128xf32, #tpu.memory_space<vmem>>, vector<512x128xf32>
    tpu.vector_store %arg9[%swap3A, %swap3A_37], %max3A_36 {strides = array<i32>} : memref<512x128xf32, #tpu.memory_space<vmem>>, vector<512x128xf32>,
    return
  }
  func.func @transform_0(%arg0: i32) -> (i32, i32) {
    %c0_i32 = arith.constant 0 : i32
    %c0_i32_0 = arith.constant 0 : i32
    return %arg0, %c0_i32 : i32, i32
  }
  func.func @transform_1(%arg0: i32) -> (i32, i32) {
    %c0_i32 = arith.constant 0 : i32
    %c0_i32_0 = arith.constant 0 : i32
    return %arg0, %c0_i32 : i32, i32
  }
  func.func @transform_2(%arg0: i32) -> (i32, i32) {
    %c0_i32 = arith.constant 0 : i32
    %c0_i32_0 = arith.constant 0 : i32
    return %arg0, %c0_i32 : i32, i32
  }
  func.func @transform_3(%arg0: i32) -> (i32, i32) {
    %c0_i32 = arith.constant 0 : i32
    %c0_i32_0 = arith.constant 0 : i32
    return %arg0, %c0_i32 : i32, i32
  }
  func.func @transform_4(%arg0: i32) -> (i32, i32) {
    %c0_i32 = arith.constant 0 : i32
    %c0_i32_0 = arith.constant 0 : i32
    return %arg0, %c0_i32 : i32, i32
  }
  func.func @transform_5(%arg0: i32) -> (i32, i32) {
    %c0_i32 = arith.constant 0 : i32
    %c0_i32_0 = arith.constant 0 : i32
    %c0_i32_1 = arith.constant 0 : i32
    return %c0_i32, %c0_i32_0 : i32, i32
  }
  func.func @transform_6(%arg0: i32) -> (i32, i32) {
    %c0_i32 = arith.constant 0 : i32
    %c0_i32_0 = arith.constant 0 : i32
    %c0_i32_1 = arith.constant 0 : i32
    return %c0_i32, %c0_i32_0 : i32, i32
  }
  func.func @transform_7(%arg0: i32) -> (i32, i32) {
    %c0_i32 = arith.constant 0 : i32
    %c0_i32_0 = arith.constant 0 : i32
    %c0_i32_1 = arith.constant 0 : i32
    return %c0_i32, %c0_i32_0 : i32, i32
  }
  func.func @transform_8(%arg0: i32) -> (i32, i32) {
    %c0_i32 = arith.constant 0 : i32
    %c0_i32_0 = arith.constant 0 : i32
    return %arg0, %c0_i32 : i32, i32
  }
}

module attributes {stable_mosaic.version = 14 : i64} {
  func.func @body(%arg0: i32, %arg1: memref<512x128xf32, #tpu.memory_space<vmem>>, %arg2: memref<128x256xf32, #tpu.memory_space<vmem>>, %arg3: memref<1x256xf32, #tpu.memory_space<vmem>>, %arg4: memref<256x128xf32, #tpu.memory_space<vmem>>, %arg5: memref<1x128xf32, #tpu.memory_space<vmem>>, %arg6: memref<128x128xf32, #tpu.memory_space<vmem>>, %arg7: memref<1x128xf32, #tpu.memory_space<vmem>>, %arg8: memref<1x128xf32, #tpu.memory_space<vmem>>, %arg9: memref<1x1xf32, #tpu.memory_space<vmem>>, %arg10: memref<512x1xf32, #tpu.memory_space<vmem>>, %arg11: memref<512x128xf32, #tpu.memory_space<vmem>>) attributes {dimension_semantics = [#tpu.dimension_semantics<arbitrary>], iteration_bounds = array<i64: 20>, scalar_prefetch = 0 : i64, scratch_operands = 0 : i64, tpu.core_type = #tpu.core_type<tc>, window_params = [{transform_indices = @transform_0, window_bounds = array<i64: 512, 128>}, {pipeline_mode = #tpu.pipeline_mode<synchronous>, transform_indices = @transform_1, window_bounds = array<i64: 128, 256>}, {pipeline_mode = #tpu.pipeline_mode<synchronous>, transform_indices = @transform_2, window_bounds = array<i64: 1, 256>}, {pipeline_mode = #tpu.pipeline_mode<synchronous>, transform_indices = @transform_3, window_bounds = array<i64: 256, 128>}, {pipeline_mode = #tpu.pipeline_mode<synchronous>, transform_indices = @transform_4, window_bounds = array<i64: 1, 128>}, {pipeline_mode = #tpu.pipeline_mode<synchronous>, transform_indices = @transform_5, window_bounds = array<i64: 128, 128>}, {pipeline_mode = #tpu.pipeline_mode<synchronous>, transform_indices = @transform_6, window_bounds = array<i64: 1, 128>}, {pipeline_mode = #tpu.pipeline_mode<synchronous>, transform_indices = @transform_7, window_bounds = array<i64: 1, 128>}, {pipeline_mode = #tpu.pipeline_mode<synchronous>, transform_indices = @transform_8, window_bounds = array<i64: 1, 1>}, {transform_indices = @transform_9, window_bounds = array<i64: 512, 1>}, {transform_indices = @transform_10, window_bounds = array<i64: 512, 128>}]} {
    %get3A = arith.constant 0 : index
    %get3A_0 = arith.constant 0 : index
    %get3A_1 = vector.load %arg1[%get3A, %get3A_0] : memref<512x128xf32, #tpu.memory_space<vmem>>, vector<512x128xf32>
    %get3A_2 = arith.constant 0 : index
    %get3A_3 = arith.constant 0 : index
    %get3A_4 = vector.load %arg6[%get3A_2, %get3A_3] : memref<128x128xf32, #tpu.memory_space<vmem>>, vector<128x128xf32>
    %dot_general3A = arith.constant dense<0.000000e+00> : vector<512x128xf32>
    %dot_general3A_5 = tpu.matmul %get3A_1, %get3A_4, %dot_general3A {dimension_numbers = #tpu.dot_dimension_numbers<[1], [0], [0], [1], [0, 0, 1, 1], [], []>, transpose_lhs_hint = false} : vector<512x128xf32>, vector<128x128xf32>, vector<512x128xf32> -> vector<512x128xf32>
    %get3A_6 = arith.constant 0 : index
    %get3A_7 = arith.constant 0 : index
    %get3A_8 = vector.load %arg7[%get3A_6, %get3A_7] : memref<1x128xf32, #tpu.memory_space<vmem>>, vector<1x128xf32>
    %add3A = vector.broadcast %get3A_8 : vector<1x128xf32> to vector<512x128xf32>
    %add3A_9 = arith.addf %dot_general3A_5, %add3A : vector<512x128xf32>
    %max3A = arith.constant 0.000000e+00 : f32
    %max3A_10 = vector.broadcast %max3A : f32 to vector<512x128xf32>
    %max3A_11 = arith.maximumf %add3A_9, %max3A_10 : vector<512x128xf32>
    %get3A_12 = arith.constant 0 : index
    %get3A_13 = arith.constant 0 : index
    %get3A_14 = vector.load %arg8[%get3A_12, %get3A_13] : memref<1x128xf32, #tpu.memory_space<vmem>>, vector<1x128xf32>
    %mul3A = vector.broadcast %get3A_14 : vector<1x128xf32> to vector<512x128xf32>
    %mul3A_15 = arith.mulf %max3A_11, %mul3A : vector<512x128xf32>
    %reduce_sum3A = arith.constant dense<0.000000e+00> : vector<512xf32>
    %reduce_sum3A_16 = vector.multi_reduction <add>, %mul3A_15, %reduce_sum3A [1] : vector<512x128xf32> to vector<512xf32>
    %broadcast_in_dim3A = vector.shape_cast %reduce_sum3A_16 : vector<512xf32> to vector<512x1xf32>
    %get3A_17 = arith.constant 0 : index
    %get3A_18 = arith.constant 0 : index
    %get3A_19 = vector.load %arg9[%get3A_17, %get3A_18] : memref<1x1xf32, #tpu.memory_space<vmem>>, vector<1x1xf32>
    %get3A_20 = vector.extract %get3A_19[0, 0] : f32 from vector<1x1xf32>
    %add3A_21 = vector.broadcast %get3A_20 : f32 to vector<512x1xf32>
    %add3A_22 = arith.addf %broadcast_in_dim3A, %add3A_21 : vector<512x1xf32>
    %swap3A = arith.constant 0 : index
    %swap3A_23 = arith.constant 0 : index
    %swap3A_24 = vector.load %arg10[%swap3A, %swap3A_23] : memref<512x1xf32, #tpu.memory_space<vmem>>, vector<512x1xf32>
    tpu.vector_store %arg10[%swap3A, %swap3A_23], %add3A_22 {strides = array<i32>} : memref<512x1xf32, #tpu.memory_space<vmem>>, vector<512x1xf32>,
    %get3A_25 = arith.constant 0 : index
    %get3A_26 = arith.constant 0 : index
    %get3A_27 = vector.load %arg2[%get3A_25, %get3A_26] : memref<128x256xf32, #tpu.memory_space<vmem>>, vector<128x256xf32>
    %dot_general3A_28 = arith.constant dense<0.000000e+00> : vector<512x256xf32>
    %dot_general3A_29 = tpu.matmul %get3A_1, %get3A_27, %dot_general3A_28 {dimension_numbers = #tpu.dot_dimension_numbers<[1], [0], [0], [1], [0, 0, 1, 1], [], []>, transpose_lhs_hint = false} : vector<512x128xf32>, vector<128x256xf32>, vector<512x256xf32> -> vector<512x256xf32>
    %get3A_30 = arith.constant 0 : index
    %get3A_31 = arith.constant 0 : index
    %get3A_32 = vector.load %arg3[%get3A_30, %get3A_31] : memref<1x256xf32, #tpu.memory_space<vmem>>, vector<1x256xf32>
    %add3A_33 = vector.broadcast %get3A_32 : vector<1x256xf32> to vector<512x256xf32>
    %add3A_34 = arith.addf %dot_general3A_29, %add3A_33 : vector<512x256xf32>
    %max3A_35 = arith.constant 0.000000e+00 : f32
    %max3A_36 = vector.broadcast %max3A_35 : f32 to vector<512x256xf32>
    %max3A_37 = arith.maximumf %add3A_34, %max3A_36 : vector<512x256xf32>
    %get3A_38 = arith.constant 0 : index
    %get3A_39 = arith.constant 0 : index
    %get3A_40 = vector.load %arg4[%get3A_38, %get3A_39] : memref<256x128xf32, #tpu.memory_space<vmem>>, vector<256x128xf32>
    %dot_general3A_41 = arith.constant dense<0.000000e+00> : vector<512x128xf32>
    %dot_general3A_42 = tpu.matmul %max3A_37, %get3A_40, %dot_general3A_41 {dimension_numbers = #tpu.dot_dimension_numbers<[1], [0], [0], [1], [0, 0, 1, 1], [], []>, transpose_lhs_hint = false} : vector<512x256xf32>, vector<256x128xf32>, vector<512x128xf32> -> vector<512x128xf32>
    %get3A_43 = arith.constant 0 : index
    %get3A_44 = arith.constant 0 : index
    %get3A_45 = vector.load %arg5[%get3A_43, %get3A_44] : memref<1x128xf32, #tpu.memory_space<vmem>>, vector<1x128xf32>
    %add3A_46 = vector.broadcast %get3A_45 : vector<1x128xf32> to vector<512x128xf32>
    %add3A_47 = arith.addf %dot_general3A_42, %add3A_46 : vector<512x128xf32>
    %swap3A_48 = arith.constant 0 : index
    %swap3A_49 = arith.constant 0 : index
    %swap3A_50 = vector.load %arg11[%swap3A_48, %swap3A_49] : memref<512x128xf32, #tpu.memory_space<vmem>>, vector<512x128xf32>
    tpu.vector_store %arg11[%swap3A_48, %swap3A_49], %add3A_47 {strides = array<i32>} : memref<512x128xf32, #tpu.memory_space<vmem>>, vector<512x128xf32>,
    return
  }
  func.func @transform_0(%arg0: i32) -> (i32, i32) {
    %c0_i32 = arith.constant 0 : i32
    %c0_i32_0 = arith.constant 0 : i32
    return %arg0, %c0_i32 : i32, i32
  }
  func.func @transform_1(%arg0: i32) -> (i32, i32) {
    %c0_i32 = arith.constant 0 : i32
    %c0_i32_0 = arith.constant 0 : i32
    %c0_i32_1 = arith.constant 0 : i32
    return %c0_i32, %c0_i32_0 : i32, i32
  }
  func.func @transform_2(%arg0: i32) -> (i32, i32) {
    %c0_i32 = arith.constant 0 : i32
    %c0_i32_0 = arith.constant 0 : i32
    %c0_i32_1 = arith.constant 0 : i32
    return %c0_i32, %c0_i32_0 : i32, i32
  }
  func.func @transform_3(%arg0: i32) -> (i32, i32) {
    %c0_i32 = arith.constant 0 : i32
    %c0_i32_0 = arith.constant 0 : i32
    %c0_i32_1 = arith.constant 0 : i32
    return %c0_i32, %c0_i32_0 : i32, i32
  }
  func.func @transform_4(%arg0: i32) -> (i32, i32) {
    %c0_i32 = arith.constant 0 : i32
    %c0_i32_0 = arith.constant 0 : i32
    %c0_i32_1 = arith.constant 0 : i32
    return %c0_i32, %c0_i32_0 : i32, i32
  }
  func.func @transform_5(%arg0: i32) -> (i32, i32) {
    %c0_i32 = arith.constant 0 : i32
    %c0_i32_0 = arith.constant 0 : i32
    %c0_i32_1 = arith.constant 0 : i32
    return %c0_i32, %c0_i32_0 : i32, i32
  }
  func.func @transform_6(%arg0: i32) -> (i32, i32) {
    %c0_i32 = arith.constant 0 : i32
    %c0_i32_0 = arith.constant 0 : i32
    %c0_i32_1 = arith.constant 0 : i32
    return %c0_i32, %c0_i32_0 : i32, i32
  }
  func.func @transform_7(%arg0: i32) -> (i32, i32) {
    %c0_i32 = arith.constant 0 : i32
    %c0_i32_0 = arith.constant 0 : i32
    %c0_i32_1 = arith.constant 0 : i32
    return %c0_i32, %c0_i32_0 : i32, i32
  }
  func.func @transform_8(%arg0: i32) -> (i32, i32) {
    %c0_i32 = arith.constant 0 : i32
    %c0_i32_0 = arith.constant 0 : i32
    %c0_i32_1 = arith.constant 0 : i32
    return %c0_i32, %c0_i32_0 : i32, i32
  }
  func.func @transform_9(%arg0: i32) -> (i32, i32) {
    %c0_i32 = arith.constant 0 : i32
    %c0_i32_0 = arith.constant 0 : i32
    return %arg0, %c0_i32 : i32, i32
  }
  func.func @transform_10(%arg0: i32) -> (i32, i32) {
    %c0_i32 = arith.constant 0 : i32
    %c0_i32_0 = arith.constant 0 : i32
    return %arg0, %c0_i32 : i32, i32
  }
}

</mosaic_0001>

<sc_bundles>
// kernel: kernel.17.cloned.1.call-start
scs
__scs_entry_jumppad:
0x0: {  	(pc) =	sbr.rel $0x88, $3  }
0x1: {  	(tag) =	ssettag $0x0;
	lr =	simm.s32 $0x1  }
0x2: {  	[smem:$0x3F93] =	sst lr;
	_ =	strace $0xD0000000  }
0x3: {  	_ = 	snop  }
0x4: {  	_ = 	snop  }
0x5: {  	_ = 	snop  }
0x6: {  	_ = 	snop  }
0x7: {  	_ = 	snop  }
__scs_overlays_trampoline_lowered:
0x8: {  	[smem:$0x3FA2] =	sst s0  }
0x9: {  	[smem:$0x3FA3] =	sst s1  }
0xa: {  	[smem:$0x3FA4] =	sst s2  }
0xb: {  	[smem:$0x3FA5] =	sst s3  }
0xc: {  	[smem:$0x3FA6] =	sst s4  }
0xd: {  	[smem:$0x3FA7] =	sst s5  }
0xe: {  	[smem:$0x3FA8] =	sst s6  }
0xf: {  	[smem:$0x3FA9] =	sst s7  }
0x10: {  	[smem:$0x3FAA] =	sst s8  }
0x11: {  	[smem:$0x3FAB] =	sst s9;
	s0 =	simm.s32 @!p0 $0x0  }
0x12: {  	s1 =	sld [smem:$0x3F91];
	s0 =	simm.s32 @p0 $0x1  }
0x13: {  	[smem:$0x3FAC] =	sst s0;
	s0 =	simm.s32 @!p1 $0x0  }
0x14: {  	s2 =	sld [smem:$0x3F90];
	s0 =	simm.s32 @p1 $0x1  }
0x15: {  	[smem:$0x3FAD] =	sst s0;
	s0 =	simm.s32 @!p2 $0x0  }
0x16: {  	s3 =	sld [smem:$0x3FDB];
	s0 =	simm.s32 @p2 $0x1  }
0x17: {  	s4 =	simm.s32 $0x1BF5;
	[smem:$0x3FAF] =	sst s0  }
0x18: {  	s0 =	sld [smem:$0x3F92];
	_ =	swait.ge [sflag:s4], $0x0  }
0x19: {  	s7 =	sld [smem:$0x3F93]  }
0x1a: {  	s8 =	sadd.s32 $0xFFFFE003, lr  }
0x1b: {  	s9 =	sadd.s32 $0xFFFFFEF7, lr;
	s5 =	simm.s32 $0xFFFFFFFF;
	p2 =	slt.u32 s8, $0xFFFFF086  }
0x1c: {  	p1 =	slt.u32 s9, $0xF7A;
	s5 =	simm.s32 @!p2 $0x0  }
0x1d: {  	s5 =	simm.s32 @p1 $0x1;
	p0 =	seq.s32 s7, s2  }
0x1e: {  	s7 =	smul.u32 @!p0 $0xF7A, s2;
	p2 =	seq.s32 @!p0 s5, $0x0  }
0x1f: {  	s9 =	smul.u32 $0xF7A, s1;
	s8 =	simm.s32 @!p0 $0x1BF5;
	p2 =	por !p2, p0  }
0x20: {  	[sflag:s8] =	ssyncset.s32 @!p0 $0xFFFFF086;
	s6 =	sadd.s32 @!p0 s3, s7;
	s7 =	simm.s32 @!p0 $0x108  }
0x21: {  	s3 =	sadd.s32 s3, s9;
	s6 =	sadd.s32 @!p0 $0x88, s6;
	s7 =	simm.s32 @p2 $0x1082  }
0x22: {  	[simem:s7], [sflag:s8] =	dma.local @!p0 [hbm:s6], $0xF7A  }
0x23: {  	s9 =	sor.u32 $0xD0000000, s2;
	s6 =	simm.s32 $0x108;
	_ =	swait.ge @!p0 [sflag:s8], $0x0  }
0x24: {  	s3 =	sadd.s32 $0x88, s3;
	s6 =	simm.s32 @!p1 $0x1082;
	[sflag:s4] =	ssyncset.s32 $0xFFFFF086  }
0x25: {  	[simem:s6], [sflag:s4] =	dma.local [hbm:s3], $0xF7A  }
0x26: {  	[smem:$0x3F93] =	sst s1;
	(tag) =	ssettag s2;
	_ =	strace s9  }
0x27: {  	s1 =	sld [smem:$0x3FA3]  }
0x28: {  	s2 =	sld [smem:$0x3FA4]  }
0x29: {  	s4 =	sld [smem:$0x3FA6]  }
0x2a: {  	p0 =	seq.s32 s5, $0x0;
	s5 =	sld [smem:$0x3FA7]  }
0x2b: {  	s6 =	sld [smem:$0x3FA8]  }
0x2c: {  	s7 =	sld [smem:$0x3FA9]  }
0x2d: {  	s3 =	simm.s32 $0x108;
	s8 =	sld [smem:$0x3FAA]  }
0x2e: {  	s3 =	simm.s32 @!p0 $0x1082;
	s9 =	sld [smem:$0x3FAB]  }
0x2f: {  	lr =	sadd.s32 s0, s3;
	s0 =	sld [smem:$0x3FA2]  }
0x30: {  	s3 =	sld [smem:$0x3FA5]  }
0x31: {  	[smem:$0x3FAE] =	sst s10  }
0x32: {  	s10 =	sld [smem:$0x3FAC];
	_ =	sdelay $0x3  }
0x33: {  	p0 =	seq.s32 s10, $0x1;
	s10 =	sld [smem:$0x3FAE];
	_ =	sdelay $0x3  }
0x34: {  	[smem:$0x3FAE] =	sst s10  }
0x35: {  	s10 =	sld [smem:$0x3FAD];
	_ =	sdelay $0x3  }
0x36: {  	p1 =	seq.s32 s10, $0x1;
	s10 =	sld [smem:$0x3FAE];
	_ =	sdelay $0x3  }
0x37: {  	[smem:$0x3FAE] =	sst s10  }
0x38: {  	s10 =	sld [smem:$0x3FAF]  }
0x39: {  	_ = 	snop;
	(pc) =	sbr.ind lr, $3  }
0x3a: {  	_ = 	snop  }
0x3b: {  	_ = 	snop  }
0x3c: {  	p2 =	seq.s32 s10, $0x1;
	s10 =	sld [smem:$0x3FAE]  }
0x3d: {  	_ =	shalt  }
0x3e: {  	_ =	shalt  }
0x3f: {  	_ =	shalt  }
0x40: {  	_ =	shalt  }
0x41: {  	_ =	shalt  }
0x42: {  	_ =	shalt  }
0x43: {  	_ =	shalt  }
0x44: {  	_ =	shalt  }
0x45: {  	_ =	shalt  }
0x46: {  	_ =	shalt  }
0x47: {  	_ =	shalt  }
0x48: {  	_ =	shalt  }
0x49: {  	_ =	shalt  }
0x4a: {  	_ =	shalt  }
0x4b: {  	_ =	shalt  }
0x4c: {  	_ =	shalt  }
0x4d: {  	_ =	shalt  }
0x4e: {  	_ =	shalt  }
0x4f: {  	_ =	shalt  }
0x50: {  	_ =	shalt  }
0x51: {  	_ =	shalt  }
0x52: {  	_ =	shalt  }
0x53: {  	_ =	shalt  }
0x54: {  	_ =	shalt  }
0x55: {  	_ =	shalt  }
0x56: {  	_ =	shalt  }
0x57: {  	_ =	shalt  }
0x58: {  	_ =	shalt  }
0x59: {  	_ =	shalt  }
0x5a: {  	_ =	shalt  }
0x5b: {  	_ =	shalt  }
0x5c: {  	_ =	shalt  }
0x5d: {  	_ =	shalt  }
0x5e: {  	_ =	shalt  }
0x5f: {  	_ =	shalt  }
0x60: {  	_ =	shalt  }
0x61: {  	_ =	shalt  }
0x62: {  	_ =	shalt  }
0x63: {  	_ =	shalt  }
0x64: {  	_ =	shalt  }
0x65: {  	_ =	shalt  }
0x66: {  	_ =	shalt  }
0x67: {  	_ =	shalt  }
0x68: {  	_ =	shalt  }
0x69: {  	_ =	shalt  }
0x6a: {  	_ =	shalt  }
0x6b: {  	_ =	shalt  }
0x6c: {  	_ =	shalt  }
0x6d: {  	_ =	shalt  }
0x6e: {  	_ =	shalt  }
0x6f: {  	_ =	shalt  }
0x70: {  	_ =	shalt  }
0x71: {  	_ =	shalt  }
0x72: {  	_ =	shalt  }
0x73: {  	_ =	shalt  }
0x74: {  	_ =	shalt  }
0x75: {  	_ =	shalt  }
0x76: {  	_ =	shalt  }
0x77: {  	_ =	shalt  }
0x78: {  	_ =	shalt  }
0x79: {  	_ =	shalt  }
0x7a: {  	_ =	shalt  }
0x7b: {  	_ =	shalt  }
0x7c: {  	_ =	shalt  }
0x7d: {  	_ =	shalt  }
0x7e: {  	_ =	shalt  }
0x7f: {  	_ =	shalt  }
0x80: {  	_ =	shalt  }
0x81: {  	_ =	shalt  }
0x82: {  	_ =	shalt  }
0x83: {  	_ =	shalt  }
0x84: {  	_ =	shalt  }
0x85: {  	_ =	shalt  }
0x86: {  	_ =	shalt  }
0x87: {  	_ =	shalt  }
.Lfunc_end0:
.L_simem_size_0:
called_computation_lowered:
.L_overlay_start_0:
0x88: {  	s2 =	sld [smem:$0x3FD9]  }
0x89: {  	s3 =	sld [smem:$0x3FFE];
	_ =	sdelay $0x1  }
0x8a: {  	s1 =	srdreg.scid  }
0x8b: {  	s0 =	sand.u32 $0x1, s1  }
0x8c: {  	s17 =	sshll.u32 s0, $0xA;
	s2 =	sadd.s32 s3, s2  }
0x8d: {  	s2 =	sadd.s32 s2, s17  }
0x8e: {  	[smem:$0x3FBA] =	sst s2  }
0x8f: {  	_ = 	snop  }
0x90: {  	(tm) =	ssettm $0x1  }
0x91: {  	s18 =	sld [smem:$0x3FFB];
	_ =	sdelay $0x3  }
0x92: {  	_ =	strace s18  }
0x93: {  	s2 =	sld [smem:$0x3FFC];
	_ =	sdelay $0x3  }
0x94: {  	_ =	strace s2  }
0x95: {  	s2 =	sld [smem:$0x3FFD];
	_ =	sdelay $0x3  }
0x96: {  	_ =	strace s2  }
0x97: {  	_ =	strace $0x8FFFFFFF  }
0x98: {  	s19 =	sld [smem:$0x3FDB];
	_ =	sdelay $0x1  }
0x99: {  	s20 =	simm.s32 $_scs_section_size  }
0x9a: {  	s4 =	simm.s32 $_size__tile_overlayer_lowered;
	s5 =	simm.s32 $_tile_overlayer_lowered  }
0x9b: {  	s6 =	simm.s32 $0x1BFF;
	s21 =	sshll.u32 s5, $0x1;
	s3 =	sadd.s32 s20, s19  }
0x9c: {  	s22 =	simm.s32 $0x0;
	s4 =	sshll.u32 s4, $0x1;
	s5 =	sadd.s32 s21, s3  }
0x9d: {  	[timem:s22], [sflag:s6] =	dma.local [hbm:s5], s4  }
0x9e: {  	_ =	swait.ge [sflag:s6], s4  }
0x9f: {  	s4 =	ssub.s32 $0x0, s4;
	[sflag:s6] =	ssyncset.done $0x0  }
0xa0: {  	[sflag:s6] =	ssyncadd.s32 s4;
	_ =	sdelay $0x1  }
0xa1: {  	s23 =	simm.s32 $0x1B8B  }
0xa2: {  	_ =	swait.ge [sflag:s23], $0x1  }
0xa3: {  	[sflag:s23] =	ssyncset.done $0x0  }
0xa4: {  	[sflag:s23] =	ssyncadd.s32 $0xFFFFFFFF  }
0xa5: {  	s4 =	sld [smem:$0x0]  }
0xa6: {  	s5 =	sand.u32 $0xFFFFFFFE, s1  }
0xa7: {  	p0 =	sne.s32 s1, s5  }
0xa8: {  	s5 =	sshll.u32 @p0 s5, $0xE  }
0xa9: {  	s5 =	sadd.s32 @p0 $0x11B8D, s5;
	s6 =	sshll.u32 @p0 s4, $0x11  }
0xaa: {  	s5 =	sor.u32 @p0 s6, s5  }
0xab: {  	[sflag:s5] =	ssyncadd.remote.s32 @p0 $0x1;
	_ =	sdelay $0x1  }
0xac: {  	s5 =	simm.s32 @p0 $0x1B8D  }
0xad: {  	_ =	swait.eq @p0 [sflag:s5], $0x1  }
0xae: {  	[sflag:s5] =	ssyncadd.s32 @p0 $0xFFFFFFFF  }
0xaf: {  	s6 =	sshll.u32 @!p0 s1, $0xE  }
0xb0: {  	s6 =	sor.u32 @!p0 $0x4000, s6;
	s5 =	simm.s32 @!p0 $0x1B8D  }
0xb1: {  	s4 =	sshll.u32 @!p0 s4, $0x11;
	s6 =	sadd.s32 @!p0 $0x11B8D, s6;
	_ =	swait.eq @!p0 [sflag:s5], $0x1  }
0xb2: {  	s4 =	sor.u32 @!p0 s4, s6;
	[sflag:s5] =	ssyncadd.s32 @!p0 $0xFFFFFFFF  }
0xb3: {  	s25 =	simm.s32 $0x1B8E;
	s24 =	sld [smem:$0x3FFE];
	[sflag:s4] =	ssyncadd.remote.s32 @!p0 $0x1  }
0xb4: {  	s26 =	simm.s32 $execute0_lowered;
	[smem:$0x3FD2] =	sst s25  }
0xb5: {  	s5 =	sshll.u32 s26, $0x1;
	_ =	strace $0x80000049;
	[dreg:$0x1] =	wrdreg $0xFFFFFFFF  }
0xb6: {  	s28 =	simm.s32 $_size_execute0_lowered;
	s3 =	sadd.s32 s3, s5;
	[dreg:$0x0] =	wrdreg $0x0  }
0xb7: {  	s5 =	sshll.u32 s28, $0x1;
	[dreg:$0x2] =	wrdreg s3  }
0xb8: {  	[dreg:$0x3] =	wrdreg s5  }
0xb9: {  	[dreg:$0x4] =	wrdreg $0xC0  }
0xba: {  	_ =	task [dreg:s22], $0x5FFFF  }
0xbb: {  	[dreg:$0x1] =	wrdreg $0xFFFFFFFF  }
0xbc: {  	[dreg:$0x0] =	wrdreg $0x60  }
0xbd: {  	[dreg:$0x2] =	wrdreg s24  }
0xbe: {  	[dreg:$0x3] =	wrdreg $0x68000  }
0xbf: {  	[dreg:$0x4] =	wrdreg $0x9  }
0xc0: {  	_ =	task.clear_ibuf [dreg:s22], $0x5FFFF;
	_ =	strace $0x90000049  }
0xc1: {  	s29 =	simm.s32 $0x9;
	_ =	strace $0x8000004B  }
0xc2: {  	_ =	swait.ge [sflag:s29], $0x1  }
0xc3: {  	[sflag:s29] =	ssyncadd.s32 $0xFFFFFFFF  }
0xc4: {  	_ =	strace $0x9000004B  }
0xc5: {  	_ =	sfence  }
0xc6: {  	s30 =	sld [smem:$0x0];
	_ =	sdelay $0x2  }
0xc7: {  	s31 =	sshll.u32 s1, $0xD;
	s1 =	sshrl.u32 s1, $0x2  }
0xc8: {  	s4 =	sand.u32 $0x4000, s31;
	s1 =	sadd.s32 s1, s30  }
0xc9: {  	s0 =	sor.u32 s4, s0;
	s1 =	sshll.u32 s1, $0x11  }
0xca: {  	s0 =	sor.u32 s1, s0  }
0xcb: {  	s0 =	sadd.s32 $0x8F2B, s0  }
0xcc: {  	[sflag:s0] =	ssyncadd.remote.s32 $0x1  }
0xcd: {  	_ =	sfence.sel $0xFFFF  }
0xce: {  	[dreg:$0x0] =	wrdreg $0xFFFFFFFF;
	(pc) =	sbr.abs _section_cstart, $3  }
0xcf: {  	[dreg:$0x1] =	wrdreg $0xFFFFFFFF  }
0xd0: {  	_ =	task.clear_ibuf [dreg:s22], $0x2FFFF;
	_ =	strace $0x9FFFFFFF  }
0xd1: {  	(tm) =	ssettm $0x7FFFFFFF  }
tec
execute0_lowered:
.L_overlay_start_1:
0x0: {  	(tag) =	ssettag $0x1  }
0x1: {  	s1 =	srdreg.scid;
	s6 =	rddreg [dreg:$0x0]  }
0x2: {  	s0 =	stileid.u32;
	s2 =	rddreg [dreg:$0x1];
	s3 =	simm.s32 $0x0  }
0x3: {  	s14 =	simm.s32 $0x2;
	s15 =	simm.s32 $0x2800;
	s16 =	simm.s32 $0x80  }
0x4: {  	s17 =	simm.s32 $0x1;
	s20 =	simm.s32 $0x0;
	s7 =	sand.u32 $0x1, s1  }
0x5: {  	s30 =	sshll.u32 s0, $0x1;
	s1 =	rddreg [dreg:$0x2];
	s9 =	smul.u32 $0x14000, s0  }
0x6: {  	[smem:$0x7FF] =	sst s3;
	s11 =	smul.u32 $0x50000, s0;
	s5 =	sadd.s32 $0x6CA00, s6  }
0x7: {  	s18 =	sshll.u32 s0, $0x6;
	s4 =	sor.u32 s7, s30;
	s8 =	smul.u32 $0x140000, s7  }
0x8: {  	_ =	strace $0x8000004A;
	s7 =	ssub.s32 $0x2, s7;
	s4 =	smul.u32 $0x500, s4  }
0x9: {  	s18 =	sor.u32 $0x1C02, s18;
	s31 =	sshrl.u32 s7, $0x1;
	s11 =	sshrl.u32 s11, $0x2  }
0xa: {  	s8 =	sadd.s32 s9, s8;
	s13 =	ssub.s32 s7, s31;
	s10 =	sadd.s32 s4, s6  }
0xb: {  	s4 =	sadd.s32 $0x1C200, s6;
	s8 =	sshrl.u32 s8, $0x3;
	s13 =	smax.u32 s13, $0x1  }
0xc: {  	s12 =	sadd.s32 s8, s6;
	s6 =	sadd.s32 s11, s2;
	s7 =	sadd.s32 $0x8200, s10  }
0xd: {  	s8 =	sadd.s32 $0x4000, s6;
	s9 =	sadd.s32 $0x8000, s6;
	s10 =	sadd.s32 $0xC000, s6  }
0xe: {  	s11 =	sadd.s32 $0x10000, s6;
	s12 =	sadd.s32 $0x6D200, s12;
	s19 =	sshrl.u32 s6, $0x3  }
.LBB2_1:
0xf: {  	[tilespmem:s3], [sflag:$0x2] =	stream.linear.gather [hbm4b:s7+s3], $0x2800, $0x38;
	[tilespmem:$0x1A800] =	vst v63  }
0x10: {  	_ =	swait.ge [sflag:s14], $0x2800  }
0x11: {  	[sflag:s14] =	ssyncset.done $0x0  }
0x12: {  	[sflag:s14] =	ssyncadd.s32 $0xFFFFD800  }
0x13: {  	[tilespmem:s15], [sflag:$0x2] =	stream.linear.gather [hbm4b:s4+s3], $0x4000, $0x38;
	[tilespmem:$0x1A800] =	vst v63  }
0x14: {  	_ =	swait.ge [sflag:s14], $0x4000  }
0x15: {  	[sflag:s14] =	ssyncset.done $0x0  }
0x16: {  	[sflag:s14] =	ssyncadd.s32 $0xFFFFC000  }
0x17: {  	[spmem:s6] =	stream.linear.scatter [tilespmem:s15], [sflag:$0x2], $0x4000, $0x38;
	[tilespmem:$0x1A800] =	vst v63  }
0x18: {  	_ =	swait.ge [sflag:s14], $0x4000  }
0x19: {  	[sflag:s14] =	ssyncset.done $0x0  }
0x1a: {  	[sflag:s14] =	ssyncadd.s32 $0xFFFFC000  }
0x1b: {  	[spmem:s8] =	stream.linear.scatter [tilespmem:s15], [sflag:$0x2], $0x4000, $0x38;
	[tilespmem:$0x1A800] =	vst v63  }
0x1c: {  	_ =	swait.ge [sflag:s14], $0x4000  }
0x1d: {  	[sflag:s14] =	ssyncset.done $0x0  }
0x1e: {  	[sflag:s14] =	ssyncadd.s32 $0xFFFFC000  }
0x1f: {  	[spmem:s9] =	stream.linear.scatter [tilespmem:s15], [sflag:$0x2], $0x4000, $0x38;
	[tilespmem:$0x1A800] =	vst v63  }
0x20: {  	_ =	swait.ge [sflag:s14], $0x4000  }
0x21: {  	[sflag:s14] =	ssyncset.done $0x0  }
0x22: {  	[sflag:s14] =	ssyncadd.s32 $0xFFFFC000  }
0x23: {  	[spmem:s10] =	stream.linear.scatter [tilespmem:s15], [sflag:$0x2], $0x4000, $0x38;
	[tilespmem:$0x1A800] =	vst v63  }
0x24: {  	_ =	swait.ge [sflag:s14], $0x4000  }
0x25: {  	[sflag:s14] =	ssyncset.done $0x0  }
0x26: {  	[sflag:s14] =	ssyncadd.s32 $0xFFFFC000  }
0x27: {  	[spmem:s11] =	stream.linear.scatter [tilespmem:s15], [sflag:$0x2], $0x4000, $0x38;
	[tilespmem:$0x1A800] =	vst v63  }
0x28: {  	_ =	swait.ge [sflag:s14], $0x4000  }
0x29: {  	[sflag:s14] =	ssyncset.done $0x0  }
0x2a: {  	[sflag:s14] =	ssyncadd.s32 $0xFFFFC000  }
0x2b: {  	[bflag:$0x0] =	sbarrier.arrive $0xFFFF  }
0x2c: {  	[tilespmem:s15], [sflag:$0x2] =	stream.linear.gather [hbm4b:s5+s3], $0x4000, $0x38;
	[tilespmem:$0x1A800] =	vst v63  }
0x2d: {  	_ =	swait.ge [sflag:s14], $0x4000  }
0x2e: {  	[sflag:s14] =	ssyncset.done $0x0  }
0x2f: {  	s21 =	simm.s32 $0x0;
	[sflag:s14] =	ssyncadd.s32 $0xFFFFC000  }
.LBB2_2:
0x30: {  	p0 =	sne.s32 s21, $0x9E00  }
.Ltmp0:
0x31: {  	_ = 	snop;
	(pc) =	sbr.rel @p0 .LBB2_2-.Ltmp0, $3  }
0x32: {  	_ =	sdelay $0x1  }
0x33: {  	s22 =	sshra.s32 s21, $0x2;
	s21 =	sadd.s32 $0x200, s21  }
0x34: {  	[spmem:s2] =	stream.indirect.scatter.add.f32 [tilespmem:s15], [sflag:$0x1], $0x80, s22, s16, $0xb8;
	[tilespmem:$0x1A800] =	vst v63  }
0x35: {  	_ =	swait.ge [sflag:s17], $0x4000  }
0x36: {  	s21 =	simm.s32 $0x4F;
	[sflag:s17] =	ssyncset.done $0x0  }
.LBB2_4:
0x37: {  	p0 =	sne.s32 s21, $0x1;
	s21 =	sadd.s32 $0xFFFFFFFF, s21;
	[sflag:s17] =	ssyncadd.s32 $0xFFFFC000  }
.Ltmp1:
0x38: {  	(pc) =	sbr.rel @p0 .LBB2_4-.Ltmp1, $3  }
0x39: {  	_ =	sdelay $0x1  }
0x3a: {  	_ =	swait.ge [sflag:s17], $0x4000  }
0x3b: {  	[sflag:s17] =	ssyncset.done $0x0  }
0x3c: {  	s20 =	sadd.s32 $0x1, s20  }
0x3d: {  	[sflag:s17] =	ssyncadd.s32 $0xFFFFC000;
	p0 =	sne.s32 s20, s13  }
.Ltmp2:
0x3e: {  	[bflag:$0x0] =	sbarrier.arrive $0xFFFF;
	(pc) =	sbr.rel @p0 .LBB2_1-.Ltmp2, $4  }
0x3f: {  	[hbm:s12], [sflag:s18] =	dma.local [spmem:s19], $0x2800  }
0x40: {  	_ =	swait.ge [sflag:s14], $0x2800  }
0x41: {  	[sflag:s14] =	ssyncset.done $0x0  }
0x42: {  	[sflag:s14] =	ssyncadd.s32 $0xFFFFD800  }
0x43: {  	_ =	sfence.sel $0x180000  }
0x44: {  	[bflag:$0x0] =	sbarrier.arrive $0xFFFF  }
0x45: {  	p0 =	sne.s32 s0, $0x0;
	_ =	strace $0x9000004A  }
0x46: {  	s0 =	sadd.s32 @!p0 $0x100000, s1;
	[bflag:$0x2] =	sbarrier.arrive $0xFFFF  }
0x47: {  	[sflag:s0] =	ssyncadd.tile.s32 @!p0 $0x1;
	_ =	shalt  }
.Lfunc_end2:
_tile_overlayer_lowered:
.L_overlay_start_2:
0x48: {  	(tag) =	ssettag $0x2  }
0x49: {  	s0 =	rddreg [dreg:$0x0];
	s2 =	stileid.u32  }
0x4a: {  	s1 =	rddreg [dreg:$0x1];
	p0 =	sne.s32 s2, $0x0  }
0x4b: {  	s3 =	rddreg [dreg:$0x2];
	[bflag:$0x3] =	sbarrier.arrive $0xFFFF;
	s2 =	simm.s32 @!p0 $0x1C02  }
0x4c: {  	[timem:s3], [sflag:s2] =	dma.local @!p0 [hbm:s0], s1  }
0x4d: {  	s0 =	simm.s32 @!p0 $0x2  }
0x4e: {  	_ =	swait.ge @!p0 [sflag:s0], s1  }
0x4f: {  	s1 =	ssub.s32 @!p0 $0x0, s1;
	[sflag:s0] =	ssyncset.done @!p0 $0x0  }
0x50: {  	[sflag:s0] =	ssyncadd.s32 @!p0 s1  }
0x51: {  	[bflag:$0x3] =	sbarrier.arrive $0xFFFF  }
0x52: {  	_ =	shalt  }

// kernel: kernel.20.cloned.1.call-start
scs
__scs_entry_jumppad:
0x0: {  	(pc) =	sbr.rel $0x88, $3  }
0x1: {  	(tag) =	ssettag $0x0;
	lr =	simm.s32 $0x1  }
0x2: {  	[smem:$0x3F93] =	sst lr;
	_ =	strace $0xD0000000  }
0x3: {  	_ = 	snop  }
0x4: {  	_ = 	snop  }
0x5: {  	_ = 	snop  }
0x6: {  	_ = 	snop  }
0x7: {  	_ = 	snop  }
__scs_overlays_trampoline_lowered:
0x8: {  	[smem:$0x3FA2] =	sst s0  }
0x9: {  	[smem:$0x3FA3] =	sst s1  }
0xa: {  	[smem:$0x3FA4] =	sst s2  }
0xb: {  	[smem:$0x3FA5] =	sst s3  }
0xc: {  	[smem:$0x3FA6] =	sst s4  }
0xd: {  	[smem:$0x3FA7] =	sst s5  }
0xe: {  	[smem:$0x3FA8] =	sst s6  }
0xf: {  	[smem:$0x3FA9] =	sst s7  }
0x10: {  	[smem:$0x3FAA] =	sst s8  }
0x11: {  	[smem:$0x3FAB] =	sst s9;
	s0 =	simm.s32 @!p0 $0x0  }
0x12: {  	s1 =	sld [smem:$0x3F91];
	s0 =	simm.s32 @p0 $0x1  }
0x13: {  	[smem:$0x3FAC] =	sst s0;
	s0 =	simm.s32 @!p1 $0x0  }
0x14: {  	s2 =	sld [smem:$0x3F90];
	s0 =	simm.s32 @p1 $0x1  }
0x15: {  	[smem:$0x3FAD] =	sst s0;
	s0 =	simm.s32 @!p2 $0x0  }
0x16: {  	s3 =	sld [smem:$0x3FDB];
	s0 =	simm.s32 @p2 $0x1  }
0x17: {  	s4 =	simm.s32 $0x1BF5;
	[smem:$0x3FAF] =	sst s0  }
0x18: {  	s0 =	sld [smem:$0x3F92];
	_ =	swait.ge [sflag:s4], $0x0  }
0x19: {  	s7 =	sld [smem:$0x3F93]  }
0x1a: {  	s8 =	sadd.s32 $0xFFFFE003, lr  }
0x1b: {  	s9 =	sadd.s32 $0xFFFFFEF7, lr;
	s5 =	simm.s32 $0xFFFFFFFF;
	p2 =	slt.u32 s8, $0xFFFFF086  }
0x1c: {  	p1 =	slt.u32 s9, $0xF7A;
	s5 =	simm.s32 @!p2 $0x0  }
0x1d: {  	s5 =	simm.s32 @p1 $0x1;
	p0 =	seq.s32 s7, s2  }
0x1e: {  	s7 =	smul.u32 @!p0 $0xF7A, s2;
	p2 =	seq.s32 @!p0 s5, $0x0  }
0x1f: {  	s9 =	smul.u32 $0xF7A, s1;
	s8 =	simm.s32 @!p0 $0x1BF5;
	p2 =	por !p2, p0  }
0x20: {  	[sflag:s8] =	ssyncset.s32 @!p0 $0xFFFFF086;
	s6 =	sadd.s32 @!p0 s3, s7;
	s7 =	simm.s32 @!p0 $0x108  }
0x21: {  	s3 =	sadd.s32 s3, s9;
	s6 =	sadd.s32 @!p0 $0x88, s6;
	s7 =	simm.s32 @p2 $0x1082  }
0x22: {  	[simem:s7], [sflag:s8] =	dma.local @!p0 [hbm:s6], $0xF7A  }
0x23: {  	s9 =	sor.u32 $0xD0000000, s2;
	s6 =	simm.s32 $0x108;
	_ =	swait.ge @!p0 [sflag:s8], $0x0  }
0x24: {  	s3 =	sadd.s32 $0x88, s3;
	s6 =	simm.s32 @!p1 $0x1082;
	[sflag:s4] =	ssyncset.s32 $0xFFFFF086  }
0x25: {  	[simem:s6], [sflag:s4] =	dma.local [hbm:s3], $0xF7A  }
0x26: {  	[smem:$0x3F93] =	sst s1;
	(tag) =	ssettag s2;
	_ =	strace s9  }
0x27: {  	s1 =	sld [smem:$0x3FA3]  }
0x28: {  	s2 =	sld [smem:$0x3FA4]  }
0x29: {  	s4 =	sld [smem:$0x3FA6]  }
0x2a: {  	p0 =	seq.s32 s5, $0x0;
	s5 =	sld [smem:$0x3FA7]  }
0x2b: {  	s6 =	sld [smem:$0x3FA8]  }
0x2c: {  	s7 =	sld [smem:$0x3FA9]  }
0x2d: {  	s3 =	simm.s32 $0x108;
	s8 =	sld [smem:$0x3FAA]  }
0x2e: {  	s3 =	simm.s32 @!p0 $0x1082;
	s9 =	sld [smem:$0x3FAB]  }
0x2f: {  	lr =	sadd.s32 s0, s3;
	s0 =	sld [smem:$0x3FA2]  }
0x30: {  	s3 =	sld [smem:$0x3FA5]  }
0x31: {  	[smem:$0x3FAE] =	sst s10  }
0x32: {  	s10 =	sld [smem:$0x3FAC];
	_ =	sdelay $0x3  }
0x33: {  	p0 =	seq.s32 s10, $0x1;
	s10 =	sld [smem:$0x3FAE];
	_ =	sdelay $0x3  }
0x34: {  	[smem:$0x3FAE] =	sst s10  }
0x35: {  	s10 =	sld [smem:$0x3FAD];
	_ =	sdelay $0x3  }
0x36: {  	p1 =	seq.s32 s10, $0x1;
	s10 =	sld [smem:$0x3FAE];
	_ =	sdelay $0x3  }
0x37: {  	[smem:$0x3FAE] =	sst s10  }
0x38: {  	s10 =	sld [smem:$0x3FAF]  }
0x39: {  	_ = 	snop;
	(pc) =	sbr.ind lr, $3  }
0x3a: {  	_ = 	snop  }
0x3b: {  	_ = 	snop  }
0x3c: {  	p2 =	seq.s32 s10, $0x1;
	s10 =	sld [smem:$0x3FAE]  }
0x3d: {  	_ =	shalt  }
0x3e: {  	_ =	shalt  }
0x3f: {  	_ =	shalt  }
0x40: {  	_ =	shalt  }
0x41: {  	_ =	shalt  }
0x42: {  	_ =	shalt  }
0x43: {  	_ =	shalt  }
0x44: {  	_ =	shalt  }
0x45: {  	_ =	shalt  }
0x46: {  	_ =	shalt  }
0x47: {  	_ =	shalt  }
0x48: {  	_ =	shalt  }
0x49: {  	_ =	shalt  }
0x4a: {  	_ =	shalt  }
0x4b: {  	_ =	shalt  }
0x4c: {  	_ =	shalt  }
0x4d: {  	_ =	shalt  }
0x4e: {  	_ =	shalt  }
0x4f: {  	_ =	shalt  }
0x50: {  	_ =	shalt  }
0x51: {  	_ =	shalt  }
0x52: {  	_ =	shalt  }
0x53: {  	_ =	shalt  }
0x54: {  	_ =	shalt  }
0x55: {  	_ =	shalt  }
0x56: {  	_ =	shalt  }
0x57: {  	_ =	shalt  }
0x58: {  	_ =	shalt  }
0x59: {  	_ =	shalt  }
0x5a: {  	_ =	shalt  }
0x5b: {  	_ =	shalt  }
0x5c: {  	_ =	shalt  }
0x5d: {  	_ =	shalt  }
0x5e: {  	_ =	shalt  }
0x5f: {  	_ =	shalt  }
0x60: {  	_ =	shalt  }
0x61: {  	_ =	shalt  }
0x62: {  	_ =	shalt  }
0x63: {  	_ =	shalt  }
0x64: {  	_ =	shalt  }
0x65: {  	_ =	shalt  }
0x66: {  	_ =	shalt  }
0x67: {  	_ =	shalt  }
0x68: {  	_ =	shalt  }
0x69: {  	_ =	shalt  }
0x6a: {  	_ =	shalt  }
0x6b: {  	_ =	shalt  }
0x6c: {  	_ =	shalt  }
0x6d: {  	_ =	shalt  }
0x6e: {  	_ =	shalt  }
0x6f: {  	_ =	shalt  }
0x70: {  	_ =	shalt  }
0x71: {  	_ =	shalt  }
0x72: {  	_ =	shalt  }
0x73: {  	_ =	shalt  }
0x74: {  	_ =	shalt  }
0x75: {  	_ =	shalt  }
0x76: {  	_ =	shalt  }
0x77: {  	_ =	shalt  }
0x78: {  	_ =	shalt  }
0x79: {  	_ =	shalt  }
0x7a: {  	_ =	shalt  }
0x7b: {  	_ =	shalt  }
0x7c: {  	_ =	shalt  }
0x7d: {  	_ =	shalt  }
0x7e: {  	_ =	shalt  }
0x7f: {  	_ =	shalt  }
0x80: {  	_ =	shalt  }
0x81: {  	_ =	shalt  }
0x82: {  	_ =	shalt  }
0x83: {  	_ =	shalt  }
0x84: {  	_ =	shalt  }
0x85: {  	_ =	shalt  }
0x86: {  	_ =	shalt  }
0x87: {  	_ =	shalt  }
.Lfunc_end0:
.L_simem_size_0:
called_computation.1_lowered:
.L_overlay_start_0:
0x88: {  	s2 =	sld [smem:$0x3FD9]  }
0x89: {  	s3 =	sld [smem:$0x3FFE];
	_ =	sdelay $0x1  }
0x8a: {  	s1 =	srdreg.scid  }
0x8b: {  	s0 =	sand.u32 $0x1, s1  }
0x8c: {  	s17 =	sshll.u32 s0, $0xA;
	s2 =	sadd.s32 s3, s2  }
0x8d: {  	s2 =	sadd.s32 s2, s17  }
0x8e: {  	[smem:$0x3FBA] =	sst s2  }
0x8f: {  	_ = 	snop  }
0x90: {  	s2 =	sld [smem:$0x3FD0];
	(tm) =	ssettm $0x1  }
0x91: {  	s18 =	sld [smem:$0x3FFB];
	_ =	sdelay $0x3  }
0x92: {  	_ =	strace s18  }
0x93: {  	s3 =	sld [smem:$0x3FFC];
	_ =	sdelay $0x3  }
0x94: {  	_ =	strace s3  }
0x95: {  	s3 =	sld [smem:$0x3FFD];
	_ =	sdelay $0x3  }
0x96: {  	_ =	strace s3  }
0x97: {  	_ =	strace $0x8FFFFFFF  }
0x98: {  	s19 =	sld [smem:$0x3FDB];
	_ =	sdelay $0x1  }
0x99: {  	s4 =	simm.s32 $_scs_section_size  }
0x9a: {  	s5 =	simm.s32 $_size__tile_overlayer_lowered;
	s6 =	simm.s32 $_tile_overlayer_lowered  }
0x9b: {  	s22 =	simm.s32 $0x1BFF;
	s21 =	sshll.u32 s6, $0x1;
	s3 =	sadd.s32 s4, s19  }
0x9c: {  	s7 =	simm.s32 $0x0;
	s20 =	sshll.u32 s5, $0x1;
	s5 =	sadd.s32 s21, s3  }
0x9d: {  	[timem:s7], [sflag:s22] =	dma.local [hbm:s5], s20  }
0x9e: {  	_ =	swait.ge [sflag:s22], s20  }
0x9f: {  	s4 =	ssub.s32 $0x0, s20;
	[sflag:s22] =	ssyncset.done $0x0  }
0xa0: {  	[sflag:s22] =	ssyncadd.s32 s4;
	_ =	sdelay $0x1  }
0xa1: {  	s23 =	simm.s32 $0x1B8B  }
0xa2: {  	_ =	swait.ge [sflag:s23], $0x1  }
0xa3: {  	[sflag:s23] =	ssyncset.done $0x0  }
0xa4: {  	s25 =	simm.s32 $0x1B8E;
	s24 =	sld [smem:$0x3FFE];
	[sflag:s23] =	ssyncadd.s32 $0xFFFFFFFF  }
0xa5: {  	s26 =	simm.s32 $execute0_lowered;
	[smem:$0x3FD2] =	sst s25  }
0xa6: {  	s5 =	sshll.u32 s26, $0x1;
	_ =	strace $0x80000046;
	[dreg:$0x1] =	wrdreg $0xFFFFFFFF  }
0xa7: {  	s28 =	simm.s32 $_size_execute0_lowered;
	s3 =	sadd.s32 s3, s5;
	[dreg:$0x0] =	wrdreg $0x0  }
0xa8: {  	s5 =	sshll.u32 s28, $0x1;
	[dreg:$0x2] =	wrdreg s3  }
0xa9: {  	[dreg:$0x3] =	wrdreg s5  }
0xaa: {  	[dreg:$0x4] =	wrdreg $0xC0  }
0xab: {  	_ =	task [dreg:s7], $0x5FFFF  }
0xac: {  	[dreg:$0x1] =	wrdreg $0xFFFFFFFF  }
0xad: {  	[dreg:$0x0] =	wrdreg $0x60  }
0xae: {  	[dreg:$0x2] =	wrdreg s2  }
0xaf: {  	[dreg:$0x3] =	wrdreg s24  }
0xb0: {  	[dreg:$0x4] =	wrdreg $0xA9000  }
0xb1: {  	[dreg:$0x5] =	wrdreg $0xA  }
0xb2: {  	_ =	task.clear_ibuf [dreg:s7], $0x6FFFF;
	_ =	strace $0x90000046  }
0xb3: {  	s29 =	simm.s32 $0xA;
	_ =	strace $0x80000048  }
0xb4: {  	_ =	swait.ge [sflag:s29], $0x1  }
0xb5: {  	[sflag:s29] =	ssyncadd.s32 $0xFFFFFFFF  }
0xb6: {  	_ =	strace $0x90000048  }
0xb7: {  	_ =	sfence  }
0xb8: {  	s30 =	sld [smem:$0x0];
	_ =	sdelay $0x2  }
0xb9: {  	s31 =	sshll.u32 s1, $0xD;
	s1 =	sshrl.u32 s1, $0x2  }
0xba: {  	s3 =	sand.u32 $0x4000, s31;
	s1 =	sadd.s32 s1, s30  }
0xbb: {  	s0 =	sor.u32 s3, s0;
	s1 =	sshll.u32 s1, $0x11  }
0xbc: {  	s0 =	sor.u32 s1, s0  }
0xbd: {  	s0 =	sadd.s32 $0x8F2B, s0  }
0xbe: {  	[sflag:s0] =	ssyncadd.remote.s32 $0x1  }
0xbf: {  	_ =	sfence.sel $0xFFFF  }
0xc0: {  	[dreg:$0x0] =	wrdreg $0xFFFFFFFF;
	(pc) =	sbr.abs _section_cstart, $3  }
0xc1: {  	[dreg:$0x1] =	wrdreg $0xFFFFFFFF  }
0xc2: {  	_ =	task.clear_ibuf [dreg:s7], $0x2FFFF;
	_ =	strace $0x9FFFFFFF  }
0xc3: {  	(tm) =	ssettm $0x7FFFFFFF  }
tec
execute0_lowered:
.L_overlay_start_1:
0x0: {  	(tag) =	ssettag $0x1  }
0x1: {  	s1 =	rddreg [dreg:$0x0]  }
0x2: {  	s0 =	srdreg.scid;
	s7 =	rddreg [dreg:$0x1]  }
0x3: {  	s11 =	stileid.u32;
	s3 =	rddreg [dreg:$0x2];
	s5 =	simm.s32 $0x0  }
0x4: {  	s28 =	simm.s32 $0x1;
	s29 =	simm.s32 $0x6;
	s30 =	simm.s32 $0xC0  }
0x5: {  	s31 =	simm.s32 $0x8900;
	s0 =	sand.u32 $0x1, s0;
	s2 =	sshll.u32 s11, $0x1  }
0x6: {  	[smem:$0x7FF] =	sst s5;
	s8 =	smul.u32 $0x14000, s11;
	s6 =	sadd.s32 $0x12200, s7  }
0x7: {  	s17 =	smul.u32 $0x50000, s11;
	s18 =	sadd.s32 $0x1C200, s7;
	s11 =	simm.s32 $0x0  }
0x8: {  	s2 =	sor.u32 s0, s2;
	s16 =	smul.u32 $0x140000, s0;
	_ =	strace $0x80000047  }
0x9: {  	[dreg:$0x4] =	wrdreg s18;
	s0 =	ssub.s32 $0x2, s0;
	s4 =	smul.u32 $0x2800, s2  }
0xa: {  	s19 =	sshrl.u32 s0, $0x1;
	s20 =	sshrl.u32 s17, $0x2;
	s2 =	sadd.s32 s8, s16  }
0xb: {  	s0 =	ssub.s32 s0, s19;
	s9 =	sshrl.u32 s4, $0x3;
	s2 =	sshrl.u32 s2, $0x3  }
0xc: {  	s17 =	smax.u32 s0, $0x1;
	s0 =	simm.s32 $0x3;
	s8 =	sadd.s32 s6, s9  }
0xd: {  	s10 =	sadd.s32 s9, s7;
	s2 =	sadd.s32 s2, s7;
	s21 =	sadd.s32 $0x10, s8  }
0xe: {  	s9 =	sadd.s32 s20, s3;
	s22 =	sadd.s32 $0x8200, s10;
	[dreg:$0x5] =	wrdreg s21  }
0xf: {  	s20 =	simm.s32 $0x7;
	s23 =	sadd.s32 $0x4000, s9;
	[dreg:$0x6] =	wrdreg s22  }
0x10: {  	s7 =	simm.s32 $0x5;
	s24 =	sadd.s32 $0x8000, s9;
	[dreg:$0x7] =	wrdreg s23  }
0x11: {  	s25 =	sadd.s32 $0xC000, s9;
	s26 =	sadd.s32 $0x10000, s9;
	[dreg:$0x8] =	wrdreg s24  }
.Ltmp0:
0x12: {  	s2 =	sadd.s32 $0x1CA00, s2;
	[dreg:$0x9] =	wrdreg s25;
	(pc) =	sbr.rel .LBB2_1-.Ltmp0, $4  }
0x13: {  	s18 =	sadd.s32 $0x20, s8;
	s19 =	sadd.s32 $0x30, s8;
	[dreg:$0xa] =	wrdreg s26  }
0x14: {  	s10 =	simm.s32 $0x4;
	[dreg:$0xb] =	wrdreg s2;
	s21 =	simm.s32 $0x40  }
0x15: {  	s22 =	simm.s32 $0x2900;
	s23 =	simm.s32 $0x4900;
	s24 =	simm.s32 $0x80  }
0x16: {  	s25 =	simm.s32 $0x100;
	s26 =	simm.s32 $0x6900;
	s2 =	simm.s32 $0x2  }
.LBB2_4:
0x17: {  	[spmem:s3] =	stream.indirect.scatter.add.f32 [tilespmem:s26], [sflag:$0x4], $0x80, s14, s24, $0xb8;
	[tilespmem:$0x1E900] =	vst v63  }
0x18: {  	_ =	swait.ge [sflag:s0], $0x4000  }
0x19: {  	[sflag:s0] =	ssyncset.done $0x0  }
0x1a: {  	[sflag:s0] =	ssyncadd.s32 $0xFFFFC000  }
0x1b: {  	_ =	swait.ge [sflag:s10], $0x4000  }
0x1c: {  	s12 =	stileid.u32;
	[sflag:s10] =	ssyncset.done $0x0  }
0x1d: {  	s13 =	sshrl.u32 s9, $0x3;
	s11 =	sadd.s32 $0x1, s11;
	[sflag:s10] =	ssyncadd.s32 $0xFFFFC000  }
0x1e: {  	s12 =	sshll.u32 s12, $0x6;
	p0 =	sne.s32 s11, s17;
	[bflag:$0x0] =	sbarrier.arrive $0xFFFF  }
.Ltmp1:
0x1f: {  	s12 =	sor.u32 $0x1C07, s12;
	s16 =	rddreg [dreg:$0xb];
	(pc) =	sbr.rel @!p0 .LBB2_5-.Ltmp1, $4  }
0x20: {  	[hbm:s16], [sflag:s12] =	dma.local [spmem:s13], $0x2800  }
0x21: {  	_ =	swait.ge [sflag:s20], $0x2800  }
0x22: {  	[sflag:s20] =	ssyncset.done $0x0  }
0x23: {  	[sflag:s20] =	ssyncadd.s32 $0xFFFFD800  }
.LBB2_1:
0x24: {  	[tilespmem:s5], [sflag:$0x7] =	stream.linear.gather [hbm4b:s8+s5], $0x80, $0x38;
	[tilespmem:$0x1E900] =	vst v63  }
0x25: {  	_ =	swait.ge [sflag:s20], $0x80  }
0x26: {  	[sflag:s20] =	ssyncset.done $0x0  }
0x27: {  	[sflag:s20] =	ssyncadd.s32 $0xFFFFFF80  }
0x28: {  	[tilespmem:s22], [sflag:$0x1] =	stream.indirect.gather [hbm4b:s1+s21], $0x80, s5, s21, $0xb8;
	[tilespmem:$0x1E900] =	vst v63  }
0x29: {  	_ = 	snop  }
0x2a: {  	[tilespmem:s23], [sflag:$0x1] =	stream.indirect.gather [hbm4b:s1+s21], $0x80, s21, s21, $0xb8;
	[tilespmem:$0x1E900] =	vst v63  }
0x2b: {  	s12 =	rddreg [dreg:$0x5]  }
0x2c: {  	[tilespmem:s24], [sflag:$0x6] =	stream.linear.gather [hbm4b:s12+s5], $0x80, $0x38;
	[tilespmem:$0x1E900] =	vst v63  }
0x2d: {  	s14 =	rddreg [dreg:$0x6]  }
0x2e: {  	[tilespmem:s25], [sflag:$0x7] =	stream.linear.gather [hbm4b:s14+s5], $0x2800, $0x38;
	[tilespmem:$0x1E900] =	vst v63  }
0x2f: {  	_ =	swait.ge [sflag:s20], $0x2800  }
0x30: {  	[sflag:s20] =	ssyncset.done $0x0  }
0x31: {  	s15 =	rddreg [dreg:$0x4];
	[sflag:s20] =	ssyncadd.s32 $0xFFFFD800  }
0x32: {  	[tilespmem:s26], [sflag:$0x7] =	stream.linear.gather [hbm4b:s15+s5], $0x4000, $0x38;
	[tilespmem:$0x1E900] =	vst v63  }
0x33: {  	_ =	swait.ge [sflag:s20], $0x4000  }
0x34: {  	[sflag:s20] =	ssyncset.done $0x0  }
0x35: {  	[sflag:s20] =	ssyncadd.s32 $0xFFFFC000  }
0x36: {  	[spmem:s9] =	stream.linear.scatter [tilespmem:s26], [sflag:$0x7], $0x4000, $0x38;
	[tilespmem:$0x1E900] =	vst v63  }
0x37: {  	_ =	swait.ge [sflag:s20], $0x4000  }
0x38: {  	[sflag:s20] =	ssyncset.done $0x0  }
0x39: {  	s16 =	rddreg [dreg:$0x7];
	[sflag:s20] =	ssyncadd.s32 $0xFFFFC000  }
0x3a: {  	[spmem:s16] =	stream.linear.scatter [tilespmem:s26], [sflag:$0x7], $0x4000, $0x38;
	[tilespmem:$0x1E900] =	vst v63  }
0x3b: {  	_ =	swait.ge [sflag:s20], $0x4000  }
0x3c: {  	[sflag:s20] =	ssyncset.done $0x0  }
0x3d: {  	s13 =	rddreg [dreg:$0x8];
	[sflag:s20] =	ssyncadd.s32 $0xFFFFC000  }
0x3e: {  	[spmem:s13] =	stream.linear.scatter [tilespmem:s26], [sflag:$0x7], $0x4000, $0x38;
	[tilespmem:$0x1E900] =	vst v63  }
0x3f: {  	_ =	swait.ge [sflag:s20], $0x4000  }
0x40: {  	[sflag:s20] =	ssyncset.done $0x0  }
0x41: {  	s14 =	rddreg [dreg:$0x9];
	[sflag:s20] =	ssyncadd.s32 $0xFFFFC000  }
0x42: {  	[spmem:s14] =	stream.linear.scatter [tilespmem:s26], [sflag:$0x7], $0x4000, $0x38;
	[tilespmem:$0x1E900] =	vst v63  }
0x43: {  	_ =	swait.ge [sflag:s20], $0x4000  }
0x44: {  	[sflag:s20] =	ssyncset.done $0x0  }
0x45: {  	s15 =	rddreg [dreg:$0xa];
	[sflag:s20] =	ssyncadd.s32 $0xFFFFC000  }
0x46: {  	[spmem:s15] =	stream.linear.scatter [tilespmem:s26], [sflag:$0x7], $0x4000, $0x38;
	[tilespmem:$0x1E900] =	vst v63  }
0x47: {  	_ =	swait.ge [sflag:s20], $0x4000  }
0x48: {  	[sflag:s20] =	ssyncset.done $0x0  }
0x49: {  	[sflag:s20] =	ssyncadd.s32 $0xFFFFC000  }
0x4a: {  	[bflag:$0x0] =	sbarrier.arrive $0xFFFF  }
0x4b: {  	_ =	swait.ge [sflag:s28], $0x2000  }
0x4c: {  	[sflag:s28] =	ssyncset.done $0x0  }
0x4d: {  	[sflag:s28] =	ssyncadd.s32 $0xFFFFE000  }
0x4e: {  	_ =	swait.ge [sflag:s28], $0x2000  }
0x4f: {  	[sflag:s28] =	ssyncset.done $0x0  }
0x50: {  	[sflag:s28] =	ssyncadd.s32 $0xFFFFE000  }
0x51: {  	[tilespmem:s5], [sflag:$0x5] =	stream.linear.gather [hbm4b:s18+s5], $0x80, $0x38;
	[tilespmem:$0x1E900] =	vst v63  }
0x52: {  	_ = 	snop  }
0x53: {  	[spmem:s3] =	stream.indirect.scatter.add.f32 [tilespmem:s22], [sflag:$0x3], $0x80, s25, s24, $0xb8;
	[tilespmem:$0x1E900] =	vst v63  }
0x54: {  	_ =	swait.ge [sflag:s29], $0x80  }
0x55: {  	[sflag:s29] =	ssyncset.done $0x0  }
0x56: {  	[sflag:s29] =	ssyncadd.s32 $0xFFFFFF80  }
0x57: {  	[tilespmem:s26], [sflag:$0x2] =	stream.indirect.gather [hbm4b:s1+s21], $0x80, s24, s21, $0xb8;
	[tilespmem:$0x1E900] =	vst v63  }
0x58: {  	_ = 	snop  }
0x59: {  	[tilespmem:s31], [sflag:$0x2] =	stream.indirect.gather [hbm4b:s1+s21], $0x80, s30, s21, $0xb8;
	[tilespmem:$0x1E900] =	vst v63  }
0x5a: {  	_ =	swait.ge [sflag:s2], $0x2000  }
0x5b: {  	[sflag:s2] =	ssyncset.done $0x0  }
0x5c: {  	[sflag:s2] =	ssyncadd.s32 $0xFFFFE000  }
0x5d: {  	_ =	swait.ge [sflag:s2], $0x2000  }
0x5e: {  	[sflag:s2] =	ssyncset.done $0x0  }
0x5f: {  	[sflag:s2] =	ssyncadd.s32 $0xFFFFE000  }
0x60: {  	[tilespmem:s24], [sflag:$0x6] =	stream.linear.gather [hbm4b:s19+s5], $0x80, $0x38;
	[tilespmem:$0x1E900] =	vst v63  }
0x61: {  	s16 =	simm.s32 $0x180  }
0x62: {  	[spmem:s3] =	stream.indirect.scatter.add.f32 [tilespmem:s26], [sflag:$0x4], $0x80, s16, s24, $0xb8;
	[tilespmem:$0x1E900] =	vst v63  }
0x63: {  	_ =	swait.ge [sflag:s0], $0x4000  }
0x64: {  	[sflag:s0] =	ssyncset.done $0x0  }
0x65: {  	[sflag:s0] =	ssyncadd.s32 $0xFFFFC000  }
0x66: {  	_ =	swait.ge [sflag:s7], $0x80  }
0x67: {  	[sflag:s7] =	ssyncset.done $0x0  }
0x68: {  	[sflag:s7] =	ssyncadd.s32 $0xFFFFFF80  }
0x69: {  	[tilespmem:s22], [sflag:$0x1] =	stream.indirect.gather [hbm4b:s1+s21], $0x80, s5, s21, $0xb8;
	[tilespmem:$0x1E900] =	vst v63  }
0x6a: {  	s12 =	simm.s32 $0x200;
	s13 =	simm.s32 $0x280  }
0x6b: {  	[tilespmem:s23], [sflag:$0x1] =	stream.indirect.gather [hbm4b:s1+s21], $0x80, s21, s21, $0xb8;
	[tilespmem:$0x1E900] =	vst v63  }
.LBB2_2:
0x6c: {  	p0 =	seq.s32 s13, $0x2880  }
0x6d: {  	_ =	swait.ge [sflag:s28], $0x2000;
	s14 =	sadd.s32 @!p0 $0xFFFFFF80, s13  }
0x6e: {  	[sflag:s28] =	ssyncset.done $0x0;
	s15 =	sand.u32 @!p0 $0x7C00, s14  }
0x6f: {  	[sflag:s28] =	ssyncadd.s32 $0xFFFFE000;
	s14 =	sand.u32 @!p0 $0x300, s14;
	s15 =	sadd.s32 @!p0 s4, s15  }
0x70: {  	_ =	swait.ge [sflag:s28], $0x2000;
	s14 =	sor.u32 @!p0 s14, s15  }
0x71: {  	[sflag:s28] =	ssyncset.done $0x0;
	s14 =	sshrl.u32 @!p0 s14, $0x3  }
0x72: {  	s15 =	simm.s32 @!p0 $0x0;
	[sflag:s28] =	ssyncadd.s32 $0xFFFFE000;
	s14 =	sadd.s32 @!p0 s6, s14  }
0x73: {  	[tilespmem:s15], [sflag:$0x5] =	stream.linear.gather @!p0 [hbm4b:s14+s15], $0x80, $0x38;
	[tilespmem:$0x1E900] =	vst v63  }
0x74: {  	s14 =	smov.u32 s12  }
0x75: {  	s14 =	simm.s32 @p0 $0x2800  }
0x76: {  	[spmem:s3] =	stream.indirect.scatter.add.f32 [tilespmem:s22], [sflag:$0x3], $0x80, s14, s24, $0xb8;
	[tilespmem:$0x1E900] =	vst v63  }
0x77: {  	_ =	swait.ge [sflag:s10], $0x4000  }
0x78: {  	[sflag:s10] =	ssyncset.done $0x0  }
0x79: {  	[sflag:s10] =	ssyncadd.s32 $0xFFFFC000  }
0x7a: {  	_ =	swait.ge [sflag:s29], $0x80  }
0x7b: {  	[sflag:s29] =	ssyncset.done $0x0  }
0x7c: {  	[sflag:s29] =	ssyncadd.s32 $0xFFFFFF80  }
0x7d: {  	[tilespmem:s26], [sflag:$0x2] =	stream.indirect.gather [hbm4b:s1+s21], $0x80, s24, s21, $0xb8;
	[tilespmem:$0x1E900] =	vst v63  }
0x7e: {  	_ = 	snop  }
0x7f: {  	[tilespmem:s31], [sflag:$0x2] =	stream.indirect.gather [hbm4b:s1+s21], $0x80, s30, s21, $0xb8;
	[tilespmem:$0x1E900] =	vst v63  }
0x80: {  	_ =	swait.ge [sflag:s2], $0x2000  }
.Ltmp2:
0x81: {  	[sflag:s2] =	ssyncset.done $0x0;
	(pc) =	sbr.rel @p0 .LBB2_4-.Ltmp2, $4  }
0x82: {  	[sflag:s2] =	ssyncadd.s32 $0xFFFFE000  }
0x83: {  	_ =	swait.ge [sflag:s2], $0x2000  }
0x84: {  	[sflag:s2] =	ssyncset.done $0x0  }
0x85: {  	s14 =	sadd.s32 $0x80, s14;
	[sflag:s2] =	ssyncadd.s32 $0xFFFFE000  }
0x86: {  	s15 =	sand.u32 $0x7C00, s13  }
0x87: {  	s16 =	sand.u32 $0x380, s13;
	s15 =	sadd.s32 s4, s15  }
0x88: {  	s15 =	sor.u32 s16, s15  }
0x89: {  	s15 =	sshrl.u32 s15, $0x3  }
0x8a: {  	s15 =	sadd.s32 s6, s15  }
0x8b: {  	[tilespmem:s24], [sflag:$0x6] =	stream.linear.gather [hbm4b:s15+s5], $0x80, $0x38;
	[tilespmem:$0x1E900] =	vst v63  }
0x8c: {  	_ = 	snop  }
0x8d: {  	[spmem:s3] =	stream.indirect.scatter.add.f32 [tilespmem:s26], [sflag:$0x4], $0x80, s14, s24, $0xb8;
	[tilespmem:$0x1E900] =	vst v63  }
0x8e: {  	_ =	swait.ge [sflag:s0], $0x4000  }
0x8f: {  	[sflag:s0] =	ssyncset.done $0x0  }
0x90: {  	[sflag:s0] =	ssyncadd.s32 $0xFFFFC000  }
0x91: {  	_ =	swait.ge [sflag:s7], $0x80  }
.Ltmp3:
0x92: {  	[sflag:s7] =	ssyncset.done $0x0;
	(pc) =	sbr.rel .LBB2_2-.Ltmp3, $4  }
0x93: {  	[sflag:s7] =	ssyncadd.s32 $0xFFFFFF80  }
0x94: {  	[tilespmem:s22], [sflag:$0x1] =	stream.indirect.gather [hbm4b:s1+s21], $0x80, s5, s21, $0xb8;
	[tilespmem:$0x1E900] =	vst v63  }
0x95: {  	s12 =	sadd.s32 $0x100, s12;
	s13 =	sadd.s32 $0x100, s13  }
0x96: {  	[tilespmem:s23], [sflag:$0x1] =	stream.indirect.gather [hbm4b:s1+s21], $0x80, s21, s21, $0xb8;
	[tilespmem:$0x1E900] =	vst v63  }
.LBB2_5:
0x97: {  	_ =	sfence.sel $0x180000  }
0x98: {  	[bflag:$0x0] =	sbarrier.arrive $0xFFFF  }
0x99: {  	_ =	strace $0x90000047  }
0x9a: {  	s0 =	stileid.u32;
	[bflag:$0x2] =	sbarrier.arrive $0xFFFF  }
0x9b: {  	p0 =	sne.s32 s0, $0x0;
	s0 =	rddreg [dreg:$0x3]  }
0x9c: {  	s0 =	sadd.s32 @!p0 $0x100000, s0  }
0x9d: {  	[sflag:s0] =	ssyncadd.tile.s32 @!p0 $0x1;
	_ =	shalt  }
.Lfunc_end2:
_tile_overlayer_lowered:
.L_overlay_start_2:
0x9e: {  	(tag) =	ssettag $0x2  }
0x9f: {  	s0 =	rddreg [dreg:$0x0];
	s2 =	stileid.u32  }
0xa0: {  	s1 =	rddreg [dreg:$0x1];
	p0 =	sne.s32 s2, $0x0  }
0xa1: {  	s3 =	rddreg [dreg:$0x2];
	[bflag:$0x3] =	sbarrier.arrive $0xFFFF;
	s2 =	simm.s32 @!p0 $0x1C07  }
0xa2: {  	[timem:s3], [sflag:s2] =	dma.local @!p0 [hbm:s0], s1  }
0xa3: {  	s0 =	simm.s32 @!p0 $0x7  }
0xa4: {  	_ =	swait.ge @!p0 [sflag:s0], s1  }
0xa5: {  	s1 =	ssub.s32 @!p0 $0x0, s1;
	[sflag:s0] =	ssyncset.done @!p0 $0x0  }
0xa6: {  	[sflag:s0] =	ssyncadd.s32 @!p0 s1  }
0xa7: {  	[bflag:$0x3] =	sbarrier.arrive $0xFFFF  }
0xa8: {  	_ =	shalt  }

// kernel: kernel.23.cloned.1.call-start
scs
__scs_entry_jumppad:
0x0: {  	(pc) =	sbr.rel $0x88, $3  }
0x1: {  	(tag) =	ssettag $0x0;
	lr =	simm.s32 $0x1  }
0x2: {  	[smem:$0x3F93] =	sst lr;
	_ =	strace $0xD0000000  }
0x3: {  	_ = 	snop  }
0x4: {  	_ = 	snop  }
0x5: {  	_ = 	snop  }
0x6: {  	_ = 	snop  }
0x7: {  	_ = 	snop  }
__scs_overlays_trampoline_lowered:
0x8: {  	[smem:$0x3FA2] =	sst s0  }
0x9: {  	[smem:$0x3FA3] =	sst s1  }
0xa: {  	[smem:$0x3FA4] =	sst s2  }
0xb: {  	[smem:$0x3FA5] =	sst s3  }
0xc: {  	[smem:$0x3FA6] =	sst s4  }
0xd: {  	[smem:$0x3FA7] =	sst s5  }
0xe: {  	[smem:$0x3FA8] =	sst s6  }
0xf: {  	[smem:$0x3FA9] =	sst s7  }
0x10: {  	[smem:$0x3FAA] =	sst s8  }
0x11: {  	[smem:$0x3FAB] =	sst s9;
	s0 =	simm.s32 @!p0 $0x0  }
0x12: {  	s1 =	sld [smem:$0x3F91];
	s0 =	simm.s32 @p0 $0x1  }
0x13: {  	[smem:$0x3FAC] =	sst s0;
	s0 =	simm.s32 @!p1 $0x0  }
0x14: {  	s2 =	sld [smem:$0x3F90];
	s0 =	simm.s32 @p1 $0x1  }
0x15: {  	[smem:$0x3FAD] =	sst s0;
	s0 =	simm.s32 @!p2 $0x0  }
0x16: {  	s3 =	sld [smem:$0x3FDB];
	s0 =	simm.s32 @p2 $0x1  }
0x17: {  	s4 =	simm.s32 $0x1BF5;
	[smem:$0x3FAF] =	sst s0  }
0x18: {  	s0 =	sld [smem:$0x3F92];
	_ =	swait.ge [sflag:s4], $0x0  }
0x19: {  	s7 =	sld [smem:$0x3F93]  }
0x1a: {  	s8 =	sadd.s32 $0xFFFFE003, lr  }
0x1b: {  	s9 =	sadd.s32 $0xFFFFFEF7, lr;
	s5 =	simm.s32 $0xFFFFFFFF;
	p2 =	slt.u32 s8, $0xFFFFF086  }
0x1c: {  	p1 =	slt.u32 s9, $0xF7A;
	s5 =	simm.s32 @!p2 $0x0  }
0x1d: {  	s5 =	simm.s32 @p1 $0x1;
	p0 =	seq.s32 s7, s2  }
0x1e: {  	s7 =	smul.u32 @!p0 $0xF7A, s2;
	p2 =	seq.s32 @!p0 s5, $0x0  }
0x1f: {  	s9 =	smul.u32 $0xF7A, s1;
	s8 =	simm.s32 @!p0 $0x1BF5;
	p2 =	por !p2, p0  }
0x20: {  	[sflag:s8] =	ssyncset.s32 @!p0 $0xFFFFF086;
	s6 =	sadd.s32 @!p0 s3, s7;
	s7 =	simm.s32 @!p0 $0x108  }
0x21: {  	s3 =	sadd.s32 s3, s9;
	s6 =	sadd.s32 @!p0 $0x88, s6;
	s7 =	simm.s32 @p2 $0x1082  }
0x22: {  	[simem:s7], [sflag:s8] =	dma.local @!p0 [hbm:s6], $0xF7A  }
0x23: {  	s9 =	sor.u32 $0xD0000000, s2;
	s6 =	simm.s32 $0x108;
	_ =	swait.ge @!p0 [sflag:s8], $0x0  }
0x24: {  	s3 =	sadd.s32 $0x88, s3;
	s6 =	simm.s32 @!p1 $0x1082;
	[sflag:s4] =	ssyncset.s32 $0xFFFFF086  }
0x25: {  	[simem:s6], [sflag:s4] =	dma.local [hbm:s3], $0xF7A  }
0x26: {  	[smem:$0x3F93] =	sst s1;
	(tag) =	ssettag s2;
	_ =	strace s9  }
0x27: {  	s1 =	sld [smem:$0x3FA3]  }
0x28: {  	s2 =	sld [smem:$0x3FA4]  }
0x29: {  	s4 =	sld [smem:$0x3FA6]  }
0x2a: {  	p0 =	seq.s32 s5, $0x0;
	s5 =	sld [smem:$0x3FA7]  }
0x2b: {  	s6 =	sld [smem:$0x3FA8]  }
0x2c: {  	s7 =	sld [smem:$0x3FA9]  }
0x2d: {  	s3 =	simm.s32 $0x108;
	s8 =	sld [smem:$0x3FAA]  }
0x2e: {  	s3 =	simm.s32 @!p0 $0x1082;
	s9 =	sld [smem:$0x3FAB]  }
0x2f: {  	lr =	sadd.s32 s0, s3;
	s0 =	sld [smem:$0x3FA2]  }
0x30: {  	s3 =	sld [smem:$0x3FA5]  }
0x31: {  	[smem:$0x3FAE] =	sst s10  }
0x32: {  	s10 =	sld [smem:$0x3FAC];
	_ =	sdelay $0x3  }
0x33: {  	p0 =	seq.s32 s10, $0x1;
	s10 =	sld [smem:$0x3FAE];
	_ =	sdelay $0x3  }
0x34: {  	[smem:$0x3FAE] =	sst s10  }
0x35: {  	s10 =	sld [smem:$0x3FAD];
	_ =	sdelay $0x3  }
0x36: {  	p1 =	seq.s32 s10, $0x1;
	s10 =	sld [smem:$0x3FAE];
	_ =	sdelay $0x3  }
0x37: {  	[smem:$0x3FAE] =	sst s10  }
0x38: {  	s10 =	sld [smem:$0x3FAF]  }
0x39: {  	_ = 	snop;
	(pc) =	sbr.ind lr, $3  }
0x3a: {  	_ = 	snop  }
0x3b: {  	_ = 	snop  }
0x3c: {  	p2 =	seq.s32 s10, $0x1;
	s10 =	sld [smem:$0x3FAE]  }
0x3d: {  	_ =	shalt  }
0x3e: {  	_ =	shalt  }
0x3f: {  	_ =	shalt  }
0x40: {  	_ =	shalt  }
0x41: {  	_ =	shalt  }
0x42: {  	_ =	shalt  }
0x43: {  	_ =	shalt  }
0x44: {  	_ =	shalt  }
0x45: {  	_ =	shalt  }
0x46: {  	_ =	shalt  }
0x47: {  	_ =	shalt  }
0x48: {  	_ =	shalt  }
0x49: {  	_ =	shalt  }
0x4a: {  	_ =	shalt  }
0x4b: {  	_ =	shalt  }
0x4c: {  	_ =	shalt  }
0x4d: {  	_ =	shalt  }
0x4e: {  	_ =	shalt  }
0x4f: {  	_ =	shalt  }
0x50: {  	_ =	shalt  }
0x51: {  	_ =	shalt  }
0x52: {  	_ =	shalt  }
0x53: {  	_ =	shalt  }
0x54: {  	_ =	shalt  }
0x55: {  	_ =	shalt  }
0x56: {  	_ =	shalt  }
0x57: {  	_ =	shalt  }
0x58: {  	_ =	shalt  }
0x59: {  	_ =	shalt  }
0x5a: {  	_ =	shalt  }
0x5b: {  	_ =	shalt  }
0x5c: {  	_ =	shalt  }
0x5d: {  	_ =	shalt  }
0x5e: {  	_ =	shalt  }
0x5f: {  	_ =	shalt  }
0x60: {  	_ =	shalt  }
0x61: {  	_ =	shalt  }
0x62: {  	_ =	shalt  }
0x63: {  	_ =	shalt  }
0x64: {  	_ =	shalt  }
0x65: {  	_ =	shalt  }
0x66: {  	_ =	shalt  }
0x67: {  	_ =	shalt  }
0x68: {  	_ =	shalt  }
0x69: {  	_ =	shalt  }
0x6a: {  	_ =	shalt  }
0x6b: {  	_ =	shalt  }
0x6c: {  	_ =	shalt  }
0x6d: {  	_ =	shalt  }
0x6e: {  	_ =	shalt  }
0x6f: {  	_ =	shalt  }
0x70: {  	_ =	shalt  }
0x71: {  	_ =	shalt  }
0x72: {  	_ =	shalt  }
0x73: {  	_ =	shalt  }
0x74: {  	_ =	shalt  }
0x75: {  	_ =	shalt  }
0x76: {  	_ =	shalt  }
0x77: {  	_ =	shalt  }
0x78: {  	_ =	shalt  }
0x79: {  	_ =	shalt  }
0x7a: {  	_ =	shalt  }
0x7b: {  	_ =	shalt  }
0x7c: {  	_ =	shalt  }
0x7d: {  	_ =	shalt  }
0x7e: {  	_ =	shalt  }
0x7f: {  	_ =	shalt  }
0x80: {  	_ =	shalt  }
0x81: {  	_ =	shalt  }
0x82: {  	_ =	shalt  }
0x83: {  	_ =	shalt  }
0x84: {  	_ =	shalt  }
0x85: {  	_ =	shalt  }
0x86: {  	_ =	shalt  }
0x87: {  	_ =	shalt  }
.Lfunc_end0:
.L_simem_size_0:
called_computation.2_lowered:
.L_overlay_start_0:
0x88: {  	s2 =	sld [smem:$0x3FD9]  }
0x89: {  	s3 =	sld [smem:$0x3FFE];
	_ =	sdelay $0x1  }
0x8a: {  	s1 =	srdreg.scid  }
0x8b: {  	s0 =	sand.u32 $0x1, s1  }
0x8c: {  	s17 =	sshll.u32 s0, $0xA;
	s2 =	sadd.s32 s3, s2  }
0x8d: {  	s2 =	sadd.s32 s2, s17  }
0x8e: {  	[smem:$0x3FBA] =	sst s2  }
0x8f: {  	_ = 	snop  }
0x90: {  	s2 =	sld [smem:$0x3FD0];
	(tm) =	ssettm $0x1  }
0x91: {  	s18 =	sld [smem:$0x3FFB];
	_ =	sdelay $0x3  }
0x92: {  	_ =	strace s18  }
0x93: {  	s3 =	sld [smem:$0x3FFC];
	_ =	sdelay $0x3  }
0x94: {  	_ =	strace s3  }
0x95: {  	s3 =	sld [smem:$0x3FFD];
	_ =	sdelay $0x3  }
0x96: {  	_ =	strace s3  }
0x97: {  	_ =	strace $0x8FFFFFFF  }
0x98: {  	s19 =	sld [smem:$0x3FDB];
	_ =	sdelay $0x1  }
0x99: {  	s4 =	simm.s32 $_scs_section_size  }
0x9a: {  	s5 =	simm.s32 $_size__tile_overlayer_lowered;
	s6 =	simm.s32 $_tile_overlayer_lowered  }
0x9b: {  	s22 =	simm.s32 $0x1BFF;
	s21 =	sshll.u32 s6, $0x1;
	s3 =	sadd.s32 s4, s19  }
0x9c: {  	s7 =	simm.s32 $0x0;
	s20 =	sshll.u32 s5, $0x1;
	s5 =	sadd.s32 s21, s3  }
0x9d: {  	[timem:s7], [sflag:s22] =	dma.local [hbm:s5], s20  }
0x9e: {  	_ =	swait.ge [sflag:s22], s20  }
0x9f: {  	s4 =	ssub.s32 $0x0, s20;
	[sflag:s22] =	ssyncset.done $0x0  }
0xa0: {  	[sflag:s22] =	ssyncadd.s32 s4;
	_ =	sdelay $0x1  }
0xa1: {  	s23 =	simm.s32 $0x1B8B  }
0xa2: {  	_ =	swait.ge [sflag:s23], $0x1  }
0xa3: {  	[sflag:s23] =	ssyncset.done $0x0  }
0xa4: {  	s25 =	simm.s32 $0x1B8E;
	s24 =	sld [smem:$0x3FFE];
	[sflag:s23] =	ssyncadd.s32 $0xFFFFFFFF  }
0xa5: {  	s26 =	simm.s32 $execute0_lowered;
	[smem:$0x3FD2] =	sst s25  }
0xa6: {  	s5 =	sshll.u32 s26, $0x1;
	_ =	strace $0x8000004C;
	[dreg:$0x1] =	wrdreg $0xFFFFFFFF  }
0xa7: {  	s28 =	simm.s32 $_size_execute0_lowered;
	s3 =	sadd.s32 s3, s5;
	[dreg:$0x0] =	wrdreg $0x0  }
0xa8: {  	s5 =	sshll.u32 s28, $0x1;
	[dreg:$0x2] =	wrdreg s3  }
0xa9: {  	[dreg:$0x3] =	wrdreg s5  }
0xaa: {  	[dreg:$0x4] =	wrdreg $0xC0  }
0xab: {  	_ =	task [dreg:s7], $0x5FFFF  }
0xac: {  	[dreg:$0x1] =	wrdreg $0xFFFFFFFF  }
0xad: {  	[dreg:$0x0] =	wrdreg $0x60  }
0xae: {  	[dreg:$0x2] =	wrdreg s2  }
0xaf: {  	[dreg:$0x3] =	wrdreg s24  }
0xb0: {  	[dreg:$0x4] =	wrdreg $0xA9000  }
0xb1: {  	[dreg:$0x5] =	wrdreg $0x9  }
0xb2: {  	_ =	task.clear_ibuf [dreg:s7], $0x6FFFF;
	_ =	strace $0x9000004C  }
0xb3: {  	s29 =	simm.s32 $0x9;
	_ =	strace $0x8000004E  }
0xb4: {  	_ =	swait.ge [sflag:s29], $0x1  }
0xb5: {  	[sflag:s29] =	ssyncadd.s32 $0xFFFFFFFF  }
0xb6: {  	_ =	strace $0x9000004E  }
0xb7: {  	_ =	sfence  }
0xb8: {  	s30 =	sld [smem:$0x0];
	_ =	sdelay $0x2  }
0xb9: {  	s31 =	sshll.u32 s1, $0xD;
	s1 =	sshrl.u32 s1, $0x2  }
0xba: {  	s3 =	sand.u32 $0x4000, s31;
	s1 =	sadd.s32 s1, s30  }
0xbb: {  	s0 =	sor.u32 s3, s0;
	s1 =	sshll.u32 s1, $0x11  }
0xbc: {  	s0 =	sor.u32 s1, s0  }
0xbd: {  	s0 =	sadd.s32 $0x8F2B, s0  }
0xbe: {  	[sflag:s0] =	ssyncadd.remote.s32 $0x1  }
0xbf: {  	_ =	sfence.sel $0xFFFF  }
0xc0: {  	[dreg:$0x0] =	wrdreg $0xFFFFFFFF;
	(pc) =	sbr.abs _section_cstart, $3  }
0xc1: {  	[dreg:$0x1] =	wrdreg $0xFFFFFFFF  }
0xc2: {  	_ =	task.clear_ibuf [dreg:s7], $0x2FFFF;
	_ =	strace $0x9FFFFFFF  }
0xc3: {  	(tm) =	ssettm $0x7FFFFFFF  }
tec
execute0_lowered:
.L_overlay_start_1:
0x0: {  	(tag) =	ssettag $0x1  }
0x1: {  	s1 =	rddreg [dreg:$0x0]  }
0x2: {  	s0 =	srdreg.scid;
	s7 =	rddreg [dreg:$0x1]  }
0x3: {  	s11 =	stileid.u32;
	s3 =	rddreg [dreg:$0x2];
	s5 =	simm.s32 $0x0  }
0x4: {  	s28 =	simm.s32 $0x1;
	s29 =	simm.s32 $0x6;
	s30 =	simm.s32 $0xC0  }
0x5: {  	s31 =	simm.s32 $0x8900;
	s0 =	sand.u32 $0x1, s0;
	s2 =	sshll.u32 s11, $0x1  }
0x6: {  	[smem:$0x7FF] =	sst s5;
	s8 =	smul.u32 $0x14000, s11;
	s6 =	sadd.s32 $0x12200, s7  }
0x7: {  	s17 =	smul.u32 $0x50000, s11;
	s18 =	sadd.s32 $0x1C200, s7;
	s11 =	simm.s32 $0x0  }
0x8: {  	s2 =	sor.u32 s0, s2;
	s16 =	smul.u32 $0x140000, s0;
	_ =	strace $0x8000004D  }
0x9: {  	[dreg:$0x4] =	wrdreg s18;
	s0 =	ssub.s32 $0x2, s0;
	s4 =	smul.u32 $0x2800, s2  }
0xa: {  	s19 =	sshrl.u32 s0, $0x1;
	s20 =	sshrl.u32 s17, $0x2;
	s2 =	sadd.s32 s8, s16  }
0xb: {  	s0 =	ssub.s32 s0, s19;
	s9 =	sshrl.u32 s4, $0x3;
	s2 =	sshrl.u32 s2, $0x3  }
0xc: {  	s17 =	smax.u32 s0, $0x1;
	s0 =	simm.s32 $0x3;
	s8 =	sadd.s32 s6, s9  }
0xd: {  	s10 =	sadd.s32 s9, s7;
	s2 =	sadd.s32 s2, s7;
	s21 =	sadd.s32 $0x10, s8  }
0xe: {  	s9 =	sadd.s32 s20, s3;
	s22 =	sadd.s32 $0x8200, s10;
	[dreg:$0x5] =	wrdreg s21  }
0xf: {  	s20 =	simm.s32 $0x7;
	s23 =	sadd.s32 $0x4000, s9;
	[dreg:$0x6] =	wrdreg s22  }
0x10: {  	s7 =	simm.s32 $0x5;
	s24 =	sadd.s32 $0x8000, s9;
	[dreg:$0x7] =	wrdreg s23  }
0x11: {  	s25 =	sadd.s32 $0xC000, s9;
	s26 =	sadd.s32 $0x10000, s9;
	[dreg:$0x8] =	wrdreg s24  }
.Ltmp0:
0x12: {  	s2 =	sadd.s32 $0x6CA00, s2;
	[dreg:$0x9] =	wrdreg s25;
	(pc) =	sbr.rel .LBB2_1-.Ltmp0, $4  }
0x13: {  	s18 =	sadd.s32 $0x20, s8;
	s19 =	sadd.s32 $0x30, s8;
	[dreg:$0xa] =	wrdreg s26  }
0x14: {  	s10 =	simm.s32 $0x4;
	[dreg:$0xb] =	wrdreg s2;
	s21 =	simm.s32 $0x40  }
0x15: {  	s22 =	simm.s32 $0x2900;
	s23 =	simm.s32 $0x4900;
	s24 =	simm.s32 $0x80  }
0x16: {  	s25 =	simm.s32 $0x100;
	s26 =	simm.s32 $0x6900;
	s2 =	simm.s32 $0x2  }
.LBB2_4:
0x17: {  	[spmem:s3] =	stream.indirect.scatter.add.f32 [tilespmem:s26], [sflag:$0x4], $0x80, s14, s24, $0xb8;
	[tilespmem:$0x1E900] =	vst v63  }
0x18: {  	_ =	swait.ge [sflag:s0], $0x4000  }
0x19: {  	[sflag:s0] =	ssyncset.done $0x0  }
0x1a: {  	[sflag:s0] =	ssyncadd.s32 $0xFFFFC000  }
0x1b: {  	_ =	swait.ge [sflag:s10], $0x4000  }
0x1c: {  	s12 =	stileid.u32;
	[sflag:s10] =	ssyncset.done $0x0  }
0x1d: {  	s13 =	sshrl.u32 s9, $0x3;
	s11 =	sadd.s32 $0x1, s11;
	[sflag:s10] =	ssyncadd.s32 $0xFFFFC000  }
0x1e: {  	s12 =	sshll.u32 s12, $0x6;
	p0 =	sne.s32 s11, s17;
	[bflag:$0x0] =	sbarrier.arrive $0xFFFF  }
.Ltmp1:
0x1f: {  	s12 =	sor.u32 $0x1C07, s12;
	s16 =	rddreg [dreg:$0xb];
	(pc) =	sbr.rel @!p0 .LBB2_5-.Ltmp1, $4  }
0x20: {  	[hbm:s16], [sflag:s12] =	dma.local [spmem:s13], $0x2800  }
0x21: {  	_ =	swait.ge [sflag:s20], $0x2800  }
0x22: {  	[sflag:s20] =	ssyncset.done $0x0  }
0x23: {  	[sflag:s20] =	ssyncadd.s32 $0xFFFFD800  }
.LBB2_1:
0x24: {  	[tilespmem:s5], [sflag:$0x7] =	stream.linear.gather [hbm4b:s8+s5], $0x80, $0x38;
	[tilespmem:$0x1E900] =	vst v63  }
0x25: {  	_ =	swait.ge [sflag:s20], $0x80  }
0x26: {  	[sflag:s20] =	ssyncset.done $0x0  }
0x27: {  	[sflag:s20] =	ssyncadd.s32 $0xFFFFFF80  }
0x28: {  	[tilespmem:s22], [sflag:$0x1] =	stream.indirect.gather [hbm4b:s1+s21], $0x80, s5, s21, $0xb8;
	[tilespmem:$0x1E900] =	vst v63  }
0x29: {  	_ = 	snop  }
0x2a: {  	[tilespmem:s23], [sflag:$0x1] =	stream.indirect.gather [hbm4b:s1+s21], $0x80, s21, s21, $0xb8;
	[tilespmem:$0x1E900] =	vst v63  }
0x2b: {  	s12 =	rddreg [dreg:$0x5]  }
0x2c: {  	[tilespmem:s24], [sflag:$0x6] =	stream.linear.gather [hbm4b:s12+s5], $0x80, $0x38;
	[tilespmem:$0x1E900] =	vst v63  }
0x2d: {  	s14 =	rddreg [dreg:$0x6]  }
0x2e: {  	[tilespmem:s25], [sflag:$0x7] =	stream.linear.gather [hbm4b:s14+s5], $0x2800, $0x38;
	[tilespmem:$0x1E900] =	vst v63  }
0x2f: {  	_ =	swait.ge [sflag:s20], $0x2800  }
0x30: {  	[sflag:s20] =	ssyncset.done $0x0  }
0x31: {  	s15 =	rddreg [dreg:$0x4];
	[sflag:s20] =	ssyncadd.s32 $0xFFFFD800  }
0x32: {  	[tilespmem:s26], [sflag:$0x7] =	stream.linear.gather [hbm4b:s15+s5], $0x4000, $0x38;
	[tilespmem:$0x1E900] =	vst v63  }
0x33: {  	_ =	swait.ge [sflag:s20], $0x4000  }
0x34: {  	[sflag:s20] =	ssyncset.done $0x0  }
0x35: {  	[sflag:s20] =	ssyncadd.s32 $0xFFFFC000  }
0x36: {  	[spmem:s9] =	stream.linear.scatter [tilespmem:s26], [sflag:$0x7], $0x4000, $0x38;
	[tilespmem:$0x1E900] =	vst v63  }
0x37: {  	_ =	swait.ge [sflag:s20], $0x4000  }
0x38: {  	[sflag:s20] =	ssyncset.done $0x0  }
0x39: {  	s16 =	rddreg [dreg:$0x7];
	[sflag:s20] =	ssyncadd.s32 $0xFFFFC000  }
0x3a: {  	[spmem:s16] =	stream.linear.scatter [tilespmem:s26], [sflag:$0x7], $0x4000, $0x38;
	[tilespmem:$0x1E900] =	vst v63  }
0x3b: {  	_ =	swait.ge [sflag:s20], $0x4000  }
0x3c: {  	[sflag:s20] =	ssyncset.done $0x0  }
0x3d: {  	s13 =	rddreg [dreg:$0x8];
	[sflag:s20] =	ssyncadd.s32 $0xFFFFC000  }
0x3e: {  	[spmem:s13] =	stream.linear.scatter [tilespmem:s26], [sflag:$0x7], $0x4000, $0x38;
	[tilespmem:$0x1E900] =	vst v63  }
0x3f: {  	_ =	swait.ge [sflag:s20], $0x4000  }
0x40: {  	[sflag:s20] =	ssyncset.done $0x0  }
0x41: {  	s14 =	rddreg [dreg:$0x9];
	[sflag:s20] =	ssyncadd.s32 $0xFFFFC000  }
0x42: {  	[spmem:s14] =	stream.linear.scatter [tilespmem:s26], [sflag:$0x7], $0x4000, $0x38;
	[tilespmem:$0x1E900] =	vst v63  }
0x43: {  	_ =	swait.ge [sflag:s20], $0x4000  }
0x44: {  	[sflag:s20] =	ssyncset.done $0x0  }
0x45: {  	s15 =	rddreg [dreg:$0xa];
	[sflag:s20] =	ssyncadd.s32 $0xFFFFC000  }
0x46: {  	[spmem:s15] =	stream.linear.scatter [tilespmem:s26], [sflag:$0x7], $0x4000, $0x38;
	[tilespmem:$0x1E900] =	vst v63  }
0x47: {  	_ =	swait.ge [sflag:s20], $0x4000  }
0x48: {  	[sflag:s20] =	ssyncset.done $0x0  }
0x49: {  	[sflag:s20] =	ssyncadd.s32 $0xFFFFC000  }
0x4a: {  	[bflag:$0x0] =	sbarrier.arrive $0xFFFF  }
0x4b: {  	_ =	swait.ge [sflag:s28], $0x2000  }
0x4c: {  	[sflag:s28] =	ssyncset.done $0x0  }
0x4d: {  	[sflag:s28] =	ssyncadd.s32 $0xFFFFE000  }
0x4e: {  	_ =	swait.ge [sflag:s28], $0x2000  }
0x4f: {  	[sflag:s28] =	ssyncset.done $0x0  }
0x50: {  	[sflag:s28] =	ssyncadd.s32 $0xFFFFE000  }
0x51: {  	[tilespmem:s5], [sflag:$0x5] =	stream.linear.gather [hbm4b:s18+s5], $0x80, $0x38;
	[tilespmem:$0x1E900] =	vst v63  }
0x52: {  	_ = 	snop  }
0x53: {  	[spmem:s3] =	stream.indirect.scatter.add.f32 [tilespmem:s22], [sflag:$0x3], $0x80, s25, s24, $0xb8;
	[tilespmem:$0x1E900] =	vst v63  }
0x54: {  	_ =	swait.ge [sflag:s29], $0x80  }
0x55: {  	[sflag:s29] =	ssyncset.done $0x0  }
0x56: {  	[sflag:s29] =	ssyncadd.s32 $0xFFFFFF80  }
0x57: {  	[tilespmem:s26], [sflag:$0x2] =	stream.indirect.gather [hbm4b:s1+s21], $0x80, s24, s21, $0xb8;
	[tilespmem:$0x1E900] =	vst v63  }
0x58: {  	_ = 	snop  }
0x59: {  	[tilespmem:s31], [sflag:$0x2] =	stream.indirect.gather [hbm4b:s1+s21], $0x80, s30, s21, $0xb8;
	[tilespmem:$0x1E900] =	vst v63  }
0x5a: {  	_ =	swait.ge [sflag:s2], $0x2000  }
0x5b: {  	[sflag:s2] =	ssyncset.done $0x0  }
0x5c: {  	[sflag:s2] =	ssyncadd.s32 $0xFFFFE000  }
0x5d: {  	_ =	swait.ge [sflag:s2], $0x2000  }
0x5e: {  	[sflag:s2] =	ssyncset.done $0x0  }
0x5f: {  	[sflag:s2] =	ssyncadd.s32 $0xFFFFE000  }
0x60: {  	[tilespmem:s24], [sflag:$0x6] =	stream.linear.gather [hbm4b:s19+s5], $0x80, $0x38;
	[tilespmem:$0x1E900] =	vst v63  }
0x61: {  	s16 =	simm.s32 $0x180  }
0x62: {  	[spmem:s3] =	stream.indirect.scatter.add.f32 [tilespmem:s26], [sflag:$0x4], $0x80, s16, s24, $0xb8;
	[tilespmem:$0x1E900] =	vst v63  }
0x63: {  	_ =	swait.ge [sflag:s0], $0x4000  }
0x64: {  	[sflag:s0] =	ssyncset.done $0x0  }
0x65: {  	[sflag:s0] =	ssyncadd.s32 $0xFFFFC000  }
0x66: {  	_ =	swait.ge [sflag:s7], $0x80  }
0x67: {  	[sflag:s7] =	ssyncset.done $0x0  }
0x68: {  	[sflag:s7] =	ssyncadd.s32 $0xFFFFFF80  }
0x69: {  	[tilespmem:s22], [sflag:$0x1] =	stream.indirect.gather [hbm4b:s1+s21], $0x80, s5, s21, $0xb8;
	[tilespmem:$0x1E900] =	vst v63  }
0x6a: {  	s12 =	simm.s32 $0x200;
	s13 =	simm.s32 $0x280  }
0x6b: {  	[tilespmem:s23], [sflag:$0x1] =	stream.indirect.gather [hbm4b:s1+s21], $0x80, s21, s21, $0xb8;
	[tilespmem:$0x1E900] =	vst v63  }
.LBB2_2:
0x6c: {  	p0 =	seq.s32 s13, $0x2880  }
0x6d: {  	_ =	swait.ge [sflag:s28], $0x2000;
	s14 =	sadd.s32 @!p0 $0xFFFFFF80, s13  }
0x6e: {  	[sflag:s28] =	ssyncset.done $0x0;
	s15 =	sand.u32 @!p0 $0x7C00, s14  }
0x6f: {  	[sflag:s28] =	ssyncadd.s32 $0xFFFFE000;
	s14 =	sand.u32 @!p0 $0x300, s14;
	s15 =	sadd.s32 @!p0 s4, s15  }
0x70: {  	_ =	swait.ge [sflag:s28], $0x2000;
	s14 =	sor.u32 @!p0 s14, s15  }
0x71: {  	[sflag:s28] =	ssyncset.done $0x0;
	s14 =	sshrl.u32 @!p0 s14, $0x3  }
0x72: {  	s15 =	simm.s32 @!p0 $0x0;
	[sflag:s28] =	ssyncadd.s32 $0xFFFFE000;
	s14 =	sadd.s32 @!p0 s6, s14  }
0x73: {  	[tilespmem:s15], [sflag:$0x5] =	stream.linear.gather @!p0 [hbm4b:s14+s15], $0x80, $0x38;
	[tilespmem:$0x1E900] =	vst v63  }
0x74: {  	s14 =	smov.u32 s12  }
0x75: {  	s14 =	simm.s32 @p0 $0x2800  }
0x76: {  	[spmem:s3] =	stream.indirect.scatter.add.f32 [tilespmem:s22], [sflag:$0x3], $0x80, s14, s24, $0xb8;
	[tilespmem:$0x1E900] =	vst v63  }
0x77: {  	_ =	swait.ge [sflag:s10], $0x4000  }
0x78: {  	[sflag:s10] =	ssyncset.done $0x0  }
0x79: {  	[sflag:s10] =	ssyncadd.s32 $0xFFFFC000  }
0x7a: {  	_ =	swait.ge [sflag:s29], $0x80  }
0x7b: {  	[sflag:s29] =	ssyncset.done $0x0  }
0x7c: {  	[sflag:s29] =	ssyncadd.s32 $0xFFFFFF80  }
0x7d: {  	[tilespmem:s26], [sflag:$0x2] =	stream.indirect.gather [hbm4b:s1+s21], $0x80, s24, s21, $0xb8;
	[tilespmem:$0x1E900] =	vst v63  }
0x7e: {  	_ = 	snop  }
0x7f: {  	[tilespmem:s31], [sflag:$0x2] =	stream.indirect.gather [hbm4b:s1+s21], $0x80, s30, s21, $0xb8;
	[tilespmem:$0x1E900] =	vst v63  }
0x80: {  	_ =	swait.ge [sflag:s2], $0x2000  }
.Ltmp2:
0x81: {  	[sflag:s2] =	ssyncset.done $0x0;
	(pc) =	sbr.rel @p0 .LBB2_4-.Ltmp2, $4  }
0x82: {  	[sflag:s2] =	ssyncadd.s32 $0xFFFFE000  }
0x83: {  	_ =	swait.ge [sflag:s2], $0x2000  }
0x84: {  	[sflag:s2] =	ssyncset.done $0x0  }
0x85: {  	s14 =	sadd.s32 $0x80, s14;
	[sflag:s2] =	ssyncadd.s32 $0xFFFFE000  }
0x86: {  	s15 =	sand.u32 $0x7C00, s13  }
0x87: {  	s16 =	sand.u32 $0x380, s13;
	s15 =	sadd.s32 s4, s15  }
0x88: {  	s15 =	sor.u32 s16, s15  }
0x89: {  	s15 =	sshrl.u32 s15, $0x3  }
0x8a: {  	s15 =	sadd.s32 s6, s15  }
0x8b: {  	[tilespmem:s24], [sflag:$0x6] =	stream.linear.gather [hbm4b:s15+s5], $0x80, $0x38;
	[tilespmem:$0x1E900] =	vst v63  }
0x8c: {  	_ = 	snop  }
0x8d: {  	[spmem:s3] =	stream.indirect.scatter.add.f32 [tilespmem:s26], [sflag:$0x4], $0x80, s14, s24, $0xb8;
	[tilespmem:$0x1E900] =	vst v63  }
0x8e: {  	_ =	swait.ge [sflag:s0], $0x4000  }
0x8f: {  	[sflag:s0] =	ssyncset.done $0x0  }
0x90: {  	[sflag:s0] =	ssyncadd.s32 $0xFFFFC000  }
0x91: {  	_ =	swait.ge [sflag:s7], $0x80  }
.Ltmp3:
0x92: {  	[sflag:s7] =	ssyncset.done $0x0;
	(pc) =	sbr.rel .LBB2_2-.Ltmp3, $4  }
0x93: {  	[sflag:s7] =	ssyncadd.s32 $0xFFFFFF80  }
0x94: {  	[tilespmem:s22], [sflag:$0x1] =	stream.indirect.gather [hbm4b:s1+s21], $0x80, s5, s21, $0xb8;
	[tilespmem:$0x1E900] =	vst v63  }
0x95: {  	s12 =	sadd.s32 $0x100, s12;
	s13 =	sadd.s32 $0x100, s13  }
0x96: {  	[tilespmem:s23], [sflag:$0x1] =	stream.indirect.gather [hbm4b:s1+s21], $0x80, s21, s21, $0xb8;
	[tilespmem:$0x1E900] =	vst v63  }
.LBB2_5:
0x97: {  	_ =	sfence.sel $0x180000  }
0x98: {  	[bflag:$0x0] =	sbarrier.arrive $0xFFFF  }
0x99: {  	_ =	strace $0x9000004D  }
0x9a: {  	s0 =	stileid.u32;
	[bflag:$0x2] =	sbarrier.arrive $0xFFFF  }
0x9b: {  	p0 =	sne.s32 s0, $0x0;
	s0 =	rddreg [dreg:$0x3]  }
0x9c: {  	s0 =	sadd.s32 @!p0 $0x100000, s0  }
0x9d: {  	[sflag:s0] =	ssyncadd.tile.s32 @!p0 $0x1;
	_ =	shalt  }
.Lfunc_end2:
_tile_overlayer_lowered:
.L_overlay_start_2:
0x9e: {  	(tag) =	ssettag $0x2  }
0x9f: {  	s0 =	rddreg [dreg:$0x0];
	s2 =	stileid.u32  }
0xa0: {  	s1 =	rddreg [dreg:$0x1];
	p0 =	sne.s32 s2, $0x0  }
0xa1: {  	s3 =	rddreg [dreg:$0x2];
	[bflag:$0x3] =	sbarrier.arrive $0xFFFF;
	s2 =	simm.s32 @!p0 $0x1C07  }
0xa2: {  	[timem:s3], [sflag:s2] =	dma.local @!p0 [hbm:s0], s1  }
0xa3: {  	s0 =	simm.s32 @!p0 $0x7  }
0xa4: {  	_ =	swait.ge @!p0 [sflag:s0], s1  }
0xa5: {  	s1 =	ssub.s32 @!p0 $0x0, s1;
	[sflag:s0] =	ssyncset.done @!p0 $0x0  }
0xa6: {  	[sflag:s0] =	ssyncadd.s32 @!p0 s1  }
0xa7: {  	[bflag:$0x3] =	sbarrier.arrive $0xFFFF  }
0xa8: {  	_ =	shalt  }

// kernel: kernel.26.cloned.1.call-start
scs
__scs_entry_jumppad:
0x0: {  	(pc) =	sbr.rel $0x88, $3  }
0x1: {  	(tag) =	ssettag $0x0;
	lr =	simm.s32 $0x1  }
0x2: {  	[smem:$0x3F93] =	sst lr;
	_ =	strace $0xD0000000  }
0x3: {  	_ = 	snop  }
0x4: {  	_ = 	snop  }
0x5: {  	_ = 	snop  }
0x6: {  	_ = 	snop  }
0x7: {  	_ = 	snop  }
__scs_overlays_trampoline_lowered:
0x8: {  	[smem:$0x3FA2] =	sst s0  }
0x9: {  	[smem:$0x3FA3] =	sst s1  }
0xa: {  	[smem:$0x3FA4] =	sst s2  }
0xb: {  	[smem:$0x3FA5] =	sst s3  }
0xc: {  	[smem:$0x3FA6] =	sst s4  }
0xd: {  	[smem:$0x3FA7] =	sst s5  }
0xe: {  	[smem:$0x3FA8] =	sst s6  }
0xf: {  	[smem:$0x3FA9] =	sst s7  }
0x10: {  	[smem:$0x3FAA] =	sst s8  }
0x11: {  	[smem:$0x3FAB] =	sst s9;
	s0 =	simm.s32 @!p0 $0x0  }
0x12: {  	s1 =	sld [smem:$0x3F91];
	s0 =	simm.s32 @p0 $0x1  }
0x13: {  	[smem:$0x3FAC] =	sst s0;
	s0 =	simm.s32 @!p1 $0x0  }
0x14: {  	s2 =	sld [smem:$0x3F90];
	s0 =	simm.s32 @p1 $0x1  }
0x15: {  	[smem:$0x3FAD] =	sst s0;
	s0 =	simm.s32 @!p2 $0x0  }
0x16: {  	s3 =	sld [smem:$0x3FDB];
	s0 =	simm.s32 @p2 $0x1  }
0x17: {  	s4 =	simm.s32 $0x1BF5;
	[smem:$0x3FAF] =	sst s0  }
0x18: {  	s0 =	sld [smem:$0x3F92];
	_ =	swait.ge [sflag:s4], $0x0  }
0x19: {  	s7 =	sld [smem:$0x3F93]  }
0x1a: {  	s8 =	sadd.s32 $0xFFFFE003, lr  }
0x1b: {  	s9 =	sadd.s32 $0xFFFFFEF7, lr;
	s5 =	simm.s32 $0xFFFFFFFF;
	p2 =	slt.u32 s8, $0xFFFFF086  }
0x1c: {  	p1 =	slt.u32 s9, $0xF7A;
	s5 =	simm.s32 @!p2 $0x0  }
0x1d: {  	s5 =	simm.s32 @p1 $0x1;
	p0 =	seq.s32 s7, s2  }
0x1e: {  	s7 =	smul.u32 @!p0 $0xF7A, s2;
	p2 =	seq.s32 @!p0 s5, $0x0  }
0x1f: {  	s9 =	smul.u32 $0xF7A, s1;
	s8 =	simm.s32 @!p0 $0x1BF5;
	p2 =	por !p2, p0  }
0x20: {  	[sflag:s8] =	ssyncset.s32 @!p0 $0xFFFFF086;
	s6 =	sadd.s32 @!p0 s3, s7;
	s7 =	simm.s32 @!p0 $0x108  }
0x21: {  	s3 =	sadd.s32 s3, s9;
	s6 =	sadd.s32 @!p0 $0x88, s6;
	s7 =	simm.s32 @p2 $0x1082  }
0x22: {  	[simem:s7], [sflag:s8] =	dma.local @!p0 [hbm:s6], $0xF7A  }
0x23: {  	s9 =	sor.u32 $0xD0000000, s2;
	s6 =	simm.s32 $0x108;
	_ =	swait.ge @!p0 [sflag:s8], $0x0  }
0x24: {  	s3 =	sadd.s32 $0x88, s3;
	s6 =	simm.s32 @!p1 $0x1082;
	[sflag:s4] =	ssyncset.s32 $0xFFFFF086  }
0x25: {  	[simem:s6], [sflag:s4] =	dma.local [hbm:s3], $0xF7A  }
0x26: {  	[smem:$0x3F93] =	sst s1;
	(tag) =	ssettag s2;
	_ =	strace s9  }
0x27: {  	s1 =	sld [smem:$0x3FA3]  }
0x28: {  	s2 =	sld [smem:$0x3FA4]  }
0x29: {  	s4 =	sld [smem:$0x3FA6]  }
0x2a: {  	p0 =	seq.s32 s5, $0x0;
	s5 =	sld [smem:$0x3FA7]  }
0x2b: {  	s6 =	sld [smem:$0x3FA8]  }
0x2c: {  	s7 =	sld [smem:$0x3FA9]  }
0x2d: {  	s3 =	simm.s32 $0x108;
	s8 =	sld [smem:$0x3FAA]  }
0x2e: {  	s3 =	simm.s32 @!p0 $0x1082;
	s9 =	sld [smem:$0x3FAB]  }
0x2f: {  	lr =	sadd.s32 s0, s3;
	s0 =	sld [smem:$0x3FA2]  }
0x30: {  	s3 =	sld [smem:$0x3FA5]  }
0x31: {  	[smem:$0x3FAE] =	sst s10  }
0x32: {  	s10 =	sld [smem:$0x3FAC];
	_ =	sdelay $0x3  }
0x33: {  	p0 =	seq.s32 s10, $0x1;
	s10 =	sld [smem:$0x3FAE];
	_ =	sdelay $0x3  }
0x34: {  	[smem:$0x3FAE] =	sst s10  }
0x35: {  	s10 =	sld [smem:$0x3FAD];
	_ =	sdelay $0x3  }
0x36: {  	p1 =	seq.s32 s10, $0x1;
	s10 =	sld [smem:$0x3FAE];
	_ =	sdelay $0x3  }
0x37: {  	[smem:$0x3FAE] =	sst s10  }
0x38: {  	s10 =	sld [smem:$0x3FAF]  }
0x39: {  	_ = 	snop;
	(pc) =	sbr.ind lr, $3  }
0x3a: {  	_ = 	snop  }
0x3b: {  	_ = 	snop  }
0x3c: {  	p2 =	seq.s32 s10, $0x1;
	s10 =	sld [smem:$0x3FAE]  }
0x3d: {  	_ =	shalt  }
0x3e: {  	_ =	shalt  }
0x3f: {  	_ =	shalt  }
0x40: {  	_ =	shalt  }
0x41: {  	_ =	shalt  }
0x42: {  	_ =	shalt  }
0x43: {  	_ =	shalt  }
0x44: {  	_ =	shalt  }
0x45: {  	_ =	shalt  }
0x46: {  	_ =	shalt  }
0x47: {  	_ =	shalt  }
0x48: {  	_ =	shalt  }
0x49: {  	_ =	shalt  }
0x4a: {  	_ =	shalt  }
0x4b: {  	_ =	shalt  }
0x4c: {  	_ =	shalt  }
0x4d: {  	_ =	shalt  }
0x4e: {  	_ =	shalt  }
0x4f: {  	_ =	shalt  }
0x50: {  	_ =	shalt  }
0x51: {  	_ =	shalt  }
0x52: {  	_ =	shalt  }
0x53: {  	_ =	shalt  }
0x54: {  	_ =	shalt  }
0x55: {  	_ =	shalt  }
0x56: {  	_ =	shalt  }
0x57: {  	_ =	shalt  }
0x58: {  	_ =	shalt  }
0x59: {  	_ =	shalt  }
0x5a: {  	_ =	shalt  }
0x5b: {  	_ =	shalt  }
0x5c: {  	_ =	shalt  }
0x5d: {  	_ =	shalt  }
0x5e: {  	_ =	shalt  }
0x5f: {  	_ =	shalt  }
0x60: {  	_ =	shalt  }
0x61: {  	_ =	shalt  }
0x62: {  	_ =	shalt  }
0x63: {  	_ =	shalt  }
0x64: {  	_ =	shalt  }
0x65: {  	_ =	shalt  }
0x66: {  	_ =	shalt  }
0x67: {  	_ =	shalt  }
0x68: {  	_ =	shalt  }
0x69: {  	_ =	shalt  }
0x6a: {  	_ =	shalt  }
0x6b: {  	_ =	shalt  }
0x6c: {  	_ =	shalt  }
0x6d: {  	_ =	shalt  }
0x6e: {  	_ =	shalt  }
0x6f: {  	_ =	shalt  }
0x70: {  	_ =	shalt  }
0x71: {  	_ =	shalt  }
0x72: {  	_ =	shalt  }
0x73: {  	_ =	shalt  }
0x74: {  	_ =	shalt  }
0x75: {  	_ =	shalt  }
0x76: {  	_ =	shalt  }
0x77: {  	_ =	shalt  }
0x78: {  	_ =	shalt  }
0x79: {  	_ =	shalt  }
0x7a: {  	_ =	shalt  }
0x7b: {  	_ =	shalt  }
0x7c: {  	_ =	shalt  }
0x7d: {  	_ =	shalt  }
0x7e: {  	_ =	shalt  }
0x7f: {  	_ =	shalt  }
0x80: {  	_ =	shalt  }
0x81: {  	_ =	shalt  }
0x82: {  	_ =	shalt  }
0x83: {  	_ =	shalt  }
0x84: {  	_ =	shalt  }
0x85: {  	_ =	shalt  }
0x86: {  	_ =	shalt  }
0x87: {  	_ =	shalt  }
.Lfunc_end0:
.L_simem_size_0:
called_computation.3_lowered:
.L_overlay_start_0:
0x88: {  	s2 =	sld [smem:$0x3FD9]  }
0x89: {  	s3 =	sld [smem:$0x3FFE];
	_ =	sdelay $0x1  }
0x8a: {  	s1 =	srdreg.scid  }
0x8b: {  	s0 =	sand.u32 $0x1, s1  }
0x8c: {  	s17 =	sshll.u32 s0, $0xA;
	s2 =	sadd.s32 s3, s2  }
0x8d: {  	s2 =	sadd.s32 s2, s17  }
0x8e: {  	[smem:$0x3FBA] =	sst s2  }
0x8f: {  	_ = 	snop  }
0x90: {  	s2 =	sld [smem:$0x3FD0];
	(tm) =	ssettm $0x1  }
0x91: {  	s18 =	sld [smem:$0x3FFB];
	_ =	sdelay $0x3  }
0x92: {  	_ =	strace s18  }
0x93: {  	s3 =	sld [smem:$0x3FFC];
	_ =	sdelay $0x3  }
0x94: {  	_ =	strace s3  }
0x95: {  	s3 =	sld [smem:$0x3FFD];
	_ =	sdelay $0x3  }
0x96: {  	_ =	strace s3  }
0x97: {  	_ =	strace $0x8FFFFFFF  }
0x98: {  	s19 =	sld [smem:$0x3FDB];
	_ =	sdelay $0x1  }
0x99: {  	s4 =	simm.s32 $_scs_section_size  }
0x9a: {  	s5 =	simm.s32 $_size__tile_overlayer_lowered;
	s6 =	simm.s32 $_tile_overlayer_lowered  }
0x9b: {  	s22 =	simm.s32 $0x1BFF;
	s21 =	sshll.u32 s6, $0x1;
	s3 =	sadd.s32 s4, s19  }
0x9c: {  	s7 =	simm.s32 $0x0;
	s20 =	sshll.u32 s5, $0x1;
	s5 =	sadd.s32 s21, s3  }
0x9d: {  	[timem:s7], [sflag:s22] =	dma.local [hbm:s5], s20  }
0x9e: {  	_ =	swait.ge [sflag:s22], s20  }
0x9f: {  	s4 =	ssub.s32 $0x0, s20;
	[sflag:s22] =	ssyncset.done $0x0  }
0xa0: {  	[sflag:s22] =	ssyncadd.s32 s4;
	_ =	sdelay $0x1  }
0xa1: {  	s23 =	simm.s32 $0x1B8B  }
0xa2: {  	_ =	swait.ge [sflag:s23], $0x1  }
0xa3: {  	[sflag:s23] =	ssyncset.done $0x0  }
0xa4: {  	s25 =	simm.s32 $0x1B8E;
	s24 =	sld [smem:$0x3FFE];
	[sflag:s23] =	ssyncadd.s32 $0xFFFFFFFF  }
0xa5: {  	s26 =	simm.s32 $execute0_lowered;
	[smem:$0x3FD2] =	sst s25  }
0xa6: {  	s5 =	sshll.u32 s26, $0x1;
	_ =	strace $0x8000004F;
	[dreg:$0x1] =	wrdreg $0xFFFFFFFF  }
0xa7: {  	s28 =	simm.s32 $_size_execute0_lowered;
	s3 =	sadd.s32 s3, s5;
	[dreg:$0x0] =	wrdreg $0x0  }
0xa8: {  	s5 =	sshll.u32 s28, $0x1;
	[dreg:$0x2] =	wrdreg s3  }
0xa9: {  	[dreg:$0x3] =	wrdreg s5  }
0xaa: {  	[dreg:$0x4] =	wrdreg $0xC0  }
0xab: {  	_ =	task [dreg:s7], $0x5FFFF  }
0xac: {  	[dreg:$0x1] =	wrdreg $0xFFFFFFFF  }
0xad: {  	[dreg:$0x0] =	wrdreg $0x60  }
0xae: {  	[dreg:$0x2] =	wrdreg s2  }
0xaf: {  	[dreg:$0x3] =	wrdreg s24  }
0xb0: {  	[dreg:$0x4] =	wrdreg $0xA9000  }
0xb1: {  	[dreg:$0x5] =	wrdreg $0x9  }
0xb2: {  	_ =	task.clear_ibuf [dreg:s7], $0x6FFFF;
	_ =	strace $0x9000004F  }
0xb3: {  	s29 =	simm.s32 $0x9;
	_ =	strace $0x80000051  }
0xb4: {  	_ =	swait.ge [sflag:s29], $0x1  }
0xb5: {  	[sflag:s29] =	ssyncadd.s32 $0xFFFFFFFF  }
0xb6: {  	_ =	strace $0x90000051  }
0xb7: {  	_ =	sfence  }
0xb8: {  	s30 =	sld [smem:$0x0];
	_ =	sdelay $0x2  }
0xb9: {  	s31 =	sshll.u32 s1, $0xD;
	s1 =	sshrl.u32 s1, $0x2  }
0xba: {  	s3 =	sand.u32 $0x4000, s31;
	s1 =	sadd.s32 s1, s30  }
0xbb: {  	s0 =	sor.u32 s3, s0;
	s1 =	sshll.u32 s1, $0x11  }
0xbc: {  	s0 =	sor.u32 s1, s0  }
0xbd: {  	s0 =	sadd.s32 $0x8F2B, s0  }
0xbe: {  	[sflag:s0] =	ssyncadd.remote.s32 $0x1  }
0xbf: {  	_ =	sfence.sel $0xFFFF  }
0xc0: {  	[dreg:$0x0] =	wrdreg $0xFFFFFFFF;
	(pc) =	sbr.abs _section_cstart, $3  }
0xc1: {  	[dreg:$0x1] =	wrdreg $0xFFFFFFFF  }
0xc2: {  	_ =	task.clear_ibuf [dreg:s7], $0x2FFFF;
	_ =	strace $0x9FFFFFFF  }
0xc3: {  	(tm) =	ssettm $0x7FFFFFFF  }
tec
execute0_lowered:
.L_overlay_start_1:
0x0: {  	(tag) =	ssettag $0x1  }
0x1: {  	s1 =	rddreg [dreg:$0x0]  }
0x2: {  	s0 =	srdreg.scid;
	s7 =	rddreg [dreg:$0x1]  }
0x3: {  	s11 =	stileid.u32;
	s3 =	rddreg [dreg:$0x2];
	s5 =	simm.s32 $0x0  }
0x4: {  	s28 =	simm.s32 $0x1;
	s29 =	simm.s32 $0x6;
	s30 =	simm.s32 $0xC0  }
0x5: {  	s31 =	simm.s32 $0x8900;
	s0 =	sand.u32 $0x1, s0;
	s2 =	sshll.u32 s11, $0x1  }
0x6: {  	[smem:$0x7FF] =	sst s5;
	s8 =	smul.u32 $0x14000, s11;
	s6 =	sadd.s32 $0x12200, s7  }
0x7: {  	s17 =	smul.u32 $0x50000, s11;
	s18 =	sadd.s32 $0x1C200, s7;
	s11 =	simm.s32 $0x0  }
0x8: {  	s2 =	sor.u32 s0, s2;
	s16 =	smul.u32 $0x140000, s0;
	_ =	strace $0x80000050  }
0x9: {  	[dreg:$0x4] =	wrdreg s18;
	s0 =	ssub.s32 $0x2, s0;
	s4 =	smul.u32 $0x2800, s2  }
0xa: {  	s19 =	sshrl.u32 s0, $0x1;
	s20 =	sshrl.u32 s17, $0x2;
	s2 =	sadd.s32 s8, s16  }
0xb: {  	s0 =	ssub.s32 s0, s19;
	s9 =	sshrl.u32 s4, $0x3;
	s2 =	sshrl.u32 s2, $0x3  }
0xc: {  	s17 =	smax.u32 s0, $0x1;
	s0 =	simm.s32 $0x3;
	s8 =	sadd.s32 s6, s9  }
0xd: {  	s10 =	sadd.s32 s9, s7;
	s2 =	sadd.s32 s2, s7;
	s21 =	sadd.s32 $0x10, s8  }
0xe: {  	s9 =	sadd.s32 s20, s3;
	s22 =	sadd.s32 $0x8200, s10;
	[dreg:$0x5] =	wrdreg s21  }
0xf: {  	s20 =	simm.s32 $0x7;
	s23 =	sadd.s32 $0x4000, s9;
	[dreg:$0x6] =	wrdreg s22  }
0x10: {  	s7 =	simm.s32 $0x5;
	s24 =	sadd.s32 $0x8000, s9;
	[dreg:$0x7] =	wrdreg s23  }
0x11: {  	s25 =	sadd.s32 $0xC000, s9;
	s26 =	sadd.s32 $0x10000, s9;
	[dreg:$0x8] =	wrdreg s24  }
.Ltmp0:
0x12: {  	s2 =	sadd.s32 $0x6CA00, s2;
	[dreg:$0x9] =	wrdreg s25;
	(pc) =	sbr.rel .LBB2_1-.Ltmp0, $4  }
0x13: {  	s18 =	sadd.s32 $0x20, s8;
	s19 =	sadd.s32 $0x30, s8;
	[dreg:$0xa] =	wrdreg s26  }
0x14: {  	s10 =	simm.s32 $0x4;
	[dreg:$0xb] =	wrdreg s2;
	s21 =	simm.s32 $0x40  }
0x15: {  	s22 =	simm.s32 $0x2900;
	s23 =	simm.s32 $0x4900;
	s24 =	simm.s32 $0x80  }
0x16: {  	s25 =	simm.s32 $0x100;
	s26 =	simm.s32 $0x6900;
	s2 =	simm.s32 $0x2  }
.LBB2_4:
0x17: {  	[spmem:s3] =	stream.indirect.scatter.add.f32 [tilespmem:s26], [sflag:$0x4], $0x80, s14, s24, $0xb8;
	[tilespmem:$0x1E900] =	vst v63  }
0x18: {  	_ =	swait.ge [sflag:s0], $0x4000  }
0x19: {  	[sflag:s0] =	ssyncset.done $0x0  }
0x1a: {  	[sflag:s0] =	ssyncadd.s32 $0xFFFFC000  }
0x1b: {  	_ =	swait.ge [sflag:s10], $0x4000  }
0x1c: {  	s12 =	stileid.u32;
	[sflag:s10] =	ssyncset.done $0x0  }
0x1d: {  	s13 =	sshrl.u32 s9, $0x3;
	s11 =	sadd.s32 $0x1, s11;
	[sflag:s10] =	ssyncadd.s32 $0xFFFFC000  }
0x1e: {  	s12 =	sshll.u32 s12, $0x6;
	p0 =	sne.s32 s11, s17;
	[bflag:$0x0] =	sbarrier.arrive $0xFFFF  }
.Ltmp1:
0x1f: {  	s12 =	sor.u32 $0x1C07, s12;
	s16 =	rddreg [dreg:$0xb];
	(pc) =	sbr.rel @!p0 .LBB2_5-.Ltmp1, $4  }
0x20: {  	[hbm:s16], [sflag:s12] =	dma.local [spmem:s13], $0x2800  }
0x21: {  	_ =	swait.ge [sflag:s20], $0x2800  }
0x22: {  	[sflag:s20] =	ssyncset.done $0x0  }
0x23: {  	[sflag:s20] =	ssyncadd.s32 $0xFFFFD800  }
.LBB2_1:
0x24: {  	[tilespmem:s5], [sflag:$0x7] =	stream.linear.gather [hbm4b:s8+s5], $0x80, $0x38;
	[tilespmem:$0x1E900] =	vst v63  }
0x25: {  	_ =	swait.ge [sflag:s20], $0x80  }
0x26: {  	[sflag:s20] =	ssyncset.done $0x0  }
0x27: {  	[sflag:s20] =	ssyncadd.s32 $0xFFFFFF80  }
0x28: {  	[tilespmem:s22], [sflag:$0x1] =	stream.indirect.gather [hbm4b:s1+s21], $0x80, s5, s21, $0xb8;
	[tilespmem:$0x1E900] =	vst v63  }
0x29: {  	_ = 	snop  }
0x2a: {  	[tilespmem:s23], [sflag:$0x1] =	stream.indirect.gather [hbm4b:s1+s21], $0x80, s21, s21, $0xb8;
	[tilespmem:$0x1E900] =	vst v63  }
0x2b: {  	s12 =	rddreg [dreg:$0x5]  }
0x2c: {  	[tilespmem:s24], [sflag:$0x6] =	stream.linear.gather [hbm4b:s12+s5], $0x80, $0x38;
	[tilespmem:$0x1E900] =	vst v63  }
0x2d: {  	s14 =	rddreg [dreg:$0x6]  }
0x2e: {  	[tilespmem:s25], [sflag:$0x7] =	stream.linear.gather [hbm4b:s14+s5], $0x2800, $0x38;
	[tilespmem:$0x1E900] =	vst v63  }
0x2f: {  	_ =	swait.ge [sflag:s20], $0x2800  }
0x30: {  	[sflag:s20] =	ssyncset.done $0x0  }
0x31: {  	s15 =	rddreg [dreg:$0x4];
	[sflag:s20] =	ssyncadd.s32 $0xFFFFD800  }
0x32: {  	[tilespmem:s26], [sflag:$0x7] =	stream.linear.gather [hbm4b:s15+s5], $0x4000, $0x38;
	[tilespmem:$0x1E900] =	vst v63  }
0x33: {  	_ =	swait.ge [sflag:s20], $0x4000  }
0x34: {  	[sflag:s20] =	ssyncset.done $0x0  }
0x35: {  	[sflag:s20] =	ssyncadd.s32 $0xFFFFC000  }
0x36: {  	[spmem:s9] =	stream.linear.scatter [tilespmem:s26], [sflag:$0x7], $0x4000, $0x38;
	[tilespmem:$0x1E900] =	vst v63  }
0x37: {  	_ =	swait.ge [sflag:s20], $0x4000  }
0x38: {  	[sflag:s20] =	ssyncset.done $0x0  }
0x39: {  	s16 =	rddreg [dreg:$0x7];
	[sflag:s20] =	ssyncadd.s32 $0xFFFFC000  }
0x3a: {  	[spmem:s16] =	stream.linear.scatter [tilespmem:s26], [sflag:$0x7], $0x4000, $0x38;
	[tilespmem:$0x1E900] =	vst v63  }
0x3b: {  	_ =	swait.ge [sflag:s20], $0x4000  }
0x3c: {  	[sflag:s20] =	ssyncset.done $0x0  }
0x3d: {  	s13 =	rddreg [dreg:$0x8];
	[sflag:s20] =	ssyncadd.s32 $0xFFFFC000  }
0x3e: {  	[spmem:s13] =	stream.linear.scatter [tilespmem:s26], [sflag:$0x7], $0x4000, $0x38;
	[tilespmem:$0x1E900] =	vst v63  }
0x3f: {  	_ =	swait.ge [sflag:s20], $0x4000  }
0x40: {  	[sflag:s20] =	ssyncset.done $0x0  }
0x41: {  	s14 =	rddreg [dreg:$0x9];
	[sflag:s20] =	ssyncadd.s32 $0xFFFFC000  }
0x42: {  	[spmem:s14] =	stream.linear.scatter [tilespmem:s26], [sflag:$0x7], $0x4000, $0x38;
	[tilespmem:$0x1E900] =	vst v63  }
0x43: {  	_ =	swait.ge [sflag:s20], $0x4000  }
0x44: {  	[sflag:s20] =	ssyncset.done $0x0  }
0x45: {  	s15 =	rddreg [dreg:$0xa];
	[sflag:s20] =	ssyncadd.s32 $0xFFFFC000  }
0x46: {  	[spmem:s15] =	stream.linear.scatter [tilespmem:s26], [sflag:$0x7], $0x4000, $0x38;
	[tilespmem:$0x1E900] =	vst v63  }
0x47: {  	_ =	swait.ge [sflag:s20], $0x4000  }
0x48: {  	[sflag:s20] =	ssyncset.done $0x0  }
0x49: {  	[sflag:s20] =	ssyncadd.s32 $0xFFFFC000  }
0x4a: {  	[bflag:$0x0] =	sbarrier.arrive $0xFFFF  }
0x4b: {  	_ =	swait.ge [sflag:s28], $0x2000  }
0x4c: {  	[sflag:s28] =	ssyncset.done $0x0  }
0x4d: {  	[sflag:s28] =	ssyncadd.s32 $0xFFFFE000  }
0x4e: {  	_ =	swait.ge [sflag:s28], $0x2000  }
0x4f: {  	[sflag:s28] =	ssyncset.done $0x0  }
0x50: {  	[sflag:s28] =	ssyncadd.s32 $0xFFFFE000  }
0x51: {  	[tilespmem:s5], [sflag:$0x5] =	stream.linear.gather [hbm4b:s18+s5], $0x80, $0x38;
	[tilespmem:$0x1E900] =	vst v63  }
0x52: {  	_ = 	snop  }
0x53: {  	[spmem:s3] =	stream.indirect.scatter.add.f32 [tilespmem:s22], [sflag:$0x3], $0x80, s25, s24, $0xb8;
	[tilespmem:$0x1E900] =	vst v63  }
0x54: {  	_ =	swait.ge [sflag:s29], $0x80  }
0x55: {  	[sflag:s29] =	ssyncset.done $0x0  }
0x56: {  	[sflag:s29] =	ssyncadd.s32 $0xFFFFFF80  }
0x57: {  	[tilespmem:s26], [sflag:$0x2] =	stream.indirect.gather [hbm4b:s1+s21], $0x80, s24, s21, $0xb8;
	[tilespmem:$0x1E900] =	vst v63  }
0x58: {  	_ = 	snop  }
0x59: {  	[tilespmem:s31], [sflag:$0x2] =	stream.indirect.gather [hbm4b:s1+s21], $0x80, s30, s21, $0xb8;
	[tilespmem:$0x1E900] =	vst v63  }
0x5a: {  	_ =	swait.ge [sflag:s2], $0x2000  }
0x5b: {  	[sflag:s2] =	ssyncset.done $0x0  }
0x5c: {  	[sflag:s2] =	ssyncadd.s32 $0xFFFFE000  }
0x5d: {  	_ =	swait.ge [sflag:s2], $0x2000  }
0x5e: {  	[sflag:s2] =	ssyncset.done $0x0  }
0x5f: {  	[sflag:s2] =	ssyncadd.s32 $0xFFFFE000  }
0x60: {  	[tilespmem:s24], [sflag:$0x6] =	stream.linear.gather [hbm4b:s19+s5], $0x80, $0x38;
	[tilespmem:$0x1E900] =	vst v63  }
0x61: {  	s16 =	simm.s32 $0x180  }
0x62: {  	[spmem:s3] =	stream.indirect.scatter.add.f32 [tilespmem:s26], [sflag:$0x4], $0x80, s16, s24, $0xb8;
	[tilespmem:$0x1E900] =	vst v63  }
0x63: {  	_ =	swait.ge [sflag:s0], $0x4000  }
0x64: {  	[sflag:s0] =	ssyncset.done $0x0  }
0x65: {  	[sflag:s0] =	ssyncadd.s32 $0xFFFFC000  }
0x66: {  	_ =	swait.ge [sflag:s7], $0x80  }
0x67: {  	[sflag:s7] =	ssyncset.done $0x0  }
0x68: {  	[sflag:s7] =	ssyncadd.s32 $0xFFFFFF80  }
0x69: {  	[tilespmem:s22], [sflag:$0x1] =	stream.indirect.gather [hbm4b:s1+s21], $0x80, s5, s21, $0xb8;
	[tilespmem:$0x1E900] =	vst v63  }
0x6a: {  	s12 =	simm.s32 $0x200;
	s13 =	simm.s32 $0x280  }
0x6b: {  	[tilespmem:s23], [sflag:$0x1] =	stream.indirect.gather [hbm4b:s1+s21], $0x80, s21, s21, $0xb8;
	[tilespmem:$0x1E900] =	vst v63  }
.LBB2_2:
0x6c: {  	p0 =	seq.s32 s13, $0x2880  }
0x6d: {  	_ =	swait.ge [sflag:s28], $0x2000;
	s14 =	sadd.s32 @!p0 $0xFFFFFF80, s13  }
0x6e: {  	[sflag:s28] =	ssyncset.done $0x0;
	s15 =	sand.u32 @!p0 $0x7C00, s14  }
0x6f: {  	[sflag:s28] =	ssyncadd.s32 $0xFFFFE000;
	s14 =	sand.u32 @!p0 $0x300, s14;
	s15 =	sadd.s32 @!p0 s4, s15  }
0x70: {  	_ =	swait.ge [sflag:s28], $0x2000;
	s14 =	sor.u32 @!p0 s14, s15  }
0x71: {  	[sflag:s28] =	ssyncset.done $0x0;
	s14 =	sshrl.u32 @!p0 s14, $0x3  }
0x72: {  	s15 =	simm.s32 @!p0 $0x0;
	[sflag:s28] =	ssyncadd.s32 $0xFFFFE000;
	s14 =	sadd.s32 @!p0 s6, s14  }
0x73: {  	[tilespmem:s15], [sflag:$0x5] =	stream.linear.gather @!p0 [hbm4b:s14+s15], $0x80, $0x38;
	[tilespmem:$0x1E900] =	vst v63  }
0x74: {  	s14 =	smov.u32 s12  }
0x75: {  	s14 =	simm.s32 @p0 $0x2800  }
0x76: {  	[spmem:s3] =	stream.indirect.scatter.add.f32 [tilespmem:s22], [sflag:$0x3], $0x80, s14, s24, $0xb8;
	[tilespmem:$0x1E900] =	vst v63  }
0x77: {  	_ =	swait.ge [sflag:s10], $0x4000  }
0x78: {  	[sflag:s10] =	ssyncset.done $0x0  }
0x79: {  	[sflag:s10] =	ssyncadd.s32 $0xFFFFC000  }
0x7a: {  	_ =	swait.ge [sflag:s29], $0x80  }
0x7b: {  	[sflag:s29] =	ssyncset.done $0x0  }
0x7c: {  	[sflag:s29] =	ssyncadd.s32 $0xFFFFFF80  }
0x7d: {  	[tilespmem:s26], [sflag:$0x2] =	stream.indirect.gather [hbm4b:s1+s21], $0x80, s24, s21, $0xb8;
	[tilespmem:$0x1E900] =	vst v63  }
0x7e: {  	_ = 	snop  }
0x7f: {  	[tilespmem:s31], [sflag:$0x2] =	stream.indirect.gather [hbm4b:s1+s21], $0x80, s30, s21, $0xb8;
	[tilespmem:$0x1E900] =	vst v63  }
0x80: {  	_ =	swait.ge [sflag:s2], $0x2000  }
.Ltmp2:
0x81: {  	[sflag:s2] =	ssyncset.done $0x0;
	(pc) =	sbr.rel @p0 .LBB2_4-.Ltmp2, $4  }
0x82: {  	[sflag:s2] =	ssyncadd.s32 $0xFFFFE000  }
0x83: {  	_ =	swait.ge [sflag:s2], $0x2000  }
0x84: {  	[sflag:s2] =	ssyncset.done $0x0  }
0x85: {  	s14 =	sadd.s32 $0x80, s14;
	[sflag:s2] =	ssyncadd.s32 $0xFFFFE000  }
0x86: {  	s15 =	sand.u32 $0x7C00, s13  }
0x87: {  	s16 =	sand.u32 $0x380, s13;
	s15 =	sadd.s32 s4, s15  }
0x88: {  	s15 =	sor.u32 s16, s15  }
0x89: {  	s15 =	sshrl.u32 s15, $0x3  }
0x8a: {  	s15 =	sadd.s32 s6, s15  }
0x8b: {  	[tilespmem:s24], [sflag:$0x6] =	stream.linear.gather [hbm4b:s15+s5], $0x80, $0x38;
	[tilespmem:$0x1E900] =	vst v63  }
0x8c: {  	_ = 	snop  }
0x8d: {  	[spmem:s3] =	stream.indirect.scatter.add.f32 [tilespmem:s26], [sflag:$0x4], $0x80, s14, s24, $0xb8;
	[tilespmem:$0x1E900] =	vst v63  }
0x8e: {  	_ =	swait.ge [sflag:s0], $0x4000  }
0x8f: {  	[sflag:s0] =	ssyncset.done $0x0  }
0x90: {  	[sflag:s0] =	ssyncadd.s32 $0xFFFFC000  }
0x91: {  	_ =	swait.ge [sflag:s7], $0x80  }
.Ltmp3:
0x92: {  	[sflag:s7] =	ssyncset.done $0x0;
	(pc) =	sbr.rel .LBB2_2-.Ltmp3, $4  }
0x93: {  	[sflag:s7] =	ssyncadd.s32 $0xFFFFFF80  }
0x94: {  	[tilespmem:s22], [sflag:$0x1] =	stream.indirect.gather [hbm4b:s1+s21], $0x80, s5, s21, $0xb8;
	[tilespmem:$0x1E900] =	vst v63  }
0x95: {  	s12 =	sadd.s32 $0x100, s12;
	s13 =	sadd.s32 $0x100, s13  }
0x96: {  	[tilespmem:s23], [sflag:$0x1] =	stream.indirect.gather [hbm4b:s1+s21], $0x80, s21, s21, $0xb8;
	[tilespmem:$0x1E900] =	vst v63  }
.LBB2_5:
0x97: {  	_ =	sfence.sel $0x180000  }
0x98: {  	[bflag:$0x0] =	sbarrier.arrive $0xFFFF  }
0x99: {  	_ =	strace $0x90000050  }
0x9a: {  	s0 =	stileid.u32;
	[bflag:$0x2] =	sbarrier.arrive $0xFFFF  }
0x9b: {  	p0 =	sne.s32 s0, $0x0;
	s0 =	rddreg [dreg:$0x3]  }
0x9c: {  	s0 =	sadd.s32 @!p0 $0x100000, s0  }
0x9d: {  	[sflag:s0] =	ssyncadd.tile.s32 @!p0 $0x1;
	_ =	shalt  }
.Lfunc_end2:
_tile_overlayer_lowered:
.L_overlay_start_2:
0x9e: {  	(tag) =	ssettag $0x2  }
0x9f: {  	s0 =	rddreg [dreg:$0x0];
	s2 =	stileid.u32  }
0xa0: {  	s1 =	rddreg [dreg:$0x1];
	p0 =	sne.s32 s2, $0x0  }
0xa1: {  	s3 =	rddreg [dreg:$0x2];
	[bflag:$0x3] =	sbarrier.arrive $0xFFFF;
	s2 =	simm.s32 @!p0 $0x1C07  }
0xa2: {  	[timem:s3], [sflag:s2] =	dma.local @!p0 [hbm:s0], s1  }
0xa3: {  	s0 =	simm.s32 @!p0 $0x7  }
0xa4: {  	_ =	swait.ge @!p0 [sflag:s0], s1  }
0xa5: {  	s1 =	ssub.s32 @!p0 $0x0, s1;
	[sflag:s0] =	ssyncset.done @!p0 $0x0  }
0xa6: {  	[sflag:s0] =	ssyncadd.s32 @!p0 s1  }
0xa7: {  	[bflag:$0x3] =	sbarrier.arrive $0xFFFF  }
0xa8: {  	_ =	shalt  }

// kernel: kernel.29.cloned.1.call-start
scs
__scs_entry_jumppad:
0x0: {  	(pc) =	sbr.rel $0x88, $3  }
0x1: {  	(tag) =	ssettag $0x0;
	lr =	simm.s32 $0x1  }
0x2: {  	[smem:$0x3F93] =	sst lr;
	_ =	strace $0xD0000000  }
0x3: {  	_ = 	snop  }
0x4: {  	_ = 	snop  }
0x5: {  	_ = 	snop  }
0x6: {  	_ = 	snop  }
0x7: {  	_ = 	snop  }
__scs_overlays_trampoline_lowered:
0x8: {  	[smem:$0x3FA2] =	sst s0  }
0x9: {  	[smem:$0x3FA3] =	sst s1  }
0xa: {  	[smem:$0x3FA4] =	sst s2  }
0xb: {  	[smem:$0x3FA5] =	sst s3  }
0xc: {  	[smem:$0x3FA6] =	sst s4  }
0xd: {  	[smem:$0x3FA7] =	sst s5  }
0xe: {  	[smem:$0x3FA8] =	sst s6  }
0xf: {  	[smem:$0x3FA9] =	sst s7  }
0x10: {  	[smem:$0x3FAA] =	sst s8  }
0x11: {  	[smem:$0x3FAB] =	sst s9;
	s0 =	simm.s32 @!p0 $0x0  }
0x12: {  	s1 =	sld [smem:$0x3F91];
	s0 =	simm.s32 @p0 $0x1  }
0x13: {  	[smem:$0x3FAC] =	sst s0;
	s0 =	simm.s32 @!p1 $0x0  }
0x14: {  	s2 =	sld [smem:$0x3F90];
	s0 =	simm.s32 @p1 $0x1  }
0x15: {  	[smem:$0x3FAD] =	sst s0;
	s0 =	simm.s32 @!p2 $0x0  }
0x16: {  	s3 =	sld [smem:$0x3FDB];
	s0 =	simm.s32 @p2 $0x1  }
0x17: {  	s4 =	simm.s32 $0x1BF5;
	[smem:$0x3FAF] =	sst s0  }
0x18: {  	s0 =	sld [smem:$0x3F92];
	_ =	swait.ge [sflag:s4], $0x0  }
0x19: {  	s7 =	sld [smem:$0x3F93]  }
0x1a: {  	s8 =	sadd.s32 $0xFFFFE003, lr  }
0x1b: {  	s9 =	sadd.s32 $0xFFFFFEF7, lr;
	s5 =	simm.s32 $0xFFFFFFFF;
	p2 =	slt.u32 s8, $0xFFFFF086  }
0x1c: {  	p1 =	slt.u32 s9, $0xF7A;
	s5 =	simm.s32 @!p2 $0x0  }
0x1d: {  	s5 =	simm.s32 @p1 $0x1;
	p0 =	seq.s32 s7, s2  }
0x1e: {  	s7 =	smul.u32 @!p0 $0xF7A, s2;
	p2 =	seq.s32 @!p0 s5, $0x0  }
0x1f: {  	s9 =	smul.u32 $0xF7A, s1;
	s8 =	simm.s32 @!p0 $0x1BF5;
	p2 =	por !p2, p0  }
0x20: {  	[sflag:s8] =	ssyncset.s32 @!p0 $0xFFFFF086;
	s6 =	sadd.s32 @!p0 s3, s7;
	s7 =	simm.s32 @!p0 $0x108  }
0x21: {  	s3 =	sadd.s32 s3, s9;
	s6 =	sadd.s32 @!p0 $0x88, s6;
	s7 =	simm.s32 @p2 $0x1082  }
0x22: {  	[simem:s7], [sflag:s8] =	dma.local @!p0 [hbm:s6], $0xF7A  }
0x23: {  	s9 =	sor.u32 $0xD0000000, s2;
	s6 =	simm.s32 $0x108;
	_ =	swait.ge @!p0 [sflag:s8], $0x0  }
0x24: {  	s3 =	sadd.s32 $0x88, s3;
	s6 =	simm.s32 @!p1 $0x1082;
	[sflag:s4] =	ssyncset.s32 $0xFFFFF086  }
0x25: {  	[simem:s6], [sflag:s4] =	dma.local [hbm:s3], $0xF7A  }
0x26: {  	[smem:$0x3F93] =	sst s1;
	(tag) =	ssettag s2;
	_ =	strace s9  }
0x27: {  	s1 =	sld [smem:$0x3FA3]  }
0x28: {  	s2 =	sld [smem:$0x3FA4]  }
0x29: {  	s4 =	sld [smem:$0x3FA6]  }
0x2a: {  	p0 =	seq.s32 s5, $0x0;
	s5 =	sld [smem:$0x3FA7]  }
0x2b: {  	s6 =	sld [smem:$0x3FA8]  }
0x2c: {  	s7 =	sld [smem:$0x3FA9]  }
0x2d: {  	s3 =	simm.s32 $0x108;
	s8 =	sld [smem:$0x3FAA]  }
0x2e: {  	s3 =	simm.s32 @!p0 $0x1082;
	s9 =	sld [smem:$0x3FAB]  }
0x2f: {  	lr =	sadd.s32 s0, s3;
	s0 =	sld [smem:$0x3FA2]  }
0x30: {  	s3 =	sld [smem:$0x3FA5]  }
0x31: {  	[smem:$0x3FAE] =	sst s10  }
0x32: {  	s10 =	sld [smem:$0x3FAC];
	_ =	sdelay $0x3  }
0x33: {  	p0 =	seq.s32 s10, $0x1;
	s10 =	sld [smem:$0x3FAE];
	_ =	sdelay $0x3  }
0x34: {  	[smem:$0x3FAE] =	sst s10  }
0x35: {  	s10 =	sld [smem:$0x3FAD];
	_ =	sdelay $0x3  }
0x36: {  	p1 =	seq.s32 s10, $0x1;
	s10 =	sld [smem:$0x3FAE];
	_ =	sdelay $0x3  }
0x37: {  	[smem:$0x3FAE] =	sst s10  }
0x38: {  	s10 =	sld [smem:$0x3FAF]  }
0x39: {  	_ = 	snop;
	(pc) =	sbr.ind lr, $3  }
0x3a: {  	_ = 	snop  }
0x3b: {  	_ = 	snop  }
0x3c: {  	p2 =	seq.s32 s10, $0x1;
	s10 =	sld [smem:$0x3FAE]  }
0x3d: {  	_ =	shalt  }
0x3e: {  	_ =	shalt  }
0x3f: {  	_ =	shalt  }
0x40: {  	_ =	shalt  }
0x41: {  	_ =	shalt  }
0x42: {  	_ =	shalt  }
0x43: {  	_ =	shalt  }
0x44: {  	_ =	shalt  }
0x45: {  	_ =	shalt  }
0x46: {  	_ =	shalt  }
0x47: {  	_ =	shalt  }
0x48: {  	_ =	shalt  }
0x49: {  	_ =	shalt  }
0x4a: {  	_ =	shalt  }
0x4b: {  	_ =	shalt  }
0x4c: {  	_ =	shalt  }
0x4d: {  	_ =	shalt  }
0x4e: {  	_ =	shalt  }
0x4f: {  	_ =	shalt  }
0x50: {  	_ =	shalt  }
0x51: {  	_ =	shalt  }
0x52: {  	_ =	shalt  }
0x53: {  	_ =	shalt  }
0x54: {  	_ =	shalt  }
0x55: {  	_ =	shalt  }
0x56: {  	_ =	shalt  }
0x57: {  	_ =	shalt  }
0x58: {  	_ =	shalt  }
0x59: {  	_ =	shalt  }
0x5a: {  	_ =	shalt  }
0x5b: {  	_ =	shalt  }
0x5c: {  	_ =	shalt  }
0x5d: {  	_ =	shalt  }
0x5e: {  	_ =	shalt  }
0x5f: {  	_ =	shalt  }
0x60: {  	_ =	shalt  }
0x61: {  	_ =	shalt  }
0x62: {  	_ =	shalt  }
0x63: {  	_ =	shalt  }
0x64: {  	_ =	shalt  }
0x65: {  	_ =	shalt  }
0x66: {  	_ =	shalt  }
0x67: {  	_ =	shalt  }
0x68: {  	_ =	shalt  }
0x69: {  	_ =	shalt  }
0x6a: {  	_ =	shalt  }
0x6b: {  	_ =	shalt  }
0x6c: {  	_ =	shalt  }
0x6d: {  	_ =	shalt  }
0x6e: {  	_ =	shalt  }
0x6f: {  	_ =	shalt  }
0x70: {  	_ =	shalt  }
0x71: {  	_ =	shalt  }
0x72: {  	_ =	shalt  }
0x73: {  	_ =	shalt  }
0x74: {  	_ =	shalt  }
0x75: {  	_ =	shalt  }
0x76: {  	_ =	shalt  }
0x77: {  	_ =	shalt  }
0x78: {  	_ =	shalt  }
0x79: {  	_ =	shalt  }
0x7a: {  	_ =	shalt  }
0x7b: {  	_ =	shalt  }
0x7c: {  	_ =	shalt  }
0x7d: {  	_ =	shalt  }
0x7e: {  	_ =	shalt  }
0x7f: {  	_ =	shalt  }
0x80: {  	_ =	shalt  }
0x81: {  	_ =	shalt  }
0x82: {  	_ =	shalt  }
0x83: {  	_ =	shalt  }
0x84: {  	_ =	shalt  }
0x85: {  	_ =	shalt  }
0x86: {  	_ =	shalt  }
0x87: {  	_ =	shalt  }
.Lfunc_end0:
.L_simem_size_0:
called_computation.4_lowered:
.L_overlay_start_0:
0x88: {  	s2 =	sld [smem:$0x3FD9]  }
0x89: {  	s3 =	sld [smem:$0x3FFE];
	_ =	sdelay $0x1  }
0x8a: {  	s1 =	srdreg.scid  }
0x8b: {  	s0 =	sand.u32 $0x1, s1  }
0x8c: {  	s17 =	sshll.u32 s0, $0xA;
	s2 =	sadd.s32 s3, s2  }
0x8d: {  	s2 =	sadd.s32 s2, s17  }
0x8e: {  	[smem:$0x3FBA] =	sst s2  }
0x8f: {  	_ = 	snop  }
0x90: {  	s2 =	sld [smem:$0x3FD0];
	(tm) =	ssettm $0x1  }
0x91: {  	s18 =	sld [smem:$0x3FFB];
	_ =	sdelay $0x3  }
0x92: {  	_ =	strace s18  }
0x93: {  	s3 =	sld [smem:$0x3FFC];
	_ =	sdelay $0x3  }
0x94: {  	_ =	strace s3  }
0x95: {  	s3 =	sld [smem:$0x3FFD];
	_ =	sdelay $0x3  }
0x96: {  	_ =	strace s3  }
0x97: {  	_ =	strace $0x8FFFFFFF  }
0x98: {  	s19 =	sld [smem:$0x3FDB];
	_ =	sdelay $0x1  }
0x99: {  	s4 =	simm.s32 $_scs_section_size  }
0x9a: {  	s5 =	simm.s32 $_size__tile_overlayer_lowered;
	s6 =	simm.s32 $_tile_overlayer_lowered  }
0x9b: {  	s22 =	simm.s32 $0x1BFF;
	s21 =	sshll.u32 s6, $0x1;
	s3 =	sadd.s32 s4, s19  }
0x9c: {  	s7 =	simm.s32 $0x0;
	s20 =	sshll.u32 s5, $0x1;
	s5 =	sadd.s32 s21, s3  }
0x9d: {  	[timem:s7], [sflag:s22] =	dma.local [hbm:s5], s20  }
0x9e: {  	_ =	swait.ge [sflag:s22], s20  }
0x9f: {  	s4 =	ssub.s32 $0x0, s20;
	[sflag:s22] =	ssyncset.done $0x0  }
0xa0: {  	[sflag:s22] =	ssyncadd.s32 s4;
	_ =	sdelay $0x1  }
0xa1: {  	s23 =	simm.s32 $0x1B8B  }
0xa2: {  	_ =	swait.ge [sflag:s23], $0x1  }
0xa3: {  	[sflag:s23] =	ssyncset.done $0x0  }
0xa4: {  	s25 =	simm.s32 $0x1B8E;
	s24 =	sld [smem:$0x3FFE];
	[sflag:s23] =	ssyncadd.s32 $0xFFFFFFFF  }
0xa5: {  	s26 =	simm.s32 $execute0_lowered;
	[smem:$0x3FD2] =	sst s25  }
0xa6: {  	s5 =	sshll.u32 s26, $0x1;
	_ =	strace $0x80000052;
	[dreg:$0x1] =	wrdreg $0xFFFFFFFF  }
0xa7: {  	s28 =	simm.s32 $_size_execute0_lowered;
	s3 =	sadd.s32 s3, s5;
	[dreg:$0x0] =	wrdreg $0x0  }
0xa8: {  	s5 =	sshll.u32 s28, $0x1;
	[dreg:$0x2] =	wrdreg s3  }
0xa9: {  	[dreg:$0x3] =	wrdreg s5  }
0xaa: {  	[dreg:$0x4] =	wrdreg $0xC0  }
0xab: {  	_ =	task [dreg:s7], $0x5FFFF  }
0xac: {  	[dreg:$0x1] =	wrdreg $0xFFFFFFFF  }
0xad: {  	[dreg:$0x0] =	wrdreg $0x60  }
0xae: {  	[dreg:$0x2] =	wrdreg s2  }
0xaf: {  	[dreg:$0x3] =	wrdreg s24  }
0xb0: {  	[dreg:$0x4] =	wrdreg $0xA9000  }
0xb1: {  	[dreg:$0x5] =	wrdreg $0x9  }
0xb2: {  	_ =	task.clear_ibuf [dreg:s7], $0x6FFFF;
	_ =	strace $0x90000052  }
0xb3: {  	s29 =	simm.s32 $0x9;
	_ =	strace $0x80000054  }
0xb4: {  	_ =	swait.ge [sflag:s29], $0x1  }
0xb5: {  	[sflag:s29] =	ssyncadd.s32 $0xFFFFFFFF  }
0xb6: {  	_ =	strace $0x90000054  }
0xb7: {  	_ =	sfence  }
0xb8: {  	s30 =	sld [smem:$0x0];
	_ =	sdelay $0x2  }
0xb9: {  	s31 =	sshll.u32 s1, $0xD;
	s1 =	sshrl.u32 s1, $0x2  }
0xba: {  	s3 =	sand.u32 $0x4000, s31;
	s1 =	sadd.s32 s1, s30  }
0xbb: {  	s0 =	sor.u32 s3, s0;
	s1 =	sshll.u32 s1, $0x11  }
0xbc: {  	s0 =	sor.u32 s1, s0  }
0xbd: {  	s0 =	sadd.s32 $0x8F2B, s0  }
0xbe: {  	[sflag:s0] =	ssyncadd.remote.s32 $0x1  }
0xbf: {  	_ =	sfence.sel $0xFFFF  }
0xc0: {  	[dreg:$0x0] =	wrdreg $0xFFFFFFFF;
	(pc) =	sbr.abs _section_cstart, $3  }
0xc1: {  	[dreg:$0x1] =	wrdreg $0xFFFFFFFF  }
0xc2: {  	_ =	task.clear_ibuf [dreg:s7], $0x2FFFF;
	_ =	strace $0x9FFFFFFF  }
0xc3: {  	(tm) =	ssettm $0x7FFFFFFF  }
tec
execute0_lowered:
.L_overlay_start_1:
0x0: {  	(tag) =	ssettag $0x1  }
0x1: {  	s1 =	rddreg [dreg:$0x0]  }
0x2: {  	s0 =	srdreg.scid;
	s7 =	rddreg [dreg:$0x1]  }
0x3: {  	s11 =	stileid.u32;
	s3 =	rddreg [dreg:$0x2];
	s5 =	simm.s32 $0x0  }
0x4: {  	s28 =	simm.s32 $0x1;
	s29 =	simm.s32 $0x6;
	s30 =	simm.s32 $0xC0  }
0x5: {  	s31 =	simm.s32 $0x8900;
	s0 =	sand.u32 $0x1, s0;
	s2 =	sshll.u32 s11, $0x1  }
0x6: {  	[smem:$0x7FF] =	sst s5;
	s8 =	smul.u32 $0x14000, s11;
	s6 =	sadd.s32 $0x12200, s7  }
0x7: {  	s17 =	smul.u32 $0x50000, s11;
	s18 =	sadd.s32 $0x1C200, s7;
	s11 =	simm.s32 $0x0  }
0x8: {  	s2 =	sor.u32 s0, s2;
	s16 =	smul.u32 $0x140000, s0;
	_ =	strace $0x80000053  }
0x9: {  	[dreg:$0x4] =	wrdreg s18;
	s0 =	ssub.s32 $0x2, s0;
	s4 =	smul.u32 $0x2800, s2  }
0xa: {  	s19 =	sshrl.u32 s0, $0x1;
	s20 =	sshrl.u32 s17, $0x2;
	s2 =	sadd.s32 s8, s16  }
0xb: {  	s0 =	ssub.s32 s0, s19;
	s9 =	sshrl.u32 s4, $0x3;
	s2 =	sshrl.u32 s2, $0x3  }
0xc: {  	s17 =	smax.u32 s0, $0x1;
	s0 =	simm.s32 $0x3;
	s8 =	sadd.s32 s6, s9  }
0xd: {  	s10 =	sadd.s32 s9, s7;
	s2 =	sadd.s32 s2, s7;
	s21 =	sadd.s32 $0x10, s8  }
0xe: {  	s9 =	sadd.s32 s20, s3;
	s22 =	sadd.s32 $0x8200, s10;
	[dreg:$0x5] =	wrdreg s21  }
0xf: {  	s20 =	simm.s32 $0x7;
	s23 =	sadd.s32 $0x4000, s9;
	[dreg:$0x6] =	wrdreg s22  }
0x10: {  	s7 =	simm.s32 $0x5;
	s24 =	sadd.s32 $0x8000, s9;
	[dreg:$0x7] =	wrdreg s23  }
0x11: {  	s25 =	sadd.s32 $0xC000, s9;
	s26 =	sadd.s32 $0x10000, s9;
	[dreg:$0x8] =	wrdreg s24  }
.Ltmp0:
0x12: {  	s2 =	sadd.s32 $0x6CA00, s2;
	[dreg:$0x9] =	wrdreg s25;
	(pc) =	sbr.rel .LBB2_1-.Ltmp0, $4  }
0x13: {  	s18 =	sadd.s32 $0x20, s8;
	s19 =	sadd.s32 $0x30, s8;
	[dreg:$0xa] =	wrdreg s26  }
0x14: {  	s10 =	simm.s32 $0x4;
	[dreg:$0xb] =	wrdreg s2;
	s21 =	simm.s32 $0x40  }
0x15: {  	s22 =	simm.s32 $0x2900;
	s23 =	simm.s32 $0x4900;
	s24 =	simm.s32 $0x80  }
0x16: {  	s25 =	simm.s32 $0x100;
	s26 =	simm.s32 $0x6900;
	s2 =	simm.s32 $0x2  }
.LBB2_4:
0x17: {  	[spmem:s3] =	stream.indirect.scatter.add.f32 [tilespmem:s26], [sflag:$0x4], $0x80, s14, s24, $0xb8;
	[tilespmem:$0x1E900] =	vst v63  }
0x18: {  	_ =	swait.ge [sflag:s0], $0x4000  }
0x19: {  	[sflag:s0] =	ssyncset.done $0x0  }
0x1a: {  	[sflag:s0] =	ssyncadd.s32 $0xFFFFC000  }
0x1b: {  	_ =	swait.ge [sflag:s10], $0x4000  }
0x1c: {  	s12 =	stileid.u32;
	[sflag:s10] =	ssyncset.done $0x0  }
0x1d: {  	s13 =	sshrl.u32 s9, $0x3;
	s11 =	sadd.s32 $0x1, s11;
	[sflag:s10] =	ssyncadd.s32 $0xFFFFC000  }
0x1e: {  	s12 =	sshll.u32 s12, $0x6;
	p0 =	sne.s32 s11, s17;
	[bflag:$0x0] =	sbarrier.arrive $0xFFFF  }
.Ltmp1:
0x1f: {  	s12 =	sor.u32 $0x1C07, s12;
	s16 =	rddreg [dreg:$0xb];
	(pc) =	sbr.rel @!p0 .LBB2_5-.Ltmp1, $4  }
0x20: {  	[hbm:s16], [sflag:s12] =	dma.local [spmem:s13], $0x2800  }
0x21: {  	_ =	swait.ge [sflag:s20], $0x2800  }
0x22: {  	[sflag:s20] =	ssyncset.done $0x0  }
0x23: {  	[sflag:s20] =	ssyncadd.s32 $0xFFFFD800  }
.LBB2_1:
0x24: {  	[tilespmem:s5], [sflag:$0x7] =	stream.linear.gather [hbm4b:s8+s5], $0x80, $0x38;
	[tilespmem:$0x1E900] =	vst v63  }
0x25: {  	_ =	swait.ge [sflag:s20], $0x80  }
0x26: {  	[sflag:s20] =	ssyncset.done $0x0  }
0x27: {  	[sflag:s20] =	ssyncadd.s32 $0xFFFFFF80  }
0x28: {  	[tilespmem:s22], [sflag:$0x1] =	stream.indirect.gather [hbm4b:s1+s21], $0x80, s5, s21, $0xb8;
	[tilespmem:$0x1E900] =	vst v63  }
0x29: {  	_ = 	snop  }
0x2a: {  	[tilespmem:s23], [sflag:$0x1] =	stream.indirect.gather [hbm4b:s1+s21], $0x80, s21, s21, $0xb8;
	[tilespmem:$0x1E900] =	vst v63  }
0x2b: {  	s12 =	rddreg [dreg:$0x5]  }
0x2c: {  	[tilespmem:s24], [sflag:$0x6] =	stream.linear.gather [hbm4b:s12+s5], $0x80, $0x38;
	[tilespmem:$0x1E900] =	vst v63  }
0x2d: {  	s14 =	rddreg [dreg:$0x6]  }
0x2e: {  	[tilespmem:s25], [sflag:$0x7] =	stream.linear.gather [hbm4b:s14+s5], $0x2800, $0x38;
	[tilespmem:$0x1E900] =	vst v63  }
0x2f: {  	_ =	swait.ge [sflag:s20], $0x2800  }
0x30: {  	[sflag:s20] =	ssyncset.done $0x0  }
0x31: {  	s15 =	rddreg [dreg:$0x4];
	[sflag:s20] =	ssyncadd.s32 $0xFFFFD800  }
0x32: {  	[tilespmem:s26], [sflag:$0x7] =	stream.linear.gather [hbm4b:s15+s5], $0x4000, $0x38;
	[tilespmem:$0x1E900] =	vst v63  }
0x33: {  	_ =	swait.ge [sflag:s20], $0x4000  }
0x34: {  	[sflag:s20] =	ssyncset.done $0x0  }
0x35: {  	[sflag:s20] =	ssyncadd.s32 $0xFFFFC000  }
0x36: {  	[spmem:s9] =	stream.linear.scatter [tilespmem:s26], [sflag:$0x7], $0x4000, $0x38;
	[tilespmem:$0x1E900] =	vst v63  }
0x37: {  	_ =	swait.ge [sflag:s20], $0x4000  }
0x38: {  	[sflag:s20] =	ssyncset.done $0x0  }
0x39: {  	s16 =	rddreg [dreg:$0x7];
	[sflag:s20] =	ssyncadd.s32 $0xFFFFC000  }
0x3a: {  	[spmem:s16] =	stream.linear.scatter [tilespmem:s26], [sflag:$0x7], $0x4000, $0x38;
	[tilespmem:$0x1E900] =	vst v63  }
0x3b: {  	_ =	swait.ge [sflag:s20], $0x4000  }
0x3c: {  	[sflag:s20] =	ssyncset.done $0x0  }
0x3d: {  	s13 =	rddreg [dreg:$0x8];
	[sflag:s20] =	ssyncadd.s32 $0xFFFFC000  }
0x3e: {  	[spmem:s13] =	stream.linear.scatter [tilespmem:s26], [sflag:$0x7], $0x4000, $0x38;
	[tilespmem:$0x1E900] =	vst v63  }
0x3f: {  	_ =	swait.ge [sflag:s20], $0x4000  }
0x40: {  	[sflag:s20] =	ssyncset.done $0x0  }
0x41: {  	s14 =	rddreg [dreg:$0x9];
	[sflag:s20] =	ssyncadd.s32 $0xFFFFC000  }
0x42: {  	[spmem:s14] =	stream.linear.scatter [tilespmem:s26], [sflag:$0x7], $0x4000, $0x38;
	[tilespmem:$0x1E900] =	vst v63  }
0x43: {  	_ =	swait.ge [sflag:s20], $0x4000  }
0x44: {  	[sflag:s20] =	ssyncset.done $0x0  }
0x45: {  	s15 =	rddreg [dreg:$0xa];
	[sflag:s20] =	ssyncadd.s32 $0xFFFFC000  }
0x46: {  	[spmem:s15] =	stream.linear.scatter [tilespmem:s26], [sflag:$0x7], $0x4000, $0x38;
	[tilespmem:$0x1E900] =	vst v63  }
0x47: {  	_ =	swait.ge [sflag:s20], $0x4000  }
0x48: {  	[sflag:s20] =	ssyncset.done $0x0  }
0x49: {  	[sflag:s20] =	ssyncadd.s32 $0xFFFFC000  }
0x4a: {  	[bflag:$0x0] =	sbarrier.arrive $0xFFFF  }
0x4b: {  	_ =	swait.ge [sflag:s28], $0x2000  }
0x4c: {  	[sflag:s28] =	ssyncset.done $0x0  }
0x4d: {  	[sflag:s28] =	ssyncadd.s32 $0xFFFFE000  }
0x4e: {  	_ =	swait.ge [sflag:s28], $0x2000  }
0x4f: {  	[sflag:s28] =	ssyncset.done $0x0  }
0x50: {  	[sflag:s28] =	ssyncadd.s32 $0xFFFFE000  }
0x51: {  	[tilespmem:s5], [sflag:$0x5] =	stream.linear.gather [hbm4b:s18+s5], $0x80, $0x38;
	[tilespmem:$0x1E900] =	vst v63  }
0x52: {  	_ = 	snop  }
0x53: {  	[spmem:s3] =	stream.indirect.scatter.add.f32 [tilespmem:s22], [sflag:$0x3], $0x80, s25, s24, $0xb8;
	[tilespmem:$0x1E900] =	vst v63  }
0x54: {  	_ =	swait.ge [sflag:s29], $0x80  }
0x55: {  	[sflag:s29] =	ssyncset.done $0x0  }
0x56: {  	[sflag:s29] =	ssyncadd.s32 $0xFFFFFF80  }
0x57: {  	[tilespmem:s26], [sflag:$0x2] =	stream.indirect.gather [hbm4b:s1+s21], $0x80, s24, s21, $0xb8;
	[tilespmem:$0x1E900] =	vst v63  }
0x58: {  	_ = 	snop  }
0x59: {  	[tilespmem:s31], [sflag:$0x2] =	stream.indirect.gather [hbm4b:s1+s21], $0x80, s30, s21, $0xb8;
	[tilespmem:$0x1E900] =	vst v63  }
0x5a: {  	_ =	swait.ge [sflag:s2], $0x2000  }
0x5b: {  	[sflag:s2] =	ssyncset.done $0x0  }
0x5c: {  	[sflag:s2] =	ssyncadd.s32 $0xFFFFE000  }
0x5d: {  	_ =	swait.ge [sflag:s2], $0x2000  }
0x5e: {  	[sflag:s2] =	ssyncset.done $0x0  }
0x5f: {  	[sflag:s2] =	ssyncadd.s32 $0xFFFFE000  }
0x60: {  	[tilespmem:s24], [sflag:$0x6] =	stream.linear.gather [hbm4b:s19+s5], $0x80, $0x38;
	[tilespmem:$0x1E900] =	vst v63  }
0x61: {  	s16 =	simm.s32 $0x180  }
0x62: {  	[spmem:s3] =	stream.indirect.scatter.add.f32 [tilespmem:s26], [sflag:$0x4], $0x80, s16, s24, $0xb8;
	[tilespmem:$0x1E900] =	vst v63  }
0x63: {  	_ =	swait.ge [sflag:s0], $0x4000  }
0x64: {  	[sflag:s0] =	ssyncset.done $0x0  }
0x65: {  	[sflag:s0] =	ssyncadd.s32 $0xFFFFC000  }
0x66: {  	_ =	swait.ge [sflag:s7], $0x80  }
0x67: {  	[sflag:s7] =	ssyncset.done $0x0  }
0x68: {  	[sflag:s7] =	ssyncadd.s32 $0xFFFFFF80  }
0x69: {  	[tilespmem:s22], [sflag:$0x1] =	stream.indirect.gather [hbm4b:s1+s21], $0x80, s5, s21, $0xb8;
	[tilespmem:$0x1E900] =	vst v63  }
0x6a: {  	s12 =	simm.s32 $0x200;
	s13 =	simm.s32 $0x280  }
0x6b: {  	[tilespmem:s23], [sflag:$0x1] =	stream.indirect.gather [hbm4b:s1+s21], $0x80, s21, s21, $0xb8;
	[tilespmem:$0x1E900] =	vst v63  }
.LBB2_2:
0x6c: {  	p0 =	seq.s32 s13, $0x2880  }
0x6d: {  	_ =	swait.ge [sflag:s28], $0x2000;
	s14 =	sadd.s32 @!p0 $0xFFFFFF80, s13  }
0x6e: {  	[sflag:s28] =	ssyncset.done $0x0;
	s15 =	sand.u32 @!p0 $0x7C00, s14  }
0x6f: {  	[sflag:s28] =	ssyncadd.s32 $0xFFFFE000;
	s14 =	sand.u32 @!p0 $0x300, s14;
	s15 =	sadd.s32 @!p0 s4, s15  }
0x70: {  	_ =	swait.ge [sflag:s28], $0x2000;
	s14 =	sor.u32 @!p0 s14, s15  }
0x71: {  	[sflag:s28] =	ssyncset.done $0x0;
	s14 =	sshrl.u32 @!p0 s14, $0x3  }
0x72: {  	s15 =	simm.s32 @!p0 $0x0;
	[sflag:s28] =	ssyncadd.s32 $0xFFFFE000;
	s14 =	sadd.s32 @!p0 s6, s14  }
0x73: {  	[tilespmem:s15], [sflag:$0x5] =	stream.linear.gather @!p0 [hbm4b:s14+s15], $0x80, $0x38;
	[tilespmem:$0x1E900] =	vst v63  }
0x74: {  	s14 =	smov.u32 s12  }
0x75: {  	s14 =	simm.s32 @p0 $0x2800  }
0x76: {  	[spmem:s3] =	stream.indirect.scatter.add.f32 [tilespmem:s22], [sflag:$0x3], $0x80, s14, s24, $0xb8;
	[tilespmem:$0x1E900] =	vst v63  }
0x77: {  	_ =	swait.ge [sflag:s10], $0x4000  }
0x78: {  	[sflag:s10] =	ssyncset.done $0x0  }
0x79: {  	[sflag:s10] =	ssyncadd.s32 $0xFFFFC000  }
0x7a: {  	_ =	swait.ge [sflag:s29], $0x80  }
0x7b: {  	[sflag:s29] =	ssyncset.done $0x0  }
0x7c: {  	[sflag:s29] =	ssyncadd.s32 $0xFFFFFF80  }
0x7d: {  	[tilespmem:s26], [sflag:$0x2] =	stream.indirect.gather [hbm4b:s1+s21], $0x80, s24, s21, $0xb8;
	[tilespmem:$0x1E900] =	vst v63  }
0x7e: {  	_ = 	snop  }
0x7f: {  	[tilespmem:s31], [sflag:$0x2] =	stream.indirect.gather [hbm4b:s1+s21], $0x80, s30, s21, $0xb8;
	[tilespmem:$0x1E900] =	vst v63  }
0x80: {  	_ =	swait.ge [sflag:s2], $0x2000  }
.Ltmp2:
0x81: {  	[sflag:s2] =	ssyncset.done $0x0;
	(pc) =	sbr.rel @p0 .LBB2_4-.Ltmp2, $4  }
0x82: {  	[sflag:s2] =	ssyncadd.s32 $0xFFFFE000  }
0x83: {  	_ =	swait.ge [sflag:s2], $0x2000  }
0x84: {  	[sflag:s2] =	ssyncset.done $0x0  }
0x85: {  	s14 =	sadd.s32 $0x80, s14;
	[sflag:s2] =	ssyncadd.s32 $0xFFFFE000  }
0x86: {  	s15 =	sand.u32 $0x7C00, s13  }
0x87: {  	s16 =	sand.u32 $0x380, s13;
	s15 =	sadd.s32 s4, s15  }
0x88: {  	s15 =	sor.u32 s16, s15  }
0x89: {  	s15 =	sshrl.u32 s15, $0x3  }
0x8a: {  	s15 =	sadd.s32 s6, s15  }
0x8b: {  	[tilespmem:s24], [sflag:$0x6] =	stream.linear.gather [hbm4b:s15+s5], $0x80, $0x38;
	[tilespmem:$0x1E900] =	vst v63  }
0x8c: {  	_ = 	snop  }
0x8d: {  	[spmem:s3] =	stream.indirect.scatter.add.f32 [tilespmem:s26], [sflag:$0x4], $0x80, s14, s24, $0xb8;
	[tilespmem:$0x1E900] =	vst v63  }
0x8e: {  	_ =	swait.ge [sflag:s0], $0x4000  }
0x8f: {  	[sflag:s0] =	ssyncset.done $0x0  }
0x90: {  	[sflag:s0] =	ssyncadd.s32 $0xFFFFC000  }
0x91: {  	_ =	swait.ge [sflag:s7], $0x80  }
.Ltmp3:
0x92: {  	[sflag:s7] =	ssyncset.done $0x0;
	(pc) =	sbr.rel .LBB2_2-.Ltmp3, $4  }
0x93: {  	[sflag:s7] =	ssyncadd.s32 $0xFFFFFF80  }
0x94: {  	[tilespmem:s22], [sflag:$0x1] =	stream.indirect.gather [hbm4b:s1+s21], $0x80, s5, s21, $0xb8;
	[tilespmem:$0x1E900] =	vst v63  }
0x95: {  	s12 =	sadd.s32 $0x100, s12;
	s13 =	sadd.s32 $0x100, s13  }
0x96: {  	[tilespmem:s23], [sflag:$0x1] =	stream.indirect.gather [hbm4b:s1+s21], $0x80, s21, s21, $0xb8;
	[tilespmem:$0x1E900] =	vst v63  }
.LBB2_5:
0x97: {  	_ =	sfence.sel $0x180000  }
0x98: {  	[bflag:$0x0] =	sbarrier.arrive $0xFFFF  }
0x99: {  	_ =	strace $0x90000053  }
0x9a: {  	s0 =	stileid.u32;
	[bflag:$0x2] =	sbarrier.arrive $0xFFFF  }
0x9b: {  	p0 =	sne.s32 s0, $0x0;
	s0 =	rddreg [dreg:$0x3]  }
0x9c: {  	s0 =	sadd.s32 @!p0 $0x100000, s0  }
0x9d: {  	[sflag:s0] =	ssyncadd.tile.s32 @!p0 $0x1;
	_ =	shalt  }
.Lfunc_end2:
_tile_overlayer_lowered:
.L_overlay_start_2:
0x9e: {  	(tag) =	ssettag $0x2  }
0x9f: {  	s0 =	rddreg [dreg:$0x0];
	s2 =	stileid.u32  }
0xa0: {  	s1 =	rddreg [dreg:$0x1];
	p0 =	sne.s32 s2, $0x0  }
0xa1: {  	s3 =	rddreg [dreg:$0x2];
	[bflag:$0x3] =	sbarrier.arrive $0xFFFF;
	s2 =	simm.s32 @!p0 $0x1C07  }
0xa2: {  	[timem:s3], [sflag:s2] =	dma.local @!p0 [hbm:s0], s1  }
0xa3: {  	s0 =	simm.s32 @!p0 $0x7  }
0xa4: {  	_ =	swait.ge @!p0 [sflag:s0], s1  }
0xa5: {  	s1 =	ssub.s32 @!p0 $0x0, s1;
	[sflag:s0] =	ssyncset.done @!p0 $0x0  }
0xa6: {  	[sflag:s0] =	ssyncadd.s32 @!p0 s1  }
0xa7: {  	[bflag:$0x3] =	sbarrier.arrive $0xFFFF  }
0xa8: {  	_ =	shalt  }

// kernel: kernel.32.cloned.1.call-start
scs
__scs_entry_jumppad:
0x0: {  	(pc) =	sbr.rel $0x88, $3  }
0x1: {  	(tag) =	ssettag $0x0;
	lr =	simm.s32 $0x1  }
0x2: {  	[smem:$0x3F93] =	sst lr;
	_ =	strace $0xD0000000  }
0x3: {  	_ = 	snop  }
0x4: {  	_ = 	snop  }
0x5: {  	_ = 	snop  }
0x6: {  	_ = 	snop  }
0x7: {  	_ = 	snop  }
__scs_overlays_trampoline_lowered:
0x8: {  	[smem:$0x3FA2] =	sst s0  }
0x9: {  	[smem:$0x3FA3] =	sst s1  }
0xa: {  	[smem:$0x3FA4] =	sst s2  }
0xb: {  	[smem:$0x3FA5] =	sst s3  }
0xc: {  	[smem:$0x3FA6] =	sst s4  }
0xd: {  	[smem:$0x3FA7] =	sst s5  }
0xe: {  	[smem:$0x3FA8] =	sst s6  }
0xf: {  	[smem:$0x3FA9] =	sst s7  }
0x10: {  	[smem:$0x3FAA] =	sst s8  }
0x11: {  	[smem:$0x3FAB] =	sst s9;
	s0 =	simm.s32 @!p0 $0x0  }
0x12: {  	s1 =	sld [smem:$0x3F91];
	s0 =	simm.s32 @p0 $0x1  }
0x13: {  	[smem:$0x3FAC] =	sst s0;
	s0 =	simm.s32 @!p1 $0x0  }
0x14: {  	s2 =	sld [smem:$0x3F90];
	s0 =	simm.s32 @p1 $0x1  }
0x15: {  	[smem:$0x3FAD] =	sst s0;
	s0 =	simm.s32 @!p2 $0x0  }
0x16: {  	s3 =	sld [smem:$0x3FDB];
	s0 =	simm.s32 @p2 $0x1  }
0x17: {  	s4 =	simm.s32 $0x1BF5;
	[smem:$0x3FAF] =	sst s0  }
0x18: {  	s0 =	sld [smem:$0x3F92];
	_ =	swait.ge [sflag:s4], $0x0  }
0x19: {  	s7 =	sld [smem:$0x3F93]  }
0x1a: {  	s8 =	sadd.s32 $0xFFFFE003, lr  }
0x1b: {  	s9 =	sadd.s32 $0xFFFFFEF7, lr;
	s5 =	simm.s32 $0xFFFFFFFF;
	p2 =	slt.u32 s8, $0xFFFFF086  }
0x1c: {  	p1 =	slt.u32 s9, $0xF7A;
	s5 =	simm.s32 @!p2 $0x0  }
0x1d: {  	s5 =	simm.s32 @p1 $0x1;
	p0 =	seq.s32 s7, s2  }
0x1e: {  	s7 =	smul.u32 @!p0 $0xF7A, s2;
	p2 =	seq.s32 @!p0 s5, $0x0  }
0x1f: {  	s9 =	smul.u32 $0xF7A, s1;
	s8 =	simm.s32 @!p0 $0x1BF5;
	p2 =	por !p2, p0  }
0x20: {  	[sflag:s8] =	ssyncset.s32 @!p0 $0xFFFFF086;
	s6 =	sadd.s32 @!p0 s3, s7;
	s7 =	simm.s32 @!p0 $0x108  }
0x21: {  	s3 =	sadd.s32 s3, s9;
	s6 =	sadd.s32 @!p0 $0x88, s6;
	s7 =	simm.s32 @p2 $0x1082  }
0x22: {  	[simem:s7], [sflag:s8] =	dma.local @!p0 [hbm:s6], $0xF7A  }
0x23: {  	s9 =	sor.u32 $0xD0000000, s2;
	s6 =	simm.s32 $0x108;
	_ =	swait.ge @!p0 [sflag:s8], $0x0  }
0x24: {  	s3 =	sadd.s32 $0x88, s3;
	s6 =	simm.s32 @!p1 $0x1082;
	[sflag:s4] =	ssyncset.s32 $0xFFFFF086  }
0x25: {  	[simem:s6], [sflag:s4] =	dma.local [hbm:s3], $0xF7A  }
0x26: {  	[smem:$0x3F93] =	sst s1;
	(tag) =	ssettag s2;
	_ =	strace s9  }
0x27: {  	s1 =	sld [smem:$0x3FA3]  }
0x28: {  	s2 =	sld [smem:$0x3FA4]  }
0x29: {  	s4 =	sld [smem:$0x3FA6]  }
0x2a: {  	p0 =	seq.s32 s5, $0x0;
	s5 =	sld [smem:$0x3FA7]  }
0x2b: {  	s6 =	sld [smem:$0x3FA8]  }
0x2c: {  	s7 =	sld [smem:$0x3FA9]  }
0x2d: {  	s3 =	simm.s32 $0x108;
	s8 =	sld [smem:$0x3FAA]  }
0x2e: {  	s3 =	simm.s32 @!p0 $0x1082;
	s9 =	sld [smem:$0x3FAB]  }
0x2f: {  	lr =	sadd.s32 s0, s3;
	s0 =	sld [smem:$0x3FA2]  }
0x30: {  	s3 =	sld [smem:$0x3FA5]  }
0x31: {  	[smem:$0x3FAE] =	sst s10  }
0x32: {  	s10 =	sld [smem:$0x3FAC];
	_ =	sdelay $0x3  }
0x33: {  	p0 =	seq.s32 s10, $0x1;
	s10 =	sld [smem:$0x3FAE];
	_ =	sdelay $0x3  }
0x34: {  	[smem:$0x3FAE] =	sst s10  }
0x35: {  	s10 =	sld [smem:$0x3FAD];
	_ =	sdelay $0x3  }
0x36: {  	p1 =	seq.s32 s10, $0x1;
	s10 =	sld [smem:$0x3FAE];
	_ =	sdelay $0x3  }
0x37: {  	[smem:$0x3FAE] =	sst s10  }
0x38: {  	s10 =	sld [smem:$0x3FAF]  }
0x39: {  	_ = 	snop;
	(pc) =	sbr.ind lr, $3  }
0x3a: {  	_ = 	snop  }
0x3b: {  	_ = 	snop  }
0x3c: {  	p2 =	seq.s32 s10, $0x1;
	s10 =	sld [smem:$0x3FAE]  }
0x3d: {  	_ =	shalt  }
0x3e: {  	_ =	shalt  }
0x3f: {  	_ =	shalt  }
0x40: {  	_ =	shalt  }
0x41: {  	_ =	shalt  }
0x42: {  	_ =	shalt  }
0x43: {  	_ =	shalt  }
0x44: {  	_ =	shalt  }
0x45: {  	_ =	shalt  }
0x46: {  	_ =	shalt  }
0x47: {  	_ =	shalt  }
0x48: {  	_ =	shalt  }
0x49: {  	_ =	shalt  }
0x4a: {  	_ =	shalt  }
0x4b: {  	_ =	shalt  }
0x4c: {  	_ =	shalt  }
0x4d: {  	_ =	shalt  }
0x4e: {  	_ =	shalt  }
0x4f: {  	_ =	shalt  }
0x50: {  	_ =	shalt  }
0x51: {  	_ =	shalt  }
0x52: {  	_ =	shalt  }
0x53: {  	_ =	shalt  }
0x54: {  	_ =	shalt  }
0x55: {  	_ =	shalt  }
0x56: {  	_ =	shalt  }
0x57: {  	_ =	shalt  }
0x58: {  	_ =	shalt  }
0x59: {  	_ =	shalt  }
0x5a: {  	_ =	shalt  }
0x5b: {  	_ =	shalt  }
0x5c: {  	_ =	shalt  }
0x5d: {  	_ =	shalt  }
0x5e: {  	_ =	shalt  }
0x5f: {  	_ =	shalt  }
0x60: {  	_ =	shalt  }
0x61: {  	_ =	shalt  }
0x62: {  	_ =	shalt  }
0x63: {  	_ =	shalt  }
0x64: {  	_ =	shalt  }
0x65: {  	_ =	shalt  }
0x66: {  	_ =	shalt  }
0x67: {  	_ =	shalt  }
0x68: {  	_ =	shalt  }
0x69: {  	_ =	shalt  }
0x6a: {  	_ =	shalt  }
0x6b: {  	_ =	shalt  }
0x6c: {  	_ =	shalt  }
0x6d: {  	_ =	shalt  }
0x6e: {  	_ =	shalt  }
0x6f: {  	_ =	shalt  }
0x70: {  	_ =	shalt  }
0x71: {  	_ =	shalt  }
0x72: {  	_ =	shalt  }
0x73: {  	_ =	shalt  }
0x74: {  	_ =	shalt  }
0x75: {  	_ =	shalt  }
0x76: {  	_ =	shalt  }
0x77: {  	_ =	shalt  }
0x78: {  	_ =	shalt  }
0x79: {  	_ =	shalt  }
0x7a: {  	_ =	shalt  }
0x7b: {  	_ =	shalt  }
0x7c: {  	_ =	shalt  }
0x7d: {  	_ =	shalt  }
0x7e: {  	_ =	shalt  }
0x7f: {  	_ =	shalt  }
0x80: {  	_ =	shalt  }
0x81: {  	_ =	shalt  }
0x82: {  	_ =	shalt  }
0x83: {  	_ =	shalt  }
0x84: {  	_ =	shalt  }
0x85: {  	_ =	shalt  }
0x86: {  	_ =	shalt  }
0x87: {  	_ =	shalt  }
.Lfunc_end0:
.L_simem_size_0:
called_computation.5_lowered:
.L_overlay_start_0:
0x88: {  	s2 =	sld [smem:$0x3FD9]  }
0x89: {  	s3 =	sld [smem:$0x3FFE];
	_ =	sdelay $0x1  }
0x8a: {  	s1 =	srdreg.scid  }
0x8b: {  	s0 =	sand.u32 $0x1, s1  }
0x8c: {  	s17 =	sshll.u32 s0, $0xA;
	s2 =	sadd.s32 s3, s2  }
0x8d: {  	s2 =	sadd.s32 s2, s17  }
0x8e: {  	[smem:$0x3FBA] =	sst s2  }
0x8f: {  	_ = 	snop  }
0x90: {  	s2 =	sld [smem:$0x3FD0];
	(tm) =	ssettm $0x1  }
0x91: {  	s18 =	sld [smem:$0x3FFB];
	_ =	sdelay $0x3  }
0x92: {  	_ =	strace s18  }
0x93: {  	s3 =	sld [smem:$0x3FFC];
	_ =	sdelay $0x3  }
0x94: {  	_ =	strace s3  }
0x95: {  	s3 =	sld [smem:$0x3FFD];
	_ =	sdelay $0x3  }
0x96: {  	_ =	strace s3  }
0x97: {  	_ =	strace $0x8FFFFFFF  }
0x98: {  	s19 =	sld [smem:$0x3FDB];
	_ =	sdelay $0x1  }
0x99: {  	s4 =	simm.s32 $_scs_section_size  }
0x9a: {  	s5 =	simm.s32 $_size__tile_overlayer_lowered;
	s6 =	simm.s32 $_tile_overlayer_lowered  }
0x9b: {  	s22 =	simm.s32 $0x1BFF;
	s21 =	sshll.u32 s6, $0x1;
	s3 =	sadd.s32 s4, s19  }
0x9c: {  	s7 =	simm.s32 $0x0;
	s20 =	sshll.u32 s5, $0x1;
	s5 =	sadd.s32 s21, s3  }
0x9d: {  	[timem:s7], [sflag:s22] =	dma.local [hbm:s5], s20  }
0x9e: {  	_ =	swait.ge [sflag:s22], s20  }
0x9f: {  	s4 =	ssub.s32 $0x0, s20;
	[sflag:s22] =	ssyncset.done $0x0  }
0xa0: {  	[sflag:s22] =	ssyncadd.s32 s4;
	_ =	sdelay $0x1  }
0xa1: {  	s23 =	simm.s32 $0x1B8B  }
0xa2: {  	_ =	swait.ge [sflag:s23], $0x1  }
0xa3: {  	[sflag:s23] =	ssyncset.done $0x0  }
0xa4: {  	s25 =	simm.s32 $0x1B8E;
	s24 =	sld [smem:$0x3FFE];
	[sflag:s23] =	ssyncadd.s32 $0xFFFFFFFF  }
0xa5: {  	s26 =	simm.s32 $execute0_lowered;
	[smem:$0x3FD2] =	sst s25  }
0xa6: {  	s5 =	sshll.u32 s26, $0x1;
	_ =	strace $0x80000055;
	[dreg:$0x1] =	wrdreg $0xFFFFFFFF  }
0xa7: {  	s28 =	simm.s32 $_size_execute0_lowered;
	s3 =	sadd.s32 s3, s5;
	[dreg:$0x0] =	wrdreg $0x0  }
0xa8: {  	s5 =	sshll.u32 s28, $0x1;
	[dreg:$0x2] =	wrdreg s3  }
0xa9: {  	[dreg:$0x3] =	wrdreg s5  }
0xaa: {  	[dreg:$0x4] =	wrdreg $0xC0  }
0xab: {  	_ =	task [dreg:s7], $0x5FFFF  }
0xac: {  	[dreg:$0x1] =	wrdreg $0xFFFFFFFF  }
0xad: {  	[dreg:$0x0] =	wrdreg $0x60  }
0xae: {  	[dreg:$0x2] =	wrdreg s2  }
0xaf: {  	[dreg:$0x3] =	wrdreg s24  }
0xb0: {  	[dreg:$0x4] =	wrdreg $0xA9000  }
0xb1: {  	[dreg:$0x5] =	wrdreg $0x9  }
0xb2: {  	_ =	task.clear_ibuf [dreg:s7], $0x6FFFF;
	_ =	strace $0x90000055  }
0xb3: {  	s29 =	simm.s32 $0x9;
	_ =	strace $0x80000057  }
0xb4: {  	_ =	swait.ge [sflag:s29], $0x1  }
0xb5: {  	[sflag:s29] =	ssyncadd.s32 $0xFFFFFFFF  }
0xb6: {  	_ =	strace $0x90000057  }
0xb7: {  	_ =	sfence  }
0xb8: {  	s30 =	sld [smem:$0x0];
	_ =	sdelay $0x2  }
0xb9: {  	s31 =	sshll.u32 s1, $0xD;
	s1 =	sshrl.u32 s1, $0x2  }
0xba: {  	s3 =	sand.u32 $0x4000, s31;
	s1 =	sadd.s32 s1, s30  }
0xbb: {  	s0 =	sor.u32 s3, s0;
	s1 =	sshll.u32 s1, $0x11  }
0xbc: {  	s0 =	sor.u32 s1, s0  }
0xbd: {  	s0 =	sadd.s32 $0x8F2B, s0  }
0xbe: {  	[sflag:s0] =	ssyncadd.remote.s32 $0x1  }
0xbf: {  	_ =	sfence.sel $0xFFFF  }
0xc0: {  	[dreg:$0x0] =	wrdreg $0xFFFFFFFF;
	(pc) =	sbr.abs _section_cstart, $3  }
0xc1: {  	[dreg:$0x1] =	wrdreg $0xFFFFFFFF  }
0xc2: {  	_ =	task.clear_ibuf [dreg:s7], $0x2FFFF;
	_ =	strace $0x9FFFFFFF  }
0xc3: {  	(tm) =	ssettm $0x7FFFFFFF  }
tec
execute0_lowered:
.L_overlay_start_1:
0x0: {  	(tag) =	ssettag $0x1  }
0x1: {  	s1 =	rddreg [dreg:$0x0]  }
0x2: {  	s0 =	srdreg.scid;
	s7 =	rddreg [dreg:$0x1]  }
0x3: {  	s11 =	stileid.u32;
	s3 =	rddreg [dreg:$0x2];
	s5 =	simm.s32 $0x0  }
0x4: {  	s28 =	simm.s32 $0x1;
	s29 =	simm.s32 $0x6;
	s30 =	simm.s32 $0xC0  }
0x5: {  	s31 =	simm.s32 $0x8900;
	s0 =	sand.u32 $0x1, s0;
	s2 =	sshll.u32 s11, $0x1  }
0x6: {  	[smem:$0x7FF] =	sst s5;
	s8 =	smul.u32 $0x14000, s11;
	s6 =	sadd.s32 $0x12200, s7  }
0x7: {  	s17 =	smul.u32 $0x50000, s11;
	s18 =	sadd.s32 $0x1C200, s7;
	s11 =	simm.s32 $0x0  }
0x8: {  	s2 =	sor.u32 s0, s2;
	s16 =	smul.u32 $0x140000, s0;
	_ =	strace $0x80000056  }
0x9: {  	[dreg:$0x4] =	wrdreg s18;
	s0 =	ssub.s32 $0x2, s0;
	s4 =	smul.u32 $0x2800, s2  }
0xa: {  	s19 =	sshrl.u32 s0, $0x1;
	s20 =	sshrl.u32 s17, $0x2;
	s2 =	sadd.s32 s8, s16  }
0xb: {  	s0 =	ssub.s32 s0, s19;
	s9 =	sshrl.u32 s4, $0x3;
	s2 =	sshrl.u32 s2, $0x3  }
0xc: {  	s17 =	smax.u32 s0, $0x1;
	s0 =	simm.s32 $0x3;
	s8 =	sadd.s32 s6, s9  }
0xd: {  	s10 =	sadd.s32 s9, s7;
	s2 =	sadd.s32 s2, s7;
	s21 =	sadd.s32 $0x10, s8  }
0xe: {  	s9 =	sadd.s32 s20, s3;
	s22 =	sadd.s32 $0x8200, s10;
	[dreg:$0x5] =	wrdreg s21  }
0xf: {  	s20 =	simm.s32 $0x7;
	s23 =	sadd.s32 $0x4000, s9;
	[dreg:$0x6] =	wrdreg s22  }
0x10: {  	s7 =	simm.s32 $0x5;
	s24 =	sadd.s32 $0x8000, s9;
	[dreg:$0x7] =	wrdreg s23  }
0x11: {  	s25 =	sadd.s32 $0xC000, s9;
	s26 =	sadd.s32 $0x10000, s9;
	[dreg:$0x8] =	wrdreg s24  }
.Ltmp0:
0x12: {  	s2 =	sadd.s32 $0x6CA00, s2;
	[dreg:$0x9] =	wrdreg s25;
	(pc) =	sbr.rel .LBB2_1-.Ltmp0, $4  }
0x13: {  	s18 =	sadd.s32 $0x20, s8;
	s19 =	sadd.s32 $0x30, s8;
	[dreg:$0xa] =	wrdreg s26  }
0x14: {  	s10 =	simm.s32 $0x4;
	[dreg:$0xb] =	wrdreg s2;
	s21 =	simm.s32 $0x40  }
0x15: {  	s22 =	simm.s32 $0x2900;
	s23 =	simm.s32 $0x4900;
	s24 =	simm.s32 $0x80  }
0x16: {  	s25 =	simm.s32 $0x100;
	s26 =	simm.s32 $0x6900;
	s2 =	simm.s32 $0x2  }
.LBB2_4:
0x17: {  	[spmem:s3] =	stream.indirect.scatter.add.f32 [tilespmem:s26], [sflag:$0x4], $0x80, s14, s24, $0xb8;
	[tilespmem:$0x1E900] =	vst v63  }
0x18: {  	_ =	swait.ge [sflag:s0], $0x4000  }
0x19: {  	[sflag:s0] =	ssyncset.done $0x0  }
0x1a: {  	[sflag:s0] =	ssyncadd.s32 $0xFFFFC000  }
0x1b: {  	_ =	swait.ge [sflag:s10], $0x4000  }
0x1c: {  	s12 =	stileid.u32;
	[sflag:s10] =	ssyncset.done $0x0  }
0x1d: {  	s13 =	sshrl.u32 s9, $0x3;
	s11 =	sadd.s32 $0x1, s11;
	[sflag:s10] =	ssyncadd.s32 $0xFFFFC000  }
0x1e: {  	s12 =	sshll.u32 s12, $0x6;
	p0 =	sne.s32 s11, s17;
	[bflag:$0x0] =	sbarrier.arrive $0xFFFF  }
.Ltmp1:
0x1f: {  	s12 =	sor.u32 $0x1C07, s12;
	s16 =	rddreg [dreg:$0xb];
	(pc) =	sbr.rel @!p0 .LBB2_5-.Ltmp1, $4  }
0x20: {  	[hbm:s16], [sflag:s12] =	dma.local [spmem:s13], $0x2800  }
0x21: {  	_ =	swait.ge [sflag:s20], $0x2800  }
0x22: {  	[sflag:s20] =	ssyncset.done $0x0  }
0x23: {  	[sflag:s20] =	ssyncadd.s32 $0xFFFFD800  }
.LBB2_1:
0x24: {  	[tilespmem:s5], [sflag:$0x7] =	stream.linear.gather [hbm4b:s8+s5], $0x80, $0x38;
	[tilespmem:$0x1E900] =	vst v63  }
0x25: {  	_ =	swait.ge [sflag:s20], $0x80  }
0x26: {  	[sflag:s20] =	ssyncset.done $0x0  }
0x27: {  	[sflag:s20] =	ssyncadd.s32 $0xFFFFFF80  }
0x28: {  	[tilespmem:s22], [sflag:$0x1] =	stream.indirect.gather [hbm4b:s1+s21], $0x80, s5, s21, $0xb8;
	[tilespmem:$0x1E900] =	vst v63  }
0x29: {  	_ = 	snop  }
0x2a: {  	[tilespmem:s23], [sflag:$0x1] =	stream.indirect.gather [hbm4b:s1+s21], $0x80, s21, s21, $0xb8;
	[tilespmem:$0x1E900] =	vst v63  }
0x2b: {  	s12 =	rddreg [dreg:$0x5]  }
0x2c: {  	[tilespmem:s24], [sflag:$0x6] =	stream.linear.gather [hbm4b:s12+s5], $0x80, $0x38;
	[tilespmem:$0x1E900] =	vst v63  }
0x2d: {  	s14 =	rddreg [dreg:$0x6]  }
0x2e: {  	[tilespmem:s25], [sflag:$0x7] =	stream.linear.gather [hbm4b:s14+s5], $0x2800, $0x38;
	[tilespmem:$0x1E900] =	vst v63  }
0x2f: {  	_ =	swait.ge [sflag:s20], $0x2800  }
0x30: {  	[sflag:s20] =	ssyncset.done $0x0  }
0x31: {  	s15 =	rddreg [dreg:$0x4];
	[sflag:s20] =	ssyncadd.s32 $0xFFFFD800  }
0x32: {  	[tilespmem:s26], [sflag:$0x7] =	stream.linear.gather [hbm4b:s15+s5], $0x4000, $0x38;
	[tilespmem:$0x1E900] =	vst v63  }
0x33: {  	_ =	swait.ge [sflag:s20], $0x4000  }
0x34: {  	[sflag:s20] =	ssyncset.done $0x0  }
0x35: {  	[sflag:s20] =	ssyncadd.s32 $0xFFFFC000  }
0x36: {  	[spmem:s9] =	stream.linear.scatter [tilespmem:s26], [sflag:$0x7], $0x4000, $0x38;
	[tilespmem:$0x1E900] =	vst v63  }
0x37: {  	_ =	swait.ge [sflag:s20], $0x4000  }
0x38: {  	[sflag:s20] =	ssyncset.done $0x0  }
0x39: {  	s16 =	rddreg [dreg:$0x7];
	[sflag:s20] =	ssyncadd.s32 $0xFFFFC000  }
0x3a: {  	[spmem:s16] =	stream.linear.scatter [tilespmem:s26], [sflag:$0x7], $0x4000, $0x38;
	[tilespmem:$0x1E900] =	vst v63  }
0x3b: {  	_ =	swait.ge [sflag:s20], $0x4000  }
0x3c: {  	[sflag:s20] =	ssyncset.done $0x0  }
0x3d: {  	s13 =	rddreg [dreg:$0x8];
	[sflag:s20] =	ssyncadd.s32 $0xFFFFC000  }
0x3e: {  	[spmem:s13] =	stream.linear.scatter [tilespmem:s26], [sflag:$0x7], $0x4000, $0x38;
	[tilespmem:$0x1E900] =	vst v63  }
0x3f: {  	_ =	swait.ge [sflag:s20], $0x4000  }
0x40: {  	[sflag:s20] =	ssyncset.done $0x0  }
0x41: {  	s14 =	rddreg [dreg:$0x9];
	[sflag:s20] =	ssyncadd.s32 $0xFFFFC000  }
0x42: {  	[spmem:s14] =	stream.linear.scatter [tilespmem:s26], [sflag:$0x7], $0x4000, $0x38;
	[tilespmem:$0x1E900] =	vst v63  }
0x43: {  	_ =	swait.ge [sflag:s20], $0x4000  }
0x44: {  	[sflag:s20] =	ssyncset.done $0x0  }
0x45: {  	s15 =	rddreg [dreg:$0xa];
	[sflag:s20] =	ssyncadd.s32 $0xFFFFC000  }
0x46: {  	[spmem:s15] =	stream.linear.scatter [tilespmem:s26], [sflag:$0x7], $0x4000, $0x38;
	[tilespmem:$0x1E900] =	vst v63  }
0x47: {  	_ =	swait.ge [sflag:s20], $0x4000  }
0x48: {  	[sflag:s20] =	ssyncset.done $0x0  }
0x49: {  	[sflag:s20] =	ssyncadd.s32 $0xFFFFC000  }
0x4a: {  	[bflag:$0x0] =	sbarrier.arrive $0xFFFF  }
0x4b: {  	_ =	swait.ge [sflag:s28], $0x2000  }
0x4c: {  	[sflag:s28] =	ssyncset.done $0x0  }
0x4d: {  	[sflag:s28] =	ssyncadd.s32 $0xFFFFE000  }
0x4e: {  	_ =	swait.ge [sflag:s28], $0x2000  }
0x4f: {  	[sflag:s28] =	ssyncset.done $0x0  }
0x50: {  	[sflag:s28] =	ssyncadd.s32 $0xFFFFE000  }
0x51: {  	[tilespmem:s5], [sflag:$0x5] =	stream.linear.gather [hbm4b:s18+s5], $0x80, $0x38;
	[tilespmem:$0x1E900] =	vst v63  }
0x52: {  	_ = 	snop  }
0x53: {  	[spmem:s3] =	stream.indirect.scatter.add.f32 [tilespmem:s22], [sflag:$0x3], $0x80, s25, s24, $0xb8;
	[tilespmem:$0x1E900] =	vst v63  }
0x54: {  	_ =	swait.ge [sflag:s29], $0x80  }
0x55: {  	[sflag:s29] =	ssyncset.done $0x0  }
0x56: {  	[sflag:s29] =	ssyncadd.s32 $0xFFFFFF80  }
0x57: {  	[tilespmem:s26], [sflag:$0x2] =	stream.indirect.gather [hbm4b:s1+s21], $0x80, s24, s21, $0xb8;
	[tilespmem:$0x1E900] =	vst v63  }
0x58: {  	_ = 	snop  }
0x59: {  	[tilespmem:s31], [sflag:$0x2] =	stream.indirect.gather [hbm4b:s1+s21], $0x80, s30, s21, $0xb8;
	[tilespmem:$0x1E900] =	vst v63  }
0x5a: {  	_ =	swait.ge [sflag:s2], $0x2000  }
0x5b: {  	[sflag:s2] =	ssyncset.done $0x0  }
0x5c: {  	[sflag:s2] =	ssyncadd.s32 $0xFFFFE000  }
0x5d: {  	_ =	swait.ge [sflag:s2], $0x2000  }
0x5e: {  	[sflag:s2] =	ssyncset.done $0x0  }
0x5f: {  	[sflag:s2] =	ssyncadd.s32 $0xFFFFE000  }
0x60: {  	[tilespmem:s24], [sflag:$0x6] =	stream.linear.gather [hbm4b:s19+s5], $0x80, $0x38;
	[tilespmem:$0x1E900] =	vst v63  }
0x61: {  	s16 =	simm.s32 $0x180  }
0x62: {  	[spmem:s3] =	stream.indirect.scatter.add.f32 [tilespmem:s26], [sflag:$0x4], $0x80, s16, s24, $0xb8;
	[tilespmem:$0x1E900] =	vst v63  }
0x63: {  	_ =	swait.ge [sflag:s0], $0x4000  }
0x64: {  	[sflag:s0] =	ssyncset.done $0x0  }
0x65: {  	[sflag:s0] =	ssyncadd.s32 $0xFFFFC000  }
0x66: {  	_ =	swait.ge [sflag:s7], $0x80  }
0x67: {  	[sflag:s7] =	ssyncset.done $0x0  }
0x68: {  	[sflag:s7] =	ssyncadd.s32 $0xFFFFFF80  }
0x69: {  	[tilespmem:s22], [sflag:$0x1] =	stream.indirect.gather [hbm4b:s1+s21], $0x80, s5, s21, $0xb8;
	[tilespmem:$0x1E900] =	vst v63  }
0x6a: {  	s12 =	simm.s32 $0x200;
	s13 =	simm.s32 $0x280  }
0x6b: {  	[tilespmem:s23], [sflag:$0x1] =	stream.indirect.gather [hbm4b:s1+s21], $0x80, s21, s21, $0xb8;
	[tilespmem:$0x1E900] =	vst v63  }
.LBB2_2:
0x6c: {  	p0 =	seq.s32 s13, $0x2880  }
0x6d: {  	_ =	swait.ge [sflag:s28], $0x2000;
	s14 =	sadd.s32 @!p0 $0xFFFFFF80, s13  }
0x6e: {  	[sflag:s28] =	ssyncset.done $0x0;
	s15 =	sand.u32 @!p0 $0x7C00, s14  }
0x6f: {  	[sflag:s28] =	ssyncadd.s32 $0xFFFFE000;
	s14 =	sand.u32 @!p0 $0x300, s14;
	s15 =	sadd.s32 @!p0 s4, s15  }
0x70: {  	_ =	swait.ge [sflag:s28], $0x2000;
	s14 =	sor.u32 @!p0 s14, s15  }
0x71: {  	[sflag:s28] =	ssyncset.done $0x0;
	s14 =	sshrl.u32 @!p0 s14, $0x3  }
0x72: {  	s15 =	simm.s32 @!p0 $0x0;
	[sflag:s28] =	ssyncadd.s32 $0xFFFFE000;
	s14 =	sadd.s32 @!p0 s6, s14  }
0x73: {  	[tilespmem:s15], [sflag:$0x5] =	stream.linear.gather @!p0 [hbm4b:s14+s15], $0x80, $0x38;
	[tilespmem:$0x1E900] =	vst v63  }
0x74: {  	s14 =	smov.u32 s12  }
0x75: {  	s14 =	simm.s32 @p0 $0x2800  }
0x76: {  	[spmem:s3] =	stream.indirect.scatter.add.f32 [tilespmem:s22], [sflag:$0x3], $0x80, s14, s24, $0xb8;
	[tilespmem:$0x1E900] =	vst v63  }
0x77: {  	_ =	swait.ge [sflag:s10], $0x4000  }
0x78: {  	[sflag:s10] =	ssyncset.done $0x0  }
0x79: {  	[sflag:s10] =	ssyncadd.s32 $0xFFFFC000  }
0x7a: {  	_ =	swait.ge [sflag:s29], $0x80  }
0x7b: {  	[sflag:s29] =	ssyncset.done $0x0  }
0x7c: {  	[sflag:s29] =	ssyncadd.s32 $0xFFFFFF80  }
0x7d: {  	[tilespmem:s26], [sflag:$0x2] =	stream.indirect.gather [hbm4b:s1+s21], $0x80, s24, s21, $0xb8;
	[tilespmem:$0x1E900] =	vst v63  }
0x7e: {  	_ = 	snop  }
0x7f: {  	[tilespmem:s31], [sflag:$0x2] =	stream.indirect.gather [hbm4b:s1+s21], $0x80, s30, s21, $0xb8;
	[tilespmem:$0x1E900] =	vst v63  }
0x80: {  	_ =	swait.ge [sflag:s2], $0x2000  }
.Ltmp2:
0x81: {  	[sflag:s2] =	ssyncset.done $0x0;
	(pc) =	sbr.rel @p0 .LBB2_4-.Ltmp2, $4  }
0x82: {  	[sflag:s2] =	ssyncadd.s32 $0xFFFFE000  }
0x83: {  	_ =	swait.ge [sflag:s2], $0x2000  }
0x84: {  	[sflag:s2] =	ssyncset.done $0x0  }
0x85: {  	s14 =	sadd.s32 $0x80, s14;
	[sflag:s2] =	ssyncadd.s32 $0xFFFFE000  }
0x86: {  	s15 =	sand.u32 $0x7C00, s13  }
0x87: {  	s16 =	sand.u32 $0x380, s13;
	s15 =	sadd.s32 s4, s15  }
0x88: {  	s15 =	sor.u32 s16, s15  }
0x89: {  	s15 =	sshrl.u32 s15, $0x3  }
0x8a: {  	s15 =	sadd.s32 s6, s15  }
0x8b: {  	[tilespmem:s24], [sflag:$0x6] =	stream.linear.gather [hbm4b:s15+s5], $0x80, $0x38;
	[tilespmem:$0x1E900] =	vst v63  }
0x8c: {  	_ = 	snop  }
0x8d: {  	[spmem:s3] =	stream.indirect.scatter.add.f32 [tilespmem:s26], [sflag:$0x4], $0x80, s14, s24, $0xb8;
	[tilespmem:$0x1E900] =	vst v63  }
0x8e: {  	_ =	swait.ge [sflag:s0], $0x4000  }
0x8f: {  	[sflag:s0] =	ssyncset.done $0x0  }
0x90: {  	[sflag:s0] =	ssyncadd.s32 $0xFFFFC000  }
0x91: {  	_ =	swait.ge [sflag:s7], $0x80  }
.Ltmp3:
0x92: {  	[sflag:s7] =	ssyncset.done $0x0;
	(pc) =	sbr.rel .LBB2_2-.Ltmp3, $4  }
0x93: {  	[sflag:s7] =	ssyncadd.s32 $0xFFFFFF80  }
0x94: {  	[tilespmem:s22], [sflag:$0x1] =	stream.indirect.gather [hbm4b:s1+s21], $0x80, s5, s21, $0xb8;
	[tilespmem:$0x1E900] =	vst v63  }
0x95: {  	s12 =	sadd.s32 $0x100, s12;
	s13 =	sadd.s32 $0x100, s13  }
0x96: {  	[tilespmem:s23], [sflag:$0x1] =	stream.indirect.gather [hbm4b:s1+s21], $0x80, s21, s21, $0xb8;
	[tilespmem:$0x1E900] =	vst v63  }
.LBB2_5:
0x97: {  	_ =	sfence.sel $0x180000  }
0x98: {  	[bflag:$0x0] =	sbarrier.arrive $0xFFFF  }
0x99: {  	_ =	strace $0x90000056  }
0x9a: {  	s0 =	stileid.u32;
	[bflag:$0x2] =	sbarrier.arrive $0xFFFF  }
0x9b: {  	p0 =	sne.s32 s0, $0x0;
	s0 =	rddreg [dreg:$0x3]  }
0x9c: {  	s0 =	sadd.s32 @!p0 $0x100000, s0  }
0x9d: {  	[sflag:s0] =	ssyncadd.tile.s32 @!p0 $0x1;
	_ =	shalt  }
.Lfunc_end2:
_tile_overlayer_lowered:
.L_overlay_start_2:
0x9e: {  	(tag) =	ssettag $0x2  }
0x9f: {  	s0 =	rddreg [dreg:$0x0];
	s2 =	stileid.u32  }
0xa0: {  	s1 =	rddreg [dreg:$0x1];
	p0 =	sne.s32 s2, $0x0  }
0xa1: {  	s3 =	rddreg [dreg:$0x2];
	[bflag:$0x3] =	sbarrier.arrive $0xFFFF;
	s2 =	simm.s32 @!p0 $0x1C07  }
0xa2: {  	[timem:s3], [sflag:s2] =	dma.local @!p0 [hbm:s0], s1  }
0xa3: {  	s0 =	simm.s32 @!p0 $0x7  }
0xa4: {  	_ =	swait.ge @!p0 [sflag:s0], s1  }
0xa5: {  	s1 =	ssub.s32 @!p0 $0x0, s1;
	[sflag:s0] =	ssyncset.done @!p0 $0x0  }
0xa6: {  	[sflag:s0] =	ssyncadd.s32 @!p0 s1  }
0xa7: {  	[bflag:$0x3] =	sbarrier.arrive $0xFFFF  }
0xa8: {  	_ =	shalt  }

// kernel: kernel.35.cloned.1.call-start
scs
__scs_entry_jumppad:
0x0: {  	(pc) =	sbr.rel $0x88, $3  }
0x1: {  	(tag) =	ssettag $0x0;
	lr =	simm.s32 $0x1  }
0x2: {  	[smem:$0x3F93] =	sst lr;
	_ =	strace $0xD0000000  }
0x3: {  	_ = 	snop  }
0x4: {  	_ = 	snop  }
0x5: {  	_ = 	snop  }
0x6: {  	_ = 	snop  }
0x7: {  	_ = 	snop  }
__scs_overlays_trampoline_lowered:
0x8: {  	[smem:$0x3FA2] =	sst s0  }
0x9: {  	[smem:$0x3FA3] =	sst s1  }
0xa: {  	[smem:$0x3FA4] =	sst s2  }
0xb: {  	[smem:$0x3FA5] =	sst s3  }
0xc: {  	[smem:$0x3FA6] =	sst s4  }
0xd: {  	[smem:$0x3FA7] =	sst s5  }
0xe: {  	[smem:$0x3FA8] =	sst s6  }
0xf: {  	[smem:$0x3FA9] =	sst s7  }
0x10: {  	[smem:$0x3FAA] =	sst s8  }
0x11: {  	[smem:$0x3FAB] =	sst s9;
	s0 =	simm.s32 @!p0 $0x0  }
0x12: {  	s1 =	sld [smem:$0x3F91];
	s0 =	simm.s32 @p0 $0x1  }
0x13: {  	[smem:$0x3FAC] =	sst s0;
	s0 =	simm.s32 @!p1 $0x0  }
0x14: {  	s2 =	sld [smem:$0x3F90];
	s0 =	simm.s32 @p1 $0x1  }
0x15: {  	[smem:$0x3FAD] =	sst s0;
	s0 =	simm.s32 @!p2 $0x0  }
0x16: {  	s3 =	sld [smem:$0x3FDB];
	s0 =	simm.s32 @p2 $0x1  }
0x17: {  	s4 =	simm.s32 $0x1BF5;
	[smem:$0x3FAF] =	sst s0  }
0x18: {  	s0 =	sld [smem:$0x3F92];
	_ =	swait.ge [sflag:s4], $0x0  }
0x19: {  	s7 =	sld [smem:$0x3F93]  }
0x1a: {  	s8 =	sadd.s32 $0xFFFFE003, lr  }
0x1b: {  	s9 =	sadd.s32 $0xFFFFFEF7, lr;
	s5 =	simm.s32 $0xFFFFFFFF;
	p2 =	slt.u32 s8, $0xFFFFF086  }
0x1c: {  	p1 =	slt.u32 s9, $0xF7A;
	s5 =	simm.s32 @!p2 $0x0  }
0x1d: {  	s5 =	simm.s32 @p1 $0x1;
	p0 =	seq.s32 s7, s2  }
0x1e: {  	s7 =	smul.u32 @!p0 $0xF7A, s2;
	p2 =	seq.s32 @!p0 s5, $0x0  }
0x1f: {  	s9 =	smul.u32 $0xF7A, s1;
	s8 =	simm.s32 @!p0 $0x1BF5;
	p2 =	por !p2, p0  }
0x20: {  	[sflag:s8] =	ssyncset.s32 @!p0 $0xFFFFF086;
	s6 =	sadd.s32 @!p0 s3, s7;
	s7 =	simm.s32 @!p0 $0x108  }
0x21: {  	s3 =	sadd.s32 s3, s9;
	s6 =	sadd.s32 @!p0 $0x88, s6;
	s7 =	simm.s32 @p2 $0x1082  }
0x22: {  	[simem:s7], [sflag:s8] =	dma.local @!p0 [hbm:s6], $0xF7A  }
0x23: {  	s9 =	sor.u32 $0xD0000000, s2;
	s6 =	simm.s32 $0x108;
	_ =	swait.ge @!p0 [sflag:s8], $0x0  }
0x24: {  	s3 =	sadd.s32 $0x88, s3;
	s6 =	simm.s32 @!p1 $0x1082;
	[sflag:s4] =	ssyncset.s32 $0xFFFFF086  }
0x25: {  	[simem:s6], [sflag:s4] =	dma.local [hbm:s3], $0xF7A  }
0x26: {  	[smem:$0x3F93] =	sst s1;
	(tag) =	ssettag s2;
	_ =	strace s9  }
0x27: {  	s1 =	sld [smem:$0x3FA3]  }
0x28: {  	s2 =	sld [smem:$0x3FA4]  }
0x29: {  	s4 =	sld [smem:$0x3FA6]  }
0x2a: {  	p0 =	seq.s32 s5, $0x0;
	s5 =	sld [smem:$0x3FA7]  }
0x2b: {  	s6 =	sld [smem:$0x3FA8]  }
0x2c: {  	s7 =	sld [smem:$0x3FA9]  }
0x2d: {  	s3 =	simm.s32 $0x108;
	s8 =	sld [smem:$0x3FAA]  }
0x2e: {  	s3 =	simm.s32 @!p0 $0x1082;
	s9 =	sld [smem:$0x3FAB]  }
0x2f: {  	lr =	sadd.s32 s0, s3;
	s0 =	sld [smem:$0x3FA2]  }
0x30: {  	s3 =	sld [smem:$0x3FA5]  }
0x31: {  	[smem:$0x3FAE] =	sst s10  }
0x32: {  	s10 =	sld [smem:$0x3FAC];
	_ =	sdelay $0x3  }
0x33: {  	p0 =	seq.s32 s10, $0x1;
	s10 =	sld [smem:$0x3FAE];
	_ =	sdelay $0x3  }
0x34: {  	[smem:$0x3FAE] =	sst s10  }
0x35: {  	s10 =	sld [smem:$0x3FAD];
	_ =	sdelay $0x3  }
0x36: {  	p1 =	seq.s32 s10, $0x1;
	s10 =	sld [smem:$0x3FAE];
	_ =	sdelay $0x3  }
0x37: {  	[smem:$0x3FAE] =	sst s10  }
0x38: {  	s10 =	sld [smem:$0x3FAF]  }
0x39: {  	_ = 	snop;
	(pc) =	sbr.ind lr, $3  }
0x3a: {  	_ = 	snop  }
0x3b: {  	_ = 	snop  }
0x3c: {  	p2 =	seq.s32 s10, $0x1;
	s10 =	sld [smem:$0x3FAE]  }
0x3d: {  	_ =	shalt  }
0x3e: {  	_ =	shalt  }
0x3f: {  	_ =	shalt  }
0x40: {  	_ =	shalt  }
0x41: {  	_ =	shalt  }
0x42: {  	_ =	shalt  }
0x43: {  	_ =	shalt  }
0x44: {  	_ =	shalt  }
0x45: {  	_ =	shalt  }
0x46: {  	_ =	shalt  }
0x47: {  	_ =	shalt  }
0x48: {  	_ =	shalt  }
0x49: {  	_ =	shalt  }
0x4a: {  	_ =	shalt  }
0x4b: {  	_ =	shalt  }
0x4c: {  	_ =	shalt  }
0x4d: {  	_ =	shalt  }
0x4e: {  	_ =	shalt  }
0x4f: {  	_ =	shalt  }
0x50: {  	_ =	shalt  }
0x51: {  	_ =	shalt  }
0x52: {  	_ =	shalt  }
0x53: {  	_ =	shalt  }
0x54: {  	_ =	shalt  }
0x55: {  	_ =	shalt  }
0x56: {  	_ =	shalt  }
0x57: {  	_ =	shalt  }
0x58: {  	_ =	shalt  }
0x59: {  	_ =	shalt  }
0x5a: {  	_ =	shalt  }
0x5b: {  	_ =	shalt  }
0x5c: {  	_ =	shalt  }
0x5d: {  	_ =	shalt  }
0x5e: {  	_ =	shalt  }
0x5f: {  	_ =	shalt  }
0x60: {  	_ =	shalt  }
0x61: {  	_ =	shalt  }
0x62: {  	_ =	shalt  }
0x63: {  	_ =	shalt  }
0x64: {  	_ =	shalt  }
0x65: {  	_ =	shalt  }
0x66: {  	_ =	shalt  }
0x67: {  	_ =	shalt  }
0x68: {  	_ =	shalt  }
0x69: {  	_ =	shalt  }
0x6a: {  	_ =	shalt  }
0x6b: {  	_ =	shalt  }
0x6c: {  	_ =	shalt  }
0x6d: {  	_ =	shalt  }
0x6e: {  	_ =	shalt  }
0x6f: {  	_ =	shalt  }
0x70: {  	_ =	shalt  }
0x71: {  	_ =	shalt  }
0x72: {  	_ =	shalt  }
0x73: {  	_ =	shalt  }
0x74: {  	_ =	shalt  }
0x75: {  	_ =	shalt  }
0x76: {  	_ =	shalt  }
0x77: {  	_ =	shalt  }
0x78: {  	_ =	shalt  }
0x79: {  	_ =	shalt  }
0x7a: {  	_ =	shalt  }
0x7b: {  	_ =	shalt  }
0x7c: {  	_ =	shalt  }
0x7d: {  	_ =	shalt  }
0x7e: {  	_ =	shalt  }
0x7f: {  	_ =	shalt  }
0x80: {  	_ =	shalt  }
0x81: {  	_ =	shalt  }
0x82: {  	_ =	shalt  }
0x83: {  	_ =	shalt  }
0x84: {  	_ =	shalt  }
0x85: {  	_ =	shalt  }
0x86: {  	_ =	shalt  }
0x87: {  	_ =	shalt  }
.Lfunc_end0:
.L_simem_size_0:
called_computation.6_lowered:
.L_overlay_start_0:
0x88: {  	s2 =	sld [smem:$0x3FD9]  }
0x89: {  	s3 =	sld [smem:$0x3FFE];
	_ =	sdelay $0x1  }
0x8a: {  	s1 =	srdreg.scid  }
0x8b: {  	s0 =	sand.u32 $0x1, s1  }
0x8c: {  	s17 =	sshll.u32 s0, $0xA;
	s2 =	sadd.s32 s3, s2  }
0x8d: {  	s2 =	sadd.s32 s2, s17  }
0x8e: {  	[smem:$0x3FBA] =	sst s2  }
0x8f: {  	_ = 	snop  }
0x90: {  	s2 =	sld [smem:$0x3FD0];
	(tm) =	ssettm $0x1  }
0x91: {  	s18 =	sld [smem:$0x3FFB];
	_ =	sdelay $0x3  }
0x92: {  	_ =	strace s18  }
0x93: {  	s3 =	sld [smem:$0x3FFC];
	_ =	sdelay $0x3  }
0x94: {  	_ =	strace s3  }
0x95: {  	s3 =	sld [smem:$0x3FFD];
	_ =	sdelay $0x3  }
0x96: {  	_ =	strace s3  }
0x97: {  	_ =	strace $0x8FFFFFFF  }
0x98: {  	s19 =	sld [smem:$0x3FDB];
	_ =	sdelay $0x1  }
0x99: {  	s4 =	simm.s32 $_scs_section_size  }
0x9a: {  	s5 =	simm.s32 $_size__tile_overlayer_lowered;
	s6 =	simm.s32 $_tile_overlayer_lowered  }
0x9b: {  	s22 =	simm.s32 $0x1BFF;
	s21 =	sshll.u32 s6, $0x1;
	s3 =	sadd.s32 s4, s19  }
0x9c: {  	s7 =	simm.s32 $0x0;
	s20 =	sshll.u32 s5, $0x1;
	s5 =	sadd.s32 s21, s3  }
0x9d: {  	[timem:s7], [sflag:s22] =	dma.local [hbm:s5], s20  }
0x9e: {  	_ =	swait.ge [sflag:s22], s20  }
0x9f: {  	s4 =	ssub.s32 $0x0, s20;
	[sflag:s22] =	ssyncset.done $0x0  }
0xa0: {  	[sflag:s22] =	ssyncadd.s32 s4;
	_ =	sdelay $0x1  }
0xa1: {  	s23 =	simm.s32 $0x1B8B  }
0xa2: {  	_ =	swait.ge [sflag:s23], $0x1  }
0xa3: {  	[sflag:s23] =	ssyncset.done $0x0  }
0xa4: {  	s25 =	simm.s32 $0x1B8E;
	s24 =	sld [smem:$0x3FFE];
	[sflag:s23] =	ssyncadd.s32 $0xFFFFFFFF  }
0xa5: {  	s26 =	simm.s32 $execute0_lowered;
	[smem:$0x3FD2] =	sst s25  }
0xa6: {  	s5 =	sshll.u32 s26, $0x1;
	_ =	strace $0x80000058;
	[dreg:$0x1] =	wrdreg $0xFFFFFFFF  }
0xa7: {  	s28 =	simm.s32 $_size_execute0_lowered;
	s3 =	sadd.s32 s3, s5;
	[dreg:$0x0] =	wrdreg $0x0  }
0xa8: {  	s5 =	sshll.u32 s28, $0x1;
	[dreg:$0x2] =	wrdreg s3  }
0xa9: {  	[dreg:$0x3] =	wrdreg s5  }
0xaa: {  	[dreg:$0x4] =	wrdreg $0xC0  }
0xab: {  	_ =	task [dreg:s7], $0x5FFFF  }
0xac: {  	[dreg:$0x1] =	wrdreg $0xFFFFFFFF  }
0xad: {  	[dreg:$0x0] =	wrdreg $0x60  }
0xae: {  	[dreg:$0x2] =	wrdreg s2  }
0xaf: {  	[dreg:$0x3] =	wrdreg s24  }
0xb0: {  	[dreg:$0x4] =	wrdreg $0xA9000  }
0xb1: {  	[dreg:$0x5] =	wrdreg $0x9  }
0xb2: {  	_ =	task.clear_ibuf [dreg:s7], $0x6FFFF;
	_ =	strace $0x90000058  }
0xb3: {  	s29 =	simm.s32 $0x9;
	_ =	strace $0x8000005A  }
0xb4: {  	_ =	swait.ge [sflag:s29], $0x1  }
0xb5: {  	[sflag:s29] =	ssyncadd.s32 $0xFFFFFFFF  }
0xb6: {  	_ =	strace $0x9000005A  }
0xb7: {  	_ =	sfence  }
0xb8: {  	s30 =	sld [smem:$0x0];
	_ =	sdelay $0x2  }
0xb9: {  	s31 =	sshll.u32 s1, $0xD;
	s1 =	sshrl.u32 s1, $0x2  }
0xba: {  	s3 =	sand.u32 $0x4000, s31;
	s1 =	sadd.s32 s1, s30  }
0xbb: {  	s0 =	sor.u32 s3, s0;
	s1 =	sshll.u32 s1, $0x11  }
0xbc: {  	s0 =	sor.u32 s1, s0  }
0xbd: {  	s0 =	sadd.s32 $0x8F2B, s0  }
0xbe: {  	[sflag:s0] =	ssyncadd.remote.s32 $0x1  }
0xbf: {  	_ =	sfence.sel $0xFFFF  }
0xc0: {  	[dreg:$0x0] =	wrdreg $0xFFFFFFFF;
	(pc) =	sbr.abs _section_cstart, $3  }
0xc1: {  	[dreg:$0x1] =	wrdreg $0xFFFFFFFF  }
0xc2: {  	_ =	task.clear_ibuf [dreg:s7], $0x2FFFF;
	_ =	strace $0x9FFFFFFF  }
0xc3: {  	(tm) =	ssettm $0x7FFFFFFF  }
tec
execute0_lowered:
.L_overlay_start_1:
0x0: {  	(tag) =	ssettag $0x1  }
0x1: {  	s1 =	rddreg [dreg:$0x0]  }
0x2: {  	s0 =	srdreg.scid;
	s7 =	rddreg [dreg:$0x1]  }
0x3: {  	s11 =	stileid.u32;
	s3 =	rddreg [dreg:$0x2];
	s5 =	simm.s32 $0x0  }
0x4: {  	s28 =	simm.s32 $0x1;
	s29 =	simm.s32 $0x6;
	s30 =	simm.s32 $0xC0  }
0x5: {  	s31 =	simm.s32 $0x8900;
	s0 =	sand.u32 $0x1, s0;
	s2 =	sshll.u32 s11, $0x1  }
0x6: {  	[smem:$0x7FF] =	sst s5;
	s8 =	smul.u32 $0x14000, s11;
	s6 =	sadd.s32 $0x12200, s7  }
0x7: {  	s17 =	smul.u32 $0x50000, s11;
	s18 =	sadd.s32 $0x1C200, s7;
	s11 =	simm.s32 $0x0  }
0x8: {  	s2 =	sor.u32 s0, s2;
	s16 =	smul.u32 $0x140000, s0;
	_ =	strace $0x80000059  }
0x9: {  	[dreg:$0x4] =	wrdreg s18;
	s0 =	ssub.s32 $0x2, s0;
	s4 =	smul.u32 $0x2800, s2  }
0xa: {  	s19 =	sshrl.u32 s0, $0x1;
	s20 =	sshrl.u32 s17, $0x2;
	s2 =	sadd.s32 s8, s16  }
0xb: {  	s0 =	ssub.s32 s0, s19;
	s9 =	sshrl.u32 s4, $0x3;
	s2 =	sshrl.u32 s2, $0x3  }
0xc: {  	s17 =	smax.u32 s0, $0x1;
	s0 =	simm.s32 $0x3;
	s8 =	sadd.s32 s6, s9  }
0xd: {  	s10 =	sadd.s32 s9, s7;
	s2 =	sadd.s32 s2, s7;
	s21 =	sadd.s32 $0x10, s8  }
0xe: {  	s9 =	sadd.s32 s20, s3;
	s22 =	sadd.s32 $0x8200, s10;
	[dreg:$0x5] =	wrdreg s21  }
0xf: {  	s20 =	simm.s32 $0x7;
	s23 =	sadd.s32 $0x4000, s9;
	[dreg:$0x6] =	wrdreg s22  }
0x10: {  	s7 =	simm.s32 $0x5;
	s24 =	sadd.s32 $0x8000, s9;
	[dreg:$0x7] =	wrdreg s23  }
0x11: {  	s25 =	sadd.s32 $0xC000, s9;
	s26 =	sadd.s32 $0x10000, s9;
	[dreg:$0x8] =	wrdreg s24  }
.Ltmp0:
0x12: {  	s2 =	sadd.s32 $0x6CA00, s2;
	[dreg:$0x9] =	wrdreg s25;
	(pc) =	sbr.rel .LBB2_1-.Ltmp0, $4  }
0x13: {  	s18 =	sadd.s32 $0x20, s8;
	s19 =	sadd.s32 $0x30, s8;
	[dreg:$0xa] =	wrdreg s26  }
0x14: {  	s10 =	simm.s32 $0x4;
	[dreg:$0xb] =	wrdreg s2;
	s21 =	simm.s32 $0x40  }
0x15: {  	s22 =	simm.s32 $0x2900;
	s23 =	simm.s32 $0x4900;
	s24 =	simm.s32 $0x80  }
0x16: {  	s25 =	simm.s32 $0x100;
	s26 =	simm.s32 $0x6900;
	s2 =	simm.s32 $0x2  }
.LBB2_4:
0x17: {  	[spmem:s3] =	stream.indirect.scatter.add.f32 [tilespmem:s26], [sflag:$0x4], $0x80, s14, s24, $0xb8;
	[tilespmem:$0x1E900] =	vst v63  }
0x18: {  	_ =	swait.ge [sflag:s0], $0x4000  }
0x19: {  	[sflag:s0] =	ssyncset.done $0x0  }
0x1a: {  	[sflag:s0] =	ssyncadd.s32 $0xFFFFC000  }
0x1b: {  	_ =	swait.ge [sflag:s10], $0x4000  }
0x1c: {  	s12 =	stileid.u32;
	[sflag:s10] =	ssyncset.done $0x0  }
0x1d: {  	s13 =	sshrl.u32 s9, $0x3;
	s11 =	sadd.s32 $0x1, s11;
	[sflag:s10] =	ssyncadd.s32 $0xFFFFC000  }
0x1e: {  	s12 =	sshll.u32 s12, $0x6;
	p0 =	sne.s32 s11, s17;
	[bflag:$0x0] =	sbarrier.arrive $0xFFFF  }
.Ltmp1:
0x1f: {  	s12 =	sor.u32 $0x1C07, s12;
	s16 =	rddreg [dreg:$0xb];
	(pc) =	sbr.rel @!p0 .LBB2_5-.Ltmp1, $4  }
0x20: {  	[hbm:s16], [sflag:s12] =	dma.local [spmem:s13], $0x2800  }
0x21: {  	_ =	swait.ge [sflag:s20], $0x2800  }
0x22: {  	[sflag:s20] =	ssyncset.done $0x0  }
0x23: {  	[sflag:s20] =	ssyncadd.s32 $0xFFFFD800  }
.LBB2_1:
0x24: {  	[tilespmem:s5], [sflag:$0x7] =	stream.linear.gather [hbm4b:s8+s5], $0x80, $0x38;
	[tilespmem:$0x1E900] =	vst v63  }
0x25: {  	_ =	swait.ge [sflag:s20], $0x80  }
0x26: {  	[sflag:s20] =	ssyncset.done $0x0  }
0x27: {  	[sflag:s20] =	ssyncadd.s32 $0xFFFFFF80  }
0x28: {  	[tilespmem:s22], [sflag:$0x1] =	stream.indirect.gather [hbm4b:s1+s21], $0x80, s5, s21, $0xb8;
	[tilespmem:$0x1E900] =	vst v63  }
0x29: {  	_ = 	snop  }
0x2a: {  	[tilespmem:s23], [sflag:$0x1] =	stream.indirect.gather [hbm4b:s1+s21], $0x80, s21, s21, $0xb8;
	[tilespmem:$0x1E900] =	vst v63  }
0x2b: {  	s12 =	rddreg [dreg:$0x5]  }
0x2c: {  	[tilespmem:s24], [sflag:$0x6] =	stream.linear.gather [hbm4b:s12+s5], $0x80, $0x38;
	[tilespmem:$0x1E900] =	vst v63  }
0x2d: {  	s14 =	rddreg [dreg:$0x6]  }
0x2e: {  	[tilespmem:s25], [sflag:$0x7] =	stream.linear.gather [hbm4b:s14+s5], $0x2800, $0x38;
	[tilespmem:$0x1E900] =	vst v63  }
0x2f: {  	_ =	swait.ge [sflag:s20], $0x2800  }
0x30: {  	[sflag:s20] =	ssyncset.done $0x0  }
0x31: {  	s15 =	rddreg [dreg:$0x4];
	[sflag:s20] =	ssyncadd.s32 $0xFFFFD800  }
0x32: {  	[tilespmem:s26], [sflag:$0x7] =	stream.linear.gather [hbm4b:s15+s5], $0x4000, $0x38;
	[tilespmem:$0x1E900] =	vst v63  }
0x33: {  	_ =	swait.ge [sflag:s20], $0x4000  }
0x34: {  	[sflag:s20] =	ssyncset.done $0x0  }
0x35: {  	[sflag:s20] =	ssyncadd.s32 $0xFFFFC000  }
0x36: {  	[spmem:s9] =	stream.linear.scatter [tilespmem:s26], [sflag:$0x7], $0x4000, $0x38;
	[tilespmem:$0x1E900] =	vst v63  }
0x37: {  	_ =	swait.ge [sflag:s20], $0x4000  }
0x38: {  	[sflag:s20] =	ssyncset.done $0x0  }
0x39: {  	s16 =	rddreg [dreg:$0x7];
	[sflag:s20] =	ssyncadd.s32 $0xFFFFC000  }
0x3a: {  	[spmem:s16] =	stream.linear.scatter [tilespmem:s26], [sflag:$0x7], $0x4000, $0x38;
	[tilespmem:$0x1E900] =	vst v63  }
0x3b: {  	_ =	swait.ge [sflag:s20], $0x4000  }
0x3c: {  	[sflag:s20] =	ssyncset.done $0x0  }
0x3d: {  	s13 =	rddreg [dreg:$0x8];
	[sflag:s20] =	ssyncadd.s32 $0xFFFFC000  }
0x3e: {  	[spmem:s13] =	stream.linear.scatter [tilespmem:s26], [sflag:$0x7], $0x4000, $0x38;
	[tilespmem:$0x1E900] =	vst v63  }
0x3f: {  	_ =	swait.ge [sflag:s20], $0x4000  }
0x40: {  	[sflag:s20] =	ssyncset.done $0x0  }
0x41: {  	s14 =	rddreg [dreg:$0x9];
	[sflag:s20] =	ssyncadd.s32 $0xFFFFC000  }
0x42: {  	[spmem:s14] =	stream.linear.scatter [tilespmem:s26], [sflag:$0x7], $0x4000, $0x38;
	[tilespmem:$0x1E900] =	vst v63  }
0x43: {  	_ =	swait.ge [sflag:s20], $0x4000  }
0x44: {  	[sflag:s20] =	ssyncset.done $0x0  }
0x45: {  	s15 =	rddreg [dreg:$0xa];
	[sflag:s20] =	ssyncadd.s32 $0xFFFFC000  }
0x46: {  	[spmem:s15] =	stream.linear.scatter [tilespmem:s26], [sflag:$0x7], $0x4000, $0x38;
	[tilespmem:$0x1E900] =	vst v63  }
0x47: {  	_ =	swait.ge [sflag:s20], $0x4000  }
0x48: {  	[sflag:s20] =	ssyncset.done $0x0  }
0x49: {  	[sflag:s20] =	ssyncadd.s32 $0xFFFFC000  }
0x4a: {  	[bflag:$0x0] =	sbarrier.arrive $0xFFFF  }
0x4b: {  	_ =	swait.ge [sflag:s28], $0x2000  }
0x4c: {  	[sflag:s28] =	ssyncset.done $0x0  }
0x4d: {  	[sflag:s28] =	ssyncadd.s32 $0xFFFFE000  }
0x4e: {  	_ =	swait.ge [sflag:s28], $0x2000  }
0x4f: {  	[sflag:s28] =	ssyncset.done $0x0  }
0x50: {  	[sflag:s28] =	ssyncadd.s32 $0xFFFFE000  }
0x51: {  	[tilespmem:s5], [sflag:$0x5] =	stream.linear.gather [hbm4b:s18+s5], $0x80, $0x38;
	[tilespmem:$0x1E900] =	vst v63  }
0x52: {  	_ = 	snop  }
0x53: {  	[spmem:s3] =	stream.indirect.scatter.add.f32 [tilespmem:s22], [sflag:$0x3], $0x80, s25, s24, $0xb8;
	[tilespmem:$0x1E900] =	vst v63  }
0x54: {  	_ =	swait.ge [sflag:s29], $0x80  }
0x55: {  	[sflag:s29] =	ssyncset.done $0x0  }
0x56: {  	[sflag:s29] =	ssyncadd.s32 $0xFFFFFF80  }
0x57: {  	[tilespmem:s26], [sflag:$0x2] =	stream.indirect.gather [hbm4b:s1+s21], $0x80, s24, s21, $0xb8;
	[tilespmem:$0x1E900] =	vst v63  }
0x58: {  	_ = 	snop  }
0x59: {  	[tilespmem:s31], [sflag:$0x2] =	stream.indirect.gather [hbm4b:s1+s21], $0x80, s30, s21, $0xb8;
	[tilespmem:$0x1E900] =	vst v63  }
0x5a: {  	_ =	swait.ge [sflag:s2], $0x2000  }
0x5b: {  	[sflag:s2] =	ssyncset.done $0x0  }
0x5c: {  	[sflag:s2] =	ssyncadd.s32 $0xFFFFE000  }
0x5d: {  	_ =	swait.ge [sflag:s2], $0x2000  }
0x5e: {  	[sflag:s2] =	ssyncset.done $0x0  }
0x5f: {  	[sflag:s2] =	ssyncadd.s32 $0xFFFFE000  }
0x60: {  	[tilespmem:s24], [sflag:$0x6] =	stream.linear.gather [hbm4b:s19+s5], $0x80, $0x38;
	[tilespmem:$0x1E900] =	vst v63  }
0x61: {  	s16 =	simm.s32 $0x180  }
0x62: {  	[spmem:s3] =	stream.indirect.scatter.add.f32 [tilespmem:s26], [sflag:$0x4], $0x80, s16, s24, $0xb8;
	[tilespmem:$0x1E900] =	vst v63  }
0x63: {  	_ =	swait.ge [sflag:s0], $0x4000  }
0x64: {  	[sflag:s0] =	ssyncset.done $0x0  }
0x65: {  	[sflag:s0] =	ssyncadd.s32 $0xFFFFC000  }
0x66: {  	_ =	swait.ge [sflag:s7], $0x80  }
0x67: {  	[sflag:s7] =	ssyncset.done $0x0  }
0x68: {  	[sflag:s7] =	ssyncadd.s32 $0xFFFFFF80  }
0x69: {  	[tilespmem:s22], [sflag:$0x1] =	stream.indirect.gather [hbm4b:s1+s21], $0x80, s5, s21, $0xb8;
	[tilespmem:$0x1E900] =	vst v63  }
0x6a: {  	s12 =	simm.s32 $0x200;
	s13 =	simm.s32 $0x280  }
0x6b: {  	[tilespmem:s23], [sflag:$0x1] =	stream.indirect.gather [hbm4b:s1+s21], $0x80, s21, s21, $0xb8;
	[tilespmem:$0x1E900] =	vst v63  }
.LBB2_2:
0x6c: {  	p0 =	seq.s32 s13, $0x2880  }
0x6d: {  	_ =	swait.ge [sflag:s28], $0x2000;
	s14 =	sadd.s32 @!p0 $0xFFFFFF80, s13  }
0x6e: {  	[sflag:s28] =	ssyncset.done $0x0;
	s15 =	sand.u32 @!p0 $0x7C00, s14  }
0x6f: {  	[sflag:s28] =	ssyncadd.s32 $0xFFFFE000;
	s14 =	sand.u32 @!p0 $0x300, s14;
	s15 =	sadd.s32 @!p0 s4, s15  }
0x70: {  	_ =	swait.ge [sflag:s28], $0x2000;
	s14 =	sor.u32 @!p0 s14, s15  }
0x71: {  	[sflag:s28] =	ssyncset.done $0x0;
	s14 =	sshrl.u32 @!p0 s14, $0x3  }
0x72: {  	s15 =	simm.s32 @!p0 $0x0;
	[sflag:s28] =	ssyncadd.s32 $0xFFFFE000;
	s14 =	sadd.s32 @!p0 s6, s14  }
0x73: {  	[tilespmem:s15], [sflag:$0x5] =	stream.linear.gather @!p0 [hbm4b:s14+s15], $0x80, $0x38;
	[tilespmem:$0x1E900] =	vst v63  }
0x74: {  	s14 =	smov.u32 s12  }
0x75: {  	s14 =	simm.s32 @p0 $0x2800  }
0x76: {  	[spmem:s3] =	stream.indirect.scatter.add.f32 [tilespmem:s22], [sflag:$0x3], $0x80, s14, s24, $0xb8;
	[tilespmem:$0x1E900] =	vst v63  }
0x77: {  	_ =	swait.ge [sflag:s10], $0x4000  }
0x78: {  	[sflag:s10] =	ssyncset.done $0x0  }
0x79: {  	[sflag:s10] =	ssyncadd.s32 $0xFFFFC000  }
0x7a: {  	_ =	swait.ge [sflag:s29], $0x80  }
0x7b: {  	[sflag:s29] =	ssyncset.done $0x0  }
0x7c: {  	[sflag:s29] =	ssyncadd.s32 $0xFFFFFF80  }
0x7d: {  	[tilespmem:s26], [sflag:$0x2] =	stream.indirect.gather [hbm4b:s1+s21], $0x80, s24, s21, $0xb8;
	[tilespmem:$0x1E900] =	vst v63  }
0x7e: {  	_ = 	snop  }
0x7f: {  	[tilespmem:s31], [sflag:$0x2] =	stream.indirect.gather [hbm4b:s1+s21], $0x80, s30, s21, $0xb8;
	[tilespmem:$0x1E900] =	vst v63  }
0x80: {  	_ =	swait.ge [sflag:s2], $0x2000  }
.Ltmp2:
0x81: {  	[sflag:s2] =	ssyncset.done $0x0;
	(pc) =	sbr.rel @p0 .LBB2_4-.Ltmp2, $4  }
0x82: {  	[sflag:s2] =	ssyncadd.s32 $0xFFFFE000  }
0x83: {  	_ =	swait.ge [sflag:s2], $0x2000  }
0x84: {  	[sflag:s2] =	ssyncset.done $0x0  }
0x85: {  	s14 =	sadd.s32 $0x80, s14;
	[sflag:s2] =	ssyncadd.s32 $0xFFFFE000  }
0x86: {  	s15 =	sand.u32 $0x7C00, s13  }
0x87: {  	s16 =	sand.u32 $0x380, s13;
	s15 =	sadd.s32 s4, s15  }
0x88: {  	s15 =	sor.u32 s16, s15  }
0x89: {  	s15 =	sshrl.u32 s15, $0x3  }
0x8a: {  	s15 =	sadd.s32 s6, s15  }
0x8b: {  	[tilespmem:s24], [sflag:$0x6] =	stream.linear.gather [hbm4b:s15+s5], $0x80, $0x38;
	[tilespmem:$0x1E900] =	vst v63  }
0x8c: {  	_ = 	snop  }
0x8d: {  	[spmem:s3] =	stream.indirect.scatter.add.f32 [tilespmem:s26], [sflag:$0x4], $0x80, s14, s24, $0xb8;
	[tilespmem:$0x1E900] =	vst v63  }
0x8e: {  	_ =	swait.ge [sflag:s0], $0x4000  }
0x8f: {  	[sflag:s0] =	ssyncset.done $0x0  }
0x90: {  	[sflag:s0] =	ssyncadd.s32 $0xFFFFC000  }
0x91: {  	_ =	swait.ge [sflag:s7], $0x80  }
.Ltmp3:
0x92: {  	[sflag:s7] =	ssyncset.done $0x0;
	(pc) =	sbr.rel .LBB2_2-.Ltmp3, $4  }
0x93: {  	[sflag:s7] =	ssyncadd.s32 $0xFFFFFF80  }
0x94: {  	[tilespmem:s22], [sflag:$0x1] =	stream.indirect.gather [hbm4b:s1+s21], $0x80, s5, s21, $0xb8;
	[tilespmem:$0x1E900] =	vst v63  }
0x95: {  	s12 =	sadd.s32 $0x100, s12;
	s13 =	sadd.s32 $0x100, s13  }
0x96: {  	[tilespmem:s23], [sflag:$0x1] =	stream.indirect.gather [hbm4b:s1+s21], $0x80, s21, s21, $0xb8;
	[tilespmem:$0x1E900] =	vst v63  }
.LBB2_5:
0x97: {  	_ =	sfence.sel $0x180000  }
0x98: {  	[bflag:$0x0] =	sbarrier.arrive $0xFFFF  }
0x99: {  	_ =	strace $0x90000059  }
0x9a: {  	s0 =	stileid.u32;
	[bflag:$0x2] =	sbarrier.arrive $0xFFFF  }
0x9b: {  	p0 =	sne.s32 s0, $0x0;
	s0 =	rddreg [dreg:$0x3]  }
0x9c: {  	s0 =	sadd.s32 @!p0 $0x100000, s0  }
0x9d: {  	[sflag:s0] =	ssyncadd.tile.s32 @!p0 $0x1;
	_ =	shalt  }
.Lfunc_end2:
_tile_overlayer_lowered:
.L_overlay_start_2:
0x9e: {  	(tag) =	ssettag $0x2  }
0x9f: {  	s0 =	rddreg [dreg:$0x0];
	s2 =	stileid.u32  }
0xa0: {  	s1 =	rddreg [dreg:$0x1];
	p0 =	sne.s32 s2, $0x0  }
0xa1: {  	s3 =	rddreg [dreg:$0x2];
	[bflag:$0x3] =	sbarrier.arrive $0xFFFF;
	s2 =	simm.s32 @!p0 $0x1C07  }
0xa2: {  	[timem:s3], [sflag:s2] =	dma.local @!p0 [hbm:s0], s1  }
0xa3: {  	s0 =	simm.s32 @!p0 $0x7  }
0xa4: {  	_ =	swait.ge @!p0 [sflag:s0], s1  }
0xa5: {  	s1 =	ssub.s32 @!p0 $0x0, s1;
	[sflag:s0] =	ssyncset.done @!p0 $0x0  }
0xa6: {  	[sflag:s0] =	ssyncadd.s32 @!p0 s1  }
0xa7: {  	[bflag:$0x3] =	sbarrier.arrive $0xFFFF  }
0xa8: {  	_ =	shalt  }

</sc_bundles>
